<compile_context>
chip_gen: v7x
topology: tpu7x:2x2x1
jax: 0.10.2.dev20260603
libtpu: 0.0.44.dev20260713+nightly
codegen_flags: <defaults>
</compile_context>

<pallas_src>
import functools

import jax
import jax.numpy as jnp
from jax import lax
from jax.experimental import pallas as pl
from jax.experimental.pallas import tpu as pltpu
from jax.experimental.pallas import tpu_sc as plsc

H = 224
W = 224
C = 96
ROI_SIZE = 14
NUM_CELLS = ROI_SIZE * ROI_SIZE
CELLS_PAD = 224
NW = 32
ROIS_PER_W = 32
SAMPLES = 4 * ROIS_PER_W
NGROUPS = C // 16

_SUBS = ((1.0 / 3.0, 1.0 / 3.0), (1.0 / 3.0, 2.0 / 3.0),
         (2.0 / 3.0, 1.0 / 3.0), (2.0 / 3.0, 2.0 / 3.0))

NEG_INF = float("-inf")


def _sc_partials(table, rois_t):
    mesh = plsc.VectorSubcoreMesh(core_axis_name="c", subcore_axis_name="s")

    @functools.partial(
        pl.kernel,
        mesh=mesh,
        compiler_params=pltpu.CompilerParams(use_tc_tiling_on_sc=False),
        out_type=jax.ShapeDtypeStruct((NW, NUM_CELLS, 16), jnp.float32),
        scratch_types=[
            pltpu.VMEM((4, ROIS_PER_W), jnp.float32),
            pltpu.VMEM((2, 4, SAMPLES), jnp.int32),
            pltpu.VMEM((2, SAMPLES + 16), jnp.float32),
            pltpu.VMEM((2, SAMPLES + 16), jnp.float32),
            pltpu.VMEM((2, 4, SAMPLES, C), jnp.float32),
            pltpu.VMEM((NUM_CELLS, 16), jnp.float32),
            pltpu.SemaphoreType.DMA,
            pltpu.SemaphoreType.DMA,
        ],
    )
    def body(t_hbm, rois_hbm, out_hbm, roi_v, idx_v, dx_v, dy_v, rows_v,
             cell_out, sem0, sem1):
        wid = lax.axis_index("s") * 2 + lax.axis_index("c")
        base = wid * ROIS_PER_W
        sems = (sem0, sem1)
        for p in range(4):
            pltpu.sync_copy(rois_hbm.at[p, pl.ds(base, ROIS_PER_W)],
                            roi_v.at[p])

        def phase_a(cell, buf):
            m = cell // ROI_SIZE
            n = cell % ROI_SIZE
            mf = m.astype(jnp.float32)
            nf = n.astype(jnp.float32)
            for sub in range(4):
                cy, cx = _SUBS[sub]
                for h in range(2):
                    sl = pl.ds(h * 16, 16)
                    y0 = roi_v[0, sl]
                    x0 = roi_v[1, sl]
                    sh = (roi_v[2, sl] - y0) * (1.0 / ROI_SIZE)
                    sw = (roi_v[3, sl] - x0) * (1.0 / ROI_SIZE)
                    yf = y0 + sh * (mf + cy)
                    xf = x0 + sw * (nf + cx)
                    yi = jnp.minimum(yf.astype(jnp.int32), H - 2)
                    xi = jnp.minimum(xf.astype(jnp.int32), W - 2)
                    dyv = yf - yi.astype(jnp.float32)
                    dxv = xf - xi.astype(jnp.float32)
                    tap = yi * W + xi
                    osl = pl.ds(sub * 32 + h * 16, 16)
                    idx_v[buf, 0, osl] = tap
                    idx_v[buf, 1, osl] = tap + 1
                    idx_v[buf, 2, osl] = tap + W
                    idx_v[buf, 3, osl] = tap + W + 1
                    dx_v[buf, osl] = dxv
                    dy_v[buf, osl] = dyv

        def fire(buf):
            for t in range(4):
                pltpu.async_copy(t_hbm.at[idx_v.at[buf, t]],
                                 rows_v.at[buf, t], sems[buf])

        def drain(buf):
            for t in range(4):
                pltpu.make_async_copy(t_hbm.at[idx_v.at[buf, t]],
                                      rows_v.at[buf, t], sems[buf]).wait()

        def phase_c(cell, buf):
            def sample_body(s, accs):
                dx = dx_v[buf, pl.ds(s, 16)][0]
                dy = dy_v[buf, pl.ds(s, 16)][0]
                new = []
                for g in range(NGROUPS):
                    gsl = pl.ds(g * 16, 16)
                    r00 = rows_v[buf, 0, s, gsl]
                    r01 = rows_v[buf, 1, s, gsl]
                    r10 = rows_v[buf, 2, s, gsl]
                    r11 = rows_v[buf, 3, s, gsl]
                    a = r00 + dx * (r01 - r00)
                    b = r10 + dx * (r11 - r10)
                    v = a + dy * (b - a)
                    new.append(jnp.maximum(accs[g], v))
                return tuple(new)

            init = tuple(jnp.full((16,), NEG_INF, jnp.float32)
                         for _ in range(NGROUPS))
            accs = lax.fori_loop(0, SAMPLES, sample_body, init)
            vm = accs[0]
            for g in range(1, NGROUPS):
                vm = jnp.maximum(vm, accs[g])
            cell_out[cell, :] = vm

        phase_a(jnp.int32(0), 0)
        fire(0)

        def two_cells(i2, carry):
            cell = i2 * 2
            phase_a(cell + 1, 1)
            fire(1)
            drain(0)
            phase_c(cell, 0)

            @pl.when(i2 < NUM_CELLS // 2 - 1)
            def _():
                phase_a(cell + 2, 0)
                fire(0)

            drain(1)
            phase_c(cell + 1, 1)
            return carry

        lax.fori_loop(0, NUM_CELLS // 2, two_cells, 0)
        pltpu.sync_copy(cell_out, out_hbm.at[wid])

    return body(table, rois_t)


def _tc_finish(partials):
    rows = 1000 * C
    block = 3000
    grid = rows // block

    def body(p_ref, o_ref):
        v = jnp.max(p_ref[...], axis=(0, 2))
        o_ref[...] = jnp.broadcast_to(v[None, :], (block, NUM_CELLS))

    return pl.pallas_call(
        body,
        grid=(grid,),
        in_specs=[pl.BlockSpec((NW, NUM_CELLS, 16), lambda i: (0, 0, 0))],
        out_specs=pl.BlockSpec((block, NUM_CELLS), lambda i: (i, 0)),
        out_shape=jax.ShapeDtypeStruct((rows, NUM_CELLS), jnp.float32),
    )(partials)


def kernel(feature, rois):
    table = jnp.transpose(feature[0], (1, 2, 0)).reshape(H * W, C)
    pad = jnp.broadcast_to(rois[0:1], (NW * ROIS_PER_W - rois.shape[0], 4))
    rois_t = jnp.concatenate([rois, pad], axis=0).T
    partials = _sc_partials(table, rois_t)
    out = _tc_finish(partials)
    return out.reshape(rois.shape[0], C, ROI_SIZE, ROI_SIZE)

# --- scband reference (transcript-rebuilt; emitter-appended) ---
"""Pipeline reference for scband-ro-ialign-60507499266507 (READ-ONLY COPY).

The authoritative reference and input builder live on the scoring server;
editing this copy changes nothing except your own understanding.
"""

import jax, jax.numpy as jnp
import numpy as np

ROI_SIZE = 14


def _bilinear_interpolation(image, x, y):
    h, w = image.shape[-2], image.shape[-1]
    y1 = jnp.floor(y).astype(jnp.int32)
    y2 = y1 + 1
    x1 = jnp.floor(x).astype(jnp.int32)
    x2 = x1 + 1
    y1 = jnp.clip(y1, 0, h - 1)
    x1 = jnp.clip(x1, 0, w - 1)
    y2 = jnp.clip(y2, 0, h - 1)
    x2 = jnp.clip(x2, 0, w - 1)
    y_dists_norm = [y - y1, y2 - y]
    x_dists_norm = [x - x1, x2 - x]
    p = image[..., y1, x1] * x_dists_norm[1] + image[..., y1, x2] * x_dists_norm[0]
    q = image[..., y2, x1] * x_dists_norm[1] + image[..., y2, x2] * x_dists_norm[0]
    dest = p * y_dists_norm[1] + q * y_dists_norm[0]
    return dest


def setup_inputs(seed: int = 0) -> dict:
    key = jax.random.key(seed)
    k1, k2, k3 = jax.random.split(key, 3)
    feature = jax.random.normal(k1, (1, 96, 224, 224), dtype=jnp.float32)
    ys = jnp.sort(jax.random.uniform(k2, (1000, 2), minval=0.0, maxval=223.0, dtype=jnp.float32), axis=1)
    xs = jnp.sort(jax.random.uniform(k3, (1000, 2), minval=0.0, maxval=223.0, dtype=jnp.float32), axis=1)
    rois = jnp.stack([ys[:, 0], xs[:, 0], ys[:, 1], xs[:, 1]], axis=1)
    return {"feature": feature, "rois": rois}


def reference(feature, rois):
    num_rois = rois.shape[0]
    channels = feature.shape[-3]
    h_rois = rois[..., 2] - rois[..., 0]
    w_rois = rois[..., 3] - rois[..., 1]
    strides_h = h_rois / ROI_SIZE
    strides_w = w_rois / ROI_SIZE
    aligned_feature = jnp.zeros((num_rois, channels, ROI_SIZE, ROI_SIZE), dtype=feature.dtype)
    for m in range(ROI_SIZE):
        for n in range(ROI_SIZE):
            y_base = rois[..., 0] + strides_h * m
            x_base = rois[..., 1] + strides_w * n
            pnts_sample_y1 = y_base + strides_h / 3
            pnts_sample_y2 = y_base + 2 * strides_h / 3
            pnts_sample_x1 = x_base + strides_w / 3
            pnts_sample_x2 = x_base + 2 * strides_w / 3
            dest_1 = _bilinear_interpolation(feature, pnts_sample_x1, pnts_sample_y1)[..., None]
            dest_2 = _bilinear_interpolation(feature, pnts_sample_x1, pnts_sample_y2)[..., None]
            dest_3 = _bilinear_interpolation(feature, pnts_sample_x2, pnts_sample_y1)[..., None]
            dest_4 = _bilinear_interpolation(feature, pnts_sample_x2, pnts_sample_y2)[..., None]
            # torch.max over the FULL concatenated tensor returns a scalar; replicate faithfully
            dest = jnp.max(jnp.concatenate([dest_1, dest_2, dest_3, dest_4], axis=-1))
            aligned_feature = aligned_feature.at[..., m, n].set(dest)
    return aligned_feature

if __name__ == "__main__":
    import jax
    _d = setup_inputs()
    print(jax.jit(kernel)(*tuple(_d.values())))

</pallas_src>

<mosaic_0001>
#map = affine_map<(d0, d1) -> (0, 0)>
#map1 = affine_map<(d0, d1) -> (0, 0, 0)>
module attributes {stable_mosaic.version = 14 : i64} {
  func.func @body(%arg0: i32, %arg1: i32, %arg2: memref<50176x96xf32, #tpu.memory_space<hbm>>, %arg3: memref<4x1024xf32, #tpu.memory_space<hbm>>, %arg4: memref<32x196x16xf32, #tpu.memory_space<hbm>>, %arg5: memref<4x32xf32, #tpu.memory_space<vmem>>, %arg6: memref<2x4x128xi32, #tpu.memory_space<vmem>>, %arg7: memref<2x144xf32, #tpu.memory_space<vmem>>, %arg8: memref<2x144xf32, #tpu.memory_space<vmem>>, %arg9: memref<2x4x128x96xf32, #tpu.memory_space<vmem>>, %arg10: memref<196x16xf32, #tpu.memory_space<vmem>>, %arg11: memref<!tpu.dma_semaphore, #tpu.memory_space<semaphore_mem>>, %arg12: memref<!tpu.dma_semaphore, #tpu.memory_space<semaphore_mem>>) attributes {dimension_semantics = [#tpu.dimension_semantics<core_parallel>, #tpu.dimension_semantics<subcore_parallel>], iteration_bounds = array<i64: 2, 16>, scalar_prefetch = 0 : i64, scratch_operands = 8 : i64, tpu.core_type = #tpu.core_type<sc_vector_subcore>, window_params = [{transform_indices = #map}, {transform_indices = #map}, {transform_indices = #map1}]} {
    %mul3A = arith.constant 2 : i32
    %mul3A_0 = arith.muli %arg1, %mul3A : i32
    %add3A = arith.addi %mul3A_0, %arg0 : i32
    %mul3A_1 = arith.constant 32 : i32
    %mul3A_2 = arith.muli %add3A, %mul3A_1 : i32
    %run_scoped3A = arith.constant 0 : i32
    %run_scoped3A_3 = arith.constant 0 : i32
    "tpu.region"() ({
      %run_scoped3A_980 = tpu.sem_alloc : memref<!tpu.dma_semaphore, #tpu.memory_space<semaphore_mem>>
      %dma_start3A_981 = arith.constant 0 : i32
      %dma_start3A_982 = tpu.memref_slice %arg5[%run_scoped3A_3, %dma_start3A_981] : memref<4x32xf32, #tpu.memory_space<vmem>> -> memref<1x32xf32, #tpu.memory_space<vmem>>
      %dma_start3A_983 = tpu.memref_squeeze %dma_start3A_982 : memref<1x32xf32, #tpu.memory_space<vmem>> -> memref<32xf32, #tpu.memory_space<vmem>>
      %dma_start3A_984 = tpu.memref_slice %arg3[%run_scoped3A, %mul3A_2] : memref<4x1024xf32, #tpu.memory_space<hbm>> -> memref<1x32xf32, #tpu.memory_space<hbm>>
      %dma_start3A_985 = tpu.memref_squeeze %dma_start3A_984 : memref<1x32xf32, #tpu.memory_space<hbm>> -> memref<32xf32, #tpu.memory_space<hbm>>
      %dma_start3A_986 = arith.constant 0 : i32
      %dma_start3A_987 = tpu.memref_slice %arg5[%run_scoped3A_3, %dma_start3A_986] : memref<4x32xf32, #tpu.memory_space<vmem>> -> memref<1x32xf32, #tpu.memory_space<vmem>>
      %dma_start3A_988 = tpu.memref_squeeze %dma_start3A_987 : memref<1x32xf32, #tpu.memory_space<vmem>> -> memref<32xf32, #tpu.memory_space<vmem>>
      %dma_start3A_989 = tpu.memref_slice %arg3[%run_scoped3A, %mul3A_2] : memref<4x1024xf32, #tpu.memory_space<hbm>> -> memref<1x32xf32, #tpu.memory_space<hbm>>
      %dma_start3A_990 = tpu.memref_squeeze %dma_start3A_989 : memref<1x32xf32, #tpu.memory_space<hbm>> -> memref<32xf32, #tpu.memory_space<hbm>>
      tpu.enqueue_dma source(%dma_start3A_990 : memref<32xf32, #tpu.memory_space<hbm>>) target(%dma_start3A_988 : memref<32xf32, #tpu.memory_space<vmem>>) target_semaphore(%run_scoped3A_980 : memref<!tpu.dma_semaphore, #tpu.memory_space<semaphore_mem>>)
      %dma_wait3A = arith.constant 0 : i32
      %dma_wait3A_991 = tpu.memref_slice %arg5[%run_scoped3A_3, %dma_wait3A] : memref<4x32xf32, #tpu.memory_space<vmem>> -> memref<1x32xf32, #tpu.memory_space<vmem>>
      %dma_wait3A_992 = tpu.memref_squeeze %dma_wait3A_991 : memref<1x32xf32, #tpu.memory_space<vmem>> -> memref<32xf32, #tpu.memory_space<vmem>>
      %dma_wait3A_993 = tpu.memref_slice %arg3[%run_scoped3A, %mul3A_2] : memref<4x1024xf32, #tpu.memory_space<hbm>> -> memref<1x32xf32, #tpu.memory_space<hbm>>
      %dma_wait3A_994 = tpu.memref_squeeze %dma_wait3A_993 : memref<1x32xf32, #tpu.memory_space<hbm>> -> memref<32xf32, #tpu.memory_space<hbm>>
      %dma_wait3A_995 = arith.constant 0 : i32
      %dma_wait3A_996 = tpu.memref_slice %arg5[%run_scoped3A_3, %dma_wait3A_995] : memref<4x32xf32, #tpu.memory_space<vmem>> -> memref<1x32xf32, #tpu.memory_space<vmem>>
      %dma_wait3A_997 = tpu.memref_squeeze %dma_wait3A_996 : memref<1x32xf32, #tpu.memory_space<vmem>> -> memref<32xf32, #tpu.memory_space<vmem>>
      %dma_wait3A_998 = tpu.memref_slice %arg3[%run_scoped3A, %mul3A_2] : memref<4x1024xf32, #tpu.memory_space<hbm>> -> memref<1x32xf32, #tpu.memory_space<hbm>>
      %dma_wait3A_999 = tpu.memref_squeeze %dma_wait3A_998 : memref<1x32xf32, #tpu.memory_space<hbm>> -> memref<32xf32, #tpu.memory_space<hbm>>
      tpu.wait_dma2 semaphore(%run_scoped3A_980 : memref<!tpu.dma_semaphore, #tpu.memory_space<semaphore_mem>>) src(%dma_wait3A_999 : memref<32xf32, #tpu.memory_space<hbm>>) dst(%dma_wait3A_997 : memref<32xf32, #tpu.memory_space<vmem>>)
      tpu.yield
    }) : () -> ()
    %run_scoped3A_4 = arith.constant 1 : i32
    %run_scoped3A_5 = arith.constant 1 : i32
    "tpu.region"() ({
      %run_scoped3A_980 = tpu.sem_alloc : memref<!tpu.dma_semaphore, #tpu.memory_space<semaphore_mem>>
      %dma_start3A_981 = arith.constant 0 : i32
      %dma_start3A_982 = tpu.memref_slice %arg5[%run_scoped3A_5, %dma_start3A_981] : memref<4x32xf32, #tpu.memory_space<vmem>> -> memref<1x32xf32, #tpu.memory_space<vmem>>
      %dma_start3A_983 = tpu.memref_squeeze %dma_start3A_982 : memref<1x32xf32, #tpu.memory_space<vmem>> -> memref<32xf32, #tpu.memory_space<vmem>>
      %dma_start3A_984 = tpu.memref_slice %arg3[%run_scoped3A_4, %mul3A_2] : memref<4x1024xf32, #tpu.memory_space<hbm>> -> memref<1x32xf32, #tpu.memory_space<hbm>>
      %dma_start3A_985 = tpu.memref_squeeze %dma_start3A_984 : memref<1x32xf32, #tpu.memory_space<hbm>> -> memref<32xf32, #tpu.memory_space<hbm>>
      %dma_start3A_986 = arith.constant 0 : i32
      %dma_start3A_987 = tpu.memref_slice %arg5[%run_scoped3A_5, %dma_start3A_986] : memref<4x32xf32, #tpu.memory_space<vmem>> -> memref<1x32xf32, #tpu.memory_space<vmem>>
      %dma_start3A_988 = tpu.memref_squeeze %dma_start3A_987 : memref<1x32xf32, #tpu.memory_space<vmem>> -> memref<32xf32, #tpu.memory_space<vmem>>
      %dma_start3A_989 = tpu.memref_slice %arg3[%run_scoped3A_4, %mul3A_2] : memref<4x1024xf32, #tpu.memory_space<hbm>> -> memref<1x32xf32, #tpu.memory_space<hbm>>
      %dma_start3A_990 = tpu.memref_squeeze %dma_start3A_989 : memref<1x32xf32, #tpu.memory_space<hbm>> -> memref<32xf32, #tpu.memory_space<hbm>>
      tpu.enqueue_dma source(%dma_start3A_990 : memref<32xf32, #tpu.memory_space<hbm>>) target(%dma_start3A_988 : memref<32xf32, #tpu.memory_space<vmem>>) target_semaphore(%run_scoped3A_980 : memref<!tpu.dma_semaphore, #tpu.memory_space<semaphore_mem>>)
      %dma_wait3A = arith.constant 0 : i32
      %dma_wait3A_991 = tpu.memref_slice %arg5[%run_scoped3A_5, %dma_wait3A] : memref<4x32xf32, #tpu.memory_space<vmem>> -> memref<1x32xf32, #tpu.memory_space<vmem>>
      %dma_wait3A_992 = tpu.memref_squeeze %dma_wait3A_991 : memref<1x32xf32, #tpu.memory_space<vmem>> -> memref<32xf32, #tpu.memory_space<vmem>>
      %dma_wait3A_993 = tpu.memref_slice %arg3[%run_scoped3A_4, %mul3A_2] : memref<4x1024xf32, #tpu.memory_space<hbm>> -> memref<1x32xf32, #tpu.memory_space<hbm>>
      %dma_wait3A_994 = tpu.memref_squeeze %dma_wait3A_993 : memref<1x32xf32, #tpu.memory_space<hbm>> -> memref<32xf32, #tpu.memory_space<hbm>>
      %dma_wait3A_995 = arith.constant 0 : i32
      %dma_wait3A_996 = tpu.memref_slice %arg5[%run_scoped3A_5, %dma_wait3A_995] : memref<4x32xf32, #tpu.memory_space<vmem>> -> memref<1x32xf32, #tpu.memory_space<vmem>>
      %dma_wait3A_997 = tpu.memref_squeeze %dma_wait3A_996 : memref<1x32xf32, #tpu.memory_space<vmem>> -> memref<32xf32, #tpu.memory_space<vmem>>
      %dma_wait3A_998 = tpu.memref_slice %arg3[%run_scoped3A_4, %mul3A_2] : memref<4x1024xf32, #tpu.memory_space<hbm>> -> memref<1x32xf32, #tpu.memory_space<hbm>>
      %dma_wait3A_999 = tpu.memref_squeeze %dma_wait3A_998 : memref<1x32xf32, #tpu.memory_space<hbm>> -> memref<32xf32, #tpu.memory_space<hbm>>
      tpu.wait_dma2 semaphore(%run_scoped3A_980 : memref<!tpu.dma_semaphore, #tpu.memory_space<semaphore_mem>>) src(%dma_wait3A_999 : memref<32xf32, #tpu.memory_space<hbm>>) dst(%dma_wait3A_997 : memref<32xf32, #tpu.memory_space<vmem>>)
      tpu.yield
    }) : () -> ()
    %run_scoped3A_6 = arith.constant 2 : i32
    %run_scoped3A_7 = arith.constant 2 : i32
    "tpu.region"() ({
      %run_scoped3A_980 = tpu.sem_alloc : memref<!tpu.dma_semaphore, #tpu.memory_space<semaphore_mem>>
      %dma_start3A_981 = arith.constant 0 : i32
      %dma_start3A_982 = tpu.memref_slice %arg5[%run_scoped3A_7, %dma_start3A_981] : memref<4x32xf32, #tpu.memory_space<vmem>> -> memref<1x32xf32, #tpu.memory_space<vmem>>
      %dma_start3A_983 = tpu.memref_squeeze %dma_start3A_982 : memref<1x32xf32, #tpu.memory_space<vmem>> -> memref<32xf32, #tpu.memory_space<vmem>>
      %dma_start3A_984 = tpu.memref_slice %arg3[%run_scoped3A_6, %mul3A_2] : memref<4x1024xf32, #tpu.memory_space<hbm>> -> memref<1x32xf32, #tpu.memory_space<hbm>>
      %dma_start3A_985 = tpu.memref_squeeze %dma_start3A_984 : memref<1x32xf32, #tpu.memory_space<hbm>> -> memref<32xf32, #tpu.memory_space<hbm>>
      %dma_start3A_986 = arith.constant 0 : i32
      %dma_start3A_987 = tpu.memref_slice %arg5[%run_scoped3A_7, %dma_start3A_986] : memref<4x32xf32, #tpu.memory_space<vmem>> -> memref<1x32xf32, #tpu.memory_space<vmem>>
      %dma_start3A_988 = tpu.memref_squeeze %dma_start3A_987 : memref<1x32xf32, #tpu.memory_space<vmem>> -> memref<32xf32, #tpu.memory_space<vmem>>
      %dma_start3A_989 = tpu.memref_slice %arg3[%run_scoped3A_6, %mul3A_2] : memref<4x1024xf32, #tpu.memory_space<hbm>> -> memref<1x32xf32, #tpu.memory_space<hbm>>
      %dma_start3A_990 = tpu.memref_squeeze %dma_start3A_989 : memref<1x32xf32, #tpu.memory_space<hbm>> -> memref<32xf32, #tpu.memory_space<hbm>>
      tpu.enqueue_dma source(%dma_start3A_990 : memref<32xf32, #tpu.memory_space<hbm>>) target(%dma_start3A_988 : memref<32xf32, #tpu.memory_space<vmem>>) target_semaphore(%run_scoped3A_980 : memref<!tpu.dma_semaphore, #tpu.memory_space<semaphore_mem>>)
      %dma_wait3A = arith.constant 0 : i32
      %dma_wait3A_991 = tpu.memref_slice %arg5[%run_scoped3A_7, %dma_wait3A] : memref<4x32xf32, #tpu.memory_space<vmem>> -> memref<1x32xf32, #tpu.memory_space<vmem>>
      %dma_wait3A_992 = tpu.memref_squeeze %dma_wait3A_991 : memref<1x32xf32, #tpu.memory_space<vmem>> -> memref<32xf32, #tpu.memory_space<vmem>>
      %dma_wait3A_993 = tpu.memref_slice %arg3[%run_scoped3A_6, %mul3A_2] : memref<4x1024xf32, #tpu.memory_space<hbm>> -> memref<1x32xf32, #tpu.memory_space<hbm>>
      %dma_wait3A_994 = tpu.memref_squeeze %dma_wait3A_993 : memref<1x32xf32, #tpu.memory_space<hbm>> -> memref<32xf32, #tpu.memory_space<hbm>>
      %dma_wait3A_995 = arith.constant 0 : i32
      %dma_wait3A_996 = tpu.memref_slice %arg5[%run_scoped3A_7, %dma_wait3A_995] : memref<4x32xf32, #tpu.memory_space<vmem>> -> memref<1x32xf32, #tpu.memory_space<vmem>>
      %dma_wait3A_997 = tpu.memref_squeeze %dma_wait3A_996 : memref<1x32xf32, #tpu.memory_space<vmem>> -> memref<32xf32, #tpu.memory_space<vmem>>
      %dma_wait3A_998 = tpu.memref_slice %arg3[%run_scoped3A_6, %mul3A_2] : memref<4x1024xf32, #tpu.memory_space<hbm>> -> memref<1x32xf32, #tpu.memory_space<hbm>>
      %dma_wait3A_999 = tpu.memref_squeeze %dma_wait3A_998 : memref<1x32xf32, #tpu.memory_space<hbm>> -> memref<32xf32, #tpu.memory_space<hbm>>
      tpu.wait_dma2 semaphore(%run_scoped3A_980 : memref<!tpu.dma_semaphore, #tpu.memory_space<semaphore_mem>>) src(%dma_wait3A_999 : memref<32xf32, #tpu.memory_space<hbm>>) dst(%dma_wait3A_997 : memref<32xf32, #tpu.memory_space<vmem>>)
      tpu.yield
    }) : () -> ()
    %run_scoped3A_8 = arith.constant 3 : i32
    %run_scoped3A_9 = arith.constant 3 : i32
    "tpu.region"() ({
      %run_scoped3A_980 = tpu.sem_alloc : memref<!tpu.dma_semaphore, #tpu.memory_space<semaphore_mem>>
      %dma_start3A_981 = arith.constant 0 : i32
      %dma_start3A_982 = tpu.memref_slice %arg5[%run_scoped3A_9, %dma_start3A_981] : memref<4x32xf32, #tpu.memory_space<vmem>> -> memref<1x32xf32, #tpu.memory_space<vmem>>
      %dma_start3A_983 = tpu.memref_squeeze %dma_start3A_982 : memref<1x32xf32, #tpu.memory_space<vmem>> -> memref<32xf32, #tpu.memory_space<vmem>>
      %dma_start3A_984 = tpu.memref_slice %arg3[%run_scoped3A_8, %mul3A_2] : memref<4x1024xf32, #tpu.memory_space<hbm>> -> memref<1x32xf32, #tpu.memory_space<hbm>>
      %dma_start3A_985 = tpu.memref_squeeze %dma_start3A_984 : memref<1x32xf32, #tpu.memory_space<hbm>> -> memref<32xf32, #tpu.memory_space<hbm>>
      %dma_start3A_986 = arith.constant 0 : i32
      %dma_start3A_987 = tpu.memref_slice %arg5[%run_scoped3A_9, %dma_start3A_986] : memref<4x32xf32, #tpu.memory_space<vmem>> -> memref<1x32xf32, #tpu.memory_space<vmem>>
      %dma_start3A_988 = tpu.memref_squeeze %dma_start3A_987 : memref<1x32xf32, #tpu.memory_space<vmem>> -> memref<32xf32, #tpu.memory_space<vmem>>
      %dma_start3A_989 = tpu.memref_slice %arg3[%run_scoped3A_8, %mul3A_2] : memref<4x1024xf32, #tpu.memory_space<hbm>> -> memref<1x32xf32, #tpu.memory_space<hbm>>
      %dma_start3A_990 = tpu.memref_squeeze %dma_start3A_989 : memref<1x32xf32, #tpu.memory_space<hbm>> -> memref<32xf32, #tpu.memory_space<hbm>>
      tpu.enqueue_dma source(%dma_start3A_990 : memref<32xf32, #tpu.memory_space<hbm>>) target(%dma_start3A_988 : memref<32xf32, #tpu.memory_space<vmem>>) target_semaphore(%run_scoped3A_980 : memref<!tpu.dma_semaphore, #tpu.memory_space<semaphore_mem>>)
      %dma_wait3A = arith.constant 0 : i32
      %dma_wait3A_991 = tpu.memref_slice %arg5[%run_scoped3A_9, %dma_wait3A] : memref<4x32xf32, #tpu.memory_space<vmem>> -> memref<1x32xf32, #tpu.memory_space<vmem>>
      %dma_wait3A_992 = tpu.memref_squeeze %dma_wait3A_991 : memref<1x32xf32, #tpu.memory_space<vmem>> -> memref<32xf32, #tpu.memory_space<vmem>>
      %dma_wait3A_993 = tpu.memref_slice %arg3[%run_scoped3A_8, %mul3A_2] : memref<4x1024xf32, #tpu.memory_space<hbm>> -> memref<1x32xf32, #tpu.memory_space<hbm>>
      %dma_wait3A_994 = tpu.memref_squeeze %dma_wait3A_993 : memref<1x32xf32, #tpu.memory_space<hbm>> -> memref<32xf32, #tpu.memory_space<hbm>>
      %dma_wait3A_995 = arith.constant 0 : i32
      %dma_wait3A_996 = tpu.memref_slice %arg5[%run_scoped3A_9, %dma_wait3A_995] : memref<4x32xf32, #tpu.memory_space<vmem>> -> memref<1x32xf32, #tpu.memory_space<vmem>>
      %dma_wait3A_997 = tpu.memref_squeeze %dma_wait3A_996 : memref<1x32xf32, #tpu.memory_space<vmem>> -> memref<32xf32, #tpu.memory_space<vmem>>
      %dma_wait3A_998 = tpu.memref_slice %arg3[%run_scoped3A_8, %mul3A_2] : memref<4x1024xf32, #tpu.memory_space<hbm>> -> memref<1x32xf32, #tpu.memory_space<hbm>>
      %dma_wait3A_999 = tpu.memref_squeeze %dma_wait3A_998 : memref<1x32xf32, #tpu.memory_space<hbm>> -> memref<32xf32, #tpu.memory_space<hbm>>
      tpu.wait_dma2 semaphore(%run_scoped3A_980 : memref<!tpu.dma_semaphore, #tpu.memory_space<semaphore_mem>>) src(%dma_wait3A_999 : memref<32xf32, #tpu.memory_space<hbm>>) dst(%dma_wait3A_997 : memref<32xf32, #tpu.memory_space<vmem>>)
      tpu.yield
    }) : () -> ()
    %jit3A = arith.constant 0 : i32
    %jit3A_10 = arith.constant 14 : i32
    %div3A = arith.divsi %jit3A, %jit3A_10 : i32
    %sign3A = arith.constant 0 : i32
    %sign3A_11 = arith.cmpi sgt, %jit3A, %sign3A : i32
    %sign3A_12 = arith.extui %sign3A_11 : i1 to i32
    %sign3A_13 = arith.constant 0 : i32
    %sign3A_14 = arith.cmpi slt, %jit3A, %sign3A_13 : i32
    %sign3A_15 = arith.extui %sign3A_14 : i1 to i32
    %sign3A_16 = arith.subi %sign3A_12, %sign3A_15 : i32
    %sign3A_17 = arith.constant 0 : i32
    %sign3A_18 = arith.cmpi sgt, %jit3A_10, %sign3A_17 : i32
    %sign3A_19 = arith.extui %sign3A_18 : i1 to i32
    %sign3A_20 = arith.constant 0 : i32
    %sign3A_21 = arith.cmpi slt, %jit3A_10, %sign3A_20 : i32
    %sign3A_22 = arith.extui %sign3A_21 : i1 to i32
    %sign3A_23 = arith.subi %sign3A_19, %sign3A_22 : i32
    %ne3A = arith.cmpi ne, %sign3A_16, %sign3A_23 : i32
    %rem3A = arith.remsi %jit3A, %jit3A_10 : i32
    %ne3A_24 = arith.constant 0 : i32
    %ne3A_25 = arith.cmpi ne, %rem3A, %ne3A_24 : i32
    %and3A = arith.andi %ne3A, %ne3A_25 : i1
    %sub3A = arith.constant 1 : i32
    %sub3A_26 = arith.subi %div3A, %sub3A : i32
    %select_n3A = arith.select %and3A, %sub3A_26, %div3A : i32
    %jit3A_27 = arith.constant 0 : i32
    %jit3A_28 = arith.constant 14 : i32
    %eq3A = arith.constant 0 : i32
    %eq3A_29 = arith.cmpi eq, %jit3A_28, %eq3A : i32
    %jit3A_30 = arith.constant 1 : i32
    %select_n3A_31 = arith.select %eq3A_29, %jit3A_30, %jit3A_28 : i32
    %rem3A_32 = arith.remsi %jit3A_27, %select_n3A_31 : i32
    %ne3A_33 = arith.constant 0 : i32
    %ne3A_34 = arith.cmpi ne, %rem3A_32, %ne3A_33 : i32
    %lt3A = arith.constant 0 : i32
    %lt3A_35 = arith.cmpi slt, %rem3A_32, %lt3A : i32
    %lt3A_36 = arith.constant 0 : i32
    %lt3A_37 = arith.cmpi slt, %select_n3A_31, %lt3A_36 : i32
    %ne3A_38 = arith.xori %lt3A_35, %lt3A_37 : i1
    %and3A_39 = arith.andi %ne3A_38, %ne3A_34 : i1
    %add3A_40 = arith.addi %rem3A_32, %select_n3A_31 : i32
    %select_n3A_41 = arith.select %and3A_39, %add3A_40, %rem3A_32 : i32
    %convert_element_type3A = arith.sitofp %select_n3A : i32 to f32
    %convert_element_type3A_42 = arith.sitofp %select_n3A_41 : i32 to f32
    %get3A = arith.constant 0 : i32
    %get3A_43 = arith.index_cast %get3A : i32 to index
    %get3A_44 = arith.constant 0 : index
    %get3A_45 = tpu.vector_load %arg5[%get3A_43, %get3A_44] {strides = array<i32>} : memref<4x32xf32, #tpu.memory_space<vmem>>, vector<1x16xf32>,
    %get3A_46 = vector.shape_cast %get3A_45 : vector<1x16xf32> to vector<16xf32>
    %get3A_47 = arith.constant 1 : i32
    %get3A_48 = arith.index_cast %get3A_47 : i32 to index
    %get3A_49 = arith.constant 0 : index
    %get3A_50 = tpu.vector_load %arg5[%get3A_48, %get3A_49] {strides = array<i32>} : memref<4x32xf32, #tpu.memory_space<vmem>>, vector<1x16xf32>,
    %get3A_51 = vector.shape_cast %get3A_50 : vector<1x16xf32> to vector<16xf32>
    %get3A_52 = arith.constant 2 : i32
    %get3A_53 = arith.index_cast %get3A_52 : i32 to index
    %get3A_54 = arith.constant 0 : index
    %get3A_55 = tpu.vector_load %arg5[%get3A_53, %get3A_54] {strides = array<i32>} : memref<4x32xf32, #tpu.memory_space<vmem>>, vector<1x16xf32>,
    %get3A_56 = vector.shape_cast %get3A_55 : vector<1x16xf32> to vector<16xf32>
    %sub3A_57 = arith.subf %get3A_56, %get3A_46 : vector<16xf32>
    %mul3A_58 = arith.constant 0.0714285746 : f32
    %mul3A_59 = vector.broadcast %mul3A_58 : f32 to vector<16xf32>
    %mul3A_60 = arith.mulf %sub3A_57, %mul3A_59 : vector<16xf32>
    %get3A_61 = arith.constant 3 : i32
    %get3A_62 = arith.index_cast %get3A_61 : i32 to index
    %get3A_63 = arith.constant 0 : index
    %get3A_64 = tpu.vector_load %arg5[%get3A_62, %get3A_63] {strides = array<i32>} : memref<4x32xf32, #tpu.memory_space<vmem>>, vector<1x16xf32>,
    %get3A_65 = vector.shape_cast %get3A_64 : vector<1x16xf32> to vector<16xf32>
    %sub3A_66 = arith.subf %get3A_65, %get3A_51 : vector<16xf32>
    %mul3A_67 = arith.constant 0.0714285746 : f32
    %mul3A_68 = vector.broadcast %mul3A_67 : f32 to vector<16xf32>
    %mul3A_69 = arith.mulf %sub3A_66, %mul3A_68 : vector<16xf32>
    %add3A_70 = arith.constant 0.333333343 : f32
    %add3A_71 = arith.addf %convert_element_type3A, %add3A_70 : f32
    %mul3A_72 = vector.broadcast %add3A_71 : f32 to vector<16xf32>
    %mul3A_73 = arith.mulf %mul3A_60, %mul3A_72 : vector<16xf32>
    %add3A_74 = arith.addf %get3A_46, %mul3A_73 : vector<16xf32>
    %add3A_75 = arith.constant 0.333333343 : f32
    %add3A_76 = arith.addf %convert_element_type3A_42, %add3A_75 : f32
    %mul3A_77 = vector.broadcast %add3A_76 : f32 to vector<16xf32>
    %mul3A_78 = arith.mulf %mul3A_69, %mul3A_77 : vector<16xf32>
    %add3A_79 = arith.addf %get3A_51, %mul3A_78 : vector<16xf32>
    %convert_element_type3A_80 = arith.fptosi %add3A_74 : vector<16xf32> to vector<16xi32>
    %min3A = arith.constant 222 : i32
    %min3A_81 = vector.broadcast %min3A : i32 to vector<16xi32>
    %min3A_82 = arith.minsi %convert_element_type3A_80, %min3A_81 : vector<16xi32>
    %convert_element_type3A_83 = arith.fptosi %add3A_79 : vector<16xf32> to vector<16xi32>
    %min3A_84 = arith.constant 222 : i32
    %min3A_85 = vector.broadcast %min3A_84 : i32 to vector<16xi32>
    %min3A_86 = arith.minsi %convert_element_type3A_83, %min3A_85 : vector<16xi32>
    %convert_element_type3A_87 = arith.sitofp %min3A_82 : vector<16xi32> to vector<16xf32>
    %sub3A_88 = arith.subf %add3A_74, %convert_element_type3A_87 : vector<16xf32>
    %convert_element_type3A_89 = arith.sitofp %min3A_86 : vector<16xi32> to vector<16xf32>
    %sub3A_90 = arith.subf %add3A_79, %convert_element_type3A_89 : vector<16xf32>
    %mul3A_91 = arith.constant 224 : i32
    %mul3A_92 = vector.broadcast %mul3A_91 : i32 to vector<16xi32>
    %mul3A_93 = arith.muli %min3A_82, %mul3A_92 : vector<16xi32>
    %add3A_94 = arith.addi %mul3A_93, %min3A_86 : vector<16xi32>
    %swap3A = arith.constant 0 : i32
    %swap3A_95 = arith.constant 0 : i32
    %swap3A_96 = arith.index_cast %swap3A : i32 to index
    %swap3A_97 = arith.index_cast %swap3A_95 : i32 to index
    %swap3A_98 = arith.constant 0 : index
    %swap3A_99 = tpu.vector_load %arg6[%swap3A_96, %swap3A_97, %swap3A_98] {strides = array<i32>} : memref<2x4x128xi32, #tpu.memory_space<vmem>>, vector<1x1x16xi32>,
    %swap3A_100 = vector.shape_cast %swap3A_99 : vector<1x1x16xi32> to vector<16xi32>
    %swap3A_101 = vector.shape_cast %add3A_94 : vector<16xi32> to vector<1x1x16xi32>
    tpu.vector_store %arg6[%swap3A_96, %swap3A_97, %swap3A_98], %swap3A_101 {strides = array<i32>} : memref<2x4x128xi32, #tpu.memory_space<vmem>>, vector<1x1x16xi32>,
    %add3A_102 = arith.constant 1 : i32
    %add3A_103 = vector.broadcast %add3A_102 : i32 to vector<16xi32>
    %add3A_104 = arith.addi %add3A_94, %add3A_103 : vector<16xi32>
    %swap3A_105 = arith.constant 0 : i32
    %swap3A_106 = arith.constant 1 : i32
    %swap3A_107 = arith.index_cast %swap3A_105 : i32 to index
    %swap3A_108 = arith.index_cast %swap3A_106 : i32 to index
    %swap3A_109 = arith.constant 0 : index
    %swap3A_110 = tpu.vector_load %arg6[%swap3A_107, %swap3A_108, %swap3A_109] {strides = array<i32>} : memref<2x4x128xi32, #tpu.memory_space<vmem>>, vector<1x1x16xi32>,
    %swap3A_111 = vector.shape_cast %swap3A_110 : vector<1x1x16xi32> to vector<16xi32>
    %swap3A_112 = vector.shape_cast %add3A_104 : vector<16xi32> to vector<1x1x16xi32>
    tpu.vector_store %arg6[%swap3A_107, %swap3A_108, %swap3A_109], %swap3A_112 {strides = array<i32>} : memref<2x4x128xi32, #tpu.memory_space<vmem>>, vector<1x1x16xi32>,
    %add3A_113 = arith.constant 224 : i32
    %add3A_114 = vector.broadcast %add3A_113 : i32 to vector<16xi32>
    %add3A_115 = arith.addi %add3A_94, %add3A_114 : vector<16xi32>
    %swap3A_116 = arith.constant 0 : i32
    %swap3A_117 = arith.constant 2 : i32
    %swap3A_118 = arith.index_cast %swap3A_116 : i32 to index
    %swap3A_119 = arith.index_cast %swap3A_117 : i32 to index
    %swap3A_120 = arith.constant 0 : index
    %swap3A_121 = tpu.vector_load %arg6[%swap3A_118, %swap3A_119, %swap3A_120] {strides = array<i32>} : memref<2x4x128xi32, #tpu.memory_space<vmem>>, vector<1x1x16xi32>,
    %swap3A_122 = vector.shape_cast %swap3A_121 : vector<1x1x16xi32> to vector<16xi32>
    %swap3A_123 = vector.shape_cast %add3A_115 : vector<16xi32> to vector<1x1x16xi32>
    tpu.vector_store %arg6[%swap3A_118, %swap3A_119, %swap3A_120], %swap3A_123 {strides = array<i32>} : memref<2x4x128xi32, #tpu.memory_space<vmem>>, vector<1x1x16xi32>,
    %add3A_124 = arith.constant 224 : i32
    %add3A_125 = vector.broadcast %add3A_124 : i32 to vector<16xi32>
    %add3A_126 = arith.addi %add3A_94, %add3A_125 : vector<16xi32>
    %add3A_127 = arith.constant 1 : i32
    %add3A_128 = vector.broadcast %add3A_127 : i32 to vector<16xi32>
    %add3A_129 = arith.addi %add3A_126, %add3A_128 : vector<16xi32>
    %swap3A_130 = arith.constant 0 : i32
    %swap3A_131 = arith.constant 3 : i32
    %swap3A_132 = arith.index_cast %swap3A_130 : i32 to index
    %swap3A_133 = arith.index_cast %swap3A_131 : i32 to index
    %swap3A_134 = arith.constant 0 : index
    %swap3A_135 = tpu.vector_load %arg6[%swap3A_132, %swap3A_133, %swap3A_134] {strides = array<i32>} : memref<2x4x128xi32, #tpu.memory_space<vmem>>, vector<1x1x16xi32>,
    %swap3A_136 = vector.shape_cast %swap3A_135 : vector<1x1x16xi32> to vector<16xi32>
    %swap3A_137 = vector.shape_cast %add3A_129 : vector<16xi32> to vector<1x1x16xi32>
    tpu.vector_store %arg6[%swap3A_132, %swap3A_133, %swap3A_134], %swap3A_137 {strides = array<i32>} : memref<2x4x128xi32, #tpu.memory_space<vmem>>, vector<1x1x16xi32>,
    %swap3A_138 = arith.constant 0 : i32
    %swap3A_139 = arith.index_cast %swap3A_138 : i32 to index
    %swap3A_140 = arith.constant 0 : index
    %swap3A_141 = tpu.vector_load %arg7[%swap3A_139, %swap3A_140] {strides = array<i32>} : memref<2x144xf32, #tpu.memory_space<vmem>>, vector<1x16xf32>,
    %swap3A_142 = vector.shape_cast %swap3A_141 : vector<1x16xf32> to vector<16xf32>
    %swap3A_143 = vector.shape_cast %sub3A_90 : vector<16xf32> to vector<1x16xf32>
    tpu.vector_store %arg7[%swap3A_139, %swap3A_140], %swap3A_143 {strides = array<i32>} : memref<2x144xf32, #tpu.memory_space<vmem>>, vector<1x16xf32>,
    %swap3A_144 = arith.constant 0 : i32
    %swap3A_145 = arith.index_cast %swap3A_144 : i32 to index
    %swap3A_146 = arith.constant 0 : index
    %swap3A_147 = tpu.vector_load %arg8[%swap3A_145, %swap3A_146] {strides = array<i32>} : memref<2x144xf32, #tpu.memory_space<vmem>>, vector<1x16xf32>,
    %swap3A_148 = vector.shape_cast %swap3A_147 : vector<1x16xf32> to vector<16xf32>
    %swap3A_149 = vector.shape_cast %sub3A_88 : vector<16xf32> to vector<1x16xf32>
    tpu.vector_store %arg8[%swap3A_145, %swap3A_146], %swap3A_149 {strides = array<i32>} : memref<2x144xf32, #tpu.memory_space<vmem>>, vector<1x16xf32>,
    %get3A_150 = arith.constant 0 : i32
    %get3A_151 = arith.index_cast %get3A_150 : i32 to index
    %get3A_152 = arith.constant 16 : index
    %get3A_153 = tpu.vector_load %arg5[%get3A_151, %get3A_152] {strides = array<i32>} : memref<4x32xf32, #tpu.memory_space<vmem>>, vector<1x16xf32>,
    %get3A_154 = vector.shape_cast %get3A_153 : vector<1x16xf32> to vector<16xf32>
    %get3A_155 = arith.constant 1 : i32
    %get3A_156 = arith.index_cast %get3A_155 : i32 to index
    %get3A_157 = arith.constant 16 : index
    %get3A_158 = tpu.vector_load %arg5[%get3A_156, %get3A_157] {strides = array<i32>} : memref<4x32xf32, #tpu.memory_space<vmem>>, vector<1x16xf32>,
    %get3A_159 = vector.shape_cast %get3A_158 : vector<1x16xf32> to vector<16xf32>
    %get3A_160 = arith.constant 2 : i32
    %get3A_161 = arith.index_cast %get3A_160 : i32 to index
    %get3A_162 = arith.constant 16 : index
    %get3A_163 = tpu.vector_load %arg5[%get3A_161, %get3A_162] {strides = array<i32>} : memref<4x32xf32, #tpu.memory_space<vmem>>, vector<1x16xf32>,
    %get3A_164 = vector.shape_cast %get3A_163 : vector<1x16xf32> to vector<16xf32>
    %sub3A_165 = arith.subf %get3A_164, %get3A_154 : vector<16xf32>
    %mul3A_166 = arith.constant 0.0714285746 : f32
    %mul3A_167 = vector.broadcast %mul3A_166 : f32 to vector<16xf32>
    %mul3A_168 = arith.mulf %sub3A_165, %mul3A_167 : vector<16xf32>
    %get3A_169 = arith.constant 3 : i32
    %get3A_170 = arith.index_cast %get3A_169 : i32 to index
    %get3A_171 = arith.constant 16 : index
    %get3A_172 = tpu.vector_load %arg5[%get3A_170, %get3A_171] {strides = array<i32>} : memref<4x32xf32, #tpu.memory_space<vmem>>, vector<1x16xf32>,
    %get3A_173 = vector.shape_cast %get3A_172 : vector<1x16xf32> to vector<16xf32>
    %sub3A_174 = arith.subf %get3A_173, %get3A_159 : vector<16xf32>
    %mul3A_175 = arith.constant 0.0714285746 : f32
    %mul3A_176 = vector.broadcast %mul3A_175 : f32 to vector<16xf32>
    %mul3A_177 = arith.mulf %sub3A_174, %mul3A_176 : vector<16xf32>
    %add3A_178 = arith.constant 0.333333343 : f32
    %add3A_179 = arith.addf %convert_element_type3A, %add3A_178 : f32
    %mul3A_180 = vector.broadcast %add3A_179 : f32 to vector<16xf32>
    %mul3A_181 = arith.mulf %mul3A_168, %mul3A_180 : vector<16xf32>
    %add3A_182 = arith.addf %get3A_154, %mul3A_181 : vector<16xf32>
    %add3A_183 = arith.constant 0.333333343 : f32
    %add3A_184 = arith.addf %convert_element_type3A_42, %add3A_183 : f32
    %mul3A_185 = vector.broadcast %add3A_184 : f32 to vector<16xf32>
    %mul3A_186 = arith.mulf %mul3A_177, %mul3A_185 : vector<16xf32>
    %add3A_187 = arith.addf %get3A_159, %mul3A_186 : vector<16xf32>
    %convert_element_type3A_188 = arith.fptosi %add3A_182 : vector<16xf32> to vector<16xi32>
    %min3A_189 = arith.constant 222 : i32
    %min3A_190 = vector.broadcast %min3A_189 : i32 to vector<16xi32>
    %min3A_191 = arith.minsi %convert_element_type3A_188, %min3A_190 : vector<16xi32>
    %convert_element_type3A_192 = arith.fptosi %add3A_187 : vector<16xf32> to vector<16xi32>
    %min3A_193 = arith.constant 222 : i32
    %min3A_194 = vector.broadcast %min3A_193 : i32 to vector<16xi32>
    %min3A_195 = arith.minsi %convert_element_type3A_192, %min3A_194 : vector<16xi32>
    %convert_element_type3A_196 = arith.sitofp %min3A_191 : vector<16xi32> to vector<16xf32>
    %sub3A_197 = arith.subf %add3A_182, %convert_element_type3A_196 : vector<16xf32>
    %convert_element_type3A_198 = arith.sitofp %min3A_195 : vector<16xi32> to vector<16xf32>
    %sub3A_199 = arith.subf %add3A_187, %convert_element_type3A_198 : vector<16xf32>
    %mul3A_200 = arith.constant 224 : i32
    %mul3A_201 = vector.broadcast %mul3A_200 : i32 to vector<16xi32>
    %mul3A_202 = arith.muli %min3A_191, %mul3A_201 : vector<16xi32>
    %add3A_203 = arith.addi %mul3A_202, %min3A_195 : vector<16xi32>
    %swap3A_204 = arith.constant 0 : i32
    %swap3A_205 = arith.constant 0 : i32
    %swap3A_206 = arith.index_cast %swap3A_204 : i32 to index
    %swap3A_207 = arith.index_cast %swap3A_205 : i32 to index
    %swap3A_208 = arith.constant 16 : index
    %swap3A_209 = tpu.vector_load %arg6[%swap3A_206, %swap3A_207, %swap3A_208] {strides = array<i32>} : memref<2x4x128xi32, #tpu.memory_space<vmem>>, vector<1x1x16xi32>,
    %swap3A_210 = vector.shape_cast %swap3A_209 : vector<1x1x16xi32> to vector<16xi32>
    %swap3A_211 = vector.shape_cast %add3A_203 : vector<16xi32> to vector<1x1x16xi32>
    tpu.vector_store %arg6[%swap3A_206, %swap3A_207, %swap3A_208], %swap3A_211 {strides = array<i32>} : memref<2x4x128xi32, #tpu.memory_space<vmem>>, vector<1x1x16xi32>,
    %add3A_212 = arith.constant 1 : i32
    %add3A_213 = vector.broadcast %add3A_212 : i32 to vector<16xi32>
    %add3A_214 = arith.addi %add3A_203, %add3A_213 : vector<16xi32>
    %swap3A_215 = arith.constant 0 : i32
    %swap3A_216 = arith.constant 1 : i32
    %swap3A_217 = arith.index_cast %swap3A_215 : i32 to index
    %swap3A_218 = arith.index_cast %swap3A_216 : i32 to index
    %swap3A_219 = arith.constant 16 : index
    %swap3A_220 = tpu.vector_load %arg6[%swap3A_217, %swap3A_218, %swap3A_219] {strides = array<i32>} : memref<2x4x128xi32, #tpu.memory_space<vmem>>, vector<1x1x16xi32>,
    %swap3A_221 = vector.shape_cast %swap3A_220 : vector<1x1x16xi32> to vector<16xi32>
    %swap3A_222 = vector.shape_cast %add3A_214 : vector<16xi32> to vector<1x1x16xi32>
    tpu.vector_store %arg6[%swap3A_217, %swap3A_218, %swap3A_219], %swap3A_222 {strides = array<i32>} : memref<2x4x128xi32, #tpu.memory_space<vmem>>, vector<1x1x16xi32>,
    %add3A_223 = arith.constant 224 : i32
    %add3A_224 = vector.broadcast %add3A_223 : i32 to vector<16xi32>
    %add3A_225 = arith.addi %add3A_203, %add3A_224 : vector<16xi32>
    %swap3A_226 = arith.constant 0 : i32
    %swap3A_227 = arith.constant 2 : i32
    %swap3A_228 = arith.index_cast %swap3A_226 : i32 to index
    %swap3A_229 = arith.index_cast %swap3A_227 : i32 to index
    %swap3A_230 = arith.constant 16 : index
    %swap3A_231 = tpu.vector_load %arg6[%swap3A_228, %swap3A_229, %swap3A_230] {strides = array<i32>} : memref<2x4x128xi32, #tpu.memory_space<vmem>>, vector<1x1x16xi32>,
    %swap3A_232 = vector.shape_cast %swap3A_231 : vector<1x1x16xi32> to vector<16xi32>
    %swap3A_233 = vector.shape_cast %add3A_225 : vector<16xi32> to vector<1x1x16xi32>
    tpu.vector_store %arg6[%swap3A_228, %swap3A_229, %swap3A_230], %swap3A_233 {strides = array<i32>} : memref<2x4x128xi32, #tpu.memory_space<vmem>>, vector<1x1x16xi32>,
    %add3A_234 = arith.constant 224 : i32
    %add3A_235 = vector.broadcast %add3A_234 : i32 to vector<16xi32>
    %add3A_236 = arith.addi %add3A_203, %add3A_235 : vector<16xi32>
    %add3A_237 = arith.constant 1 : i32
    %add3A_238 = vector.broadcast %add3A_237 : i32 to vector<16xi32>
    %add3A_239 = arith.addi %add3A_236, %add3A_238 : vector<16xi32>
    %swap3A_240 = arith.constant 0 : i32
    %swap3A_241 = arith.constant 3 : i32
    %swap3A_242 = arith.index_cast %swap3A_240 : i32 to index
    %swap3A_243 = arith.index_cast %swap3A_241 : i32 to index
    %swap3A_244 = arith.constant 16 : index
    %swap3A_245 = tpu.vector_load %arg6[%swap3A_242, %swap3A_243, %swap3A_244] {strides = array<i32>} : memref<2x4x128xi32, #tpu.memory_space<vmem>>, vector<1x1x16xi32>,
    %swap3A_246 = vector.shape_cast %swap3A_245 : vector<1x1x16xi32> to vector<16xi32>
    %swap3A_247 = vector.shape_cast %add3A_239 : vector<16xi32> to vector<1x1x16xi32>
    tpu.vector_store %arg6[%swap3A_242, %swap3A_243, %swap3A_244], %swap3A_247 {strides = array<i32>} : memref<2x4x128xi32, #tpu.memory_space<vmem>>, vector<1x1x16xi32>,
    %swap3A_248 = arith.constant 0 : i32
    %swap3A_249 = arith.index_cast %swap3A_248 : i32 to index
    %swap3A_250 = arith.constant 16 : index
    %swap3A_251 = tpu.vector_load %arg7[%swap3A_249, %swap3A_250] {strides = array<i32>} : memref<2x144xf32, #tpu.memory_space<vmem>>, vector<1x16xf32>,
    %swap3A_252 = vector.shape_cast %swap3A_251 : vector<1x16xf32> to vector<16xf32>
    %swap3A_253 = vector.shape_cast %sub3A_199 : vector<16xf32> to vector<1x16xf32>
    tpu.vector_store %arg7[%swap3A_249, %swap3A_250], %swap3A_253 {strides = array<i32>} : memref<2x144xf32, #tpu.memory_space<vmem>>, vector<1x16xf32>,
    %swap3A_254 = arith.constant 0 : i32
    %swap3A_255 = arith.index_cast %swap3A_254 : i32 to index
    %swap3A_256 = arith.constant 16 : index
    %swap3A_257 = tpu.vector_load %arg8[%swap3A_255, %swap3A_256] {strides = array<i32>} : memref<2x144xf32, #tpu.memory_space<vmem>>, vector<1x16xf32>,
    %swap3A_258 = vector.shape_cast %swap3A_257 : vector<1x16xf32> to vector<16xf32>
    %swap3A_259 = vector.shape_cast %sub3A_197 : vector<16xf32> to vector<1x16xf32>
    tpu.vector_store %arg8[%swap3A_255, %swap3A_256], %swap3A_259 {strides = array<i32>} : memref<2x144xf32, #tpu.memory_space<vmem>>, vector<1x16xf32>,
    %get3A_260 = arith.constant 0 : i32
    %get3A_261 = arith.index_cast %get3A_260 : i32 to index
    %get3A_262 = arith.constant 0 : index
    %get3A_263 = tpu.vector_load %arg5[%get3A_261, %get3A_262] {strides = array<i32>} : memref<4x32xf32, #tpu.memory_space<vmem>>, vector<1x16xf32>,
    %get3A_264 = vector.shape_cast %get3A_263 : vector<1x16xf32> to vector<16xf32>
    %get3A_265 = arith.constant 1 : i32
    %get3A_266 = arith.index_cast %get3A_265 : i32 to index
    %get3A_267 = arith.constant 0 : index
    %get3A_268 = tpu.vector_load %arg5[%get3A_266, %get3A_267] {strides = array<i32>} : memref<4x32xf32, #tpu.memory_space<vmem>>, vector<1x16xf32>,
    %get3A_269 = vector.shape_cast %get3A_268 : vector<1x16xf32> to vector<16xf32>
    %get3A_270 = arith.constant 2 : i32
    %get3A_271 = arith.index_cast %get3A_270 : i32 to index
    %get3A_272 = arith.constant 0 : index
    %get3A_273 = tpu.vector_load %arg5[%get3A_271, %get3A_272] {strides = array<i32>} : memref<4x32xf32, #tpu.memory_space<vmem>>, vector<1x16xf32>,
    %get3A_274 = vector.shape_cast %get3A_273 : vector<1x16xf32> to vector<16xf32>
    %sub3A_275 = arith.subf %get3A_274, %get3A_264 : vector<16xf32>
    %mul3A_276 = arith.constant 0.0714285746 : f32
    %mul3A_277 = vector.broadcast %mul3A_276 : f32 to vector<16xf32>
    %mul3A_278 = arith.mulf %sub3A_275, %mul3A_277 : vector<16xf32>
    %get3A_279 = arith.constant 3 : i32
    %get3A_280 = arith.index_cast %get3A_279 : i32 to index
    %get3A_281 = arith.constant 0 : index
    %get3A_282 = tpu.vector_load %arg5[%get3A_280, %get3A_281] {strides = array<i32>} : memref<4x32xf32, #tpu.memory_space<vmem>>, vector<1x16xf32>,
    %get3A_283 = vector.shape_cast %get3A_282 : vector<1x16xf32> to vector<16xf32>
    %sub3A_284 = arith.subf %get3A_283, %get3A_269 : vector<16xf32>
    %mul3A_285 = arith.constant 0.0714285746 : f32
    %mul3A_286 = vector.broadcast %mul3A_285 : f32 to vector<16xf32>
    %mul3A_287 = arith.mulf %sub3A_284, %mul3A_286 : vector<16xf32>
    %add3A_288 = arith.constant 0.333333343 : f32
    %add3A_289 = arith.addf %convert_element_type3A, %add3A_288 : f32
    %mul3A_290 = vector.broadcast %add3A_289 : f32 to vector<16xf32>
    %mul3A_291 = arith.mulf %mul3A_278, %mul3A_290 : vector<16xf32>
    %add3A_292 = arith.addf %get3A_264, %mul3A_291 : vector<16xf32>
    %add3A_293 = arith.constant 0.666666686 : f32
    %add3A_294 = arith.addf %convert_element_type3A_42, %add3A_293 : f32
    %mul3A_295 = vector.broadcast %add3A_294 : f32 to vector<16xf32>
    %mul3A_296 = arith.mulf %mul3A_287, %mul3A_295 : vector<16xf32>
    %add3A_297 = arith.addf %get3A_269, %mul3A_296 : vector<16xf32>
    %convert_element_type3A_298 = arith.fptosi %add3A_292 : vector<16xf32> to vector<16xi32>
    %min3A_299 = arith.constant 222 : i32
    %min3A_300 = vector.broadcast %min3A_299 : i32 to vector<16xi32>
    %min3A_301 = arith.minsi %convert_element_type3A_298, %min3A_300 : vector<16xi32>
    %convert_element_type3A_302 = arith.fptosi %add3A_297 : vector<16xf32> to vector<16xi32>
    %min3A_303 = arith.constant 222 : i32
    %min3A_304 = vector.broadcast %min3A_303 : i32 to vector<16xi32>
    %min3A_305 = arith.minsi %convert_element_type3A_302, %min3A_304 : vector<16xi32>
    %convert_element_type3A_306 = arith.sitofp %min3A_301 : vector<16xi32> to vector<16xf32>
    %sub3A_307 = arith.subf %add3A_292, %convert_element_type3A_306 : vector<16xf32>
    %convert_element_type3A_308 = arith.sitofp %min3A_305 : vector<16xi32> to vector<16xf32>
    %sub3A_309 = arith.subf %add3A_297, %convert_element_type3A_308 : vector<16xf32>
    %mul3A_310 = arith.constant 224 : i32
    %mul3A_311 = vector.broadcast %mul3A_310 : i32 to vector<16xi32>
    %mul3A_312 = arith.muli %min3A_301, %mul3A_311 : vector<16xi32>
    %add3A_313 = arith.addi %mul3A_312, %min3A_305 : vector<16xi32>
    %swap3A_314 = arith.constant 0 : i32
    %swap3A_315 = arith.constant 0 : i32
    %swap3A_316 = arith.index_cast %swap3A_314 : i32 to index
    %swap3A_317 = arith.index_cast %swap3A_315 : i32 to index
    %swap3A_318 = arith.constant 32 : index
    %swap3A_319 = tpu.vector_load %arg6[%swap3A_316, %swap3A_317, %swap3A_318] {strides = array<i32>} : memref<2x4x128xi32, #tpu.memory_space<vmem>>, vector<1x1x16xi32>,
    %swap3A_320 = vector.shape_cast %swap3A_319 : vector<1x1x16xi32> to vector<16xi32>
    %swap3A_321 = vector.shape_cast %add3A_313 : vector<16xi32> to vector<1x1x16xi32>
    tpu.vector_store %arg6[%swap3A_316, %swap3A_317, %swap3A_318], %swap3A_321 {strides = array<i32>} : memref<2x4x128xi32, #tpu.memory_space<vmem>>, vector<1x1x16xi32>,
    %add3A_322 = arith.constant 1 : i32
    %add3A_323 = vector.broadcast %add3A_322 : i32 to vector<16xi32>
    %add3A_324 = arith.addi %add3A_313, %add3A_323 : vector<16xi32>
    %swap3A_325 = arith.constant 0 : i32
    %swap3A_326 = arith.constant 1 : i32
    %swap3A_327 = arith.index_cast %swap3A_325 : i32 to index
    %swap3A_328 = arith.index_cast %swap3A_326 : i32 to index
    %swap3A_329 = arith.constant 32 : index
    %swap3A_330 = tpu.vector_load %arg6[%swap3A_327, %swap3A_328, %swap3A_329] {strides = array<i32>} : memref<2x4x128xi32, #tpu.memory_space<vmem>>, vector<1x1x16xi32>,
    %swap3A_331 = vector.shape_cast %swap3A_330 : vector<1x1x16xi32> to vector<16xi32>
    %swap3A_332 = vector.shape_cast %add3A_324 : vector<16xi32> to vector<1x1x16xi32>
    tpu.vector_store %arg6[%swap3A_327, %swap3A_328, %swap3A_329], %swap3A_332 {strides = array<i32>} : memref<2x4x128xi32, #tpu.memory_space<vmem>>, vector<1x1x16xi32>,
    %add3A_333 = arith.constant 224 : i32
    %add3A_334 = vector.broadcast %add3A_333 : i32 to vector<16xi32>
    %add3A_335 = arith.addi %add3A_313, %add3A_334 : vector<16xi32>
    %swap3A_336 = arith.constant 0 : i32
    %swap3A_337 = arith.constant 2 : i32
    %swap3A_338 = arith.index_cast %swap3A_336 : i32 to index
    %swap3A_339 = arith.index_cast %swap3A_337 : i32 to index
    %swap3A_340 = arith.constant 32 : index
    %swap3A_341 = tpu.vector_load %arg6[%swap3A_338, %swap3A_339, %swap3A_340] {strides = array<i32>} : memref<2x4x128xi32, #tpu.memory_space<vmem>>, vector<1x1x16xi32>,
    %swap3A_342 = vector.shape_cast %swap3A_341 : vector<1x1x16xi32> to vector<16xi32>
    %swap3A_343 = vector.shape_cast %add3A_335 : vector<16xi32> to vector<1x1x16xi32>
    tpu.vector_store %arg6[%swap3A_338, %swap3A_339, %swap3A_340], %swap3A_343 {strides = array<i32>} : memref<2x4x128xi32, #tpu.memory_space<vmem>>, vector<1x1x16xi32>,
    %add3A_344 = arith.constant 224 : i32
    %add3A_345 = vector.broadcast %add3A_344 : i32 to vector<16xi32>
    %add3A_346 = arith.addi %add3A_313, %add3A_345 : vector<16xi32>
    %add3A_347 = arith.constant 1 : i32
    %add3A_348 = vector.broadcast %add3A_347 : i32 to vector<16xi32>
    %add3A_349 = arith.addi %add3A_346, %add3A_348 : vector<16xi32>
    %swap3A_350 = arith.constant 0 : i32
    %swap3A_351 = arith.constant 3 : i32
    %swap3A_352 = arith.index_cast %swap3A_350 : i32 to index
    %swap3A_353 = arith.index_cast %swap3A_351 : i32 to index
    %swap3A_354 = arith.constant 32 : index
    %swap3A_355 = tpu.vector_load %arg6[%swap3A_352, %swap3A_353, %swap3A_354] {strides = array<i32>} : memref<2x4x128xi32, #tpu.memory_space<vmem>>, vector<1x1x16xi32>,
    %swap3A_356 = vector.shape_cast %swap3A_355 : vector<1x1x16xi32> to vector<16xi32>
    %swap3A_357 = vector.shape_cast %add3A_349 : vector<16xi32> to vector<1x1x16xi32>
    tpu.vector_store %arg6[%swap3A_352, %swap3A_353, %swap3A_354], %swap3A_357 {strides = array<i32>} : memref<2x4x128xi32, #tpu.memory_space<vmem>>, vector<1x1x16xi32>,
    %swap3A_358 = arith.constant 0 : i32
    %swap3A_359 = arith.index_cast %swap3A_358 : i32 to index
    %swap3A_360 = arith.constant 32 : index
    %swap3A_361 = tpu.vector_load %arg7[%swap3A_359, %swap3A_360] {strides = array<i32>} : memref<2x144xf32, #tpu.memory_space<vmem>>, vector<1x16xf32>,
    %swap3A_362 = vector.shape_cast %swap3A_361 : vector<1x16xf32> to vector<16xf32>
    %swap3A_363 = vector.shape_cast %sub3A_309 : vector<16xf32> to vector<1x16xf32>
    tpu.vector_store %arg7[%swap3A_359, %swap3A_360], %swap3A_363 {strides = array<i32>} : memref<2x144xf32, #tpu.memory_space<vmem>>, vector<1x16xf32>,
    %swap3A_364 = arith.constant 0 : i32
    %swap3A_365 = arith.index_cast %swap3A_364 : i32 to index
    %swap3A_366 = arith.constant 32 : index
    %swap3A_367 = tpu.vector_load %arg8[%swap3A_365, %swap3A_366] {strides = array<i32>} : memref<2x144xf32, #tpu.memory_space<vmem>>, vector<1x16xf32>,
    %swap3A_368 = vector.shape_cast %swap3A_367 : vector<1x16xf32> to vector<16xf32>
    %swap3A_369 = vector.shape_cast %sub3A_307 : vector<16xf32> to vector<1x16xf32>
    tpu.vector_store %arg8[%swap3A_365, %swap3A_366], %swap3A_369 {strides = array<i32>} : memref<2x144xf32, #tpu.memory_space<vmem>>, vector<1x16xf32>,
    %get3A_370 = arith.constant 0 : i32
    %get3A_371 = arith.index_cast %get3A_370 : i32 to index
    %get3A_372 = arith.constant 16 : index
    %get3A_373 = tpu.vector_load %arg5[%get3A_371, %get3A_372] {strides = array<i32>} : memref<4x32xf32, #tpu.memory_space<vmem>>, vector<1x16xf32>,
    %get3A_374 = vector.shape_cast %get3A_373 : vector<1x16xf32> to vector<16xf32>
    %get3A_375 = arith.constant 1 : i32
    %get3A_376 = arith.index_cast %get3A_375 : i32 to index
    %get3A_377 = arith.constant 16 : index
    %get3A_378 = tpu.vector_load %arg5[%get3A_376, %get3A_377] {strides = array<i32>} : memref<4x32xf32, #tpu.memory_space<vmem>>, vector<1x16xf32>,
    %get3A_379 = vector.shape_cast %get3A_378 : vector<1x16xf32> to vector<16xf32>
    %get3A_380 = arith.constant 2 : i32
    %get3A_381 = arith.index_cast %get3A_380 : i32 to index
    %get3A_382 = arith.constant 16 : index
    %get3A_383 = tpu.vector_load %arg5[%get3A_381, %get3A_382] {strides = array<i32>} : memref<4x32xf32, #tpu.memory_space<vmem>>, vector<1x16xf32>,
    %get3A_384 = vector.shape_cast %get3A_383 : vector<1x16xf32> to vector<16xf32>
    %sub3A_385 = arith.subf %get3A_384, %get3A_374 : vector<16xf32>
    %mul3A_386 = arith.constant 0.0714285746 : f32
    %mul3A_387 = vector.broadcast %mul3A_386 : f32 to vector<16xf32>
    %mul3A_388 = arith.mulf %sub3A_385, %mul3A_387 : vector<16xf32>
    %get3A_389 = arith.constant 3 : i32
    %get3A_390 = arith.index_cast %get3A_389 : i32 to index
    %get3A_391 = arith.constant 16 : index
    %get3A_392 = tpu.vector_load %arg5[%get3A_390, %get3A_391] {strides = array<i32>} : memref<4x32xf32, #tpu.memory_space<vmem>>, vector<1x16xf32>,
    %get3A_393 = vector.shape_cast %get3A_392 : vector<1x16xf32> to vector<16xf32>
    %sub3A_394 = arith.subf %get3A_393, %get3A_379 : vector<16xf32>
    %mul3A_395 = arith.constant 0.0714285746 : f32
    %mul3A_396 = vector.broadcast %mul3A_395 : f32 to vector<16xf32>
    %mul3A_397 = arith.mulf %sub3A_394, %mul3A_396 : vector<16xf32>
    %add3A_398 = arith.constant 0.333333343 : f32
    %add3A_399 = arith.addf %convert_element_type3A, %add3A_398 : f32
    %mul3A_400 = vector.broadcast %add3A_399 : f32 to vector<16xf32>
    %mul3A_401 = arith.mulf %mul3A_388, %mul3A_400 : vector<16xf32>
    %add3A_402 = arith.addf %get3A_374, %mul3A_401 : vector<16xf32>
    %add3A_403 = arith.constant 0.666666686 : f32
    %add3A_404 = arith.addf %convert_element_type3A_42, %add3A_403 : f32
    %mul3A_405 = vector.broadcast %add3A_404 : f32 to vector<16xf32>
    %mul3A_406 = arith.mulf %mul3A_397, %mul3A_405 : vector<16xf32>
    %add3A_407 = arith.addf %get3A_379, %mul3A_406 : vector<16xf32>
    %convert_element_type3A_408 = arith.fptosi %add3A_402 : vector<16xf32> to vector<16xi32>
    %min3A_409 = arith.constant 222 : i32
    %min3A_410 = vector.broadcast %min3A_409 : i32 to vector<16xi32>
    %min3A_411 = arith.minsi %convert_element_type3A_408, %min3A_410 : vector<16xi32>
    %convert_element_type3A_412 = arith.fptosi %add3A_407 : vector<16xf32> to vector<16xi32>
    %min3A_413 = arith.constant 222 : i32
    %min3A_414 = vector.broadcast %min3A_413 : i32 to vector<16xi32>
    %min3A_415 = arith.minsi %convert_element_type3A_412, %min3A_414 : vector<16xi32>
    %convert_element_type3A_416 = arith.sitofp %min3A_411 : vector<16xi32> to vector<16xf32>
    %sub3A_417 = arith.subf %add3A_402, %convert_element_type3A_416 : vector<16xf32>
    %convert_element_type3A_418 = arith.sitofp %min3A_415 : vector<16xi32> to vector<16xf32>
    %sub3A_419 = arith.subf %add3A_407, %convert_element_type3A_418 : vector<16xf32>
    %mul3A_420 = arith.constant 224 : i32
    %mul3A_421 = vector.broadcast %mul3A_420 : i32 to vector<16xi32>
    %mul3A_422 = arith.muli %min3A_411, %mul3A_421 : vector<16xi32>
    %add3A_423 = arith.addi %mul3A_422, %min3A_415 : vector<16xi32>
    %swap3A_424 = arith.constant 0 : i32
    %swap3A_425 = arith.constant 0 : i32
    %swap3A_426 = arith.index_cast %swap3A_424 : i32 to index
    %swap3A_427 = arith.index_cast %swap3A_425 : i32 to index
    %swap3A_428 = arith.constant 48 : index
    %swap3A_429 = tpu.vector_load %arg6[%swap3A_426, %swap3A_427, %swap3A_428] {strides = array<i32>} : memref<2x4x128xi32, #tpu.memory_space<vmem>>, vector<1x1x16xi32>,
    %swap3A_430 = vector.shape_cast %swap3A_429 : vector<1x1x16xi32> to vector<16xi32>
    %swap3A_431 = vector.shape_cast %add3A_423 : vector<16xi32> to vector<1x1x16xi32>
    tpu.vector_store %arg6[%swap3A_426, %swap3A_427, %swap3A_428], %swap3A_431 {strides = array<i32>} : memref<2x4x128xi32, #tpu.memory_space<vmem>>, vector<1x1x16xi32>,
    %add3A_432 = arith.constant 1 : i32
    %add3A_433 = vector.broadcast %add3A_432 : i32 to vector<16xi32>
    %add3A_434 = arith.addi %add3A_423, %add3A_433 : vector<16xi32>
    %swap3A_435 = arith.constant 0 : i32
    %swap3A_436 = arith.constant 1 : i32
    %swap3A_437 = arith.index_cast %swap3A_435 : i32 to index
    %swap3A_438 = arith.index_cast %swap3A_436 : i32 to index
    %swap3A_439 = arith.constant 48 : index
    %swap3A_440 = tpu.vector_load %arg6[%swap3A_437, %swap3A_438, %swap3A_439] {strides = array<i32>} : memref<2x4x128xi32, #tpu.memory_space<vmem>>, vector<1x1x16xi32>,
    %swap3A_441 = vector.shape_cast %swap3A_440 : vector<1x1x16xi32> to vector<16xi32>
    %swap3A_442 = vector.shape_cast %add3A_434 : vector<16xi32> to vector<1x1x16xi32>
    tpu.vector_store %arg6[%swap3A_437, %swap3A_438, %swap3A_439], %swap3A_442 {strides = array<i32>} : memref<2x4x128xi32, #tpu.memory_space<vmem>>, vector<1x1x16xi32>,
    %add3A_443 = arith.constant 224 : i32
    %add3A_444 = vector.broadcast %add3A_443 : i32 to vector<16xi32>
    %add3A_445 = arith.addi %add3A_423, %add3A_444 : vector<16xi32>
    %swap3A_446 = arith.constant 0 : i32
    %swap3A_447 = arith.constant 2 : i32
    %swap3A_448 = arith.index_cast %swap3A_446 : i32 to index
    %swap3A_449 = arith.index_cast %swap3A_447 : i32 to index
    %swap3A_450 = arith.constant 48 : index
    %swap3A_451 = tpu.vector_load %arg6[%swap3A_448, %swap3A_449, %swap3A_450] {strides = array<i32>} : memref<2x4x128xi32, #tpu.memory_space<vmem>>, vector<1x1x16xi32>,
    %swap3A_452 = vector.shape_cast %swap3A_451 : vector<1x1x16xi32> to vector<16xi32>
    %swap3A_453 = vector.shape_cast %add3A_445 : vector<16xi32> to vector<1x1x16xi32>
    tpu.vector_store %arg6[%swap3A_448, %swap3A_449, %swap3A_450], %swap3A_453 {strides = array<i32>} : memref<2x4x128xi32, #tpu.memory_space<vmem>>, vector<1x1x16xi32>,
    %add3A_454 = arith.constant 224 : i32
    %add3A_455 = vector.broadcast %add3A_454 : i32 to vector<16xi32>
    %add3A_456 = arith.addi %add3A_423, %add3A_455 : vector<16xi32>
    %add3A_457 = arith.constant 1 : i32
    %add3A_458 = vector.broadcast %add3A_457 : i32 to vector<16xi32>
    %add3A_459 = arith.addi %add3A_456, %add3A_458 : vector<16xi32>
    %swap3A_460 = arith.constant 0 : i32
    %swap3A_461 = arith.constant 3 : i32
    %swap3A_462 = arith.index_cast %swap3A_460 : i32 to index
    %swap3A_463 = arith.index_cast %swap3A_461 : i32 to index
    %swap3A_464 = arith.constant 48 : index
    %swap3A_465 = tpu.vector_load %arg6[%swap3A_462, %swap3A_463, %swap3A_464] {strides = array<i32>} : memref<2x4x128xi32, #tpu.memory_space<vmem>>, vector<1x1x16xi32>,
    %swap3A_466 = vector.shape_cast %swap3A_465 : vector<1x1x16xi32> to vector<16xi32>
    %swap3A_467 = vector.shape_cast %add3A_459 : vector<16xi32> to vector<1x1x16xi32>
    tpu.vector_store %arg6[%swap3A_462, %swap3A_463, %swap3A_464], %swap3A_467 {strides = array<i32>} : memref<2x4x128xi32, #tpu.memory_space<vmem>>, vector<1x1x16xi32>,
    %swap3A_468 = arith.constant 0 : i32
    %swap3A_469 = arith.index_cast %swap3A_468 : i32 to index
    %swap3A_470 = arith.constant 48 : index
    %swap3A_471 = tpu.vector_load %arg7[%swap3A_469, %swap3A_470] {strides = array<i32>} : memref<2x144xf32, #tpu.memory_space<vmem>>, vector<1x16xf32>,
    %swap3A_472 = vector.shape_cast %swap3A_471 : vector<1x16xf32> to vector<16xf32>
    %swap3A_473 = vector.shape_cast %sub3A_419 : vector<16xf32> to vector<1x16xf32>
    tpu.vector_store %arg7[%swap3A_469, %swap3A_470], %swap3A_473 {strides = array<i32>} : memref<2x144xf32, #tpu.memory_space<vmem>>, vector<1x16xf32>,
    %swap3A_474 = arith.constant 0 : i32
    %swap3A_475 = arith.index_cast %swap3A_474 : i32 to index
    %swap3A_476 = arith.constant 48 : index
    %swap3A_477 = tpu.vector_load %arg8[%swap3A_475, %swap3A_476] {strides = array<i32>} : memref<2x144xf32, #tpu.memory_space<vmem>>, vector<1x16xf32>,
    %swap3A_478 = vector.shape_cast %swap3A_477 : vector<1x16xf32> to vector<16xf32>
    %swap3A_479 = vector.shape_cast %sub3A_417 : vector<16xf32> to vector<1x16xf32>
    tpu.vector_store %arg8[%swap3A_475, %swap3A_476], %swap3A_479 {strides = array<i32>} : memref<2x144xf32, #tpu.memory_space<vmem>>, vector<1x16xf32>,
    %get3A_480 = arith.constant 0 : i32
    %get3A_481 = arith.index_cast %get3A_480 : i32 to index
    %get3A_482 = arith.constant 0 : index
    %get3A_483 = tpu.vector_load %arg5[%get3A_481, %get3A_482] {strides = array<i32>} : memref<4x32xf32, #tpu.memory_space<vmem>>, vector<1x16xf32>,
    %get3A_484 = vector.shape_cast %get3A_483 : vector<1x16xf32> to vector<16xf32>
    %get3A_485 = arith.constant 1 : i32
    %get3A_486 = arith.index_cast %get3A_485 : i32 to index
    %get3A_487 = arith.constant 0 : index
    %get3A_488 = tpu.vector_load %arg5[%get3A_486, %get3A_487] {strides = array<i32>} : memref<4x32xf32, #tpu.memory_space<vmem>>, vector<1x16xf32>,
    %get3A_489 = vector.shape_cast %get3A_488 : vector<1x16xf32> to vector<16xf32>
    %get3A_490 = arith.constant 2 : i32
    %get3A_491 = arith.index_cast %get3A_490 : i32 to index
    %get3A_492 = arith.constant 0 : index
    %get3A_493 = tpu.vector_load %arg5[%get3A_491, %get3A_492] {strides = array<i32>} : memref<4x32xf32, #tpu.memory_space<vmem>>, vector<1x16xf32>,
    %get3A_494 = vector.shape_cast %get3A_493 : vector<1x16xf32> to vector<16xf32>
    %sub3A_495 = arith.subf %get3A_494, %get3A_484 : vector<16xf32>
    %mul3A_496 = arith.constant 0.0714285746 : f32
    %mul3A_497 = vector.broadcast %mul3A_496 : f32 to vector<16xf32>
    %mul3A_498 = arith.mulf %sub3A_495, %mul3A_497 : vector<16xf32>
    %get3A_499 = arith.constant 3 : i32
    %get3A_500 = arith.index_cast %get3A_499 : i32 to index
    %get3A_501 = arith.constant 0 : index
    %get3A_502 = tpu.vector_load %arg5[%get3A_500, %get3A_501] {strides = array<i32>} : memref<4x32xf32, #tpu.memory_space<vmem>>, vector<1x16xf32>,
    %get3A_503 = vector.shape_cast %get3A_502 : vector<1x16xf32> to vector<16xf32>
    %sub3A_504 = arith.subf %get3A_503, %get3A_489 : vector<16xf32>
    %mul3A_505 = arith.constant 0.0714285746 : f32
    %mul3A_506 = vector.broadcast %mul3A_505 : f32 to vector<16xf32>
    %mul3A_507 = arith.mulf %sub3A_504, %mul3A_506 : vector<16xf32>
    %add3A_508 = arith.constant 0.666666686 : f32
    %add3A_509 = arith.addf %convert_element_type3A, %add3A_508 : f32
    %mul3A_510 = vector.broadcast %add3A_509 : f32 to vector<16xf32>
    %mul3A_511 = arith.mulf %mul3A_498, %mul3A_510 : vector<16xf32>
    %add3A_512 = arith.addf %get3A_484, %mul3A_511 : vector<16xf32>
    %add3A_513 = arith.constant 0.333333343 : f32
    %add3A_514 = arith.addf %convert_element_type3A_42, %add3A_513 : f32
    %mul3A_515 = vector.broadcast %add3A_514 : f32 to vector<16xf32>
    %mul3A_516 = arith.mulf %mul3A_507, %mul3A_515 : vector<16xf32>
    %add3A_517 = arith.addf %get3A_489, %mul3A_516 : vector<16xf32>
    %convert_element_type3A_518 = arith.fptosi %add3A_512 : vector<16xf32> to vector<16xi32>
    %min3A_519 = arith.constant 222 : i32
    %min3A_520 = vector.broadcast %min3A_519 : i32 to vector<16xi32>
    %min3A_521 = arith.minsi %convert_element_type3A_518, %min3A_520 : vector<16xi32>
    %convert_element_type3A_522 = arith.fptosi %add3A_517 : vector<16xf32> to vector<16xi32>
    %min3A_523 = arith.constant 222 : i32
    %min3A_524 = vector.broadcast %min3A_523 : i32 to vector<16xi32>
    %min3A_525 = arith.minsi %convert_element_type3A_522, %min3A_524 : vector<16xi32>
    %convert_element_type3A_526 = arith.sitofp %min3A_521 : vector<16xi32> to vector<16xf32>
    %sub3A_527 = arith.subf %add3A_512, %convert_element_type3A_526 : vector<16xf32>
    %convert_element_type3A_528 = arith.sitofp %min3A_525 : vector<16xi32> to vector<16xf32>
    %sub3A_529 = arith.subf %add3A_517, %convert_element_type3A_528 : vector<16xf32>
    %mul3A_530 = arith.constant 224 : i32
    %mul3A_531 = vector.broadcast %mul3A_530 : i32 to vector<16xi32>
    %mul3A_532 = arith.muli %min3A_521, %mul3A_531 : vector<16xi32>
    %add3A_533 = arith.addi %mul3A_532, %min3A_525 : vector<16xi32>
    %swap3A_534 = arith.constant 0 : i32
    %swap3A_535 = arith.constant 0 : i32
    %swap3A_536 = arith.index_cast %swap3A_534 : i32 to index
    %swap3A_537 = arith.index_cast %swap3A_535 : i32 to index
    %swap3A_538 = arith.constant 64 : index
    %swap3A_539 = tpu.vector_load %arg6[%swap3A_536, %swap3A_537, %swap3A_538] {strides = array<i32>} : memref<2x4x128xi32, #tpu.memory_space<vmem>>, vector<1x1x16xi32>,
    %swap3A_540 = vector.shape_cast %swap3A_539 : vector<1x1x16xi32> to vector<16xi32>
    %swap3A_541 = vector.shape_cast %add3A_533 : vector<16xi32> to vector<1x1x16xi32>
    tpu.vector_store %arg6[%swap3A_536, %swap3A_537, %swap3A_538], %swap3A_541 {strides = array<i32>} : memref<2x4x128xi32, #tpu.memory_space<vmem>>, vector<1x1x16xi32>,
    %add3A_542 = arith.constant 1 : i32
    %add3A_543 = vector.broadcast %add3A_542 : i32 to vector<16xi32>
    %add3A_544 = arith.addi %add3A_533, %add3A_543 : vector<16xi32>
    %swap3A_545 = arith.constant 0 : i32
    %swap3A_546 = arith.constant 1 : i32
    %swap3A_547 = arith.index_cast %swap3A_545 : i32 to index
    %swap3A_548 = arith.index_cast %swap3A_546 : i32 to index
    %swap3A_549 = arith.constant 64 : index
    %swap3A_550 = tpu.vector_load %arg6[%swap3A_547, %swap3A_548, %swap3A_549] {strides = array<i32>} : memref<2x4x128xi32, #tpu.memory_space<vmem>>, vector<1x1x16xi32>,
    %swap3A_551 = vector.shape_cast %swap3A_550 : vector<1x1x16xi32> to vector<16xi32>
    %swap3A_552 = vector.shape_cast %add3A_544 : vector<16xi32> to vector<1x1x16xi32>
    tpu.vector_store %arg6[%swap3A_547, %swap3A_548, %swap3A_549], %swap3A_552 {strides = array<i32>} : memref<2x4x128xi32, #tpu.memory_space<vmem>>, vector<1x1x16xi32>,
    %add3A_553 = arith.constant 224 : i32
    %add3A_554 = vector.broadcast %add3A_553 : i32 to vector<16xi32>
    %add3A_555 = arith.addi %add3A_533, %add3A_554 : vector<16xi32>
    %swap3A_556 = arith.constant 0 : i32
    %swap3A_557 = arith.constant 2 : i32
    %swap3A_558 = arith.index_cast %swap3A_556 : i32 to index
    %swap3A_559 = arith.index_cast %swap3A_557 : i32 to index
    %swap3A_560 = arith.constant 64 : index
    %swap3A_561 = tpu.vector_load %arg6[%swap3A_558, %swap3A_559, %swap3A_560] {strides = array<i32>} : memref<2x4x128xi32, #tpu.memory_space<vmem>>, vector<1x1x16xi32>,
    %swap3A_562 = vector.shape_cast %swap3A_561 : vector<1x1x16xi32> to vector<16xi32>
    %swap3A_563 = vector.shape_cast %add3A_555 : vector<16xi32> to vector<1x1x16xi32>
    tpu.vector_store %arg6[%swap3A_558, %swap3A_559, %swap3A_560], %swap3A_563 {strides = array<i32>} : memref<2x4x128xi32, #tpu.memory_space<vmem>>, vector<1x1x16xi32>,
    %add3A_564 = arith.constant 224 : i32
    %add3A_565 = vector.broadcast %add3A_564 : i32 to vector<16xi32>
    %add3A_566 = arith.addi %add3A_533, %add3A_565 : vector<16xi32>
    %add3A_567 = arith.constant 1 : i32
    %add3A_568 = vector.broadcast %add3A_567 : i32 to vector<16xi32>
    %add3A_569 = arith.addi %add3A_566, %add3A_568 : vector<16xi32>
    %swap3A_570 = arith.constant 0 : i32
    %swap3A_571 = arith.constant 3 : i32
    %swap3A_572 = arith.index_cast %swap3A_570 : i32 to index
    %swap3A_573 = arith.index_cast %swap3A_571 : i32 to index
    %swap3A_574 = arith.constant 64 : index
    %swap3A_575 = tpu.vector_load %arg6[%swap3A_572, %swap3A_573, %swap3A_574] {strides = array<i32>} : memref<2x4x128xi32, #tpu.memory_space<vmem>>, vector<1x1x16xi32>,
    %swap3A_576 = vector.shape_cast %swap3A_575 : vector<1x1x16xi32> to vector<16xi32>
    %swap3A_577 = vector.shape_cast %add3A_569 : vector<16xi32> to vector<1x1x16xi32>
    tpu.vector_store %arg6[%swap3A_572, %swap3A_573, %swap3A_574], %swap3A_577 {strides = array<i32>} : memref<2x4x128xi32, #tpu.memory_space<vmem>>, vector<1x1x16xi32>,
    %swap3A_578 = arith.constant 0 : i32
    %swap3A_579 = arith.index_cast %swap3A_578 : i32 to index
    %swap3A_580 = arith.constant 64 : index
    %swap3A_581 = tpu.vector_load %arg7[%swap3A_579, %swap3A_580] {strides = array<i32>} : memref<2x144xf32, #tpu.memory_space<vmem>>, vector<1x16xf32>,
    %swap3A_582 = vector.shape_cast %swap3A_581 : vector<1x16xf32> to vector<16xf32>
    %swap3A_583 = vector.shape_cast %sub3A_529 : vector<16xf32> to vector<1x16xf32>
    tpu.vector_store %arg7[%swap3A_579, %swap3A_580], %swap3A_583 {strides = array<i32>} : memref<2x144xf32, #tpu.memory_space<vmem>>, vector<1x16xf32>,
    %swap3A_584 = arith.constant 0 : i32
    %swap3A_585 = arith.index_cast %swap3A_584 : i32 to index
    %swap3A_586 = arith.constant 64 : index
    %swap3A_587 = tpu.vector_load %arg8[%swap3A_585, %swap3A_586] {strides = array<i32>} : memref<2x144xf32, #tpu.memory_space<vmem>>, vector<1x16xf32>,
    %swap3A_588 = vector.shape_cast %swap3A_587 : vector<1x16xf32> to vector<16xf32>
    %swap3A_589 = vector.shape_cast %sub3A_527 : vector<16xf32> to vector<1x16xf32>
    tpu.vector_store %arg8[%swap3A_585, %swap3A_586], %swap3A_589 {strides = array<i32>} : memref<2x144xf32, #tpu.memory_space<vmem>>, vector<1x16xf32>,
    %get3A_590 = arith.constant 0 : i32
    %get3A_591 = arith.index_cast %get3A_590 : i32 to index
    %get3A_592 = arith.constant 16 : index
    %get3A_593 = tpu.vector_load %arg5[%get3A_591, %get3A_592] {strides = array<i32>} : memref<4x32xf32, #tpu.memory_space<vmem>>, vector<1x16xf32>,
    %get3A_594 = vector.shape_cast %get3A_593 : vector<1x16xf32> to vector<16xf32>
    %get3A_595 = arith.constant 1 : i32
    %get3A_596 = arith.index_cast %get3A_595 : i32 to index
    %get3A_597 = arith.constant 16 : index
    %get3A_598 = tpu.vector_load %arg5[%get3A_596, %get3A_597] {strides = array<i32>} : memref<4x32xf32, #tpu.memory_space<vmem>>, vector<1x16xf32>,
    %get3A_599 = vector.shape_cast %get3A_598 : vector<1x16xf32> to vector<16xf32>
    %get3A_600 = arith.constant 2 : i32
    %get3A_601 = arith.index_cast %get3A_600 : i32 to index
    %get3A_602 = arith.constant 16 : index
    %get3A_603 = tpu.vector_load %arg5[%get3A_601, %get3A_602] {strides = array<i32>} : memref<4x32xf32, #tpu.memory_space<vmem>>, vector<1x16xf32>,
    %get3A_604 = vector.shape_cast %get3A_603 : vector<1x16xf32> to vector<16xf32>
    %sub3A_605 = arith.subf %get3A_604, %get3A_594 : vector<16xf32>
    %mul3A_606 = arith.constant 0.0714285746 : f32
    %mul3A_607 = vector.broadcast %mul3A_606 : f32 to vector<16xf32>
    %mul3A_608 = arith.mulf %sub3A_605, %mul3A_607 : vector<16xf32>
    %get3A_609 = arith.constant 3 : i32
    %get3A_610 = arith.index_cast %get3A_609 : i32 to index
    %get3A_611 = arith.constant 16 : index
    %get3A_612 = tpu.vector_load %arg5[%get3A_610, %get3A_611] {strides = array<i32>} : memref<4x32xf32, #tpu.memory_space<vmem>>, vector<1x16xf32>,
    %get3A_613 = vector.shape_cast %get3A_612 : vector<1x16xf32> to vector<16xf32>
    %sub3A_614 = arith.subf %get3A_613, %get3A_599 : vector<16xf32>
    %mul3A_615 = arith.constant 0.0714285746 : f32
    %mul3A_616 = vector.broadcast %mul3A_615 : f32 to vector<16xf32>
    %mul3A_617 = arith.mulf %sub3A_614, %mul3A_616 : vector<16xf32>
    %add3A_618 = arith.constant 0.666666686 : f32
    %add3A_619 = arith.addf %convert_element_type3A, %add3A_618 : f32
    %mul3A_620 = vector.broadcast %add3A_619 : f32 to vector<16xf32>
    %mul3A_621 = arith.mulf %mul3A_608, %mul3A_620 : vector<16xf32>
    %add3A_622 = arith.addf %get3A_594, %mul3A_621 : vector<16xf32>
    %add3A_623 = arith.constant 0.333333343 : f32
    %add3A_624 = arith.addf %convert_element_type3A_42, %add3A_623 : f32
    %mul3A_625 = vector.broadcast %add3A_624 : f32 to vector<16xf32>
    %mul3A_626 = arith.mulf %mul3A_617, %mul3A_625 : vector<16xf32>
    %add3A_627 = arith.addf %get3A_599, %mul3A_626 : vector<16xf32>
    %convert_element_type3A_628 = arith.fptosi %add3A_622 : vector<16xf32> to vector<16xi32>
    %min3A_629 = arith.constant 222 : i32
    %min3A_630 = vector.broadcast %min3A_629 : i32 to vector<16xi32>
    %min3A_631 = arith.minsi %convert_element_type3A_628, %min3A_630 : vector<16xi32>
    %convert_element_type3A_632 = arith.fptosi %add3A_627 : vector<16xf32> to vector<16xi32>
    %min3A_633 = arith.constant 222 : i32
    %min3A_634 = vector.broadcast %min3A_633 : i32 to vector<16xi32>
    %min3A_635 = arith.minsi %convert_element_type3A_632, %min3A_634 : vector<16xi32>
    %convert_element_type3A_636 = arith.sitofp %min3A_631 : vector<16xi32> to vector<16xf32>
    %sub3A_637 = arith.subf %add3A_622, %convert_element_type3A_636 : vector<16xf32>
    %convert_element_type3A_638 = arith.sitofp %min3A_635 : vector<16xi32> to vector<16xf32>
    %sub3A_639 = arith.subf %add3A_627, %convert_element_type3A_638 : vector<16xf32>
    %mul3A_640 = arith.constant 224 : i32
    %mul3A_641 = vector.broadcast %mul3A_640 : i32 to vector<16xi32>
    %mul3A_642 = arith.muli %min3A_631, %mul3A_641 : vector<16xi32>
    %add3A_643 = arith.addi %mul3A_642, %min3A_635 : vector<16xi32>
    %swap3A_644 = arith.constant 0 : i32
    %swap3A_645 = arith.constant 0 : i32
    %swap3A_646 = arith.index_cast %swap3A_644 : i32 to index
    %swap3A_647 = arith.index_cast %swap3A_645 : i32 to index
    %swap3A_648 = arith.constant 80 : index
    %swap3A_649 = tpu.vector_load %arg6[%swap3A_646, %swap3A_647, %swap3A_648] {strides = array<i32>} : memref<2x4x128xi32, #tpu.memory_space<vmem>>, vector<1x1x16xi32>,
    %swap3A_650 = vector.shape_cast %swap3A_649 : vector<1x1x16xi32> to vector<16xi32>
    %swap3A_651 = vector.shape_cast %add3A_643 : vector<16xi32> to vector<1x1x16xi32>
    tpu.vector_store %arg6[%swap3A_646, %swap3A_647, %swap3A_648], %swap3A_651 {strides = array<i32>} : memref<2x4x128xi32, #tpu.memory_space<vmem>>, vector<1x1x16xi32>,
    %add3A_652 = arith.constant 1 : i32
    %add3A_653 = vector.broadcast %add3A_652 : i32 to vector<16xi32>
    %add3A_654 = arith.addi %add3A_643, %add3A_653 : vector<16xi32>
    %swap3A_655 = arith.constant 0 : i32
    %swap3A_656 = arith.constant 1 : i32
    %swap3A_657 = arith.index_cast %swap3A_655 : i32 to index
    %swap3A_658 = arith.index_cast %swap3A_656 : i32 to index
    %swap3A_659 = arith.constant 80 : index
    %swap3A_660 = tpu.vector_load %arg6[%swap3A_657, %swap3A_658, %swap3A_659] {strides = array<i32>} : memref<2x4x128xi32, #tpu.memory_space<vmem>>, vector<1x1x16xi32>,
    %swap3A_661 = vector.shape_cast %swap3A_660 : vector<1x1x16xi32> to vector<16xi32>
    %swap3A_662 = vector.shape_cast %add3A_654 : vector<16xi32> to vector<1x1x16xi32>
    tpu.vector_store %arg6[%swap3A_657, %swap3A_658, %swap3A_659], %swap3A_662 {strides = array<i32>} : memref<2x4x128xi32, #tpu.memory_space<vmem>>, vector<1x1x16xi32>,
    %add3A_663 = arith.constant 224 : i32
    %add3A_664 = vector.broadcast %add3A_663 : i32 to vector<16xi32>
    %add3A_665 = arith.addi %add3A_643, %add3A_664 : vector<16xi32>
    %swap3A_666 = arith.constant 0 : i32
    %swap3A_667 = arith.constant 2 : i32
    %swap3A_668 = arith.index_cast %swap3A_666 : i32 to index
    %swap3A_669 = arith.index_cast %swap3A_667 : i32 to index
    %swap3A_670 = arith.constant 80 : index
    %swap3A_671 = tpu.vector_load %arg6[%swap3A_668, %swap3A_669, %swap3A_670] {strides = array<i32>} : memref<2x4x128xi32, #tpu.memory_space<vmem>>, vector<1x1x16xi32>,
    %swap3A_672 = vector.shape_cast %swap3A_671 : vector<1x1x16xi32> to vector<16xi32>
    %swap3A_673 = vector.shape_cast %add3A_665 : vector<16xi32> to vector<1x1x16xi32>
    tpu.vector_store %arg6[%swap3A_668, %swap3A_669, %swap3A_670], %swap3A_673 {strides = array<i32>} : memref<2x4x128xi32, #tpu.memory_space<vmem>>, vector<1x1x16xi32>,
    %add3A_674 = arith.constant 224 : i32
    %add3A_675 = vector.broadcast %add3A_674 : i32 to vector<16xi32>
    %add3A_676 = arith.addi %add3A_643, %add3A_675 : vector<16xi32>
    %add3A_677 = arith.constant 1 : i32
    %add3A_678 = vector.broadcast %add3A_677 : i32 to vector<16xi32>
    %add3A_679 = arith.addi %add3A_676, %add3A_678 : vector<16xi32>
    %swap3A_680 = arith.constant 0 : i32
    %swap3A_681 = arith.constant 3 : i32
    %swap3A_682 = arith.index_cast %swap3A_680 : i32 to index
    %swap3A_683 = arith.index_cast %swap3A_681 : i32 to index
    %swap3A_684 = arith.constant 80 : index
    %swap3A_685 = tpu.vector_load %arg6[%swap3A_682, %swap3A_683, %swap3A_684] {strides = array<i32>} : memref<2x4x128xi32, #tpu.memory_space<vmem>>, vector<1x1x16xi32>,
    %swap3A_686 = vector.shape_cast %swap3A_685 : vector<1x1x16xi32> to vector<16xi32>
    %swap3A_687 = vector.shape_cast %add3A_679 : vector<16xi32> to vector<1x1x16xi32>
    tpu.vector_store %arg6[%swap3A_682, %swap3A_683, %swap3A_684], %swap3A_687 {strides = array<i32>} : memref<2x4x128xi32, #tpu.memory_space<vmem>>, vector<1x1x16xi32>,
    %swap3A_688 = arith.constant 0 : i32
    %swap3A_689 = arith.index_cast %swap3A_688 : i32 to index
    %swap3A_690 = arith.constant 80 : index
    %swap3A_691 = tpu.vector_load %arg7[%swap3A_689, %swap3A_690] {strides = array<i32>} : memref<2x144xf32, #tpu.memory_space<vmem>>, vector<1x16xf32>,
    %swap3A_692 = vector.shape_cast %swap3A_691 : vector<1x16xf32> to vector<16xf32>
    %swap3A_693 = vector.shape_cast %sub3A_639 : vector<16xf32> to vector<1x16xf32>
    tpu.vector_store %arg7[%swap3A_689, %swap3A_690], %swap3A_693 {strides = array<i32>} : memref<2x144xf32, #tpu.memory_space<vmem>>, vector<1x16xf32>,
    %swap3A_694 = arith.constant 0 : i32
    %swap3A_695 = arith.index_cast %swap3A_694 : i32 to index
    %swap3A_696 = arith.constant 80 : index
    %swap3A_697 = tpu.vector_load %arg8[%swap3A_695, %swap3A_696] {strides = array<i32>} : memref<2x144xf32, #tpu.memory_space<vmem>>, vector<1x16xf32>,
    %swap3A_698 = vector.shape_cast %swap3A_697 : vector<1x16xf32> to vector<16xf32>
    %swap3A_699 = vector.shape_cast %sub3A_637 : vector<16xf32> to vector<1x16xf32>
    tpu.vector_store %arg8[%swap3A_695, %swap3A_696], %swap3A_699 {strides = array<i32>} : memref<2x144xf32, #tpu.memory_space<vmem>>, vector<1x16xf32>,
    %get3A_700 = arith.constant 0 : i32
    %get3A_701 = arith.index_cast %get3A_700 : i32 to index
    %get3A_702 = arith.constant 0 : index
    %get3A_703 = tpu.vector_load %arg5[%get3A_701, %get3A_702] {strides = array<i32>} : memref<4x32xf32, #tpu.memory_space<vmem>>, vector<1x16xf32>,
    %get3A_704 = vector.shape_cast %get3A_703 : vector<1x16xf32> to vector<16xf32>
    %get3A_705 = arith.constant 1 : i32
    %get3A_706 = arith.index_cast %get3A_705 : i32 to index
    %get3A_707 = arith.constant 0 : index
    %get3A_708 = tpu.vector_load %arg5[%get3A_706, %get3A_707] {strides = array<i32>} : memref<4x32xf32, #tpu.memory_space<vmem>>, vector<1x16xf32>,
    %get3A_709 = vector.shape_cast %get3A_708 : vector<1x16xf32> to vector<16xf32>
    %get3A_710 = arith.constant 2 : i32
    %get3A_711 = arith.index_cast %get3A_710 : i32 to index
    %get3A_712 = arith.constant 0 : index
    %get3A_713 = tpu.vector_load %arg5[%get3A_711, %get3A_712] {strides = array<i32>} : memref<4x32xf32, #tpu.memory_space<vmem>>, vector<1x16xf32>,
    %get3A_714 = vector.shape_cast %get3A_713 : vector<1x16xf32> to vector<16xf32>
    %sub3A_715 = arith.subf %get3A_714, %get3A_704 : vector<16xf32>
    %mul3A_716 = arith.constant 0.0714285746 : f32
    %mul3A_717 = vector.broadcast %mul3A_716 : f32 to vector<16xf32>
    %mul3A_718 = arith.mulf %sub3A_715, %mul3A_717 : vector<16xf32>
    %get3A_719 = arith.constant 3 : i32
    %get3A_720 = arith.index_cast %get3A_719 : i32 to index
    %get3A_721 = arith.constant 0 : index
    %get3A_722 = tpu.vector_load %arg5[%get3A_720, %get3A_721] {strides = array<i32>} : memref<4x32xf32, #tpu.memory_space<vmem>>, vector<1x16xf32>,
    %get3A_723 = vector.shape_cast %get3A_722 : vector<1x16xf32> to vector<16xf32>
    %sub3A_724 = arith.subf %get3A_723, %get3A_709 : vector<16xf32>
    %mul3A_725 = arith.constant 0.0714285746 : f32
    %mul3A_726 = vector.broadcast %mul3A_725 : f32 to vector<16xf32>
    %mul3A_727 = arith.mulf %sub3A_724, %mul3A_726 : vector<16xf32>
    %add3A_728 = arith.constant 0.666666686 : f32
    %add3A_729 = arith.addf %convert_element_type3A, %add3A_728 : f32
    %mul3A_730 = vector.broadcast %add3A_729 : f32 to vector<16xf32>
    %mul3A_731 = arith.mulf %mul3A_718, %mul3A_730 : vector<16xf32>
    %add3A_732 = arith.addf %get3A_704, %mul3A_731 : vector<16xf32>
    %add3A_733 = arith.constant 0.666666686 : f32
    %add3A_734 = arith.addf %convert_element_type3A_42, %add3A_733 : f32
    %mul3A_735 = vector.broadcast %add3A_734 : f32 to vector<16xf32>
    %mul3A_736 = arith.mulf %mul3A_727, %mul3A_735 : vector<16xf32>
    %add3A_737 = arith.addf %get3A_709, %mul3A_736 : vector<16xf32>
    %convert_element_type3A_738 = arith.fptosi %add3A_732 : vector<16xf32> to vector<16xi32>
    %min3A_739 = arith.constant 222 : i32
    %min3A_740 = vector.broadcast %min3A_739 : i32 to vector<16xi32>
    %min3A_741 = arith.minsi %convert_element_type3A_738, %min3A_740 : vector<16xi32>
    %convert_element_type3A_742 = arith.fptosi %add3A_737 : vector<16xf32> to vector<16xi32>
    %min3A_743 = arith.constant 222 : i32
    %min3A_744 = vector.broadcast %min3A_743 : i32 to vector<16xi32>
    %min3A_745 = arith.minsi %convert_element_type3A_742, %min3A_744 : vector<16xi32>
    %convert_element_type3A_746 = arith.sitofp %min3A_741 : vector<16xi32> to vector<16xf32>
    %sub3A_747 = arith.subf %add3A_732, %convert_element_type3A_746 : vector<16xf32>
    %convert_element_type3A_748 = arith.sitofp %min3A_745 : vector<16xi32> to vector<16xf32>
    %sub3A_749 = arith.subf %add3A_737, %convert_element_type3A_748 : vector<16xf32>
    %mul3A_750 = arith.constant 224 : i32
    %mul3A_751 = vector.broadcast %mul3A_750 : i32 to vector<16xi32>
    %mul3A_752 = arith.muli %min3A_741, %mul3A_751 : vector<16xi32>
    %add3A_753 = arith.addi %mul3A_752, %min3A_745 : vector<16xi32>
    %swap3A_754 = arith.constant 0 : i32
    %swap3A_755 = arith.constant 0 : i32
    %swap3A_756 = arith.index_cast %swap3A_754 : i32 to index
    %swap3A_757 = arith.index_cast %swap3A_755 : i32 to index
    %swap3A_758 = arith.constant 96 : index
    %swap3A_759 = tpu.vector_load %arg6[%swap3A_756, %swap3A_757, %swap3A_758] {strides = array<i32>} : memref<2x4x128xi32, #tpu.memory_space<vmem>>, vector<1x1x16xi32>,
    %swap3A_760 = vector.shape_cast %swap3A_759 : vector<1x1x16xi32> to vector<16xi32>
    %swap3A_761 = vector.shape_cast %add3A_753 : vector<16xi32> to vector<1x1x16xi32>
    tpu.vector_store %arg6[%swap3A_756, %swap3A_757, %swap3A_758], %swap3A_761 {strides = array<i32>} : memref<2x4x128xi32, #tpu.memory_space<vmem>>, vector<1x1x16xi32>,
    %add3A_762 = arith.constant 1 : i32
    %add3A_763 = vector.broadcast %add3A_762 : i32 to vector<16xi32>
    %add3A_764 = arith.addi %add3A_753, %add3A_763 : vector<16xi32>
    %swap3A_765 = arith.constant 0 : i32
    %swap3A_766 = arith.constant 1 : i32
    %swap3A_767 = arith.index_cast %swap3A_765 : i32 to index
    %swap3A_768 = arith.index_cast %swap3A_766 : i32 to index
    %swap3A_769 = arith.constant 96 : index
    %swap3A_770 = tpu.vector_load %arg6[%swap3A_767, %swap3A_768, %swap3A_769] {strides = array<i32>} : memref<2x4x128xi32, #tpu.memory_space<vmem>>, vector<1x1x16xi32>,
    %swap3A_771 = vector.shape_cast %swap3A_770 : vector<1x1x16xi32> to vector<16xi32>
    %swap3A_772 = vector.shape_cast %add3A_764 : vector<16xi32> to vector<1x1x16xi32>
    tpu.vector_store %arg6[%swap3A_767, %swap3A_768, %swap3A_769], %swap3A_772 {strides = array<i32>} : memref<2x4x128xi32, #tpu.memory_space<vmem>>, vector<1x1x16xi32>,
    %add3A_773 = arith.constant 224 : i32
    %add3A_774 = vector.broadcast %add3A_773 : i32 to vector<16xi32>
    %add3A_775 = arith.addi %add3A_753, %add3A_774 : vector<16xi32>
    %swap3A_776 = arith.constant 0 : i32
    %swap3A_777 = arith.constant 2 : i32
    %swap3A_778 = arith.index_cast %swap3A_776 : i32 to index
    %swap3A_779 = arith.index_cast %swap3A_777 : i32 to index
    %swap3A_780 = arith.constant 96 : index
    %swap3A_781 = tpu.vector_load %arg6[%swap3A_778, %swap3A_779, %swap3A_780] {strides = array<i32>} : memref<2x4x128xi32, #tpu.memory_space<vmem>>, vector<1x1x16xi32>,
    %swap3A_782 = vector.shape_cast %swap3A_781 : vector<1x1x16xi32> to vector<16xi32>
    %swap3A_783 = vector.shape_cast %add3A_775 : vector<16xi32> to vector<1x1x16xi32>
    tpu.vector_store %arg6[%swap3A_778, %swap3A_779, %swap3A_780], %swap3A_783 {strides = array<i32>} : memref<2x4x128xi32, #tpu.memory_space<vmem>>, vector<1x1x16xi32>,
    %add3A_784 = arith.constant 224 : i32
    %add3A_785 = vector.broadcast %add3A_784 : i32 to vector<16xi32>
    %add3A_786 = arith.addi %add3A_753, %add3A_785 : vector<16xi32>
    %add3A_787 = arith.constant 1 : i32
    %add3A_788 = vector.broadcast %add3A_787 : i32 to vector<16xi32>
    %add3A_789 = arith.addi %add3A_786, %add3A_788 : vector<16xi32>
    %swap3A_790 = arith.constant 0 : i32
    %swap3A_791 = arith.constant 3 : i32
    %swap3A_792 = arith.index_cast %swap3A_790 : i32 to index
    %swap3A_793 = arith.index_cast %swap3A_791 : i32 to index
    %swap3A_794 = arith.constant 96 : index
    %swap3A_795 = tpu.vector_load %arg6[%swap3A_792, %swap3A_793, %swap3A_794] {strides = array<i32>} : memref<2x4x128xi32, #tpu.memory_space<vmem>>, vector<1x1x16xi32>,
    %swap3A_796 = vector.shape_cast %swap3A_795 : vector<1x1x16xi32> to vector<16xi32>
    %swap3A_797 = vector.shape_cast %add3A_789 : vector<16xi32> to vector<1x1x16xi32>
    tpu.vector_store %arg6[%swap3A_792, %swap3A_793, %swap3A_794], %swap3A_797 {strides = array<i32>} : memref<2x4x128xi32, #tpu.memory_space<vmem>>, vector<1x1x16xi32>,
    %swap3A_798 = arith.constant 0 : i32
    %swap3A_799 = arith.index_cast %swap3A_798 : i32 to index
    %swap3A_800 = arith.constant 96 : index
    %swap3A_801 = tpu.vector_load %arg7[%swap3A_799, %swap3A_800] {strides = array<i32>} : memref<2x144xf32, #tpu.memory_space<vmem>>, vector<1x16xf32>,
    %swap3A_802 = vector.shape_cast %swap3A_801 : vector<1x16xf32> to vector<16xf32>
    %swap3A_803 = vector.shape_cast %sub3A_749 : vector<16xf32> to vector<1x16xf32>
    tpu.vector_store %arg7[%swap3A_799, %swap3A_800], %swap3A_803 {strides = array<i32>} : memref<2x144xf32, #tpu.memory_space<vmem>>, vector<1x16xf32>,
    %swap3A_804 = arith.constant 0 : i32
    %swap3A_805 = arith.index_cast %swap3A_804 : i32 to index
    %swap3A_806 = arith.constant 96 : index
    %swap3A_807 = tpu.vector_load %arg8[%swap3A_805, %swap3A_806] {strides = array<i32>} : memref<2x144xf32, #tpu.memory_space<vmem>>, vector<1x16xf32>,
    %swap3A_808 = vector.shape_cast %swap3A_807 : vector<1x16xf32> to vector<16xf32>
    %swap3A_809 = vector.shape_cast %sub3A_747 : vector<16xf32> to vector<1x16xf32>
    tpu.vector_store %arg8[%swap3A_805, %swap3A_806], %swap3A_809 {strides = array<i32>} : memref<2x144xf32, #tpu.memory_space<vmem>>, vector<1x16xf32>,
    %get3A_810 = arith.constant 0 : i32
    %get3A_811 = arith.index_cast %get3A_810 : i32 to index
    %get3A_812 = arith.constant 16 : index
    %get3A_813 = tpu.vector_load %arg5[%get3A_811, %get3A_812] {strides = array<i32>} : memref<4x32xf32, #tpu.memory_space<vmem>>, vector<1x16xf32>,
    %get3A_814 = vector.shape_cast %get3A_813 : vector<1x16xf32> to vector<16xf32>
    %get3A_815 = arith.constant 1 : i32
    %get3A_816 = arith.index_cast %get3A_815 : i32 to index
    %get3A_817 = arith.constant 16 : index
    %get3A_818 = tpu.vector_load %arg5[%get3A_816, %get3A_817] {strides = array<i32>} : memref<4x32xf32, #tpu.memory_space<vmem>>, vector<1x16xf32>,
    %get3A_819 = vector.shape_cast %get3A_818 : vector<1x16xf32> to vector<16xf32>
    %get3A_820 = arith.constant 2 : i32
    %get3A_821 = arith.index_cast %get3A_820 : i32 to index
    %get3A_822 = arith.constant 16 : index
    %get3A_823 = tpu.vector_load %arg5[%get3A_821, %get3A_822] {strides = array<i32>} : memref<4x32xf32, #tpu.memory_space<vmem>>, vector<1x16xf32>,
    %get3A_824 = vector.shape_cast %get3A_823 : vector<1x16xf32> to vector<16xf32>
    %sub3A_825 = arith.subf %get3A_824, %get3A_814 : vector<16xf32>
    %mul3A_826 = arith.constant 0.0714285746 : f32
    %mul3A_827 = vector.broadcast %mul3A_826 : f32 to vector<16xf32>
    %mul3A_828 = arith.mulf %sub3A_825, %mul3A_827 : vector<16xf32>
    %get3A_829 = arith.constant 3 : i32
    %get3A_830 = arith.index_cast %get3A_829 : i32 to index
    %get3A_831 = arith.constant 16 : index
    %get3A_832 = tpu.vector_load %arg5[%get3A_830, %get3A_831] {strides = array<i32>} : memref<4x32xf32, #tpu.memory_space<vmem>>, vector<1x16xf32>,
    %get3A_833 = vector.shape_cast %get3A_832 : vector<1x16xf32> to vector<16xf32>
    %sub3A_834 = arith.subf %get3A_833, %get3A_819 : vector<16xf32>
    %mul3A_835 = arith.constant 0.0714285746 : f32
    %mul3A_836 = vector.broadcast %mul3A_835 : f32 to vector<16xf32>
    %mul3A_837 = arith.mulf %sub3A_834, %mul3A_836 : vector<16xf32>
    %add3A_838 = arith.constant 0.666666686 : f32
    %add3A_839 = arith.addf %convert_element_type3A, %add3A_838 : f32
    %mul3A_840 = vector.broadcast %add3A_839 : f32 to vector<16xf32>
    %mul3A_841 = arith.mulf %mul3A_828, %mul3A_840 : vector<16xf32>
    %add3A_842 = arith.addf %get3A_814, %mul3A_841 : vector<16xf32>
    %add3A_843 = arith.constant 0.666666686 : f32
    %add3A_844 = arith.addf %convert_element_type3A_42, %add3A_843 : f32
    %mul3A_845 = vector.broadcast %add3A_844 : f32 to vector<16xf32>
    %mul3A_846 = arith.mulf %mul3A_837, %mul3A_845 : vector<16xf32>
    %add3A_847 = arith.addf %get3A_819, %mul3A_846 : vector<16xf32>
    %convert_element_type3A_848 = arith.fptosi %add3A_842 : vector<16xf32> to vector<16xi32>
    %min3A_849 = arith.constant 222 : i32
    %min3A_850 = vector.broadcast %min3A_849 : i32 to vector<16xi32>
    %min3A_851 = arith.minsi %convert_element_type3A_848, %min3A_850 : vector<16xi32>
    %convert_element_type3A_852 = arith.fptosi %add3A_847 : vector<16xf32> to vector<16xi32>
    %min3A_853 = arith.constant 222 : i32
    %min3A_854 = vector.broadcast %min3A_853 : i32 to vector<16xi32>
    %min3A_855 = arith.minsi %convert_element_type3A_852, %min3A_854 : vector<16xi32>
    %convert_element_type3A_856 = arith.sitofp %min3A_851 : vector<16xi32> to vector<16xf32>
    %sub3A_857 = arith.subf %add3A_842, %convert_element_type3A_856 : vector<16xf32>
    %convert_element_type3A_858 = arith.sitofp %min3A_855 : vector<16xi32> to vector<16xf32>
    %sub3A_859 = arith.subf %add3A_847, %convert_element_type3A_858 : vector<16xf32>
    %mul3A_860 = arith.constant 224 : i32
    %mul3A_861 = vector.broadcast %mul3A_860 : i32 to vector<16xi32>
    %mul3A_862 = arith.muli %min3A_851, %mul3A_861 : vector<16xi32>
    %add3A_863 = arith.addi %mul3A_862, %min3A_855 : vector<16xi32>
    %swap3A_864 = arith.constant 0 : i32
    %swap3A_865 = arith.constant 0 : i32
    %swap3A_866 = arith.index_cast %swap3A_864 : i32 to index
    %swap3A_867 = arith.index_cast %swap3A_865 : i32 to index
    %swap3A_868 = arith.constant 112 : index
    %swap3A_869 = tpu.vector_load %arg6[%swap3A_866, %swap3A_867, %swap3A_868] {strides = array<i32>} : memref<2x4x128xi32, #tpu.memory_space<vmem>>, vector<1x1x16xi32>,
    %swap3A_870 = vector.shape_cast %swap3A_869 : vector<1x1x16xi32> to vector<16xi32>
    %swap3A_871 = vector.shape_cast %add3A_863 : vector<16xi32> to vector<1x1x16xi32>
    tpu.vector_store %arg6[%swap3A_866, %swap3A_867, %swap3A_868], %swap3A_871 {strides = array<i32>} : memref<2x4x128xi32, #tpu.memory_space<vmem>>, vector<1x1x16xi32>,
    %add3A_872 = arith.constant 1 : i32
    %add3A_873 = vector.broadcast %add3A_872 : i32 to vector<16xi32>
    %add3A_874 = arith.addi %add3A_863, %add3A_873 : vector<16xi32>
    %swap3A_875 = arith.constant 0 : i32
    %swap3A_876 = arith.constant 1 : i32
    %swap3A_877 = arith.index_cast %swap3A_875 : i32 to index
    %swap3A_878 = arith.index_cast %swap3A_876 : i32 to index
    %swap3A_879 = arith.constant 112 : index
    %swap3A_880 = tpu.vector_load %arg6[%swap3A_877, %swap3A_878, %swap3A_879] {strides = array<i32>} : memref<2x4x128xi32, #tpu.memory_space<vmem>>, vector<1x1x16xi32>,
    %swap3A_881 = vector.shape_cast %swap3A_880 : vector<1x1x16xi32> to vector<16xi32>
    %swap3A_882 = vector.shape_cast %add3A_874 : vector<16xi32> to vector<1x1x16xi32>
    tpu.vector_store %arg6[%swap3A_877, %swap3A_878, %swap3A_879], %swap3A_882 {strides = array<i32>} : memref<2x4x128xi32, #tpu.memory_space<vmem>>, vector<1x1x16xi32>,
    %add3A_883 = arith.constant 224 : i32
    %add3A_884 = vector.broadcast %add3A_883 : i32 to vector<16xi32>
    %add3A_885 = arith.addi %add3A_863, %add3A_884 : vector<16xi32>
    %swap3A_886 = arith.constant 0 : i32
    %swap3A_887 = arith.constant 2 : i32
    %swap3A_888 = arith.index_cast %swap3A_886 : i32 to index
    %swap3A_889 = arith.index_cast %swap3A_887 : i32 to index
    %swap3A_890 = arith.constant 112 : index
    %swap3A_891 = tpu.vector_load %arg6[%swap3A_888, %swap3A_889, %swap3A_890] {strides = array<i32>} : memref<2x4x128xi32, #tpu.memory_space<vmem>>, vector<1x1x16xi32>,
    %swap3A_892 = vector.shape_cast %swap3A_891 : vector<1x1x16xi32> to vector<16xi32>
    %swap3A_893 = vector.shape_cast %add3A_885 : vector<16xi32> to vector<1x1x16xi32>
    tpu.vector_store %arg6[%swap3A_888, %swap3A_889, %swap3A_890], %swap3A_893 {strides = array<i32>} : memref<2x4x128xi32, #tpu.memory_space<vmem>>, vector<1x1x16xi32>,
    %add3A_894 = arith.constant 224 : i32
    %add3A_895 = vector.broadcast %add3A_894 : i32 to vector<16xi32>
    %add3A_896 = arith.addi %add3A_863, %add3A_895 : vector<16xi32>
    %add3A_897 = arith.constant 1 : i32
    %add3A_898 = vector.broadcast %add3A_897 : i32 to vector<16xi32>
    %add3A_899 = arith.addi %add3A_896, %add3A_898 : vector<16xi32>
    %swap3A_900 = arith.constant 0 : i32
    %swap3A_901 = arith.constant 3 : i32
    %swap3A_902 = arith.index_cast %swap3A_900 : i32 to index
    %swap3A_903 = arith.index_cast %swap3A_901 : i32 to index
    %swap3A_904 = arith.constant 112 : index
    %swap3A_905 = tpu.vector_load %arg6[%swap3A_902, %swap3A_903, %swap3A_904] {strides = array<i32>} : memref<2x4x128xi32, #tpu.memory_space<vmem>>, vector<1x1x16xi32>,
    %swap3A_906 = vector.shape_cast %swap3A_905 : vector<1x1x16xi32> to vector<16xi32>
    %swap3A_907 = vector.shape_cast %add3A_899 : vector<16xi32> to vector<1x1x16xi32>
    tpu.vector_store %arg6[%swap3A_902, %swap3A_903, %swap3A_904], %swap3A_907 {strides = array<i32>} : memref<2x4x128xi32, #tpu.memory_space<vmem>>, vector<1x1x16xi32>,
    %swap3A_908 = arith.constant 0 : i32
    %swap3A_909 = arith.index_cast %swap3A_908 : i32 to index
    %swap3A_910 = arith.constant 112 : index
    %swap3A_911 = tpu.vector_load %arg7[%swap3A_909, %swap3A_910] {strides = array<i32>} : memref<2x144xf32, #tpu.memory_space<vmem>>, vector<1x16xf32>,
    %swap3A_912 = vector.shape_cast %swap3A_911 : vector<1x16xf32> to vector<16xf32>
    %swap3A_913 = vector.shape_cast %sub3A_859 : vector<16xf32> to vector<1x16xf32>
    tpu.vector_store %arg7[%swap3A_909, %swap3A_910], %swap3A_913 {strides = array<i32>} : memref<2x144xf32, #tpu.memory_space<vmem>>, vector<1x16xf32>,
    %swap3A_914 = arith.constant 0 : i32
    %swap3A_915 = arith.index_cast %swap3A_914 : i32 to index
    %swap3A_916 = arith.constant 112 : index
    %swap3A_917 = tpu.vector_load %arg8[%swap3A_915, %swap3A_916] {strides = array<i32>} : memref<2x144xf32, #tpu.memory_space<vmem>>, vector<1x16xf32>,
    %swap3A_918 = vector.shape_cast %swap3A_917 : vector<1x16xf32> to vector<16xf32>
    %swap3A_919 = vector.shape_cast %sub3A_857 : vector<16xf32> to vector<1x16xf32>
    tpu.vector_store %arg8[%swap3A_915, %swap3A_916], %swap3A_919 {strides = array<i32>} : memref<2x144xf32, #tpu.memory_space<vmem>>, vector<1x16xf32>,
    %dma_start3A = arith.constant 0 : i32
    %dma_start3A_920 = arith.constant 0 : i32
    %dma_start3A_921 = arith.constant 0 : i32
    %dma_start3A_922 = arith.constant 0 : i32
    %dma_start3A_923 = arith.constant 0 : i32
    %dma_start3A_924 = arith.constant 0 : i32
    %dma_start3A_925 = tpu.memref_slice %arg9[%dma_start3A_921, %dma_start3A_922, %dma_start3A_923, %dma_start3A_924] : memref<2x4x128x96xf32, #tpu.memory_space<vmem>> -> memref<1x1x128x96xf32, #tpu.memory_space<vmem>>
    %dma_start3A_926 = tpu.memref_squeeze %dma_start3A_925 : memref<1x1x128x96xf32, #tpu.memory_space<vmem>> -> memref<128x96xf32, #tpu.memory_space<vmem>>
    %dma_start3A_927 = arith.constant 0 : i32
    %dma_start3A_928 = tpu.memref_slice %arg6[%dma_start3A, %dma_start3A_920, %dma_start3A_927] : memref<2x4x128xi32, #tpu.memory_space<vmem>> -> memref<1x1x128xi32, #tpu.memory_space<vmem>>
    %dma_start3A_929 = tpu.memref_squeeze %dma_start3A_928 : memref<1x1x128xi32, #tpu.memory_space<vmem>> -> memref<128xi32, #tpu.memory_space<vmem>>
    %dma_start3A_930 = arith.constant 0 : i32
    %dma_start3A_931 = arith.constant 0 : i32
    %dma_start3A_932 = tpu.memref_slice %arg2[%dma_start3A_930, %dma_start3A_931] : memref<50176x96xf32, #tpu.memory_space<hbm>> -> memref<50176x96xf32, #tpu.memory_space<hbm>>
    tpu.enqueue_indirect_dma source(%dma_start3A_932 : memref<50176x96xf32, #tpu.memory_space<hbm>>) target(%dma_start3A_926 : memref<128x96xf32, #tpu.memory_space<vmem>>) offsets(%dma_start3A_929 : memref<128xi32, #tpu.memory_space<vmem>>) semaphore(%arg11 : memref<!tpu.dma_semaphore, #tpu.memory_space<semaphore_mem>>)
    %dma_start3A_933 = arith.constant 0 : i32
    %dma_start3A_934 = arith.constant 1 : i32
    %dma_start3A_935 = arith.constant 0 : i32
    %dma_start3A_936 = arith.constant 1 : i32
    %dma_start3A_937 = arith.constant 0 : i32
    %dma_start3A_938 = arith.constant 0 : i32
    %dma_start3A_939 = tpu.memref_slice %arg9[%dma_start3A_935, %dma_start3A_936, %dma_start3A_937, %dma_start3A_938] : memref<2x4x128x96xf32, #tpu.memory_space<vmem>> -> memref<1x1x128x96xf32, #tpu.memory_space<vmem>>
    %dma_start3A_940 = tpu.memref_squeeze %dma_start3A_939 : memref<1x1x128x96xf32, #tpu.memory_space<vmem>> -> memref<128x96xf32, #tpu.memory_space<vmem>>
    %dma_start3A_941 = arith.constant 0 : i32
    %dma_start3A_942 = tpu.memref_slice %arg6[%dma_start3A_933, %dma_start3A_934, %dma_start3A_941] : memref<2x4x128xi32, #tpu.memory_space<vmem>> -> memref<1x1x128xi32, #tpu.memory_space<vmem>>
    %dma_start3A_943 = tpu.memref_squeeze %dma_start3A_942 : memref<1x1x128xi32, #tpu.memory_space<vmem>> -> memref<128xi32, #tpu.memory_space<vmem>>
    %dma_start3A_944 = arith.constant 0 : i32
    %dma_start3A_945 = arith.constant 0 : i32
    %dma_start3A_946 = tpu.memref_slice %arg2[%dma_start3A_944, %dma_start3A_945] : memref<50176x96xf32, #tpu.memory_space<hbm>> -> memref<50176x96xf32, #tpu.memory_space<hbm>>
    tpu.enqueue_indirect_dma source(%dma_start3A_946 : memref<50176x96xf32, #tpu.memory_space<hbm>>) target(%dma_start3A_940 : memref<128x96xf32, #tpu.memory_space<vmem>>) offsets(%dma_start3A_943 : memref<128xi32, #tpu.memory_space<vmem>>) semaphore(%arg11 : memref<!tpu.dma_semaphore, #tpu.memory_space<semaphore_mem>>)
    %dma_start3A_947 = arith.constant 0 : i32
    %dma_start3A_948 = arith.constant 2 : i32
    %dma_start3A_949 = arith.constant 0 : i32
    %dma_start3A_950 = arith.constant 2 : i32
    %dma_start3A_951 = arith.constant 0 : i32
    %dma_start3A_952 = arith.constant 0 : i32
    %dma_start3A_953 = tpu.memref_slice %arg9[%dma_start3A_949, %dma_start3A_950, %dma_start3A_951, %dma_start3A_952] : memref<2x4x128x96xf32, #tpu.memory_space<vmem>> -> memref<1x1x128x96xf32, #tpu.memory_space<vmem>>
    %dma_start3A_954 = tpu.memref_squeeze %dma_start3A_953 : memref<1x1x128x96xf32, #tpu.memory_space<vmem>> -> memref<128x96xf32, #tpu.memory_space<vmem>>
    %dma_start3A_955 = arith.constant 0 : i32
    %dma_start3A_956 = tpu.memref_slice %arg6[%dma_start3A_947, %dma_start3A_948, %dma_start3A_955] : memref<2x4x128xi32, #tpu.memory_space<vmem>> -> memref<1x1x128xi32, #tpu.memory_space<vmem>>
    %dma_start3A_957 = tpu.memref_squeeze %dma_start3A_956 : memref<1x1x128xi32, #tpu.memory_space<vmem>> -> memref<128xi32, #tpu.memory_space<vmem>>
    %dma_start3A_958 = arith.constant 0 : i32
    %dma_start3A_959 = arith.constant 0 : i32
    %dma_start3A_960 = tpu.memref_slice %arg2[%dma_start3A_958, %dma_start3A_959] : memref<50176x96xf32, #tpu.memory_space<hbm>> -> memref<50176x96xf32, #tpu.memory_space<hbm>>
    tpu.enqueue_indirect_dma source(%dma_start3A_960 : memref<50176x96xf32, #tpu.memory_space<hbm>>) target(%dma_start3A_954 : memref<128x96xf32, #tpu.memory_space<vmem>>) offsets(%dma_start3A_957 : memref<128xi32, #tpu.memory_space<vmem>>) semaphore(%arg11 : memref<!tpu.dma_semaphore, #tpu.memory_space<semaphore_mem>>)
    %dma_start3A_961 = arith.constant 0 : i32
    %dma_start3A_962 = arith.constant 3 : i32
    %dma_start3A_963 = arith.constant 0 : i32
    %dma_start3A_964 = arith.constant 3 : i32
    %dma_start3A_965 = arith.constant 0 : i32
    %dma_start3A_966 = arith.constant 0 : i32
    %dma_start3A_967 = tpu.memref_slice %arg9[%dma_start3A_963, %dma_start3A_964, %dma_start3A_965, %dma_start3A_966] : memref<2x4x128x96xf32, #tpu.memory_space<vmem>> -> memref<1x1x128x96xf32, #tpu.memory_space<vmem>>
    %dma_start3A_968 = tpu.memref_squeeze %dma_start3A_967 : memref<1x1x128x96xf32, #tpu.memory_space<vmem>> -> memref<128x96xf32, #tpu.memory_space<vmem>>
    %dma_start3A_969 = arith.constant 0 : i32
    %dma_start3A_970 = tpu.memref_slice %arg6[%dma_start3A_961, %dma_start3A_962, %dma_start3A_969] : memref<2x4x128xi32, #tpu.memory_space<vmem>> -> memref<1x1x128xi32, #tpu.memory_space<vmem>>
    %dma_start3A_971 = tpu.memref_squeeze %dma_start3A_970 : memref<1x1x128xi32, #tpu.memory_space<vmem>> -> memref<128xi32, #tpu.memory_space<vmem>>
    %dma_start3A_972 = arith.constant 0 : i32
    %dma_start3A_973 = arith.constant 0 : i32
    %dma_start3A_974 = tpu.memref_slice %arg2[%dma_start3A_972, %dma_start3A_973] : memref<50176x96xf32, #tpu.memory_space<hbm>> -> memref<50176x96xf32, #tpu.memory_space<hbm>>
    tpu.enqueue_indirect_dma source(%dma_start3A_974 : memref<50176x96xf32, #tpu.memory_space<hbm>>) target(%dma_start3A_968 : memref<128x96xf32, #tpu.memory_space<vmem>>) offsets(%dma_start3A_971 : memref<128xi32, #tpu.memory_space<vmem>>) semaphore(%arg11 : memref<!tpu.dma_semaphore, #tpu.memory_space<semaphore_mem>>)
    %scan3A = arith.constant 0 : i32
    %scan3A_975 = arith.constant 0 : i32
    %scan3A_976 = arith.constant 98 : i32
    %scan3A_977 = arith.addi %scan3A_975, %scan3A_976 : i32
    %scan3A_978 = arith.constant 1 : i32
    scf.for %scan3A_980 = %scan3A_975 to %scan3A_977 step %scan3A_978  : i32 {
      %mul3A_981 = arith.constant 2 : i32
      %mul3A_982 = arith.muli %scan3A_980, %mul3A_981 : i32
      %add3A_983 = arith.constant 1 : i32
      %add3A_984 = arith.addi %mul3A_982, %add3A_983 : i32
      %jit3A_985 = arith.constant 14 : i32
      %div3A_986 = arith.divsi %add3A_984, %jit3A_985 : i32
      %sign3A_987 = arith.constant 0 : i32
      %sign3A_988 = arith.cmpi sgt, %add3A_984, %sign3A_987 : i32
      %sign3A_989 = arith.extui %sign3A_988 : i1 to i32
      %sign3A_990 = arith.constant 0 : i32
      %sign3A_991 = arith.cmpi slt, %add3A_984, %sign3A_990 : i32
      %sign3A_992 = arith.extui %sign3A_991 : i1 to i32
      %sign3A_993 = arith.subi %sign3A_989, %sign3A_992 : i32
      %sign3A_994 = arith.constant 0 : i32
      %sign3A_995 = arith.cmpi sgt, %jit3A_985, %sign3A_994 : i32
      %sign3A_996 = arith.extui %sign3A_995 : i1 to i32
      %sign3A_997 = arith.constant 0 : i32
      %sign3A_998 = arith.cmpi slt, %jit3A_985, %sign3A_997 : i32
      %sign3A_999 = arith.extui %sign3A_998 : i1 to i32
      %sign3A_1000 = arith.subi %sign3A_996, %sign3A_999 : i32
      %ne3A_1001 = arith.cmpi ne, %sign3A_993, %sign3A_1000 : i32
      %rem3A_1002 = arith.remsi %add3A_984, %jit3A_985 : i32
      %ne3A_1003 = arith.constant 0 : i32
      %ne3A_1004 = arith.cmpi ne, %rem3A_1002, %ne3A_1003 : i32
      %and3A_1005 = arith.andi %ne3A_1001, %ne3A_1004 : i1
      %sub3A_1006 = arith.constant 1 : i32
      %sub3A_1007 = arith.subi %div3A_986, %sub3A_1006 : i32
      %select_n3A_1008 = arith.select %and3A_1005, %sub3A_1007, %div3A_986 : i32
      %jit3A_1009 = arith.constant 14 : i32
      %eq3A_1010 = arith.constant 0 : i32
      %eq3A_1011 = arith.cmpi eq, %jit3A_1009, %eq3A_1010 : i32
      %jit3A_1012 = arith.constant 1 : i32
      %select_n3A_1013 = arith.select %eq3A_1011, %jit3A_1012, %jit3A_1009 : i32
      %rem3A_1014 = arith.remsi %add3A_984, %select_n3A_1013 : i32
      %ne3A_1015 = arith.constant 0 : i32
      %ne3A_1016 = arith.cmpi ne, %rem3A_1014, %ne3A_1015 : i32
      %lt3A_1017 = arith.constant 0 : i32
      %lt3A_1018 = arith.cmpi slt, %rem3A_1014, %lt3A_1017 : i32
      %lt3A_1019 = arith.constant 0 : i32
      %lt3A_1020 = arith.cmpi slt, %select_n3A_1013, %lt3A_1019 : i32
      %ne3A_1021 = arith.xori %lt3A_1018, %lt3A_1020 : i1
      %and3A_1022 = arith.andi %ne3A_1021, %ne3A_1016 : i1
      %add3A_1023 = arith.addi %rem3A_1014, %select_n3A_1013 : i32
      %select_n3A_1024 = arith.select %and3A_1022, %add3A_1023, %rem3A_1014 : i32
      %convert_element_type3A_1025 = arith.sitofp %select_n3A_1008 : i32 to f32
      %convert_element_type3A_1026 = arith.sitofp %select_n3A_1024 : i32 to f32
      %get3A_1027 = arith.constant 0 : i32
      %get3A_1028 = arith.index_cast %get3A_1027 : i32 to index
      %get3A_1029 = arith.constant 0 : index
      %get3A_1030 = tpu.vector_load %arg5[%get3A_1028, %get3A_1029] {strides = array<i32>} : memref<4x32xf32, #tpu.memory_space<vmem>>, vector<1x16xf32>,
      %get3A_1031 = vector.shape_cast %get3A_1030 : vector<1x16xf32> to vector<16xf32>
      %get3A_1032 = arith.constant 1 : i32
      %get3A_1033 = arith.index_cast %get3A_1032 : i32 to index
      %get3A_1034 = arith.constant 0 : index
      %get3A_1035 = tpu.vector_load %arg5[%get3A_1033, %get3A_1034] {strides = array<i32>} : memref<4x32xf32, #tpu.memory_space<vmem>>, vector<1x16xf32>,
      %get3A_1036 = vector.shape_cast %get3A_1035 : vector<1x16xf32> to vector<16xf32>
      %get3A_1037 = arith.constant 2 : i32
      %get3A_1038 = arith.index_cast %get3A_1037 : i32 to index
      %get3A_1039 = arith.constant 0 : index
      %get3A_1040 = tpu.vector_load %arg5[%get3A_1038, %get3A_1039] {strides = array<i32>} : memref<4x32xf32, #tpu.memory_space<vmem>>, vector<1x16xf32>,
      %get3A_1041 = vector.shape_cast %get3A_1040 : vector<1x16xf32> to vector<16xf32>
      %sub3A_1042 = arith.subf %get3A_1041, %get3A_1031 : vector<16xf32>
      %mul3A_1043 = arith.constant 0.0714285746 : f32
      %mul3A_1044 = vector.broadcast %mul3A_1043 : f32 to vector<16xf32>
      %mul3A_1045 = arith.mulf %sub3A_1042, %mul3A_1044 : vector<16xf32>
      %get3A_1046 = arith.constant 3 : i32
      %get3A_1047 = arith.index_cast %get3A_1046 : i32 to index
      %get3A_1048 = arith.constant 0 : index
      %get3A_1049 = tpu.vector_load %arg5[%get3A_1047, %get3A_1048] {strides = array<i32>} : memref<4x32xf32, #tpu.memory_space<vmem>>, vector<1x16xf32>,
      %get3A_1050 = vector.shape_cast %get3A_1049 : vector<1x16xf32> to vector<16xf32>
      %sub3A_1051 = arith.subf %get3A_1050, %get3A_1036 : vector<16xf32>
      %mul3A_1052 = arith.constant 0.0714285746 : f32
      %mul3A_1053 = vector.broadcast %mul3A_1052 : f32 to vector<16xf32>
      %mul3A_1054 = arith.mulf %sub3A_1051, %mul3A_1053 : vector<16xf32>
      %add3A_1055 = arith.constant 0.333333343 : f32
      %add3A_1056 = arith.addf %convert_element_type3A_1025, %add3A_1055 : f32
      %mul3A_1057 = vector.broadcast %add3A_1056 : f32 to vector<16xf32>
      %mul3A_1058 = arith.mulf %mul3A_1045, %mul3A_1057 : vector<16xf32>
      %add3A_1059 = arith.addf %get3A_1031, %mul3A_1058 : vector<16xf32>
      %add3A_1060 = arith.constant 0.333333343 : f32
      %add3A_1061 = arith.addf %convert_element_type3A_1026, %add3A_1060 : f32
      %mul3A_1062 = vector.broadcast %add3A_1061 : f32 to vector<16xf32>
      %mul3A_1063 = arith.mulf %mul3A_1054, %mul3A_1062 : vector<16xf32>
      %add3A_1064 = arith.addf %get3A_1036, %mul3A_1063 : vector<16xf32>
      %convert_element_type3A_1065 = arith.fptosi %add3A_1059 : vector<16xf32> to vector<16xi32>
      %min3A_1066 = arith.constant 222 : i32
      %min3A_1067 = vector.broadcast %min3A_1066 : i32 to vector<16xi32>
      %min3A_1068 = arith.minsi %convert_element_type3A_1065, %min3A_1067 : vector<16xi32>
      %convert_element_type3A_1069 = arith.fptosi %add3A_1064 : vector<16xf32> to vector<16xi32>
      %min3A_1070 = arith.constant 222 : i32
      %min3A_1071 = vector.broadcast %min3A_1070 : i32 to vector<16xi32>
      %min3A_1072 = arith.minsi %convert_element_type3A_1069, %min3A_1071 : vector<16xi32>
      %convert_element_type3A_1073 = arith.sitofp %min3A_1068 : vector<16xi32> to vector<16xf32>
      %sub3A_1074 = arith.subf %add3A_1059, %convert_element_type3A_1073 : vector<16xf32>
      %convert_element_type3A_1075 = arith.sitofp %min3A_1072 : vector<16xi32> to vector<16xf32>
      %sub3A_1076 = arith.subf %add3A_1064, %convert_element_type3A_1075 : vector<16xf32>
      %mul3A_1077 = arith.constant 224 : i32
      %mul3A_1078 = vector.broadcast %mul3A_1077 : i32 to vector<16xi32>
      %mul3A_1079 = arith.muli %min3A_1068, %mul3A_1078 : vector<16xi32>
      %add3A_1080 = arith.addi %mul3A_1079, %min3A_1072 : vector<16xi32>
      %swap3A_1081 = arith.constant 1 : i32
      %swap3A_1082 = arith.constant 0 : i32
      %swap3A_1083 = arith.index_cast %swap3A_1081 : i32 to index
      %swap3A_1084 = arith.index_cast %swap3A_1082 : i32 to index
      %swap3A_1085 = arith.constant 0 : index
      %swap3A_1086 = tpu.vector_load %arg6[%swap3A_1083, %swap3A_1084, %swap3A_1085] {strides = array<i32>} : memref<2x4x128xi32, #tpu.memory_space<vmem>>, vector<1x1x16xi32>,
      %swap3A_1087 = vector.shape_cast %swap3A_1086 : vector<1x1x16xi32> to vector<16xi32>
      %swap3A_1088 = vector.shape_cast %add3A_1080 : vector<16xi32> to vector<1x1x16xi32>
      tpu.vector_store %arg6[%swap3A_1083, %swap3A_1084, %swap3A_1085], %swap3A_1088 {strides = array<i32>} : memref<2x4x128xi32, #tpu.memory_space<vmem>>, vector<1x1x16xi32>,
      %add3A_1089 = arith.constant 1 : i32
      %add3A_1090 = vector.broadcast %add3A_1089 : i32 to vector<16xi32>
      %add3A_1091 = arith.addi %add3A_1080, %add3A_1090 : vector<16xi32>
      %swap3A_1092 = arith.constant 1 : i32
      %swap3A_1093 = arith.constant 1 : i32
      %swap3A_1094 = arith.index_cast %swap3A_1092 : i32 to index
      %swap3A_1095 = arith.index_cast %swap3A_1093 : i32 to index
      %swap3A_1096 = arith.constant 0 : index
      %swap3A_1097 = tpu.vector_load %arg6[%swap3A_1094, %swap3A_1095, %swap3A_1096] {strides = array<i32>} : memref<2x4x128xi32, #tpu.memory_space<vmem>>, vector<1x1x16xi32>,
      %swap3A_1098 = vector.shape_cast %swap3A_1097 : vector<1x1x16xi32> to vector<16xi32>
      %swap3A_1099 = vector.shape_cast %add3A_1091 : vector<16xi32> to vector<1x1x16xi32>
      tpu.vector_store %arg6[%swap3A_1094, %swap3A_1095, %swap3A_1096], %swap3A_1099 {strides = array<i32>} : memref<2x4x128xi32, #tpu.memory_space<vmem>>, vector<1x1x16xi32>,
      %add3A_1100 = arith.constant 224 : i32
      %add3A_1101 = vector.broadcast %add3A_1100 : i32 to vector<16xi32>
      %add3A_1102 = arith.addi %add3A_1080, %add3A_1101 : vector<16xi32>
      %swap3A_1103 = arith.constant 1 : i32
      %swap3A_1104 = arith.constant 2 : i32
      %swap3A_1105 = arith.index_cast %swap3A_1103 : i32 to index
      %swap3A_1106 = arith.index_cast %swap3A_1104 : i32 to index
      %swap3A_1107 = arith.constant 0 : index
      %swap3A_1108 = tpu.vector_load %arg6[%swap3A_1105, %swap3A_1106, %swap3A_1107] {strides = array<i32>} : memref<2x4x128xi32, #tpu.memory_space<vmem>>, vector<1x1x16xi32>,
      %swap3A_1109 = vector.shape_cast %swap3A_1108 : vector<1x1x16xi32> to vector<16xi32>
      %swap3A_1110 = vector.shape_cast %add3A_1102 : vector<16xi32> to vector<1x1x16xi32>
      tpu.vector_store %arg6[%swap3A_1105, %swap3A_1106, %swap3A_1107], %swap3A_1110 {strides = array<i32>} : memref<2x4x128xi32, #tpu.memory_space<vmem>>, vector<1x1x16xi32>,
      %add3A_1111 = arith.constant 224 : i32
      %add3A_1112 = vector.broadcast %add3A_1111 : i32 to vector<16xi32>
      %add3A_1113 = arith.addi %add3A_1080, %add3A_1112 : vector<16xi32>
      %add3A_1114 = arith.constant 1 : i32
      %add3A_1115 = vector.broadcast %add3A_1114 : i32 to vector<16xi32>
      %add3A_1116 = arith.addi %add3A_1113, %add3A_1115 : vector<16xi32>
      %swap3A_1117 = arith.constant 1 : i32
      %swap3A_1118 = arith.constant 3 : i32
      %swap3A_1119 = arith.index_cast %swap3A_1117 : i32 to index
      %swap3A_1120 = arith.index_cast %swap3A_1118 : i32 to index
      %swap3A_1121 = arith.constant 0 : index
      %swap3A_1122 = tpu.vector_load %arg6[%swap3A_1119, %swap3A_1120, %swap3A_1121] {strides = array<i32>} : memref<2x4x128xi32, #tpu.memory_space<vmem>>, vector<1x1x16xi32>,
      %swap3A_1123 = vector.shape_cast %swap3A_1122 : vector<1x1x16xi32> to vector<16xi32>
      %swap3A_1124 = vector.shape_cast %add3A_1116 : vector<16xi32> to vector<1x1x16xi32>
      tpu.vector_store %arg6[%swap3A_1119, %swap3A_1120, %swap3A_1121], %swap3A_1124 {strides = array<i32>} : memref<2x4x128xi32, #tpu.memory_space<vmem>>, vector<1x1x16xi32>,
      %swap3A_1125 = arith.constant 1 : i32
      %swap3A_1126 = arith.index_cast %swap3A_1125 : i32 to index
      %swap3A_1127 = arith.constant 0 : index
      %swap3A_1128 = tpu.vector_load %arg7[%swap3A_1126, %swap3A_1127] {strides = array<i32>} : memref<2x144xf32, #tpu.memory_space<vmem>>, vector<1x16xf32>,
      %swap3A_1129 = vector.shape_cast %swap3A_1128 : vector<1x16xf32> to vector<16xf32>
      %swap3A_1130 = vector.shape_cast %sub3A_1076 : vector<16xf32> to vector<1x16xf32>
      tpu.vector_store %arg7[%swap3A_1126, %swap3A_1127], %swap3A_1130 {strides = array<i32>} : memref<2x144xf32, #tpu.memory_space<vmem>>, vector<1x16xf32>,
      %swap3A_1131 = arith.constant 1 : i32
      %swap3A_1132 = arith.index_cast %swap3A_1131 : i32 to index
      %swap3A_1133 = arith.constant 0 : index
      %swap3A_1134 = tpu.vector_load %arg8[%swap3A_1132, %swap3A_1133] {strides = array<i32>} : memref<2x144xf32, #tpu.memory_space<vmem>>, vector<1x16xf32>,
      %swap3A_1135 = vector.shape_cast %swap3A_1134 : vector<1x16xf32> to vector<16xf32>
      %swap3A_1136 = vector.shape_cast %sub3A_1074 : vector<16xf32> to vector<1x16xf32>
      tpu.vector_store %arg8[%swap3A_1132, %swap3A_1133], %swap3A_1136 {strides = array<i32>} : memref<2x144xf32, #tpu.memory_space<vmem>>, vector<1x16xf32>,
      %get3A_1137 = arith.constant 0 : i32
      %get3A_1138 = arith.index_cast %get3A_1137 : i32 to index
      %get3A_1139 = arith.constant 16 : index
      %get3A_1140 = tpu.vector_load %arg5[%get3A_1138, %get3A_1139] {strides = array<i32>} : memref<4x32xf32, #tpu.memory_space<vmem>>, vector<1x16xf32>,
      %get3A_1141 = vector.shape_cast %get3A_1140 : vector<1x16xf32> to vector<16xf32>
      %get3A_1142 = arith.constant 1 : i32
      %get3A_1143 = arith.index_cast %get3A_1142 : i32 to index
      %get3A_1144 = arith.constant 16 : index
      %get3A_1145 = tpu.vector_load %arg5[%get3A_1143, %get3A_1144] {strides = array<i32>} : memref<4x32xf32, #tpu.memory_space<vmem>>, vector<1x16xf32>,
      %get3A_1146 = vector.shape_cast %get3A_1145 : vector<1x16xf32> to vector<16xf32>
      %get3A_1147 = arith.constant 2 : i32
      %get3A_1148 = arith.index_cast %get3A_1147 : i32 to index
      %get3A_1149 = arith.constant 16 : index
      %get3A_1150 = tpu.vector_load %arg5[%get3A_1148, %get3A_1149] {strides = array<i32>} : memref<4x32xf32, #tpu.memory_space<vmem>>, vector<1x16xf32>,
      %get3A_1151 = vector.shape_cast %get3A_1150 : vector<1x16xf32> to vector<16xf32>
      %sub3A_1152 = arith.subf %get3A_1151, %get3A_1141 : vector<16xf32>
      %mul3A_1153 = arith.constant 0.0714285746 : f32
      %mul3A_1154 = vector.broadcast %mul3A_1153 : f32 to vector<16xf32>
      %mul3A_1155 = arith.mulf %sub3A_1152, %mul3A_1154 : vector<16xf32>
      %get3A_1156 = arith.constant 3 : i32
      %get3A_1157 = arith.index_cast %get3A_1156 : i32 to index
      %get3A_1158 = arith.constant 16 : index
      %get3A_1159 = tpu.vector_load %arg5[%get3A_1157, %get3A_1158] {strides = array<i32>} : memref<4x32xf32, #tpu.memory_space<vmem>>, vector<1x16xf32>,
      %get3A_1160 = vector.shape_cast %get3A_1159 : vector<1x16xf32> to vector<16xf32>
      %sub3A_1161 = arith.subf %get3A_1160, %get3A_1146 : vector<16xf32>
      %mul3A_1162 = arith.constant 0.0714285746 : f32
      %mul3A_1163 = vector.broadcast %mul3A_1162 : f32 to vector<16xf32>
      %mul3A_1164 = arith.mulf %sub3A_1161, %mul3A_1163 : vector<16xf32>
      %add3A_1165 = arith.constant 0.333333343 : f32
      %add3A_1166 = arith.addf %convert_element_type3A_1025, %add3A_1165 : f32
      %mul3A_1167 = vector.broadcast %add3A_1166 : f32 to vector<16xf32>
      %mul3A_1168 = arith.mulf %mul3A_1155, %mul3A_1167 : vector<16xf32>
      %add3A_1169 = arith.addf %get3A_1141, %mul3A_1168 : vector<16xf32>
      %add3A_1170 = arith.constant 0.333333343 : f32
      %add3A_1171 = arith.addf %convert_element_type3A_1026, %add3A_1170 : f32
      %mul3A_1172 = vector.broadcast %add3A_1171 : f32 to vector<16xf32>
      %mul3A_1173 = arith.mulf %mul3A_1164, %mul3A_1172 : vector<16xf32>
      %add3A_1174 = arith.addf %get3A_1146, %mul3A_1173 : vector<16xf32>
      %convert_element_type3A_1175 = arith.fptosi %add3A_1169 : vector<16xf32> to vector<16xi32>
      %min3A_1176 = arith.constant 222 : i32
      %min3A_1177 = vector.broadcast %min3A_1176 : i32 to vector<16xi32>
      %min3A_1178 = arith.minsi %convert_element_type3A_1175, %min3A_1177 : vector<16xi32>
      %convert_element_type3A_1179 = arith.fptosi %add3A_1174 : vector<16xf32> to vector<16xi32>
      %min3A_1180 = arith.constant 222 : i32
      %min3A_1181 = vector.broadcast %min3A_1180 : i32 to vector<16xi32>
      %min3A_1182 = arith.minsi %convert_element_type3A_1179, %min3A_1181 : vector<16xi32>
      %convert_element_type3A_1183 = arith.sitofp %min3A_1178 : vector<16xi32> to vector<16xf32>
      %sub3A_1184 = arith.subf %add3A_1169, %convert_element_type3A_1183 : vector<16xf32>
      %convert_element_type3A_1185 = arith.sitofp %min3A_1182 : vector<16xi32> to vector<16xf32>
      %sub3A_1186 = arith.subf %add3A_1174, %convert_element_type3A_1185 : vector<16xf32>
      %mul3A_1187 = arith.constant 224 : i32
      %mul3A_1188 = vector.broadcast %mul3A_1187 : i32 to vector<16xi32>
      %mul3A_1189 = arith.muli %min3A_1178, %mul3A_1188 : vector<16xi32>
      %add3A_1190 = arith.addi %mul3A_1189, %min3A_1182 : vector<16xi32>
      %swap3A_1191 = arith.constant 1 : i32
      %swap3A_1192 = arith.constant 0 : i32
      %swap3A_1193 = arith.index_cast %swap3A_1191 : i32 to index
      %swap3A_1194 = arith.index_cast %swap3A_1192 : i32 to index
      %swap3A_1195 = arith.constant 16 : index
      %swap3A_1196 = tpu.vector_load %arg6[%swap3A_1193, %swap3A_1194, %swap3A_1195] {strides = array<i32>} : memref<2x4x128xi32, #tpu.memory_space<vmem>>, vector<1x1x16xi32>,
      %swap3A_1197 = vector.shape_cast %swap3A_1196 : vector<1x1x16xi32> to vector<16xi32>
      %swap3A_1198 = vector.shape_cast %add3A_1190 : vector<16xi32> to vector<1x1x16xi32>
      tpu.vector_store %arg6[%swap3A_1193, %swap3A_1194, %swap3A_1195], %swap3A_1198 {strides = array<i32>} : memref<2x4x128xi32, #tpu.memory_space<vmem>>, vector<1x1x16xi32>,
      %add3A_1199 = arith.constant 1 : i32
      %add3A_1200 = vector.broadcast %add3A_1199 : i32 to vector<16xi32>
      %add3A_1201 = arith.addi %add3A_1190, %add3A_1200 : vector<16xi32>
      %swap3A_1202 = arith.constant 1 : i32
      %swap3A_1203 = arith.constant 1 : i32
      %swap3A_1204 = arith.index_cast %swap3A_1202 : i32 to index
      %swap3A_1205 = arith.index_cast %swap3A_1203 : i32 to index
      %swap3A_1206 = arith.constant 16 : index
      %swap3A_1207 = tpu.vector_load %arg6[%swap3A_1204, %swap3A_1205, %swap3A_1206] {strides = array<i32>} : memref<2x4x128xi32, #tpu.memory_space<vmem>>, vector<1x1x16xi32>,
      %swap3A_1208 = vector.shape_cast %swap3A_1207 : vector<1x1x16xi32> to vector<16xi32>
      %swap3A_1209 = vector.shape_cast %add3A_1201 : vector<16xi32> to vector<1x1x16xi32>
      tpu.vector_store %arg6[%swap3A_1204, %swap3A_1205, %swap3A_1206], %swap3A_1209 {strides = array<i32>} : memref<2x4x128xi32, #tpu.memory_space<vmem>>, vector<1x1x16xi32>,
      %add3A_1210 = arith.constant 224 : i32
      %add3A_1211 = vector.broadcast %add3A_1210 : i32 to vector<16xi32>
      %add3A_1212 = arith.addi %add3A_1190, %add3A_1211 : vector<16xi32>
      %swap3A_1213 = arith.constant 1 : i32
      %swap3A_1214 = arith.constant 2 : i32
      %swap3A_1215 = arith.index_cast %swap3A_1213 : i32 to index
      %swap3A_1216 = arith.index_cast %swap3A_1214 : i32 to index
      %swap3A_1217 = arith.constant 16 : index
      %swap3A_1218 = tpu.vector_load %arg6[%swap3A_1215, %swap3A_1216, %swap3A_1217] {strides = array<i32>} : memref<2x4x128xi32, #tpu.memory_space<vmem>>, vector<1x1x16xi32>,
      %swap3A_1219 = vector.shape_cast %swap3A_1218 : vector<1x1x16xi32> to vector<16xi32>
      %swap3A_1220 = vector.shape_cast %add3A_1212 : vector<16xi32> to vector<1x1x16xi32>
      tpu.vector_store %arg6[%swap3A_1215, %swap3A_1216, %swap3A_1217], %swap3A_1220 {strides = array<i32>} : memref<2x4x128xi32, #tpu.memory_space<vmem>>, vector<1x1x16xi32>,
      %add3A_1221 = arith.constant 224 : i32
      %add3A_1222 = vector.broadcast %add3A_1221 : i32 to vector<16xi32>
      %add3A_1223 = arith.addi %add3A_1190, %add3A_1222 : vector<16xi32>
      %add3A_1224 = arith.constant 1 : i32
      %add3A_1225 = vector.broadcast %add3A_1224 : i32 to vector<16xi32>
      %add3A_1226 = arith.addi %add3A_1223, %add3A_1225 : vector<16xi32>
      %swap3A_1227 = arith.constant 1 : i32
      %swap3A_1228 = arith.constant 3 : i32
      %swap3A_1229 = arith.index_cast %swap3A_1227 : i32 to index
      %swap3A_1230 = arith.index_cast %swap3A_1228 : i32 to index
      %swap3A_1231 = arith.constant 16 : index
      %swap3A_1232 = tpu.vector_load %arg6[%swap3A_1229, %swap3A_1230, %swap3A_1231] {strides = array<i32>} : memref<2x4x128xi32, #tpu.memory_space<vmem>>, vector<1x1x16xi32>,
      %swap3A_1233 = vector.shape_cast %swap3A_1232 : vector<1x1x16xi32> to vector<16xi32>
      %swap3A_1234 = vector.shape_cast %add3A_1226 : vector<16xi32> to vector<1x1x16xi32>
      tpu.vector_store %arg6[%swap3A_1229, %swap3A_1230, %swap3A_1231], %swap3A_1234 {strides = array<i32>} : memref<2x4x128xi32, #tpu.memory_space<vmem>>, vector<1x1x16xi32>,
      %swap3A_1235 = arith.constant 1 : i32
      %swap3A_1236 = arith.index_cast %swap3A_1235 : i32 to index
      %swap3A_1237 = arith.constant 16 : index
      %swap3A_1238 = tpu.vector_load %arg7[%swap3A_1236, %swap3A_1237] {strides = array<i32>} : memref<2x144xf32, #tpu.memory_space<vmem>>, vector<1x16xf32>,
      %swap3A_1239 = vector.shape_cast %swap3A_1238 : vector<1x16xf32> to vector<16xf32>
      %swap3A_1240 = vector.shape_cast %sub3A_1186 : vector<16xf32> to vector<1x16xf32>
      tpu.vector_store %arg7[%swap3A_1236, %swap3A_1237], %swap3A_1240 {strides = array<i32>} : memref<2x144xf32, #tpu.memory_space<vmem>>, vector<1x16xf32>,
      %swap3A_1241 = arith.constant 1 : i32
      %swap3A_1242 = arith.index_cast %swap3A_1241 : i32 to index
      %swap3A_1243 = arith.constant 16 : index
      %swap3A_1244 = tpu.vector_load %arg8[%swap3A_1242, %swap3A_1243] {strides = array<i32>} : memref<2x144xf32, #tpu.memory_space<vmem>>, vector<1x16xf32>,
      %swap3A_1245 = vector.shape_cast %swap3A_1244 : vector<1x16xf32> to vector<16xf32>
      %swap3A_1246 = vector.shape_cast %sub3A_1184 : vector<16xf32> to vector<1x16xf32>
      tpu.vector_store %arg8[%swap3A_1242, %swap3A_1243], %swap3A_1246 {strides = array<i32>} : memref<2x144xf32, #tpu.memory_space<vmem>>, vector<1x16xf32>,
      %get3A_1247 = arith.constant 0 : i32
      %get3A_1248 = arith.index_cast %get3A_1247 : i32 to index
      %get3A_1249 = arith.constant 0 : index
      %get3A_1250 = tpu.vector_load %arg5[%get3A_1248, %get3A_1249] {strides = array<i32>} : memref<4x32xf32, #tpu.memory_space<vmem>>, vector<1x16xf32>,
      %get3A_1251 = vector.shape_cast %get3A_1250 : vector<1x16xf32> to vector<16xf32>
      %get3A_1252 = arith.constant 1 : i32
      %get3A_1253 = arith.index_cast %get3A_1252 : i32 to index
      %get3A_1254 = arith.constant 0 : index
      %get3A_1255 = tpu.vector_load %arg5[%get3A_1253, %get3A_1254] {strides = array<i32>} : memref<4x32xf32, #tpu.memory_space<vmem>>, vector<1x16xf32>,
      %get3A_1256 = vector.shape_cast %get3A_1255 : vector<1x16xf32> to vector<16xf32>
      %get3A_1257 = arith.constant 2 : i32
      %get3A_1258 = arith.index_cast %get3A_1257 : i32 to index
      %get3A_1259 = arith.constant 0 : index
      %get3A_1260 = tpu.vector_load %arg5[%get3A_1258, %get3A_1259] {strides = array<i32>} : memref<4x32xf32, #tpu.memory_space<vmem>>, vector<1x16xf32>,
      %get3A_1261 = vector.shape_cast %get3A_1260 : vector<1x16xf32> to vector<16xf32>
      %sub3A_1262 = arith.subf %get3A_1261, %get3A_1251 : vector<16xf32>
      %mul3A_1263 = arith.constant 0.0714285746 : f32
      %mul3A_1264 = vector.broadcast %mul3A_1263 : f32 to vector<16xf32>
      %mul3A_1265 = arith.mulf %sub3A_1262, %mul3A_1264 : vector<16xf32>
      %get3A_1266 = arith.constant 3 : i32
      %get3A_1267 = arith.index_cast %get3A_1266 : i32 to index
      %get3A_1268 = arith.constant 0 : index
      %get3A_1269 = tpu.vector_load %arg5[%get3A_1267, %get3A_1268] {strides = array<i32>} : memref<4x32xf32, #tpu.memory_space<vmem>>, vector<1x16xf32>,
      %get3A_1270 = vector.shape_cast %get3A_1269 : vector<1x16xf32> to vector<16xf32>
      %sub3A_1271 = arith.subf %get3A_1270, %get3A_1256 : vector<16xf32>
      %mul3A_1272 = arith.constant 0.0714285746 : f32
      %mul3A_1273 = vector.broadcast %mul3A_1272 : f32 to vector<16xf32>
      %mul3A_1274 = arith.mulf %sub3A_1271, %mul3A_1273 : vector<16xf32>
      %add3A_1275 = arith.constant 0.333333343 : f32
      %add3A_1276 = arith.addf %convert_element_type3A_1025, %add3A_1275 : f32
      %mul3A_1277 = vector.broadcast %add3A_1276 : f32 to vector<16xf32>
      %mul3A_1278 = arith.mulf %mul3A_1265, %mul3A_1277 : vector<16xf32>
      %add3A_1279 = arith.addf %get3A_1251, %mul3A_1278 : vector<16xf32>
      %add3A_1280 = arith.constant 0.666666686 : f32
      %add3A_1281 = arith.addf %convert_element_type3A_1026, %add3A_1280 : f32
      %mul3A_1282 = vector.broadcast %add3A_1281 : f32 to vector<16xf32>
      %mul3A_1283 = arith.mulf %mul3A_1274, %mul3A_1282 : vector<16xf32>
      %add3A_1284 = arith.addf %get3A_1256, %mul3A_1283 : vector<16xf32>
      %convert_element_type3A_1285 = arith.fptosi %add3A_1279 : vector<16xf32> to vector<16xi32>
      %min3A_1286 = arith.constant 222 : i32
      %min3A_1287 = vector.broadcast %min3A_1286 : i32 to vector<16xi32>
      %min3A_1288 = arith.minsi %convert_element_type3A_1285, %min3A_1287 : vector<16xi32>
      %convert_element_type3A_1289 = arith.fptosi %add3A_1284 : vector<16xf32> to vector<16xi32>
      %min3A_1290 = arith.constant 222 : i32
      %min3A_1291 = vector.broadcast %min3A_1290 : i32 to vector<16xi32>
      %min3A_1292 = arith.minsi %convert_element_type3A_1289, %min3A_1291 : vector<16xi32>
      %convert_element_type3A_1293 = arith.sitofp %min3A_1288 : vector<16xi32> to vector<16xf32>
      %sub3A_1294 = arith.subf %add3A_1279, %convert_element_type3A_1293 : vector<16xf32>
      %convert_element_type3A_1295 = arith.sitofp %min3A_1292 : vector<16xi32> to vector<16xf32>
      %sub3A_1296 = arith.subf %add3A_1284, %convert_element_type3A_1295 : vector<16xf32>
      %mul3A_1297 = arith.constant 224 : i32
      %mul3A_1298 = vector.broadcast %mul3A_1297 : i32 to vector<16xi32>
      %mul3A_1299 = arith.muli %min3A_1288, %mul3A_1298 : vector<16xi32>
      %add3A_1300 = arith.addi %mul3A_1299, %min3A_1292 : vector<16xi32>
      %swap3A_1301 = arith.constant 1 : i32
      %swap3A_1302 = arith.constant 0 : i32
      %swap3A_1303 = arith.index_cast %swap3A_1301 : i32 to index
      %swap3A_1304 = arith.index_cast %swap3A_1302 : i32 to index
      %swap3A_1305 = arith.constant 32 : index
      %swap3A_1306 = tpu.vector_load %arg6[%swap3A_1303, %swap3A_1304, %swap3A_1305] {strides = array<i32>} : memref<2x4x128xi32, #tpu.memory_space<vmem>>, vector<1x1x16xi32>,
      %swap3A_1307 = vector.shape_cast %swap3A_1306 : vector<1x1x16xi32> to vector<16xi32>
      %swap3A_1308 = vector.shape_cast %add3A_1300 : vector<16xi32> to vector<1x1x16xi32>
      tpu.vector_store %arg6[%swap3A_1303, %swap3A_1304, %swap3A_1305], %swap3A_1308 {strides = array<i32>} : memref<2x4x128xi32, #tpu.memory_space<vmem>>, vector<1x1x16xi32>,
      %add3A_1309 = arith.constant 1 : i32
      %add3A_1310 = vector.broadcast %add3A_1309 : i32 to vector<16xi32>
      %add3A_1311 = arith.addi %add3A_1300, %add3A_1310 : vector<16xi32>
      %swap3A_1312 = arith.constant 1 : i32
      %swap3A_1313 = arith.constant 1 : i32
      %swap3A_1314 = arith.index_cast %swap3A_1312 : i32 to index
      %swap3A_1315 = arith.index_cast %swap3A_1313 : i32 to index
      %swap3A_1316 = arith.constant 32 : index
      %swap3A_1317 = tpu.vector_load %arg6[%swap3A_1314, %swap3A_1315, %swap3A_1316] {strides = array<i32>} : memref<2x4x128xi32, #tpu.memory_space<vmem>>, vector<1x1x16xi32>,
      %swap3A_1318 = vector.shape_cast %swap3A_1317 : vector<1x1x16xi32> to vector<16xi32>
      %swap3A_1319 = vector.shape_cast %add3A_1311 : vector<16xi32> to vector<1x1x16xi32>
      tpu.vector_store %arg6[%swap3A_1314, %swap3A_1315, %swap3A_1316], %swap3A_1319 {strides = array<i32>} : memref<2x4x128xi32, #tpu.memory_space<vmem>>, vector<1x1x16xi32>,
      %add3A_1320 = arith.constant 224 : i32
      %add3A_1321 = vector.broadcast %add3A_1320 : i32 to vector<16xi32>
      %add3A_1322 = arith.addi %add3A_1300, %add3A_1321 : vector<16xi32>
      %swap3A_1323 = arith.constant 1 : i32
      %swap3A_1324 = arith.constant 2 : i32
      %swap3A_1325 = arith.index_cast %swap3A_1323 : i32 to index
      %swap3A_1326 = arith.index_cast %swap3A_1324 : i32 to index
      %swap3A_1327 = arith.constant 32 : index
      %swap3A_1328 = tpu.vector_load %arg6[%swap3A_1325, %swap3A_1326, %swap3A_1327] {strides = array<i32>} : memref<2x4x128xi32, #tpu.memory_space<vmem>>, vector<1x1x16xi32>,
      %swap3A_1329 = vector.shape_cast %swap3A_1328 : vector<1x1x16xi32> to vector<16xi32>
      %swap3A_1330 = vector.shape_cast %add3A_1322 : vector<16xi32> to vector<1x1x16xi32>
      tpu.vector_store %arg6[%swap3A_1325, %swap3A_1326, %swap3A_1327], %swap3A_1330 {strides = array<i32>} : memref<2x4x128xi32, #tpu.memory_space<vmem>>, vector<1x1x16xi32>,
      %add3A_1331 = arith.constant 224 : i32
      %add3A_1332 = vector.broadcast %add3A_1331 : i32 to vector<16xi32>
      %add3A_1333 = arith.addi %add3A_1300, %add3A_1332 : vector<16xi32>
      %add3A_1334 = arith.constant 1 : i32
      %add3A_1335 = vector.broadcast %add3A_1334 : i32 to vector<16xi32>
      %add3A_1336 = arith.addi %add3A_1333, %add3A_1335 : vector<16xi32>
      %swap3A_1337 = arith.constant 1 : i32
      %swap3A_1338 = arith.constant 3 : i32
      %swap3A_1339 = arith.index_cast %swap3A_1337 : i32 to index
      %swap3A_1340 = arith.index_cast %swap3A_1338 : i32 to index
      %swap3A_1341 = arith.constant 32 : index
      %swap3A_1342 = tpu.vector_load %arg6[%swap3A_1339, %swap3A_1340, %swap3A_1341] {strides = array<i32>} : memref<2x4x128xi32, #tpu.memory_space<vmem>>, vector<1x1x16xi32>,
      %swap3A_1343 = vector.shape_cast %swap3A_1342 : vector<1x1x16xi32> to vector<16xi32>
      %swap3A_1344 = vector.shape_cast %add3A_1336 : vector<16xi32> to vector<1x1x16xi32>
      tpu.vector_store %arg6[%swap3A_1339, %swap3A_1340, %swap3A_1341], %swap3A_1344 {strides = array<i32>} : memref<2x4x128xi32, #tpu.memory_space<vmem>>, vector<1x1x16xi32>,
      %swap3A_1345 = arith.constant 1 : i32
      %swap3A_1346 = arith.index_cast %swap3A_1345 : i32 to index
      %swap3A_1347 = arith.constant 32 : index
      %swap3A_1348 = tpu.vector_load %arg7[%swap3A_1346, %swap3A_1347] {strides = array<i32>} : memref<2x144xf32, #tpu.memory_space<vmem>>, vector<1x16xf32>,
      %swap3A_1349 = vector.shape_cast %swap3A_1348 : vector<1x16xf32> to vector<16xf32>
      %swap3A_1350 = vector.shape_cast %sub3A_1296 : vector<16xf32> to vector<1x16xf32>
      tpu.vector_store %arg7[%swap3A_1346, %swap3A_1347], %swap3A_1350 {strides = array<i32>} : memref<2x144xf32, #tpu.memory_space<vmem>>, vector<1x16xf32>,
      %swap3A_1351 = arith.constant 1 : i32
      %swap3A_1352 = arith.index_cast %swap3A_1351 : i32 to index
      %swap3A_1353 = arith.constant 32 : index
      %swap3A_1354 = tpu.vector_load %arg8[%swap3A_1352, %swap3A_1353] {strides = array<i32>} : memref<2x144xf32, #tpu.memory_space<vmem>>, vector<1x16xf32>,
      %swap3A_1355 = vector.shape_cast %swap3A_1354 : vector<1x16xf32> to vector<16xf32>
      %swap3A_1356 = vector.shape_cast %sub3A_1294 : vector<16xf32> to vector<1x16xf32>
      tpu.vector_store %arg8[%swap3A_1352, %swap3A_1353], %swap3A_1356 {strides = array<i32>} : memref<2x144xf32, #tpu.memory_space<vmem>>, vector<1x16xf32>,
      %get3A_1357 = arith.constant 0 : i32
      %get3A_1358 = arith.index_cast %get3A_1357 : i32 to index
      %get3A_1359 = arith.constant 16 : index
      %get3A_1360 = tpu.vector_load %arg5[%get3A_1358, %get3A_1359] {strides = array<i32>} : memref<4x32xf32, #tpu.memory_space<vmem>>, vector<1x16xf32>,
      %get3A_1361 = vector.shape_cast %get3A_1360 : vector<1x16xf32> to vector<16xf32>
      %get3A_1362 = arith.constant 1 : i32
      %get3A_1363 = arith.index_cast %get3A_1362 : i32 to index
      %get3A_1364 = arith.constant 16 : index
      %get3A_1365 = tpu.vector_load %arg5[%get3A_1363, %get3A_1364] {strides = array<i32>} : memref<4x32xf32, #tpu.memory_space<vmem>>, vector<1x16xf32>,
      %get3A_1366 = vector.shape_cast %get3A_1365 : vector<1x16xf32> to vector<16xf32>
      %get3A_1367 = arith.constant 2 : i32
      %get3A_1368 = arith.index_cast %get3A_1367 : i32 to index
      %get3A_1369 = arith.constant 16 : index
      %get3A_1370 = tpu.vector_load %arg5[%get3A_1368, %get3A_1369] {strides = array<i32>} : memref<4x32xf32, #tpu.memory_space<vmem>>, vector<1x16xf32>,
      %get3A_1371 = vector.shape_cast %get3A_1370 : vector<1x16xf32> to vector<16xf32>
      %sub3A_1372 = arith.subf %get3A_1371, %get3A_1361 : vector<16xf32>
      %mul3A_1373 = arith.constant 0.0714285746 : f32
      %mul3A_1374 = vector.broadcast %mul3A_1373 : f32 to vector<16xf32>
      %mul3A_1375 = arith.mulf %sub3A_1372, %mul3A_1374 : vector<16xf32>
      %get3A_1376 = arith.constant 3 : i32
      %get3A_1377 = arith.index_cast %get3A_1376 : i32 to index
      %get3A_1378 = arith.constant 16 : index
      %get3A_1379 = tpu.vector_load %arg5[%get3A_1377, %get3A_1378] {strides = array<i32>} : memref<4x32xf32, #tpu.memory_space<vmem>>, vector<1x16xf32>,
      %get3A_1380 = vector.shape_cast %get3A_1379 : vector<1x16xf32> to vector<16xf32>
      %sub3A_1381 = arith.subf %get3A_1380, %get3A_1366 : vector<16xf32>
      %mul3A_1382 = arith.constant 0.0714285746 : f32
      %mul3A_1383 = vector.broadcast %mul3A_1382 : f32 to vector<16xf32>
      %mul3A_1384 = arith.mulf %sub3A_1381, %mul3A_1383 : vector<16xf32>
      %add3A_1385 = arith.constant 0.333333343 : f32
      %add3A_1386 = arith.addf %convert_element_type3A_1025, %add3A_1385 : f32
      %mul3A_1387 = vector.broadcast %add3A_1386 : f32 to vector<16xf32>
      %mul3A_1388 = arith.mulf %mul3A_1375, %mul3A_1387 : vector<16xf32>
      %add3A_1389 = arith.addf %get3A_1361, %mul3A_1388 : vector<16xf32>
      %add3A_1390 = arith.constant 0.666666686 : f32
      %add3A_1391 = arith.addf %convert_element_type3A_1026, %add3A_1390 : f32
      %mul3A_1392 = vector.broadcast %add3A_1391 : f32 to vector<16xf32>
      %mul3A_1393 = arith.mulf %mul3A_1384, %mul3A_1392 : vector<16xf32>
      %add3A_1394 = arith.addf %get3A_1366, %mul3A_1393 : vector<16xf32>
      %convert_element_type3A_1395 = arith.fptosi %add3A_1389 : vector<16xf32> to vector<16xi32>
      %min3A_1396 = arith.constant 222 : i32
      %min3A_1397 = vector.broadcast %min3A_1396 : i32 to vector<16xi32>
      %min3A_1398 = arith.minsi %convert_element_type3A_1395, %min3A_1397 : vector<16xi32>
      %convert_element_type3A_1399 = arith.fptosi %add3A_1394 : vector<16xf32> to vector<16xi32>
      %min3A_1400 = arith.constant 222 : i32
      %min3A_1401 = vector.broadcast %min3A_1400 : i32 to vector<16xi32>
      %min3A_1402 = arith.minsi %convert_element_type3A_1399, %min3A_1401 : vector<16xi32>
      %convert_element_type3A_1403 = arith.sitofp %min3A_1398 : vector<16xi32> to vector<16xf32>
      %sub3A_1404 = arith.subf %add3A_1389, %convert_element_type3A_1403 : vector<16xf32>
      %convert_element_type3A_1405 = arith.sitofp %min3A_1402 : vector<16xi32> to vector<16xf32>
      %sub3A_1406 = arith.subf %add3A_1394, %convert_element_type3A_1405 : vector<16xf32>
      %mul3A_1407 = arith.constant 224 : i32
      %mul3A_1408 = vector.broadcast %mul3A_1407 : i32 to vector<16xi32>
      %mul3A_1409 = arith.muli %min3A_1398, %mul3A_1408 : vector<16xi32>
      %add3A_1410 = arith.addi %mul3A_1409, %min3A_1402 : vector<16xi32>
      %swap3A_1411 = arith.constant 1 : i32
      %swap3A_1412 = arith.constant 0 : i32
      %swap3A_1413 = arith.index_cast %swap3A_1411 : i32 to index
      %swap3A_1414 = arith.index_cast %swap3A_1412 : i32 to index
      %swap3A_1415 = arith.constant 48 : index
      %swap3A_1416 = tpu.vector_load %arg6[%swap3A_1413, %swap3A_1414, %swap3A_1415] {strides = array<i32>} : memref<2x4x128xi32, #tpu.memory_space<vmem>>, vector<1x1x16xi32>,
      %swap3A_1417 = vector.shape_cast %swap3A_1416 : vector<1x1x16xi32> to vector<16xi32>
      %swap3A_1418 = vector.shape_cast %add3A_1410 : vector<16xi32> to vector<1x1x16xi32>
      tpu.vector_store %arg6[%swap3A_1413, %swap3A_1414, %swap3A_1415], %swap3A_1418 {strides = array<i32>} : memref<2x4x128xi32, #tpu.memory_space<vmem>>, vector<1x1x16xi32>,
      %add3A_1419 = arith.constant 1 : i32
      %add3A_1420 = vector.broadcast %add3A_1419 : i32 to vector<16xi32>
      %add3A_1421 = arith.addi %add3A_1410, %add3A_1420 : vector<16xi32>
      %swap3A_1422 = arith.constant 1 : i32
      %swap3A_1423 = arith.constant 1 : i32
      %swap3A_1424 = arith.index_cast %swap3A_1422 : i32 to index
      %swap3A_1425 = arith.index_cast %swap3A_1423 : i32 to index
      %swap3A_1426 = arith.constant 48 : index
      %swap3A_1427 = tpu.vector_load %arg6[%swap3A_1424, %swap3A_1425, %swap3A_1426] {strides = array<i32>} : memref<2x4x128xi32, #tpu.memory_space<vmem>>, vector<1x1x16xi32>,
      %swap3A_1428 = vector.shape_cast %swap3A_1427 : vector<1x1x16xi32> to vector<16xi32>
      %swap3A_1429 = vector.shape_cast %add3A_1421 : vector<16xi32> to vector<1x1x16xi32>
      tpu.vector_store %arg6[%swap3A_1424, %swap3A_1425, %swap3A_1426], %swap3A_1429 {strides = array<i32>} : memref<2x4x128xi32, #tpu.memory_space<vmem>>, vector<1x1x16xi32>,
      %add3A_1430 = arith.constant 224 : i32
      %add3A_1431 = vector.broadcast %add3A_1430 : i32 to vector<16xi32>
      %add3A_1432 = arith.addi %add3A_1410, %add3A_1431 : vector<16xi32>
      %swap3A_1433 = arith.constant 1 : i32
      %swap3A_1434 = arith.constant 2 : i32
      %swap3A_1435 = arith.index_cast %swap3A_1433 : i32 to index
      %swap3A_1436 = arith.index_cast %swap3A_1434 : i32 to index
      %swap3A_1437 = arith.constant 48 : index
      %swap3A_1438 = tpu.vector_load %arg6[%swap3A_1435, %swap3A_1436, %swap3A_1437] {strides = array<i32>} : memref<2x4x128xi32, #tpu.memory_space<vmem>>, vector<1x1x16xi32>,
      %swap3A_1439 = vector.shape_cast %swap3A_1438 : vector<1x1x16xi32> to vector<16xi32>
      %swap3A_1440 = vector.shape_cast %add3A_1432 : vector<16xi32> to vector<1x1x16xi32>
      tpu.vector_store %arg6[%swap3A_1435, %swap3A_1436, %swap3A_1437], %swap3A_1440 {strides = array<i32>} : memref<2x4x128xi32, #tpu.memory_space<vmem>>, vector<1x1x16xi32>,
      %add3A_1441 = arith.constant 224 : i32
      %add3A_1442 = vector.broadcast %add3A_1441 : i32 to vector<16xi32>
      %add3A_1443 = arith.addi %add3A_1410, %add3A_1442 : vector<16xi32>
      %add3A_1444 = arith.constant 1 : i32
      %add3A_1445 = vector.broadcast %add3A_1444 : i32 to vector<16xi32>
      %add3A_1446 = arith.addi %add3A_1443, %add3A_1445 : vector<16xi32>
      %swap3A_1447 = arith.constant 1 : i32
      %swap3A_1448 = arith.constant 3 : i32
      %swap3A_1449 = arith.index_cast %swap3A_1447 : i32 to index
      %swap3A_1450 = arith.index_cast %swap3A_1448 : i32 to index
      %swap3A_1451 = arith.constant 48 : index
      %swap3A_1452 = tpu.vector_load %arg6[%swap3A_1449, %swap3A_1450, %swap3A_1451] {strides = array<i32>} : memref<2x4x128xi32, #tpu.memory_space<vmem>>, vector<1x1x16xi32>,
      %swap3A_1453 = vector.shape_cast %swap3A_1452 : vector<1x1x16xi32> to vector<16xi32>
      %swap3A_1454 = vector.shape_cast %add3A_1446 : vector<16xi32> to vector<1x1x16xi32>
      tpu.vector_store %arg6[%swap3A_1449, %swap3A_1450, %swap3A_1451], %swap3A_1454 {strides = array<i32>} : memref<2x4x128xi32, #tpu.memory_space<vmem>>, vector<1x1x16xi32>,
      %swap3A_1455 = arith.constant 1 : i32
      %swap3A_1456 = arith.index_cast %swap3A_1455 : i32 to index
      %swap3A_1457 = arith.constant 48 : index
      %swap3A_1458 = tpu.vector_load %arg7[%swap3A_1456, %swap3A_1457] {strides = array<i32>} : memref<2x144xf32, #tpu.memory_space<vmem>>, vector<1x16xf32>,
      %swap3A_1459 = vector.shape_cast %swap3A_1458 : vector<1x16xf32> to vector<16xf32>
      %swap3A_1460 = vector.shape_cast %sub3A_1406 : vector<16xf32> to vector<1x16xf32>
      tpu.vector_store %arg7[%swap3A_1456, %swap3A_1457], %swap3A_1460 {strides = array<i32>} : memref<2x144xf32, #tpu.memory_space<vmem>>, vector<1x16xf32>,
      %swap3A_1461 = arith.constant 1 : i32
      %swap3A_1462 = arith.index_cast %swap3A_1461 : i32 to index
      %swap3A_1463 = arith.constant 48 : index
      %swap3A_1464 = tpu.vector_load %arg8[%swap3A_1462, %swap3A_1463] {strides = array<i32>} : memref<2x144xf32, #tpu.memory_space<vmem>>, vector<1x16xf32>,
      %swap3A_1465 = vector.shape_cast %swap3A_1464 : vector<1x16xf32> to vector<16xf32>
      %swap3A_1466 = vector.shape_cast %sub3A_1404 : vector<16xf32> to vector<1x16xf32>
      tpu.vector_store %arg8[%swap3A_1462, %swap3A_1463], %swap3A_1466 {strides = array<i32>} : memref<2x144xf32, #tpu.memory_space<vmem>>, vector<1x16xf32>,
      %get3A_1467 = arith.constant 0 : i32
      %get3A_1468 = arith.index_cast %get3A_1467 : i32 to index
      %get3A_1469 = arith.constant 0 : index
      %get3A_1470 = tpu.vector_load %arg5[%get3A_1468, %get3A_1469] {strides = array<i32>} : memref<4x32xf32, #tpu.memory_space<vmem>>, vector<1x16xf32>,
      %get3A_1471 = vector.shape_cast %get3A_1470 : vector<1x16xf32> to vector<16xf32>
      %get3A_1472 = arith.constant 1 : i32
      %get3A_1473 = arith.index_cast %get3A_1472 : i32 to index
      %get3A_1474 = arith.constant 0 : index
      %get3A_1475 = tpu.vector_load %arg5[%get3A_1473, %get3A_1474] {strides = array<i32>} : memref<4x32xf32, #tpu.memory_space<vmem>>, vector<1x16xf32>,
      %get3A_1476 = vector.shape_cast %get3A_1475 : vector<1x16xf32> to vector<16xf32>
      %get3A_1477 = arith.constant 2 : i32
      %get3A_1478 = arith.index_cast %get3A_1477 : i32 to index
      %get3A_1479 = arith.constant 0 : index
      %get3A_1480 = tpu.vector_load %arg5[%get3A_1478, %get3A_1479] {strides = array<i32>} : memref<4x32xf32, #tpu.memory_space<vmem>>, vector<1x16xf32>,
      %get3A_1481 = vector.shape_cast %get3A_1480 : vector<1x16xf32> to vector<16xf32>
      %sub3A_1482 = arith.subf %get3A_1481, %get3A_1471 : vector<16xf32>
      %mul3A_1483 = arith.constant 0.0714285746 : f32
      %mul3A_1484 = vector.broadcast %mul3A_1483 : f32 to vector<16xf32>
      %mul3A_1485 = arith.mulf %sub3A_1482, %mul3A_1484 : vector<16xf32>
      %get3A_1486 = arith.constant 3 : i32
      %get3A_1487 = arith.index_cast %get3A_1486 : i32 to index
      %get3A_1488 = arith.constant 0 : index
      %get3A_1489 = tpu.vector_load %arg5[%get3A_1487, %get3A_1488] {strides = array<i32>} : memref<4x32xf32, #tpu.memory_space<vmem>>, vector<1x16xf32>,
      %get3A_1490 = vector.shape_cast %get3A_1489 : vector<1x16xf32> to vector<16xf32>
      %sub3A_1491 = arith.subf %get3A_1490, %get3A_1476 : vector<16xf32>
      %mul3A_1492 = arith.constant 0.0714285746 : f32
      %mul3A_1493 = vector.broadcast %mul3A_1492 : f32 to vector<16xf32>
      %mul3A_1494 = arith.mulf %sub3A_1491, %mul3A_1493 : vector<16xf32>
      %add3A_1495 = arith.constant 0.666666686 : f32
      %add3A_1496 = arith.addf %convert_element_type3A_1025, %add3A_1495 : f32
      %mul3A_1497 = vector.broadcast %add3A_1496 : f32 to vector<16xf32>
      %mul3A_1498 = arith.mulf %mul3A_1485, %mul3A_1497 : vector<16xf32>
      %add3A_1499 = arith.addf %get3A_1471, %mul3A_1498 : vector<16xf32>
      %add3A_1500 = arith.constant 0.333333343 : f32
      %add3A_1501 = arith.addf %convert_element_type3A_1026, %add3A_1500 : f32
      %mul3A_1502 = vector.broadcast %add3A_1501 : f32 to vector<16xf32>
      %mul3A_1503 = arith.mulf %mul3A_1494, %mul3A_1502 : vector<16xf32>
      %add3A_1504 = arith.addf %get3A_1476, %mul3A_1503 : vector<16xf32>
      %convert_element_type3A_1505 = arith.fptosi %add3A_1499 : vector<16xf32> to vector<16xi32>
      %min3A_1506 = arith.constant 222 : i32
      %min3A_1507 = vector.broadcast %min3A_1506 : i32 to vector<16xi32>
      %min3A_1508 = arith.minsi %convert_element_type3A_1505, %min3A_1507 : vector<16xi32>
      %convert_element_type3A_1509 = arith.fptosi %add3A_1504 : vector<16xf32> to vector<16xi32>
      %min3A_1510 = arith.constant 222 : i32
      %min3A_1511 = vector.broadcast %min3A_1510 : i32 to vector<16xi32>
      %min3A_1512 = arith.minsi %convert_element_type3A_1509, %min3A_1511 : vector<16xi32>
      %convert_element_type3A_1513 = arith.sitofp %min3A_1508 : vector<16xi32> to vector<16xf32>
      %sub3A_1514 = arith.subf %add3A_1499, %convert_element_type3A_1513 : vector<16xf32>
      %convert_element_type3A_1515 = arith.sitofp %min3A_1512 : vector<16xi32> to vector<16xf32>
      %sub3A_1516 = arith.subf %add3A_1504, %convert_element_type3A_1515 : vector<16xf32>
      %mul3A_1517 = arith.constant 224 : i32
      %mul3A_1518 = vector.broadcast %mul3A_1517 : i32 to vector<16xi32>
      %mul3A_1519 = arith.muli %min3A_1508, %mul3A_1518 : vector<16xi32>
      %add3A_1520 = arith.addi %mul3A_1519, %min3A_1512 : vector<16xi32>
      %swap3A_1521 = arith.constant 1 : i32
      %swap3A_1522 = arith.constant 0 : i32
      %swap3A_1523 = arith.index_cast %swap3A_1521 : i32 to index
      %swap3A_1524 = arith.index_cast %swap3A_1522 : i32 to index
      %swap3A_1525 = arith.constant 64 : index
      %swap3A_1526 = tpu.vector_load %arg6[%swap3A_1523, %swap3A_1524, %swap3A_1525] {strides = array<i32>} : memref<2x4x128xi32, #tpu.memory_space<vmem>>, vector<1x1x16xi32>,
      %swap3A_1527 = vector.shape_cast %swap3A_1526 : vector<1x1x16xi32> to vector<16xi32>
      %swap3A_1528 = vector.shape_cast %add3A_1520 : vector<16xi32> to vector<1x1x16xi32>
      tpu.vector_store %arg6[%swap3A_1523, %swap3A_1524, %swap3A_1525], %swap3A_1528 {strides = array<i32>} : memref<2x4x128xi32, #tpu.memory_space<vmem>>, vector<1x1x16xi32>,
      %add3A_1529 = arith.constant 1 : i32
      %add3A_1530 = vector.broadcast %add3A_1529 : i32 to vector<16xi32>
      %add3A_1531 = arith.addi %add3A_1520, %add3A_1530 : vector<16xi32>
      %swap3A_1532 = arith.constant 1 : i32
      %swap3A_1533 = arith.constant 1 : i32
      %swap3A_1534 = arith.index_cast %swap3A_1532 : i32 to index
      %swap3A_1535 = arith.index_cast %swap3A_1533 : i32 to index
      %swap3A_1536 = arith.constant 64 : index
      %swap3A_1537 = tpu.vector_load %arg6[%swap3A_1534, %swap3A_1535, %swap3A_1536] {strides = array<i32>} : memref<2x4x128xi32, #tpu.memory_space<vmem>>, vector<1x1x16xi32>,
      %swap3A_1538 = vector.shape_cast %swap3A_1537 : vector<1x1x16xi32> to vector<16xi32>
      %swap3A_1539 = vector.shape_cast %add3A_1531 : vector<16xi32> to vector<1x1x16xi32>
      tpu.vector_store %arg6[%swap3A_1534, %swap3A_1535, %swap3A_1536], %swap3A_1539 {strides = array<i32>} : memref<2x4x128xi32, #tpu.memory_space<vmem>>, vector<1x1x16xi32>,
      %add3A_1540 = arith.constant 224 : i32
      %add3A_1541 = vector.broadcast %add3A_1540 : i32 to vector<16xi32>
      %add3A_1542 = arith.addi %add3A_1520, %add3A_1541 : vector<16xi32>
      %swap3A_1543 = arith.constant 1 : i32
      %swap3A_1544 = arith.constant 2 : i32
      %swap3A_1545 = arith.index_cast %swap3A_1543 : i32 to index
      %swap3A_1546 = arith.index_cast %swap3A_1544 : i32 to index
      %swap3A_1547 = arith.constant 64 : index
      %swap3A_1548 = tpu.vector_load %arg6[%swap3A_1545, %swap3A_1546, %swap3A_1547] {strides = array<i32>} : memref<2x4x128xi32, #tpu.memory_space<vmem>>, vector<1x1x16xi32>,
      %swap3A_1549 = vector.shape_cast %swap3A_1548 : vector<1x1x16xi32> to vector<16xi32>
      %swap3A_1550 = vector.shape_cast %add3A_1542 : vector<16xi32> to vector<1x1x16xi32>
      tpu.vector_store %arg6[%swap3A_1545, %swap3A_1546, %swap3A_1547], %swap3A_1550 {strides = array<i32>} : memref<2x4x128xi32, #tpu.memory_space<vmem>>, vector<1x1x16xi32>,
      %add3A_1551 = arith.constant 224 : i32
      %add3A_1552 = vector.broadcast %add3A_1551 : i32 to vector<16xi32>
      %add3A_1553 = arith.addi %add3A_1520, %add3A_1552 : vector<16xi32>
      %add3A_1554 = arith.constant 1 : i32
      %add3A_1555 = vector.broadcast %add3A_1554 : i32 to vector<16xi32>
      %add3A_1556 = arith.addi %add3A_1553, %add3A_1555 : vector<16xi32>
      %swap3A_1557 = arith.constant 1 : i32
      %swap3A_1558 = arith.constant 3 : i32
      %swap3A_1559 = arith.index_cast %swap3A_1557 : i32 to index
      %swap3A_1560 = arith.index_cast %swap3A_1558 : i32 to index
      %swap3A_1561 = arith.constant 64 : index
      %swap3A_1562 = tpu.vector_load %arg6[%swap3A_1559, %swap3A_1560, %swap3A_1561] {strides = array<i32>} : memref<2x4x128xi32, #tpu.memory_space<vmem>>, vector<1x1x16xi32>,
      %swap3A_1563 = vector.shape_cast %swap3A_1562 : vector<1x1x16xi32> to vector<16xi32>
      %swap3A_1564 = vector.shape_cast %add3A_1556 : vector<16xi32> to vector<1x1x16xi32>
      tpu.vector_store %arg6[%swap3A_1559, %swap3A_1560, %swap3A_1561], %swap3A_1564 {strides = array<i32>} : memref<2x4x128xi32, #tpu.memory_space<vmem>>, vector<1x1x16xi32>,
      %swap3A_1565 = arith.constant 1 : i32
      %swap3A_1566 = arith.index_cast %swap3A_1565 : i32 to index
      %swap3A_1567 = arith.constant 64 : index
      %swap3A_1568 = tpu.vector_load %arg7[%swap3A_1566, %swap3A_1567] {strides = array<i32>} : memref<2x144xf32, #tpu.memory_space<vmem>>, vector<1x16xf32>,
      %swap3A_1569 = vector.shape_cast %swap3A_1568 : vector<1x16xf32> to vector<16xf32>
      %swap3A_1570 = vector.shape_cast %sub3A_1516 : vector<16xf32> to vector<1x16xf32>
      tpu.vector_store %arg7[%swap3A_1566, %swap3A_1567], %swap3A_1570 {strides = array<i32>} : memref<2x144xf32, #tpu.memory_space<vmem>>, vector<1x16xf32>,
      %swap3A_1571 = arith.constant 1 : i32
      %swap3A_1572 = arith.index_cast %swap3A_1571 : i32 to index
      %swap3A_1573 = arith.constant 64 : index
      %swap3A_1574 = tpu.vector_load %arg8[%swap3A_1572, %swap3A_1573] {strides = array<i32>} : memref<2x144xf32, #tpu.memory_space<vmem>>, vector<1x16xf32>,
      %swap3A_1575 = vector.shape_cast %swap3A_1574 : vector<1x16xf32> to vector<16xf32>
      %swap3A_1576 = vector.shape_cast %sub3A_1514 : vector<16xf32> to vector<1x16xf32>
      tpu.vector_store %arg8[%swap3A_1572, %swap3A_1573], %swap3A_1576 {strides = array<i32>} : memref<2x144xf32, #tpu.memory_space<vmem>>, vector<1x16xf32>,
      %get3A_1577 = arith.constant 0 : i32
      %get3A_1578 = arith.index_cast %get3A_1577 : i32 to index
      %get3A_1579 = arith.constant 16 : index
      %get3A_1580 = tpu.vector_load %arg5[%get3A_1578, %get3A_1579] {strides = array<i32>} : memref<4x32xf32, #tpu.memory_space<vmem>>, vector<1x16xf32>,
      %get3A_1581 = vector.shape_cast %get3A_1580 : vector<1x16xf32> to vector<16xf32>
      %get3A_1582 = arith.constant 1 : i32
      %get3A_1583 = arith.index_cast %get3A_1582 : i32 to index
      %get3A_1584 = arith.constant 16 : index
      %get3A_1585 = tpu.vector_load %arg5[%get3A_1583, %get3A_1584] {strides = array<i32>} : memref<4x32xf32, #tpu.memory_space<vmem>>, vector<1x16xf32>,
      %get3A_1586 = vector.shape_cast %get3A_1585 : vector<1x16xf32> to vector<16xf32>
      %get3A_1587 = arith.constant 2 : i32
      %get3A_1588 = arith.index_cast %get3A_1587 : i32 to index
      %get3A_1589 = arith.constant 16 : index
      %get3A_1590 = tpu.vector_load %arg5[%get3A_1588, %get3A_1589] {strides = array<i32>} : memref<4x32xf32, #tpu.memory_space<vmem>>, vector<1x16xf32>,
      %get3A_1591 = vector.shape_cast %get3A_1590 : vector<1x16xf32> to vector<16xf32>
      %sub3A_1592 = arith.subf %get3A_1591, %get3A_1581 : vector<16xf32>
      %mul3A_1593 = arith.constant 0.0714285746 : f32
      %mul3A_1594 = vector.broadcast %mul3A_1593 : f32 to vector<16xf32>
      %mul3A_1595 = arith.mulf %sub3A_1592, %mul3A_1594 : vector<16xf32>
      %get3A_1596 = arith.constant 3 : i32
      %get3A_1597 = arith.index_cast %get3A_1596 : i32 to index
      %get3A_1598 = arith.constant 16 : index
      %get3A_1599 = tpu.vector_load %arg5[%get3A_1597, %get3A_1598] {strides = array<i32>} : memref<4x32xf32, #tpu.memory_space<vmem>>, vector<1x16xf32>,
      %get3A_1600 = vector.shape_cast %get3A_1599 : vector<1x16xf32> to vector<16xf32>
      %sub3A_1601 = arith.subf %get3A_1600, %get3A_1586 : vector<16xf32>
      %mul3A_1602 = arith.constant 0.0714285746 : f32
      %mul3A_1603 = vector.broadcast %mul3A_1602 : f32 to vector<16xf32>
      %mul3A_1604 = arith.mulf %sub3A_1601, %mul3A_1603 : vector<16xf32>
      %add3A_1605 = arith.constant 0.666666686 : f32
      %add3A_1606 = arith.addf %convert_element_type3A_1025, %add3A_1605 : f32
      %mul3A_1607 = vector.broadcast %add3A_1606 : f32 to vector<16xf32>
      %mul3A_1608 = arith.mulf %mul3A_1595, %mul3A_1607 : vector<16xf32>
      %add3A_1609 = arith.addf %get3A_1581, %mul3A_1608 : vector<16xf32>
      %add3A_1610 = arith.constant 0.333333343 : f32
      %add3A_1611 = arith.addf %convert_element_type3A_1026, %add3A_1610 : f32
      %mul3A_1612 = vector.broadcast %add3A_1611 : f32 to vector<16xf32>
      %mul3A_1613 = arith.mulf %mul3A_1604, %mul3A_1612 : vector<16xf32>
      %add3A_1614 = arith.addf %get3A_1586, %mul3A_1613 : vector<16xf32>
      %convert_element_type3A_1615 = arith.fptosi %add3A_1609 : vector<16xf32> to vector<16xi32>
      %min3A_1616 = arith.constant 222 : i32
      %min3A_1617 = vector.broadcast %min3A_1616 : i32 to vector<16xi32>
      %min3A_1618 = arith.minsi %convert_element_type3A_1615, %min3A_1617 : vector<16xi32>
      %convert_element_type3A_1619 = arith.fptosi %add3A_1614 : vector<16xf32> to vector<16xi32>
      %min3A_1620 = arith.constant 222 : i32
      %min3A_1621 = vector.broadcast %min3A_1620 : i32 to vector<16xi32>
      %min3A_1622 = arith.minsi %convert_element_type3A_1619, %min3A_1621 : vector<16xi32>
      %convert_element_type3A_1623 = arith.sitofp %min3A_1618 : vector<16xi32> to vector<16xf32>
      %sub3A_1624 = arith.subf %add3A_1609, %convert_element_type3A_1623 : vector<16xf32>
      %convert_element_type3A_1625 = arith.sitofp %min3A_1622 : vector<16xi32> to vector<16xf32>
      %sub3A_1626 = arith.subf %add3A_1614, %convert_element_type3A_1625 : vector<16xf32>
      %mul3A_1627 = arith.constant 224 : i32
      %mul3A_1628 = vector.broadcast %mul3A_1627 : i32 to vector<16xi32>
      %mul3A_1629 = arith.muli %min3A_1618, %mul3A_1628 : vector<16xi32>
      %add3A_1630 = arith.addi %mul3A_1629, %min3A_1622 : vector<16xi32>
      %swap3A_1631 = arith.constant 1 : i32
      %swap3A_1632 = arith.constant 0 : i32
      %swap3A_1633 = arith.index_cast %swap3A_1631 : i32 to index
      %swap3A_1634 = arith.index_cast %swap3A_1632 : i32 to index
      %swap3A_1635 = arith.constant 80 : index
      %swap3A_1636 = tpu.vector_load %arg6[%swap3A_1633, %swap3A_1634, %swap3A_1635] {strides = array<i32>} : memref<2x4x128xi32, #tpu.memory_space<vmem>>, vector<1x1x16xi32>,
      %swap3A_1637 = vector.shape_cast %swap3A_1636 : vector<1x1x16xi32> to vector<16xi32>
      %swap3A_1638 = vector.shape_cast %add3A_1630 : vector<16xi32> to vector<1x1x16xi32>
      tpu.vector_store %arg6[%swap3A_1633, %swap3A_1634, %swap3A_1635], %swap3A_1638 {strides = array<i32>} : memref<2x4x128xi32, #tpu.memory_space<vmem>>, vector<1x1x16xi32>,
      %add3A_1639 = arith.constant 1 : i32
      %add3A_1640 = vector.broadcast %add3A_1639 : i32 to vector<16xi32>
      %add3A_1641 = arith.addi %add3A_1630, %add3A_1640 : vector<16xi32>
      %swap3A_1642 = arith.constant 1 : i32
      %swap3A_1643 = arith.constant 1 : i32
      %swap3A_1644 = arith.index_cast %swap3A_1642 : i32 to index
      %swap3A_1645 = arith.index_cast %swap3A_1643 : i32 to index
      %swap3A_1646 = arith.constant 80 : index
      %swap3A_1647 = tpu.vector_load %arg6[%swap3A_1644, %swap3A_1645, %swap3A_1646] {strides = array<i32>} : memref<2x4x128xi32, #tpu.memory_space<vmem>>, vector<1x1x16xi32>,
      %swap3A_1648 = vector.shape_cast %swap3A_1647 : vector<1x1x16xi32> to vector<16xi32>
      %swap3A_1649 = vector.shape_cast %add3A_1641 : vector<16xi32> to vector<1x1x16xi32>
      tpu.vector_store %arg6[%swap3A_1644, %swap3A_1645, %swap3A_1646], %swap3A_1649 {strides = array<i32>} : memref<2x4x128xi32, #tpu.memory_space<vmem>>, vector<1x1x16xi32>,
      %add3A_1650 = arith.constant 224 : i32
      %add3A_1651 = vector.broadcast %add3A_1650 : i32 to vector<16xi32>
      %add3A_1652 = arith.addi %add3A_1630, %add3A_1651 : vector<16xi32>
      %swap3A_1653 = arith.constant 1 : i32
      %swap3A_1654 = arith.constant 2 : i32
      %swap3A_1655 = arith.index_cast %swap3A_1653 : i32 to index
      %swap3A_1656 = arith.index_cast %swap3A_1654 : i32 to index
      %swap3A_1657 = arith.constant 80 : index
      %swap3A_1658 = tpu.vector_load %arg6[%swap3A_1655, %swap3A_1656, %swap3A_1657] {strides = array<i32>} : memref<2x4x128xi32, #tpu.memory_space<vmem>>, vector<1x1x16xi32>,
      %swap3A_1659 = vector.shape_cast %swap3A_1658 : vector<1x1x16xi32> to vector<16xi32>
      %swap3A_1660 = vector.shape_cast %add3A_1652 : vector<16xi32> to vector<1x1x16xi32>
      tpu.vector_store %arg6[%swap3A_1655, %swap3A_1656, %swap3A_1657], %swap3A_1660 {strides = array<i32>} : memref<2x4x128xi32, #tpu.memory_space<vmem>>, vector<1x1x16xi32>,
      %add3A_1661 = arith.constant 224 : i32
      %add3A_1662 = vector.broadcast %add3A_1661 : i32 to vector<16xi32>
      %add3A_1663 = arith.addi %add3A_1630, %add3A_1662 : vector<16xi32>
      %add3A_1664 = arith.constant 1 : i32
      %add3A_1665 = vector.broadcast %add3A_1664 : i32 to vector<16xi32>
      %add3A_1666 = arith.addi %add3A_1663, %add3A_1665 : vector<16xi32>
      %swap3A_1667 = arith.constant 1 : i32
      %swap3A_1668 = arith.constant 3 : i32
      %swap3A_1669 = arith.index_cast %swap3A_1667 : i32 to index
      %swap3A_1670 = arith.index_cast %swap3A_1668 : i32 to index
      %swap3A_1671 = arith.constant 80 : index
      %swap3A_1672 = tpu.vector_load %arg6[%swap3A_1669, %swap3A_1670, %swap3A_1671] {strides = array<i32>} : memref<2x4x128xi32, #tpu.memory_space<vmem>>, vector<1x1x16xi32>,
      %swap3A_1673 = vector.shape_cast %swap3A_1672 : vector<1x1x16xi32> to vector<16xi32>
      %swap3A_1674 = vector.shape_cast %add3A_1666 : vector<16xi32> to vector<1x1x16xi32>
      tpu.vector_store %arg6[%swap3A_1669, %swap3A_1670, %swap3A_1671], %swap3A_1674 {strides = array<i32>} : memref<2x4x128xi32, #tpu.memory_space<vmem>>, vector<1x1x16xi32>,
      %swap3A_1675 = arith.constant 1 : i32
      %swap3A_1676 = arith.index_cast %swap3A_1675 : i32 to index
      %swap3A_1677 = arith.constant 80 : index
      %swap3A_1678 = tpu.vector_load %arg7[%swap3A_1676, %swap3A_1677] {strides = array<i32>} : memref<2x144xf32, #tpu.memory_space<vmem>>, vector<1x16xf32>,
      %swap3A_1679 = vector.shape_cast %swap3A_1678 : vector<1x16xf32> to vector<16xf32>
      %swap3A_1680 = vector.shape_cast %sub3A_1626 : vector<16xf32> to vector<1x16xf32>
      tpu.vector_store %arg7[%swap3A_1676, %swap3A_1677], %swap3A_1680 {strides = array<i32>} : memref<2x144xf32, #tpu.memory_space<vmem>>, vector<1x16xf32>,
      %swap3A_1681 = arith.constant 1 : i32
      %swap3A_1682 = arith.index_cast %swap3A_1681 : i32 to index
      %swap3A_1683 = arith.constant 80 : index
      %swap3A_1684 = tpu.vector_load %arg8[%swap3A_1682, %swap3A_1683] {strides = array<i32>} : memref<2x144xf32, #tpu.memory_space<vmem>>, vector<1x16xf32>,
      %swap3A_1685 = vector.shape_cast %swap3A_1684 : vector<1x16xf32> to vector<16xf32>
      %swap3A_1686 = vector.shape_cast %sub3A_1624 : vector<16xf32> to vector<1x16xf32>
      tpu.vector_store %arg8[%swap3A_1682, %swap3A_1683], %swap3A_1686 {strides = array<i32>} : memref<2x144xf32, #tpu.memory_space<vmem>>, vector<1x16xf32>,
      %get3A_1687 = arith.constant 0 : i32
      %get3A_1688 = arith.index_cast %get3A_1687 : i32 to index
      %get3A_1689 = arith.constant 0 : index
      %get3A_1690 = tpu.vector_load %arg5[%get3A_1688, %get3A_1689] {strides = array<i32>} : memref<4x32xf32, #tpu.memory_space<vmem>>, vector<1x16xf32>,
      %get3A_1691 = vector.shape_cast %get3A_1690 : vector<1x16xf32> to vector<16xf32>
      %get3A_1692 = arith.constant 1 : i32
      %get3A_1693 = arith.index_cast %get3A_1692 : i32 to index
      %get3A_1694 = arith.constant 0 : index
      %get3A_1695 = tpu.vector_load %arg5[%get3A_1693, %get3A_1694] {strides = array<i32>} : memref<4x32xf32, #tpu.memory_space<vmem>>, vector<1x16xf32>,
      %get3A_1696 = vector.shape_cast %get3A_1695 : vector<1x16xf32> to vector<16xf32>
      %get3A_1697 = arith.constant 2 : i32
      %get3A_1698 = arith.index_cast %get3A_1697 : i32 to index
      %get3A_1699 = arith.constant 0 : index
      %get3A_1700 = tpu.vector_load %arg5[%get3A_1698, %get3A_1699] {strides = array<i32>} : memref<4x32xf32, #tpu.memory_space<vmem>>, vector<1x16xf32>,
      %get3A_1701 = vector.shape_cast %get3A_1700 : vector<1x16xf32> to vector<16xf32>
      %sub3A_1702 = arith.subf %get3A_1701, %get3A_1691 : vector<16xf32>
      %mul3A_1703 = arith.constant 0.0714285746 : f32
      %mul3A_1704 = vector.broadcast %mul3A_1703 : f32 to vector<16xf32>
      %mul3A_1705 = arith.mulf %sub3A_1702, %mul3A_1704 : vector<16xf32>
      %get3A_1706 = arith.constant 3 : i32
      %get3A_1707 = arith.index_cast %get3A_1706 : i32 to index
      %get3A_1708 = arith.constant 0 : index
      %get3A_1709 = tpu.vector_load %arg5[%get3A_1707, %get3A_1708] {strides = array<i32>} : memref<4x32xf32, #tpu.memory_space<vmem>>, vector<1x16xf32>,
      %get3A_1710 = vector.shape_cast %get3A_1709 : vector<1x16xf32> to vector<16xf32>
      %sub3A_1711 = arith.subf %get3A_1710, %get3A_1696 : vector<16xf32>
      %mul3A_1712 = arith.constant 0.0714285746 : f32
      %mul3A_1713 = vector.broadcast %mul3A_1712 : f32 to vector<16xf32>
      %mul3A_1714 = arith.mulf %sub3A_1711, %mul3A_1713 : vector<16xf32>
      %add3A_1715 = arith.constant 0.666666686 : f32
      %add3A_1716 = arith.addf %convert_element_type3A_1025, %add3A_1715 : f32
      %mul3A_1717 = vector.broadcast %add3A_1716 : f32 to vector<16xf32>
      %mul3A_1718 = arith.mulf %mul3A_1705, %mul3A_1717 : vector<16xf32>
      %add3A_1719 = arith.addf %get3A_1691, %mul3A_1718 : vector<16xf32>
      %add3A_1720 = arith.constant 0.666666686 : f32
      %add3A_1721 = arith.addf %convert_element_type3A_1026, %add3A_1720 : f32
      %mul3A_1722 = vector.broadcast %add3A_1721 : f32 to vector<16xf32>
      %mul3A_1723 = arith.mulf %mul3A_1714, %mul3A_1722 : vector<16xf32>
      %add3A_1724 = arith.addf %get3A_1696, %mul3A_1723 : vector<16xf32>
      %convert_element_type3A_1725 = arith.fptosi %add3A_1719 : vector<16xf32> to vector<16xi32>
      %min3A_1726 = arith.constant 222 : i32
      %min3A_1727 = vector.broadcast %min3A_1726 : i32 to vector<16xi32>
      %min3A_1728 = arith.minsi %convert_element_type3A_1725, %min3A_1727 : vector<16xi32>
      %convert_element_type3A_1729 = arith.fptosi %add3A_1724 : vector<16xf32> to vector<16xi32>
      %min3A_1730 = arith.constant 222 : i32
      %min3A_1731 = vector.broadcast %min3A_1730 : i32 to vector<16xi32>
      %min3A_1732 = arith.minsi %convert_element_type3A_1729, %min3A_1731 : vector<16xi32>
      %convert_element_type3A_1733 = arith.sitofp %min3A_1728 : vector<16xi32> to vector<16xf32>
      %sub3A_1734 = arith.subf %add3A_1719, %convert_element_type3A_1733 : vector<16xf32>
      %convert_element_type3A_1735 = arith.sitofp %min3A_1732 : vector<16xi32> to vector<16xf32>
      %sub3A_1736 = arith.subf %add3A_1724, %convert_element_type3A_1735 : vector<16xf32>
      %mul3A_1737 = arith.constant 224 : i32
      %mul3A_1738 = vector.broadcast %mul3A_1737 : i32 to vector<16xi32>
      %mul3A_1739 = arith.muli %min3A_1728, %mul3A_1738 : vector<16xi32>
      %add3A_1740 = arith.addi %mul3A_1739, %min3A_1732 : vector<16xi32>
      %swap3A_1741 = arith.constant 1 : i32
      %swap3A_1742 = arith.constant 0 : i32
      %swap3A_1743 = arith.index_cast %swap3A_1741 : i32 to index
      %swap3A_1744 = arith.index_cast %swap3A_1742 : i32 to index
      %swap3A_1745 = arith.constant 96 : index
      %swap3A_1746 = tpu.vector_load %arg6[%swap3A_1743, %swap3A_1744, %swap3A_1745] {strides = array<i32>} : memref<2x4x128xi32, #tpu.memory_space<vmem>>, vector<1x1x16xi32>,
      %swap3A_1747 = vector.shape_cast %swap3A_1746 : vector<1x1x16xi32> to vector<16xi32>
      %swap3A_1748 = vector.shape_cast %add3A_1740 : vector<16xi32> to vector<1x1x16xi32>
      tpu.vector_store %arg6[%swap3A_1743, %swap3A_1744, %swap3A_1745], %swap3A_1748 {strides = array<i32>} : memref<2x4x128xi32, #tpu.memory_space<vmem>>, vector<1x1x16xi32>,
      %add3A_1749 = arith.constant 1 : i32
      %add3A_1750 = vector.broadcast %add3A_1749 : i32 to vector<16xi32>
      %add3A_1751 = arith.addi %add3A_1740, %add3A_1750 : vector<16xi32>
      %swap3A_1752 = arith.constant 1 : i32
      %swap3A_1753 = arith.constant 1 : i32
      %swap3A_1754 = arith.index_cast %swap3A_1752 : i32 to index
      %swap3A_1755 = arith.index_cast %swap3A_1753 : i32 to index
      %swap3A_1756 = arith.constant 96 : index
      %swap3A_1757 = tpu.vector_load %arg6[%swap3A_1754, %swap3A_1755, %swap3A_1756] {strides = array<i32>} : memref<2x4x128xi32, #tpu.memory_space<vmem>>, vector<1x1x16xi32>,
      %swap3A_1758 = vector.shape_cast %swap3A_1757 : vector<1x1x16xi32> to vector<16xi32>
      %swap3A_1759 = vector.shape_cast %add3A_1751 : vector<16xi32> to vector<1x1x16xi32>
      tpu.vector_store %arg6[%swap3A_1754, %swap3A_1755, %swap3A_1756], %swap3A_1759 {strides = array<i32>} : memref<2x4x128xi32, #tpu.memory_space<vmem>>, vector<1x1x16xi32>,
      %add3A_1760 = arith.constant 224 : i32
      %add3A_1761 = vector.broadcast %add3A_1760 : i32 to vector<16xi32>
      %add3A_1762 = arith.addi %add3A_1740, %add3A_1761 : vector<16xi32>
      %swap3A_1763 = arith.constant 1 : i32
      %swap3A_1764 = arith.constant 2 : i32
      %swap3A_1765 = arith.index_cast %swap3A_1763 : i32 to index
      %swap3A_1766 = arith.index_cast %swap3A_1764 : i32 to index
      %swap3A_1767 = arith.constant 96 : index
      %swap3A_1768 = tpu.vector_load %arg6[%swap3A_1765, %swap3A_1766, %swap3A_1767] {strides = array<i32>} : memref<2x4x128xi32, #tpu.memory_space<vmem>>, vector<1x1x16xi32>,
      %swap3A_1769 = vector.shape_cast %swap3A_1768 : vector<1x1x16xi32> to vector<16xi32>
      %swap3A_1770 = vector.shape_cast %add3A_1762 : vector<16xi32> to vector<1x1x16xi32>
      tpu.vector_store %arg6[%swap3A_1765, %swap3A_1766, %swap3A_1767], %swap3A_1770 {strides = array<i32>} : memref<2x4x128xi32, #tpu.memory_space<vmem>>, vector<1x1x16xi32>,
      %add3A_1771 = arith.constant 224 : i32
      %add3A_1772 = vector.broadcast %add3A_1771 : i32 to vector<16xi32>
      %add3A_1773 = arith.addi %add3A_1740, %add3A_1772 : vector<16xi32>
      %add3A_1774 = arith.constant 1 : i32
      %add3A_1775 = vector.broadcast %add3A_1774 : i32 to vector<16xi32>
      %add3A_1776 = arith.addi %add3A_1773, %add3A_1775 : vector<16xi32>
      %swap3A_1777 = arith.constant 1 : i32
      %swap3A_1778 = arith.constant 3 : i32
      %swap3A_1779 = arith.index_cast %swap3A_1777 : i32 to index
      %swap3A_1780 = arith.index_cast %swap3A_1778 : i32 to index
      %swap3A_1781 = arith.constant 96 : index
      %swap3A_1782 = tpu.vector_load %arg6[%swap3A_1779, %swap3A_1780, %swap3A_1781] {strides = array<i32>} : memref<2x4x128xi32, #tpu.memory_space<vmem>>, vector<1x1x16xi32>,
      %swap3A_1783 = vector.shape_cast %swap3A_1782 : vector<1x1x16xi32> to vector<16xi32>
      %swap3A_1784 = vector.shape_cast %add3A_1776 : vector<16xi32> to vector<1x1x16xi32>
      tpu.vector_store %arg6[%swap3A_1779, %swap3A_1780, %swap3A_1781], %swap3A_1784 {strides = array<i32>} : memref<2x4x128xi32, #tpu.memory_space<vmem>>, vector<1x1x16xi32>,
      %swap3A_1785 = arith.constant 1 : i32
      %swap3A_1786 = arith.index_cast %swap3A_1785 : i32 to index
      %swap3A_1787 = arith.constant 96 : index
      %swap3A_1788 = tpu.vector_load %arg7[%swap3A_1786, %swap3A_1787] {strides = array<i32>} : memref<2x144xf32, #tpu.memory_space<vmem>>, vector<1x16xf32>,
      %swap3A_1789 = vector.shape_cast %swap3A_1788 : vector<1x16xf32> to vector<16xf32>
      %swap3A_1790 = vector.shape_cast %sub3A_1736 : vector<16xf32> to vector<1x16xf32>
      tpu.vector_store %arg7[%swap3A_1786, %swap3A_1787], %swap3A_1790 {strides = array<i32>} : memref<2x144xf32, #tpu.memory_space<vmem>>, vector<1x16xf32>,
      %swap3A_1791 = arith.constant 1 : i32
      %swap3A_1792 = arith.index_cast %swap3A_1791 : i32 to index
      %swap3A_1793 = arith.constant 96 : index
      %swap3A_1794 = tpu.vector_load %arg8[%swap3A_1792, %swap3A_1793] {strides = array<i32>} : memref<2x144xf32, #tpu.memory_space<vmem>>, vector<1x16xf32>,
      %swap3A_1795 = vector.shape_cast %swap3A_1794 : vector<1x16xf32> to vector<16xf32>
      %swap3A_1796 = vector.shape_cast %sub3A_1734 : vector<16xf32> to vector<1x16xf32>
      tpu.vector_store %arg8[%swap3A_1792, %swap3A_1793], %swap3A_1796 {strides = array<i32>} : memref<2x144xf32, #tpu.memory_space<vmem>>, vector<1x16xf32>,
      %get3A_1797 = arith.constant 0 : i32
      %get3A_1798 = arith.index_cast %get3A_1797 : i32 to index
      %get3A_1799 = arith.constant 16 : index
      %get3A_1800 = tpu.vector_load %arg5[%get3A_1798, %get3A_1799] {strides = array<i32>} : memref<4x32xf32, #tpu.memory_space<vmem>>, vector<1x16xf32>,
      %get3A_1801 = vector.shape_cast %get3A_1800 : vector<1x16xf32> to vector<16xf32>
      %get3A_1802 = arith.constant 1 : i32
      %get3A_1803 = arith.index_cast %get3A_1802 : i32 to index
      %get3A_1804 = arith.constant 16 : index
      %get3A_1805 = tpu.vector_load %arg5[%get3A_1803, %get3A_1804] {strides = array<i32>} : memref<4x32xf32, #tpu.memory_space<vmem>>, vector<1x16xf32>,
      %get3A_1806 = vector.shape_cast %get3A_1805 : vector<1x16xf32> to vector<16xf32>
      %get3A_1807 = arith.constant 2 : i32
      %get3A_1808 = arith.index_cast %get3A_1807 : i32 to index
      %get3A_1809 = arith.constant 16 : index
      %get3A_1810 = tpu.vector_load %arg5[%get3A_1808, %get3A_1809] {strides = array<i32>} : memref<4x32xf32, #tpu.memory_space<vmem>>, vector<1x16xf32>,
      %get3A_1811 = vector.shape_cast %get3A_1810 : vector<1x16xf32> to vector<16xf32>
      %sub3A_1812 = arith.subf %get3A_1811, %get3A_1801 : vector<16xf32>
      %mul3A_1813 = arith.constant 0.0714285746 : f32
      %mul3A_1814 = vector.broadcast %mul3A_1813 : f32 to vector<16xf32>
      %mul3A_1815 = arith.mulf %sub3A_1812, %mul3A_1814 : vector<16xf32>
      %get3A_1816 = arith.constant 3 : i32
      %get3A_1817 = arith.index_cast %get3A_1816 : i32 to index
      %get3A_1818 = arith.constant 16 : index
      %get3A_1819 = tpu.vector_load %arg5[%get3A_1817, %get3A_1818] {strides = array<i32>} : memref<4x32xf32, #tpu.memory_space<vmem>>, vector<1x16xf32>,
      %get3A_1820 = vector.shape_cast %get3A_1819 : vector<1x16xf32> to vector<16xf32>
      %sub3A_1821 = arith.subf %get3A_1820, %get3A_1806 : vector<16xf32>
      %mul3A_1822 = arith.constant 0.0714285746 : f32
      %mul3A_1823 = vector.broadcast %mul3A_1822 : f32 to vector<16xf32>
      %mul3A_1824 = arith.mulf %sub3A_1821, %mul3A_1823 : vector<16xf32>
      %add3A_1825 = arith.constant 0.666666686 : f32
      %add3A_1826 = arith.addf %convert_element_type3A_1025, %add3A_1825 : f32
      %mul3A_1827 = vector.broadcast %add3A_1826 : f32 to vector<16xf32>
      %mul3A_1828 = arith.mulf %mul3A_1815, %mul3A_1827 : vector<16xf32>
      %add3A_1829 = arith.addf %get3A_1801, %mul3A_1828 : vector<16xf32>
      %add3A_1830 = arith.constant 0.666666686 : f32
      %add3A_1831 = arith.addf %convert_element_type3A_1026, %add3A_1830 : f32
      %mul3A_1832 = vector.broadcast %add3A_1831 : f32 to vector<16xf32>
      %mul3A_1833 = arith.mulf %mul3A_1824, %mul3A_1832 : vector<16xf32>
      %add3A_1834 = arith.addf %get3A_1806, %mul3A_1833 : vector<16xf32>
      %convert_element_type3A_1835 = arith.fptosi %add3A_1829 : vector<16xf32> to vector<16xi32>
      %min3A_1836 = arith.constant 222 : i32
      %min3A_1837 = vector.broadcast %min3A_1836 : i32 to vector<16xi32>
      %min3A_1838 = arith.minsi %convert_element_type3A_1835, %min3A_1837 : vector<16xi32>
      %convert_element_type3A_1839 = arith.fptosi %add3A_1834 : vector<16xf32> to vector<16xi32>
      %min3A_1840 = arith.constant 222 : i32
      %min3A_1841 = vector.broadcast %min3A_1840 : i32 to vector<16xi32>
      %min3A_1842 = arith.minsi %convert_element_type3A_1839, %min3A_1841 : vector<16xi32>
      %convert_element_type3A_1843 = arith.sitofp %min3A_1838 : vector<16xi32> to vector<16xf32>
      %sub3A_1844 = arith.subf %add3A_1829, %convert_element_type3A_1843 : vector<16xf32>
      %convert_element_type3A_1845 = arith.sitofp %min3A_1842 : vector<16xi32> to vector<16xf32>
      %sub3A_1846 = arith.subf %add3A_1834, %convert_element_type3A_1845 : vector<16xf32>
      %mul3A_1847 = arith.constant 224 : i32
      %mul3A_1848 = vector.broadcast %mul3A_1847 : i32 to vector<16xi32>
      %mul3A_1849 = arith.muli %min3A_1838, %mul3A_1848 : vector<16xi32>
      %add3A_1850 = arith.addi %mul3A_1849, %min3A_1842 : vector<16xi32>
      %swap3A_1851 = arith.constant 1 : i32
      %swap3A_1852 = arith.constant 0 : i32
      %swap3A_1853 = arith.index_cast %swap3A_1851 : i32 to index
      %swap3A_1854 = arith.index_cast %swap3A_1852 : i32 to index
      %swap3A_1855 = arith.constant 112 : index
      %swap3A_1856 = tpu.vector_load %arg6[%swap3A_1853, %swap3A_1854, %swap3A_1855] {strides = array<i32>} : memref<2x4x128xi32, #tpu.memory_space<vmem>>, vector<1x1x16xi32>,
      %swap3A_1857 = vector.shape_cast %swap3A_1856 : vector<1x1x16xi32> to vector<16xi32>
      %swap3A_1858 = vector.shape_cast %add3A_1850 : vector<16xi32> to vector<1x1x16xi32>
      tpu.vector_store %arg6[%swap3A_1853, %swap3A_1854, %swap3A_1855], %swap3A_1858 {strides = array<i32>} : memref<2x4x128xi32, #tpu.memory_space<vmem>>, vector<1x1x16xi32>,
      %add3A_1859 = arith.constant 1 : i32
      %add3A_1860 = vector.broadcast %add3A_1859 : i32 to vector<16xi32>
      %add3A_1861 = arith.addi %add3A_1850, %add3A_1860 : vector<16xi32>
      %swap3A_1862 = arith.constant 1 : i32
      %swap3A_1863 = arith.constant 1 : i32
      %swap3A_1864 = arith.index_cast %swap3A_1862 : i32 to index
      %swap3A_1865 = arith.index_cast %swap3A_1863 : i32 to index
      %swap3A_1866 = arith.constant 112 : index
      %swap3A_1867 = tpu.vector_load %arg6[%swap3A_1864, %swap3A_1865, %swap3A_1866] {strides = array<i32>} : memref<2x4x128xi32, #tpu.memory_space<vmem>>, vector<1x1x16xi32>,
      %swap3A_1868 = vector.shape_cast %swap3A_1867 : vector<1x1x16xi32> to vector<16xi32>
      %swap3A_1869 = vector.shape_cast %add3A_1861 : vector<16xi32> to vector<1x1x16xi32>
      tpu.vector_store %arg6[%swap3A_1864, %swap3A_1865, %swap3A_1866], %swap3A_1869 {strides = array<i32>} : memref<2x4x128xi32, #tpu.memory_space<vmem>>, vector<1x1x16xi32>,
      %add3A_1870 = arith.constant 224 : i32
      %add3A_1871 = vector.broadcast %add3A_1870 : i32 to vector<16xi32>
      %add3A_1872 = arith.addi %add3A_1850, %add3A_1871 : vector<16xi32>
      %swap3A_1873 = arith.constant 1 : i32
      %swap3A_1874 = arith.constant 2 : i32
      %swap3A_1875 = arith.index_cast %swap3A_1873 : i32 to index
      %swap3A_1876 = arith.index_cast %swap3A_1874 : i32 to index
      %swap3A_1877 = arith.constant 112 : index
      %swap3A_1878 = tpu.vector_load %arg6[%swap3A_1875, %swap3A_1876, %swap3A_1877] {strides = array<i32>} : memref<2x4x128xi32, #tpu.memory_space<vmem>>, vector<1x1x16xi32>,
      %swap3A_1879 = vector.shape_cast %swap3A_1878 : vector<1x1x16xi32> to vector<16xi32>
      %swap3A_1880 = vector.shape_cast %add3A_1872 : vector<16xi32> to vector<1x1x16xi32>
      tpu.vector_store %arg6[%swap3A_1875, %swap3A_1876, %swap3A_1877], %swap3A_1880 {strides = array<i32>} : memref<2x4x128xi32, #tpu.memory_space<vmem>>, vector<1x1x16xi32>,
      %add3A_1881 = arith.constant 224 : i32
      %add3A_1882 = vector.broadcast %add3A_1881 : i32 to vector<16xi32>
      %add3A_1883 = arith.addi %add3A_1850, %add3A_1882 : vector<16xi32>
      %add3A_1884 = arith.constant 1 : i32
      %add3A_1885 = vector.broadcast %add3A_1884 : i32 to vector<16xi32>
      %add3A_1886 = arith.addi %add3A_1883, %add3A_1885 : vector<16xi32>
      %swap3A_1887 = arith.constant 1 : i32
      %swap3A_1888 = arith.constant 3 : i32
      %swap3A_1889 = arith.index_cast %swap3A_1887 : i32 to index
      %swap3A_1890 = arith.index_cast %swap3A_1888 : i32 to index
      %swap3A_1891 = arith.constant 112 : index
      %swap3A_1892 = tpu.vector_load %arg6[%swap3A_1889, %swap3A_1890, %swap3A_1891] {strides = array<i32>} : memref<2x4x128xi32, #tpu.memory_space<vmem>>, vector<1x1x16xi32>,
      %swap3A_1893 = vector.shape_cast %swap3A_1892 : vector<1x1x16xi32> to vector<16xi32>
      %swap3A_1894 = vector.shape_cast %add3A_1886 : vector<16xi32> to vector<1x1x16xi32>
      tpu.vector_store %arg6[%swap3A_1889, %swap3A_1890, %swap3A_1891], %swap3A_1894 {strides = array<i32>} : memref<2x4x128xi32, #tpu.memory_space<vmem>>, vector<1x1x16xi32>,
      %swap3A_1895 = arith.constant 1 : i32
      %swap3A_1896 = arith.index_cast %swap3A_1895 : i32 to index
      %swap3A_1897 = arith.constant 112 : index
      %swap3A_1898 = tpu.vector_load %arg7[%swap3A_1896, %swap3A_1897] {strides = array<i32>} : memref<2x144xf32, #tpu.memory_space<vmem>>, vector<1x16xf32>,
      %swap3A_1899 = vector.shape_cast %swap3A_1898 : vector<1x16xf32> to vector<16xf32>
      %swap3A_1900 = vector.shape_cast %sub3A_1846 : vector<16xf32> to vector<1x16xf32>
      tpu.vector_store %arg7[%swap3A_1896, %swap3A_1897], %swap3A_1900 {strides = array<i32>} : memref<2x144xf32, #tpu.memory_space<vmem>>, vector<1x16xf32>,
      %swap3A_1901 = arith.constant 1 : i32
      %swap3A_1902 = arith.index_cast %swap3A_1901 : i32 to index
      %swap3A_1903 = arith.constant 112 : index
      %swap3A_1904 = tpu.vector_load %arg8[%swap3A_1902, %swap3A_1903] {strides = array<i32>} : memref<2x144xf32, #tpu.memory_space<vmem>>, vector<1x16xf32>,
      %swap3A_1905 = vector.shape_cast %swap3A_1904 : vector<1x16xf32> to vector<16xf32>
      %swap3A_1906 = vector.shape_cast %sub3A_1844 : vector<16xf32> to vector<1x16xf32>
      tpu.vector_store %arg8[%swap3A_1902, %swap3A_1903], %swap3A_1906 {strides = array<i32>} : memref<2x144xf32, #tpu.memory_space<vmem>>, vector<1x16xf32>,
      %dma_start3A_1907 = arith.constant 1 : i32
      %dma_start3A_1908 = arith.constant 0 : i32
      %dma_start3A_1909 = arith.constant 1 : i32
      %dma_start3A_1910 = arith.constant 0 : i32
      %dma_start3A_1911 = arith.constant 0 : i32
      %dma_start3A_1912 = arith.constant 0 : i32
      %dma_start3A_1913 = tpu.memref_slice %arg9[%dma_start3A_1909, %dma_start3A_1910, %dma_start3A_1911, %dma_start3A_1912] : memref<2x4x128x96xf32, #tpu.memory_space<vmem>> -> memref<1x1x128x96xf32, #tpu.memory_space<vmem>>
      %dma_start3A_1914 = tpu.memref_squeeze %dma_start3A_1913 : memref<1x1x128x96xf32, #tpu.memory_space<vmem>> -> memref<128x96xf32, #tpu.memory_space<vmem>>
      %dma_start3A_1915 = arith.constant 0 : i32
      %dma_start3A_1916 = tpu.memref_slice %arg6[%dma_start3A_1907, %dma_start3A_1908, %dma_start3A_1915] : memref<2x4x128xi32, #tpu.memory_space<vmem>> -> memref<1x1x128xi32, #tpu.memory_space<vmem>>
      %dma_start3A_1917 = tpu.memref_squeeze %dma_start3A_1916 : memref<1x1x128xi32, #tpu.memory_space<vmem>> -> memref<128xi32, #tpu.memory_space<vmem>>
      %dma_start3A_1918 = arith.constant 0 : i32
      %dma_start3A_1919 = arith.constant 0 : i32
      %dma_start3A_1920 = tpu.memref_slice %arg2[%dma_start3A_1918, %dma_start3A_1919] : memref<50176x96xf32, #tpu.memory_space<hbm>> -> memref<50176x96xf32, #tpu.memory_space<hbm>>
      tpu.enqueue_indirect_dma source(%dma_start3A_1920 : memref<50176x96xf32, #tpu.memory_space<hbm>>) target(%dma_start3A_1914 : memref<128x96xf32, #tpu.memory_space<vmem>>) offsets(%dma_start3A_1917 : memref<128xi32, #tpu.memory_space<vmem>>) semaphore(%arg12 : memref<!tpu.dma_semaphore, #tpu.memory_space<semaphore_mem>>)
      %dma_start3A_1921 = arith.constant 1 : i32
      %dma_start3A_1922 = arith.constant 1 : i32
      %dma_start3A_1923 = arith.constant 1 : i32
      %dma_start3A_1924 = arith.constant 1 : i32
      %dma_start3A_1925 = arith.constant 0 : i32
      %dma_start3A_1926 = arith.constant 0 : i32
      %dma_start3A_1927 = tpu.memref_slice %arg9[%dma_start3A_1923, %dma_start3A_1924, %dma_start3A_1925, %dma_start3A_1926] : memref<2x4x128x96xf32, #tpu.memory_space<vmem>> -> memref<1x1x128x96xf32, #tpu.memory_space<vmem>>
      %dma_start3A_1928 = tpu.memref_squeeze %dma_start3A_1927 : memref<1x1x128x96xf32, #tpu.memory_space<vmem>> -> memref<128x96xf32, #tpu.memory_space<vmem>>
      %dma_start3A_1929 = arith.constant 0 : i32
      %dma_start3A_1930 = tpu.memref_slice %arg6[%dma_start3A_1921, %dma_start3A_1922, %dma_start3A_1929] : memref<2x4x128xi32, #tpu.memory_space<vmem>> -> memref<1x1x128xi32, #tpu.memory_space<vmem>>
      %dma_start3A_1931 = tpu.memref_squeeze %dma_start3A_1930 : memref<1x1x128xi32, #tpu.memory_space<vmem>> -> memref<128xi32, #tpu.memory_space<vmem>>
      %dma_start3A_1932 = arith.constant 0 : i32
      %dma_start3A_1933 = arith.constant 0 : i32
      %dma_start3A_1934 = tpu.memref_slice %arg2[%dma_start3A_1932, %dma_start3A_1933] : memref<50176x96xf32, #tpu.memory_space<hbm>> -> memref<50176x96xf32, #tpu.memory_space<hbm>>
      tpu.enqueue_indirect_dma source(%dma_start3A_1934 : memref<50176x96xf32, #tpu.memory_space<hbm>>) target(%dma_start3A_1928 : memref<128x96xf32, #tpu.memory_space<vmem>>) offsets(%dma_start3A_1931 : memref<128xi32, #tpu.memory_space<vmem>>) semaphore(%arg12 : memref<!tpu.dma_semaphore, #tpu.memory_space<semaphore_mem>>)
      %dma_start3A_1935 = arith.constant 1 : i32
      %dma_start3A_1936 = arith.constant 2 : i32
      %dma_start3A_1937 = arith.constant 1 : i32
      %dma_start3A_1938 = arith.constant 2 : i32
      %dma_start3A_1939 = arith.constant 0 : i32
      %dma_start3A_1940 = arith.constant 0 : i32
      %dma_start3A_1941 = tpu.memref_slice %arg9[%dma_start3A_1937, %dma_start3A_1938, %dma_start3A_1939, %dma_start3A_1940] : memref<2x4x128x96xf32, #tpu.memory_space<vmem>> -> memref<1x1x128x96xf32, #tpu.memory_space<vmem>>
      %dma_start3A_1942 = tpu.memref_squeeze %dma_start3A_1941 : memref<1x1x128x96xf32, #tpu.memory_space<vmem>> -> memref<128x96xf32, #tpu.memory_space<vmem>>
      %dma_start3A_1943 = arith.constant 0 : i32
      %dma_start3A_1944 = tpu.memref_slice %arg6[%dma_start3A_1935, %dma_start3A_1936, %dma_start3A_1943] : memref<2x4x128xi32, #tpu.memory_space<vmem>> -> memref<1x1x128xi32, #tpu.memory_space<vmem>>
      %dma_start3A_1945 = tpu.memref_squeeze %dma_start3A_1944 : memref<1x1x128xi32, #tpu.memory_space<vmem>> -> memref<128xi32, #tpu.memory_space<vmem>>
      %dma_start3A_1946 = arith.constant 0 : i32
      %dma_start3A_1947 = arith.constant 0 : i32
      %dma_start3A_1948 = tpu.memref_slice %arg2[%dma_start3A_1946, %dma_start3A_1947] : memref<50176x96xf32, #tpu.memory_space<hbm>> -> memref<50176x96xf32, #tpu.memory_space<hbm>>
      tpu.enqueue_indirect_dma source(%dma_start3A_1948 : memref<50176x96xf32, #tpu.memory_space<hbm>>) target(%dma_start3A_1942 : memref<128x96xf32, #tpu.memory_space<vmem>>) offsets(%dma_start3A_1945 : memref<128xi32, #tpu.memory_space<vmem>>) semaphore(%arg12 : memref<!tpu.dma_semaphore, #tpu.memory_space<semaphore_mem>>)
      %dma_start3A_1949 = arith.constant 1 : i32
      %dma_start3A_1950 = arith.constant 3 : i32
      %dma_start3A_1951 = arith.constant 1 : i32
      %dma_start3A_1952 = arith.constant 3 : i32
      %dma_start3A_1953 = arith.constant 0 : i32
      %dma_start3A_1954 = arith.constant 0 : i32
      %dma_start3A_1955 = tpu.memref_slice %arg9[%dma_start3A_1951, %dma_start3A_1952, %dma_start3A_1953, %dma_start3A_1954] : memref<2x4x128x96xf32, #tpu.memory_space<vmem>> -> memref<1x1x128x96xf32, #tpu.memory_space<vmem>>
      %dma_start3A_1956 = tpu.memref_squeeze %dma_start3A_1955 : memref<1x1x128x96xf32, #tpu.memory_space<vmem>> -> memref<128x96xf32, #tpu.memory_space<vmem>>
      %dma_start3A_1957 = arith.constant 0 : i32
      %dma_start3A_1958 = tpu.memref_slice %arg6[%dma_start3A_1949, %dma_start3A_1950, %dma_start3A_1957] : memref<2x4x128xi32, #tpu.memory_space<vmem>> -> memref<1x1x128xi32, #tpu.memory_space<vmem>>
      %dma_start3A_1959 = tpu.memref_squeeze %dma_start3A_1958 : memref<1x1x128xi32, #tpu.memory_space<vmem>> -> memref<128xi32, #tpu.memory_space<vmem>>
      %dma_start3A_1960 = arith.constant 0 : i32
      %dma_start3A_1961 = arith.constant 0 : i32
      %dma_start3A_1962 = tpu.memref_slice %arg2[%dma_start3A_1960, %dma_start3A_1961] : memref<50176x96xf32, #tpu.memory_space<hbm>> -> memref<50176x96xf32, #tpu.memory_space<hbm>>
      tpu.enqueue_indirect_dma source(%dma_start3A_1962 : memref<50176x96xf32, #tpu.memory_space<hbm>>) target(%dma_start3A_1956 : memref<128x96xf32, #tpu.memory_space<vmem>>) offsets(%dma_start3A_1959 : memref<128xi32, #tpu.memory_space<vmem>>) semaphore(%arg12 : memref<!tpu.dma_semaphore, #tpu.memory_space<semaphore_mem>>)
      %dma_wait3A = arith.constant 0 : i32
      %dma_wait3A_1963 = arith.constant 0 : i32
      %dma_wait3A_1964 = arith.constant 0 : i32
      %dma_wait3A_1965 = arith.constant 0 : i32
      %dma_wait3A_1966 = arith.constant 0 : i32
      %dma_wait3A_1967 = arith.constant 0 : i32
      %dma_wait3A_1968 = tpu.memref_slice %arg9[%dma_wait3A_1964, %dma_wait3A_1965, %dma_wait3A_1966, %dma_wait3A_1967] : memref<2x4x128x96xf32, #tpu.memory_space<vmem>> -> memref<1x1x128x96xf32, #tpu.memory_space<vmem>>
      %dma_wait3A_1969 = tpu.memref_squeeze %dma_wait3A_1968 : memref<1x1x128x96xf32, #tpu.memory_space<vmem>> -> memref<128x96xf32, #tpu.memory_space<vmem>>
      %dma_wait3A_1970 = arith.constant 0 : i32
      %dma_wait3A_1971 = tpu.memref_slice %arg6[%dma_wait3A, %dma_wait3A_1963, %dma_wait3A_1970] : memref<2x4x128xi32, #tpu.memory_space<vmem>> -> memref<1x1x128xi32, #tpu.memory_space<vmem>>
      %dma_wait3A_1972 = tpu.memref_squeeze %dma_wait3A_1971 : memref<1x1x128xi32, #tpu.memory_space<vmem>> -> memref<128xi32, #tpu.memory_space<vmem>>
      %dma_wait3A_1973 = arith.constant 0 : i32
      %dma_wait3A_1974 = arith.constant 0 : i32
      %dma_wait3A_1975 = tpu.memref_slice %arg2[%dma_wait3A_1973, %dma_wait3A_1974] : memref<50176x96xf32, #tpu.memory_space<hbm>> -> memref<50176x96xf32, #tpu.memory_space<hbm>>
      tpu.wait_indirect_dma semaphore(%arg11 : memref<!tpu.dma_semaphore, #tpu.memory_space<semaphore_mem>>) src(%dma_wait3A_1975 : memref<50176x96xf32, #tpu.memory_space<hbm>>) dst(%dma_wait3A_1969 : memref<128x96xf32, #tpu.memory_space<vmem>>)
      %dma_wait3A_1976 = arith.constant 0 : i32
      %dma_wait3A_1977 = arith.constant 1 : i32
      %dma_wait3A_1978 = arith.constant 0 : i32
      %dma_wait3A_1979 = arith.constant 1 : i32
      %dma_wait3A_1980 = arith.constant 0 : i32
      %dma_wait3A_1981 = arith.constant 0 : i32
      %dma_wait3A_1982 = tpu.memref_slice %arg9[%dma_wait3A_1978, %dma_wait3A_1979, %dma_wait3A_1980, %dma_wait3A_1981] : memref<2x4x128x96xf32, #tpu.memory_space<vmem>> -> memref<1x1x128x96xf32, #tpu.memory_space<vmem>>
      %dma_wait3A_1983 = tpu.memref_squeeze %dma_wait3A_1982 : memref<1x1x128x96xf32, #tpu.memory_space<vmem>> -> memref<128x96xf32, #tpu.memory_space<vmem>>
      %dma_wait3A_1984 = arith.constant 0 : i32
      %dma_wait3A_1985 = tpu.memref_slice %arg6[%dma_wait3A_1976, %dma_wait3A_1977, %dma_wait3A_1984] : memref<2x4x128xi32, #tpu.memory_space<vmem>> -> memref<1x1x128xi32, #tpu.memory_space<vmem>>
      %dma_wait3A_1986 = tpu.memref_squeeze %dma_wait3A_1985 : memref<1x1x128xi32, #tpu.memory_space<vmem>> -> memref<128xi32, #tpu.memory_space<vmem>>
      %dma_wait3A_1987 = arith.constant 0 : i32
      %dma_wait3A_1988 = arith.constant 0 : i32
      %dma_wait3A_1989 = tpu.memref_slice %arg2[%dma_wait3A_1987, %dma_wait3A_1988] : memref<50176x96xf32, #tpu.memory_space<hbm>> -> memref<50176x96xf32, #tpu.memory_space<hbm>>
      tpu.wait_indirect_dma semaphore(%arg11 : memref<!tpu.dma_semaphore, #tpu.memory_space<semaphore_mem>>) src(%dma_wait3A_1989 : memref<50176x96xf32, #tpu.memory_space<hbm>>) dst(%dma_wait3A_1983 : memref<128x96xf32, #tpu.memory_space<vmem>>)
      %dma_wait3A_1990 = arith.constant 0 : i32
      %dma_wait3A_1991 = arith.constant 2 : i32
      %dma_wait3A_1992 = arith.constant 0 : i32
      %dma_wait3A_1993 = arith.constant 2 : i32
      %dma_wait3A_1994 = arith.constant 0 : i32
      %dma_wait3A_1995 = arith.constant 0 : i32
      %dma_wait3A_1996 = tpu.memref_slice %arg9[%dma_wait3A_1992, %dma_wait3A_1993, %dma_wait3A_1994, %dma_wait3A_1995] : memref<2x4x128x96xf32, #tpu.memory_space<vmem>> -> memref<1x1x128x96xf32, #tpu.memory_space<vmem>>
      %dma_wait3A_1997 = tpu.memref_squeeze %dma_wait3A_1996 : memref<1x1x128x96xf32, #tpu.memory_space<vmem>> -> memref<128x96xf32, #tpu.memory_space<vmem>>
      %dma_wait3A_1998 = arith.constant 0 : i32
      %dma_wait3A_1999 = tpu.memref_slice %arg6[%dma_wait3A_1990, %dma_wait3A_1991, %dma_wait3A_1998] : memref<2x4x128xi32, #tpu.memory_space<vmem>> -> memref<1x1x128xi32, #tpu.memory_space<vmem>>
      %dma_wait3A_2000 = tpu.memref_squeeze %dma_wait3A_1999 : memref<1x1x128xi32, #tpu.memory_space<vmem>> -> memref<128xi32, #tpu.memory_space<vmem>>
      %dma_wait3A_2001 = arith.constant 0 : i32
      %dma_wait3A_2002 = arith.constant 0 : i32
      %dma_wait3A_2003 = tpu.memref_slice %arg2[%dma_wait3A_2001, %dma_wait3A_2002] : memref<50176x96xf32, #tpu.memory_space<hbm>> -> memref<50176x96xf32, #tpu.memory_space<hbm>>
      tpu.wait_indirect_dma semaphore(%arg11 : memref<!tpu.dma_semaphore, #tpu.memory_space<semaphore_mem>>) src(%dma_wait3A_2003 : memref<50176x96xf32, #tpu.memory_space<hbm>>) dst(%dma_wait3A_1997 : memref<128x96xf32, #tpu.memory_space<vmem>>)
      %dma_wait3A_2004 = arith.constant 0 : i32
      %dma_wait3A_2005 = arith.constant 3 : i32
      %dma_wait3A_2006 = arith.constant 0 : i32
      %dma_wait3A_2007 = arith.constant 3 : i32
      %dma_wait3A_2008 = arith.constant 0 : i32
      %dma_wait3A_2009 = arith.constant 0 : i32
      %dma_wait3A_2010 = tpu.memref_slice %arg9[%dma_wait3A_2006, %dma_wait3A_2007, %dma_wait3A_2008, %dma_wait3A_2009] : memref<2x4x128x96xf32, #tpu.memory_space<vmem>> -> memref<1x1x128x96xf32, #tpu.memory_space<vmem>>
      %dma_wait3A_2011 = tpu.memref_squeeze %dma_wait3A_2010 : memref<1x1x128x96xf32, #tpu.memory_space<vmem>> -> memref<128x96xf32, #tpu.memory_space<vmem>>
      %dma_wait3A_2012 = arith.constant 0 : i32
      %dma_wait3A_2013 = tpu.memref_slice %arg6[%dma_wait3A_2004, %dma_wait3A_2005, %dma_wait3A_2012] : memref<2x4x128xi32, #tpu.memory_space<vmem>> -> memref<1x1x128xi32, #tpu.memory_space<vmem>>
      %dma_wait3A_2014 = tpu.memref_squeeze %dma_wait3A_2013 : memref<1x1x128xi32, #tpu.memory_space<vmem>> -> memref<128xi32, #tpu.memory_space<vmem>>
      %dma_wait3A_2015 = arith.constant 0 : i32
      %dma_wait3A_2016 = arith.constant 0 : i32
      %dma_wait3A_2017 = tpu.memref_slice %arg2[%dma_wait3A_2015, %dma_wait3A_2016] : memref<50176x96xf32, #tpu.memory_space<hbm>> -> memref<50176x96xf32, #tpu.memory_space<hbm>>
      tpu.wait_indirect_dma semaphore(%arg11 : memref<!tpu.dma_semaphore, #tpu.memory_space<semaphore_mem>>) src(%dma_wait3A_2017 : memref<50176x96xf32, #tpu.memory_space<hbm>>) dst(%dma_wait3A_2011 : memref<128x96xf32, #tpu.memory_space<vmem>>)
      %broadcast_in_dim3A = arith.constant 0xFF800000 : f32
      %broadcast_in_dim3A_2018 = vector.broadcast %broadcast_in_dim3A : f32 to vector<16xf32>
      %broadcast_in_dim3A_2019 = arith.constant 0xFF800000 : f32
      %broadcast_in_dim3A_2020 = vector.broadcast %broadcast_in_dim3A_2019 : f32 to vector<16xf32>
      %broadcast_in_dim3A_2021 = arith.constant 0xFF800000 : f32
      %broadcast_in_dim3A_2022 = vector.broadcast %broadcast_in_dim3A_2021 : f32 to vector<16xf32>
      %broadcast_in_dim3A_2023 = arith.constant 0xFF800000 : f32
      %broadcast_in_dim3A_2024 = vector.broadcast %broadcast_in_dim3A_2023 : f32 to vector<16xf32>
      %broadcast_in_dim3A_2025 = arith.constant 0xFF800000 : f32
      %broadcast_in_dim3A_2026 = vector.broadcast %broadcast_in_dim3A_2025 : f32 to vector<16xf32>
      %broadcast_in_dim3A_2027 = arith.constant 0xFF800000 : f32
      %broadcast_in_dim3A_2028 = vector.broadcast %broadcast_in_dim3A_2027 : f32 to vector<16xf32>
      %scan3A_2029 = arith.constant 0 : i32
      %scan3A_2030 = arith.constant 128 : i32
      %scan3A_2031 = arith.addi %scan3A_2029, %scan3A_2030 : i32
      %scan3A_2032 = arith.constant 1 : i32
      %scan3A_2033:6 = scf.for %scan3A_2134 = %scan3A_2029 to %scan3A_2031 step %scan3A_2032 iter_args(%scan3A_2135 = %broadcast_in_dim3A_2018, %scan3A_2136 = %broadcast_in_dim3A_2020, %scan3A_2137 = %broadcast_in_dim3A_2022, %scan3A_2138 = %broadcast_in_dim3A_2024, %scan3A_2139 = %broadcast_in_dim3A_2026, %scan3A_2140 = %broadcast_in_dim3A_2028) -> (vector<16xf32>, vector<16xf32>, vector<16xf32>, vector<16xf32>, vector<16xf32>, vector<16xf32>)  : i32 {
        %get3A_2141 = arith.constant 0 : i32
        %get3A_2142 = arith.index_cast %get3A_2141 : i32 to index
        %get3A_2143 = arith.index_cast %scan3A_2134 : i32 to index
        %get3A_2144 = tpu.vector_load %arg7[%get3A_2142, %get3A_2143] {strides = array<i32>} : memref<2x144xf32, #tpu.memory_space<vmem>>, vector<1x16xf32>,
        %get3A_2145 = vector.shape_cast %get3A_2144 : vector<1x16xf32> to vector<16xf32>
        %slice3A = vector.extract_strided_slice %get3A_2145 {offsets = [0], sizes = [1], strides = [1]} : vector<16xf32> to vector<1xf32>
        %squeeze3A = vector.extract %slice3A[0] : f32 from vector<1xf32>
        %get3A_2146 = arith.constant 0 : i32
        %get3A_2147 = arith.index_cast %get3A_2146 : i32 to index
        %get3A_2148 = arith.index_cast %scan3A_2134 : i32 to index
        %get3A_2149 = tpu.vector_load %arg8[%get3A_2147, %get3A_2148] {strides = array<i32>} : memref<2x144xf32, #tpu.memory_space<vmem>>, vector<1x16xf32>,
        %get3A_2150 = vector.shape_cast %get3A_2149 : vector<1x16xf32> to vector<16xf32>
        %slice3A_2151 = vector.extract_strided_slice %get3A_2150 {offsets = [0], sizes = [1], strides = [1]} : vector<16xf32> to vector<1xf32>
        %squeeze3A_2152 = vector.extract %slice3A_2151[0] : f32 from vector<1xf32>
        %get3A_2153 = arith.constant 0 : i32
        %get3A_2154 = arith.constant 0 : i32
        %get3A_2155 = arith.index_cast %get3A_2153 : i32 to index
        %get3A_2156 = arith.index_cast %get3A_2154 : i32 to index
        %get3A_2157 = arith.index_cast %scan3A_2134 : i32 to index
        %get3A_2158 = arith.constant 0 : index
        %get3A_2159 = tpu.vector_load %arg9[%get3A_2155, %get3A_2156, %get3A_2157, %get3A_2158] {strides = array<i32>} : memref<2x4x128x96xf32, #tpu.memory_space<vmem>>, vector<1x1x1x16xf32>,
        %get3A_2160 = vector.shape_cast %get3A_2159 : vector<1x1x1x16xf32> to vector<16xf32>
        %get3A_2161 = arith.constant 0 : i32
        %get3A_2162 = arith.constant 1 : i32
        %get3A_2163 = arith.index_cast %get3A_2161 : i32 to index
        %get3A_2164 = arith.index_cast %get3A_2162 : i32 to index
        %get3A_2165 = arith.index_cast %scan3A_2134 : i32 to index
        %get3A_2166 = arith.constant 0 : index
        %get3A_2167 = tpu.vector_load %arg9[%get3A_2163, %get3A_2164, %get3A_2165, %get3A_2166] {strides = array<i32>} : memref<2x4x128x96xf32, #tpu.memory_space<vmem>>, vector<1x1x1x16xf32>,
        %get3A_2168 = vector.shape_cast %get3A_2167 : vector<1x1x1x16xf32> to vector<16xf32>
        %get3A_2169 = arith.constant 0 : i32
        %get3A_2170 = arith.constant 2 : i32
        %get3A_2171 = arith.index_cast %get3A_2169 : i32 to index
        %get3A_2172 = arith.index_cast %get3A_2170 : i32 to index
        %get3A_2173 = arith.index_cast %scan3A_2134 : i32 to index
        %get3A_2174 = arith.constant 0 : index
        %get3A_2175 = tpu.vector_load %arg9[%get3A_2171, %get3A_2172, %get3A_2173, %get3A_2174] {strides = array<i32>} : memref<2x4x128x96xf32, #tpu.memory_space<vmem>>, vector<1x1x1x16xf32>,
        %get3A_2176 = vector.shape_cast %get3A_2175 : vector<1x1x1x16xf32> to vector<16xf32>
        %get3A_2177 = arith.constant 0 : i32
        %get3A_2178 = arith.constant 3 : i32
        %get3A_2179 = arith.index_cast %get3A_2177 : i32 to index
        %get3A_2180 = arith.index_cast %get3A_2178 : i32 to index
        %get3A_2181 = arith.index_cast %scan3A_2134 : i32 to index
        %get3A_2182 = arith.constant 0 : index
        %get3A_2183 = tpu.vector_load %arg9[%get3A_2179, %get3A_2180, %get3A_2181, %get3A_2182] {strides = array<i32>} : memref<2x4x128x96xf32, #tpu.memory_space<vmem>>, vector<1x1x1x16xf32>,
        %get3A_2184 = vector.shape_cast %get3A_2183 : vector<1x1x1x16xf32> to vector<16xf32>
        %sub3A_2185 = arith.subf %get3A_2168, %get3A_2160 : vector<16xf32>
        %mul3A_2186 = vector.broadcast %squeeze3A : f32 to vector<16xf32>
        %mul3A_2187 = arith.mulf %mul3A_2186, %sub3A_2185 : vector<16xf32>
        %add3A_2188 = arith.addf %get3A_2160, %mul3A_2187 : vector<16xf32>
        %sub3A_2189 = arith.subf %get3A_2184, %get3A_2176 : vector<16xf32>
        %mul3A_2190 = vector.broadcast %squeeze3A : f32 to vector<16xf32>
        %mul3A_2191 = arith.mulf %mul3A_2190, %sub3A_2189 : vector<16xf32>
        %add3A_2192 = arith.addf %get3A_2176, %mul3A_2191 : vector<16xf32>
        %sub3A_2193 = arith.subf %add3A_2192, %add3A_2188 : vector<16xf32>
        %mul3A_2194 = vector.broadcast %squeeze3A_2152 : f32 to vector<16xf32>
        %mul3A_2195 = arith.mulf %mul3A_2194, %sub3A_2193 : vector<16xf32>
        %add3A_2196 = arith.addf %add3A_2188, %mul3A_2195 : vector<16xf32>
        %max3A_2197 = arith.maximumf %scan3A_2135, %add3A_2196 : vector<16xf32>
        %get3A_2198 = arith.constant 0 : i32
        %get3A_2199 = arith.constant 0 : i32
        %get3A_2200 = arith.index_cast %get3A_2198 : i32 to index
        %get3A_2201 = arith.index_cast %get3A_2199 : i32 to index
        %get3A_2202 = arith.index_cast %scan3A_2134 : i32 to index
        %get3A_2203 = arith.constant 16 : index
        %get3A_2204 = tpu.vector_load %arg9[%get3A_2200, %get3A_2201, %get3A_2202, %get3A_2203] {strides = array<i32>} : memref<2x4x128x96xf32, #tpu.memory_space<vmem>>, vector<1x1x1x16xf32>,
        %get3A_2205 = vector.shape_cast %get3A_2204 : vector<1x1x1x16xf32> to vector<16xf32>
        %get3A_2206 = arith.constant 0 : i32
        %get3A_2207 = arith.constant 1 : i32
        %get3A_2208 = arith.index_cast %get3A_2206 : i32 to index
        %get3A_2209 = arith.index_cast %get3A_2207 : i32 to index
        %get3A_2210 = arith.index_cast %scan3A_2134 : i32 to index
        %get3A_2211 = arith.constant 16 : index
        %get3A_2212 = tpu.vector_load %arg9[%get3A_2208, %get3A_2209, %get3A_2210, %get3A_2211] {strides = array<i32>} : memref<2x4x128x96xf32, #tpu.memory_space<vmem>>, vector<1x1x1x16xf32>,
        %get3A_2213 = vector.shape_cast %get3A_2212 : vector<1x1x1x16xf32> to vector<16xf32>
        %get3A_2214 = arith.constant 0 : i32
        %get3A_2215 = arith.constant 2 : i32
        %get3A_2216 = arith.index_cast %get3A_2214 : i32 to index
        %get3A_2217 = arith.index_cast %get3A_2215 : i32 to index
        %get3A_2218 = arith.index_cast %scan3A_2134 : i32 to index
        %get3A_2219 = arith.constant 16 : index
        %get3A_2220 = tpu.vector_load %arg9[%get3A_2216, %get3A_2217, %get3A_2218, %get3A_2219] {strides = array<i32>} : memref<2x4x128x96xf32, #tpu.memory_space<vmem>>, vector<1x1x1x16xf32>,
        %get3A_2221 = vector.shape_cast %get3A_2220 : vector<1x1x1x16xf32> to vector<16xf32>
        %get3A_2222 = arith.constant 0 : i32
        %get3A_2223 = arith.constant 3 : i32
        %get3A_2224 = arith.index_cast %get3A_2222 : i32 to index
        %get3A_2225 = arith.index_cast %get3A_2223 : i32 to index
        %get3A_2226 = arith.index_cast %scan3A_2134 : i32 to index
        %get3A_2227 = arith.constant 16 : index
        %get3A_2228 = tpu.vector_load %arg9[%get3A_2224, %get3A_2225, %get3A_2226, %get3A_2227] {strides = array<i32>} : memref<2x4x128x96xf32, #tpu.memory_space<vmem>>, vector<1x1x1x16xf32>,
        %get3A_2229 = vector.shape_cast %get3A_2228 : vector<1x1x1x16xf32> to vector<16xf32>
        %sub3A_2230 = arith.subf %get3A_2213, %get3A_2205 : vector<16xf32>
        %mul3A_2231 = vector.broadcast %squeeze3A : f32 to vector<16xf32>
        %mul3A_2232 = arith.mulf %mul3A_2231, %sub3A_2230 : vector<16xf32>
        %add3A_2233 = arith.addf %get3A_2205, %mul3A_2232 : vector<16xf32>
        %sub3A_2234 = arith.subf %get3A_2229, %get3A_2221 : vector<16xf32>
        %mul3A_2235 = vector.broadcast %squeeze3A : f32 to vector<16xf32>
        %mul3A_2236 = arith.mulf %mul3A_2235, %sub3A_2234 : vector<16xf32>
        %add3A_2237 = arith.addf %get3A_2221, %mul3A_2236 : vector<16xf32>
        %sub3A_2238 = arith.subf %add3A_2237, %add3A_2233 : vector<16xf32>
        %mul3A_2239 = vector.broadcast %squeeze3A_2152 : f32 to vector<16xf32>
        %mul3A_2240 = arith.mulf %mul3A_2239, %sub3A_2238 : vector<16xf32>
        %add3A_2241 = arith.addf %add3A_2233, %mul3A_2240 : vector<16xf32>
        %max3A_2242 = arith.maximumf %scan3A_2136, %add3A_2241 : vector<16xf32>
        %get3A_2243 = arith.constant 0 : i32
        %get3A_2244 = arith.constant 0 : i32
        %get3A_2245 = arith.index_cast %get3A_2243 : i32 to index
        %get3A_2246 = arith.index_cast %get3A_2244 : i32 to index
        %get3A_2247 = arith.index_cast %scan3A_2134 : i32 to index
        %get3A_2248 = arith.constant 32 : index
        %get3A_2249 = tpu.vector_load %arg9[%get3A_2245, %get3A_2246, %get3A_2247, %get3A_2248] {strides = array<i32>} : memref<2x4x128x96xf32, #tpu.memory_space<vmem>>, vector<1x1x1x16xf32>,
        %get3A_2250 = vector.shape_cast %get3A_2249 : vector<1x1x1x16xf32> to vector<16xf32>
        %get3A_2251 = arith.constant 0 : i32
        %get3A_2252 = arith.constant 1 : i32
        %get3A_2253 = arith.index_cast %get3A_2251 : i32 to index
        %get3A_2254 = arith.index_cast %get3A_2252 : i32 to index
        %get3A_2255 = arith.index_cast %scan3A_2134 : i32 to index
        %get3A_2256 = arith.constant 32 : index
        %get3A_2257 = tpu.vector_load %arg9[%get3A_2253, %get3A_2254, %get3A_2255, %get3A_2256] {strides = array<i32>} : memref<2x4x128x96xf32, #tpu.memory_space<vmem>>, vector<1x1x1x16xf32>,
        %get3A_2258 = vector.shape_cast %get3A_2257 : vector<1x1x1x16xf32> to vector<16xf32>
        %get3A_2259 = arith.constant 0 : i32
        %get3A_2260 = arith.constant 2 : i32
        %get3A_2261 = arith.index_cast %get3A_2259 : i32 to index
        %get3A_2262 = arith.index_cast %get3A_2260 : i32 to index
        %get3A_2263 = arith.index_cast %scan3A_2134 : i32 to index
        %get3A_2264 = arith.constant 32 : index
        %get3A_2265 = tpu.vector_load %arg9[%get3A_2261, %get3A_2262, %get3A_2263, %get3A_2264] {strides = array<i32>} : memref<2x4x128x96xf32, #tpu.memory_space<vmem>>, vector<1x1x1x16xf32>,
        %get3A_2266 = vector.shape_cast %get3A_2265 : vector<1x1x1x16xf32> to vector<16xf32>
        %get3A_2267 = arith.constant 0 : i32
        %get3A_2268 = arith.constant 3 : i32
        %get3A_2269 = arith.index_cast %get3A_2267 : i32 to index
        %get3A_2270 = arith.index_cast %get3A_2268 : i32 to index
        %get3A_2271 = arith.index_cast %scan3A_2134 : i32 to index
        %get3A_2272 = arith.constant 32 : index
        %get3A_2273 = tpu.vector_load %arg9[%get3A_2269, %get3A_2270, %get3A_2271, %get3A_2272] {strides = array<i32>} : memref<2x4x128x96xf32, #tpu.memory_space<vmem>>, vector<1x1x1x16xf32>,
        %get3A_2274 = vector.shape_cast %get3A_2273 : vector<1x1x1x16xf32> to vector<16xf32>
        %sub3A_2275 = arith.subf %get3A_2258, %get3A_2250 : vector<16xf32>
        %mul3A_2276 = vector.broadcast %squeeze3A : f32 to vector<16xf32>
        %mul3A_2277 = arith.mulf %mul3A_2276, %sub3A_2275 : vector<16xf32>
        %add3A_2278 = arith.addf %get3A_2250, %mul3A_2277 : vector<16xf32>
        %sub3A_2279 = arith.subf %get3A_2274, %get3A_2266 : vector<16xf32>
        %mul3A_2280 = vector.broadcast %squeeze3A : f32 to vector<16xf32>
        %mul3A_2281 = arith.mulf %mul3A_2280, %sub3A_2279 : vector<16xf32>
        %add3A_2282 = arith.addf %get3A_2266, %mul3A_2281 : vector<16xf32>
        %sub3A_2283 = arith.subf %add3A_2282, %add3A_2278 : vector<16xf32>
        %mul3A_2284 = vector.broadcast %squeeze3A_2152 : f32 to vector<16xf32>
        %mul3A_2285 = arith.mulf %mul3A_2284, %sub3A_2283 : vector<16xf32>
        %add3A_2286 = arith.addf %add3A_2278, %mul3A_2285 : vector<16xf32>
        %max3A_2287 = arith.maximumf %scan3A_2137, %add3A_2286 : vector<16xf32>
        %get3A_2288 = arith.constant 0 : i32
        %get3A_2289 = arith.constant 0 : i32
        %get3A_2290 = arith.index_cast %get3A_2288 : i32 to index
        %get3A_2291 = arith.index_cast %get3A_2289 : i32 to index
        %get3A_2292 = arith.index_cast %scan3A_2134 : i32 to index
        %get3A_2293 = arith.constant 48 : index
        %get3A_2294 = tpu.vector_load %arg9[%get3A_2290, %get3A_2291, %get3A_2292, %get3A_2293] {strides = array<i32>} : memref<2x4x128x96xf32, #tpu.memory_space<vmem>>, vector<1x1x1x16xf32>,
        %get3A_2295 = vector.shape_cast %get3A_2294 : vector<1x1x1x16xf32> to vector<16xf32>
        %get3A_2296 = arith.constant 0 : i32
        %get3A_2297 = arith.constant 1 : i32
        %get3A_2298 = arith.index_cast %get3A_2296 : i32 to index
        %get3A_2299 = arith.index_cast %get3A_2297 : i32 to index
        %get3A_2300 = arith.index_cast %scan3A_2134 : i32 to index
        %get3A_2301 = arith.constant 48 : index
        %get3A_2302 = tpu.vector_load %arg9[%get3A_2298, %get3A_2299, %get3A_2300, %get3A_2301] {strides = array<i32>} : memref<2x4x128x96xf32, #tpu.memory_space<vmem>>, vector<1x1x1x16xf32>,
        %get3A_2303 = vector.shape_cast %get3A_2302 : vector<1x1x1x16xf32> to vector<16xf32>
        %get3A_2304 = arith.constant 0 : i32
        %get3A_2305 = arith.constant 2 : i32
        %get3A_2306 = arith.index_cast %get3A_2304 : i32 to index
        %get3A_2307 = arith.index_cast %get3A_2305 : i32 to index
        %get3A_2308 = arith.index_cast %scan3A_2134 : i32 to index
        %get3A_2309 = arith.constant 48 : index
        %get3A_2310 = tpu.vector_load %arg9[%get3A_2306, %get3A_2307, %get3A_2308, %get3A_2309] {strides = array<i32>} : memref<2x4x128x96xf32, #tpu.memory_space<vmem>>, vector<1x1x1x16xf32>,
        %get3A_2311 = vector.shape_cast %get3A_2310 : vector<1x1x1x16xf32> to vector<16xf32>
        %get3A_2312 = arith.constant 0 : i32
        %get3A_2313 = arith.constant 3 : i32
        %get3A_2314 = arith.index_cast %get3A_2312 : i32 to index
        %get3A_2315 = arith.index_cast %get3A_2313 : i32 to index
        %get3A_2316 = arith.index_cast %scan3A_2134 : i32 to index
        %get3A_2317 = arith.constant 48 : index
        %get3A_2318 = tpu.vector_load %arg9[%get3A_2314, %get3A_2315, %get3A_2316, %get3A_2317] {strides = array<i32>} : memref<2x4x128x96xf32, #tpu.memory_space<vmem>>, vector<1x1x1x16xf32>,
        %get3A_2319 = vector.shape_cast %get3A_2318 : vector<1x1x1x16xf32> to vector<16xf32>
        %sub3A_2320 = arith.subf %get3A_2303, %get3A_2295 : vector<16xf32>
        %mul3A_2321 = vector.broadcast %squeeze3A : f32 to vector<16xf32>
        %mul3A_2322 = arith.mulf %mul3A_2321, %sub3A_2320 : vector<16xf32>
        %add3A_2323 = arith.addf %get3A_2295, %mul3A_2322 : vector<16xf32>
        %sub3A_2324 = arith.subf %get3A_2319, %get3A_2311 : vector<16xf32>
        %mul3A_2325 = vector.broadcast %squeeze3A : f32 to vector<16xf32>
        %mul3A_2326 = arith.mulf %mul3A_2325, %sub3A_2324 : vector<16xf32>
        %add3A_2327 = arith.addf %get3A_2311, %mul3A_2326 : vector<16xf32>
        %sub3A_2328 = arith.subf %add3A_2327, %add3A_2323 : vector<16xf32>
        %mul3A_2329 = vector.broadcast %squeeze3A_2152 : f32 to vector<16xf32>
        %mul3A_2330 = arith.mulf %mul3A_2329, %sub3A_2328 : vector<16xf32>
        %add3A_2331 = arith.addf %add3A_2323, %mul3A_2330 : vector<16xf32>
        %max3A_2332 = arith.maximumf %scan3A_2138, %add3A_2331 : vector<16xf32>
        %get3A_2333 = arith.constant 0 : i32
        %get3A_2334 = arith.constant 0 : i32
        %get3A_2335 = arith.index_cast %get3A_2333 : i32 to index
        %get3A_2336 = arith.index_cast %get3A_2334 : i32 to index
        %get3A_2337 = arith.index_cast %scan3A_2134 : i32 to index
        %get3A_2338 = arith.constant 64 : index
        %get3A_2339 = tpu.vector_load %arg9[%get3A_2335, %get3A_2336, %get3A_2337, %get3A_2338] {strides = array<i32>} : memref<2x4x128x96xf32, #tpu.memory_space<vmem>>, vector<1x1x1x16xf32>,
        %get3A_2340 = vector.shape_cast %get3A_2339 : vector<1x1x1x16xf32> to vector<16xf32>
        %get3A_2341 = arith.constant 0 : i32
        %get3A_2342 = arith.constant 1 : i32
        %get3A_2343 = arith.index_cast %get3A_2341 : i32 to index
        %get3A_2344 = arith.index_cast %get3A_2342 : i32 to index
        %get3A_2345 = arith.index_cast %scan3A_2134 : i32 to index
        %get3A_2346 = arith.constant 64 : index
        %get3A_2347 = tpu.vector_load %arg9[%get3A_2343, %get3A_2344, %get3A_2345, %get3A_2346] {strides = array<i32>} : memref<2x4x128x96xf32, #tpu.memory_space<vmem>>, vector<1x1x1x16xf32>,
        %get3A_2348 = vector.shape_cast %get3A_2347 : vector<1x1x1x16xf32> to vector<16xf32>
        %get3A_2349 = arith.constant 0 : i32
        %get3A_2350 = arith.constant 2 : i32
        %get3A_2351 = arith.index_cast %get3A_2349 : i32 to index
        %get3A_2352 = arith.index_cast %get3A_2350 : i32 to index
        %get3A_2353 = arith.index_cast %scan3A_2134 : i32 to index
        %get3A_2354 = arith.constant 64 : index
        %get3A_2355 = tpu.vector_load %arg9[%get3A_2351, %get3A_2352, %get3A_2353, %get3A_2354] {strides = array<i32>} : memref<2x4x128x96xf32, #tpu.memory_space<vmem>>, vector<1x1x1x16xf32>,
        %get3A_2356 = vector.shape_cast %get3A_2355 : vector<1x1x1x16xf32> to vector<16xf32>
        %get3A_2357 = arith.constant 0 : i32
        %get3A_2358 = arith.constant 3 : i32
        %get3A_2359 = arith.index_cast %get3A_2357 : i32 to index
        %get3A_2360 = arith.index_cast %get3A_2358 : i32 to index
        %get3A_2361 = arith.index_cast %scan3A_2134 : i32 to index
        %get3A_2362 = arith.constant 64 : index
        %get3A_2363 = tpu.vector_load %arg9[%get3A_2359, %get3A_2360, %get3A_2361, %get3A_2362] {strides = array<i32>} : memref<2x4x128x96xf32, #tpu.memory_space<vmem>>, vector<1x1x1x16xf32>,
        %get3A_2364 = vector.shape_cast %get3A_2363 : vector<1x1x1x16xf32> to vector<16xf32>
        %sub3A_2365 = arith.subf %get3A_2348, %get3A_2340 : vector<16xf32>
        %mul3A_2366 = vector.broadcast %squeeze3A : f32 to vector<16xf32>
        %mul3A_2367 = arith.mulf %mul3A_2366, %sub3A_2365 : vector<16xf32>
        %add3A_2368 = arith.addf %get3A_2340, %mul3A_2367 : vector<16xf32>
        %sub3A_2369 = arith.subf %get3A_2364, %get3A_2356 : vector<16xf32>
        %mul3A_2370 = vector.broadcast %squeeze3A : f32 to vector<16xf32>
        %mul3A_2371 = arith.mulf %mul3A_2370, %sub3A_2369 : vector<16xf32>
        %add3A_2372 = arith.addf %get3A_2356, %mul3A_2371 : vector<16xf32>
        %sub3A_2373 = arith.subf %add3A_2372, %add3A_2368 : vector<16xf32>
        %mul3A_2374 = vector.broadcast %squeeze3A_2152 : f32 to vector<16xf32>
        %mul3A_2375 = arith.mulf %mul3A_2374, %sub3A_2373 : vector<16xf32>
        %add3A_2376 = arith.addf %add3A_2368, %mul3A_2375 : vector<16xf32>
        %max3A_2377 = arith.maximumf %scan3A_2139, %add3A_2376 : vector<16xf32>
        %get3A_2378 = arith.constant 0 : i32
        %get3A_2379 = arith.constant 0 : i32
        %get3A_2380 = arith.index_cast %get3A_2378 : i32 to index
        %get3A_2381 = arith.index_cast %get3A_2379 : i32 to index
        %get3A_2382 = arith.index_cast %scan3A_2134 : i32 to index
        %get3A_2383 = arith.constant 80 : index
        %get3A_2384 = tpu.vector_load %arg9[%get3A_2380, %get3A_2381, %get3A_2382, %get3A_2383] {strides = array<i32>} : memref<2x4x128x96xf32, #tpu.memory_space<vmem>>, vector<1x1x1x16xf32>,
        %get3A_2385 = vector.shape_cast %get3A_2384 : vector<1x1x1x16xf32> to vector<16xf32>
        %get3A_2386 = arith.constant 0 : i32
        %get3A_2387 = arith.constant 1 : i32
        %get3A_2388 = arith.index_cast %get3A_2386 : i32 to index
        %get3A_2389 = arith.index_cast %get3A_2387 : i32 to index
        %get3A_2390 = arith.index_cast %scan3A_2134 : i32 to index
        %get3A_2391 = arith.constant 80 : index
        %get3A_2392 = tpu.vector_load %arg9[%get3A_2388, %get3A_2389, %get3A_2390, %get3A_2391] {strides = array<i32>} : memref<2x4x128x96xf32, #tpu.memory_space<vmem>>, vector<1x1x1x16xf32>,
        %get3A_2393 = vector.shape_cast %get3A_2392 : vector<1x1x1x16xf32> to vector<16xf32>
        %get3A_2394 = arith.constant 0 : i32
        %get3A_2395 = arith.constant 2 : i32
        %get3A_2396 = arith.index_cast %get3A_2394 : i32 to index
        %get3A_2397 = arith.index_cast %get3A_2395 : i32 to index
        %get3A_2398 = arith.index_cast %scan3A_2134 : i32 to index
        %get3A_2399 = arith.constant 80 : index
        %get3A_2400 = tpu.vector_load %arg9[%get3A_2396, %get3A_2397, %get3A_2398, %get3A_2399] {strides = array<i32>} : memref<2x4x128x96xf32, #tpu.memory_space<vmem>>, vector<1x1x1x16xf32>,
        %get3A_2401 = vector.shape_cast %get3A_2400 : vector<1x1x1x16xf32> to vector<16xf32>
        %get3A_2402 = arith.constant 0 : i32
        %get3A_2403 = arith.constant 3 : i32
        %get3A_2404 = arith.index_cast %get3A_2402 : i32 to index
        %get3A_2405 = arith.index_cast %get3A_2403 : i32 to index
        %get3A_2406 = arith.index_cast %scan3A_2134 : i32 to index
        %get3A_2407 = arith.constant 80 : index
        %get3A_2408 = tpu.vector_load %arg9[%get3A_2404, %get3A_2405, %get3A_2406, %get3A_2407] {strides = array<i32>} : memref<2x4x128x96xf32, #tpu.memory_space<vmem>>, vector<1x1x1x16xf32>,
        %get3A_2409 = vector.shape_cast %get3A_2408 : vector<1x1x1x16xf32> to vector<16xf32>
        %sub3A_2410 = arith.subf %get3A_2393, %get3A_2385 : vector<16xf32>
        %mul3A_2411 = vector.broadcast %squeeze3A : f32 to vector<16xf32>
        %mul3A_2412 = arith.mulf %mul3A_2411, %sub3A_2410 : vector<16xf32>
        %add3A_2413 = arith.addf %get3A_2385, %mul3A_2412 : vector<16xf32>
        %sub3A_2414 = arith.subf %get3A_2409, %get3A_2401 : vector<16xf32>
        %mul3A_2415 = vector.broadcast %squeeze3A : f32 to vector<16xf32>
        %mul3A_2416 = arith.mulf %mul3A_2415, %sub3A_2414 : vector<16xf32>
        %add3A_2417 = arith.addf %get3A_2401, %mul3A_2416 : vector<16xf32>
        %sub3A_2418 = arith.subf %add3A_2417, %add3A_2413 : vector<16xf32>
        %mul3A_2419 = vector.broadcast %squeeze3A_2152 : f32 to vector<16xf32>
        %mul3A_2420 = arith.mulf %mul3A_2419, %sub3A_2418 : vector<16xf32>
        %add3A_2421 = arith.addf %add3A_2413, %mul3A_2420 : vector<16xf32>
        %max3A_2422 = arith.maximumf %scan3A_2140, %add3A_2421 : vector<16xf32>
        scf.yield %max3A_2197, %max3A_2242, %max3A_2287, %max3A_2332, %max3A_2377, %max3A_2422 : vector<16xf32>, vector<16xf32>, vector<16xf32>, vector<16xf32>, vector<16xf32>, vector<16xf32>
      }
      %scan3A_2034 = arith.constant 128 : i32
      %max3A = arith.maximumf %scan3A_2033#0, %scan3A_2033#1 : vector<16xf32>
      %max3A_2035 = arith.maximumf %max3A, %scan3A_2033#2 : vector<16xf32>
      %max3A_2036 = arith.maximumf %max3A_2035, %scan3A_2033#3 : vector<16xf32>
      %max3A_2037 = arith.maximumf %max3A_2036, %scan3A_2033#4 : vector<16xf32>
      %max3A_2038 = arith.maximumf %max3A_2037, %scan3A_2033#5 : vector<16xf32>
      %swap3A_2039 = arith.index_cast %mul3A_982 : i32 to index
      %swap3A_2040 = arith.constant 0 : index
      %swap3A_2041 = tpu.vector_load %arg10[%swap3A_2039, %swap3A_2040] {strides = array<i32>} : memref<196x16xf32, #tpu.memory_space<vmem>>, vector<1x16xf32>,
      %swap3A_2042 = vector.shape_cast %swap3A_2041 : vector<1x16xf32> to vector<16xf32>
      %swap3A_2043 = vector.shape_cast %max3A_2038 : vector<16xf32> to vector<1x16xf32>
      tpu.vector_store %arg10[%swap3A_2039, %swap3A_2040], %swap3A_2043 {strides = array<i32>} : memref<196x16xf32, #tpu.memory_space<vmem>>, vector<1x16xf32>,
      %lt3A_2044 = arith.constant 97 : i32
      %lt3A_2045 = arith.cmpi slt, %scan3A_980, %lt3A_2044 : i32
      %convert_element_type3A_2046 = arith.extui %lt3A_2045 : i1 to i32
      %cond3A = arith.constant 0 : i32
      %cond3A_2047 = arith.cmpi ne, %convert_element_type3A_2046, %cond3A : i32
      scf.if %cond3A_2047 {
        %add3A_2134 = arith.constant 2 : i32
        %add3A_2135 = arith.addi %mul3A_982, %add3A_2134 : i32
        %jit3A_2136 = arith.constant 14 : i32
        %div3A_2137 = arith.divsi %add3A_2135, %jit3A_2136 : i32
        %sign3A_2138 = arith.constant 0 : i32
        %sign3A_2139 = arith.cmpi sgt, %add3A_2135, %sign3A_2138 : i32
        %sign3A_2140 = arith.extui %sign3A_2139 : i1 to i32
        %sign3A_2141 = arith.constant 0 : i32
        %sign3A_2142 = arith.cmpi slt, %add3A_2135, %sign3A_2141 : i32
        %sign3A_2143 = arith.extui %sign3A_2142 : i1 to i32
        %sign3A_2144 = arith.subi %sign3A_2140, %sign3A_2143 : i32
        %sign3A_2145 = arith.constant 0 : i32
        %sign3A_2146 = arith.cmpi sgt, %jit3A_2136, %sign3A_2145 : i32
        %sign3A_2147 = arith.extui %sign3A_2146 : i1 to i32
        %sign3A_2148 = arith.constant 0 : i32
        %sign3A_2149 = arith.cmpi slt, %jit3A_2136, %sign3A_2148 : i32
        %sign3A_2150 = arith.extui %sign3A_2149 : i1 to i32
        %sign3A_2151 = arith.subi %sign3A_2147, %sign3A_2150 : i32
        %ne3A_2152 = arith.cmpi ne, %sign3A_2144, %sign3A_2151 : i32
        %rem3A_2153 = arith.remsi %add3A_2135, %jit3A_2136 : i32
        %ne3A_2154 = arith.constant 0 : i32
        %ne3A_2155 = arith.cmpi ne, %rem3A_2153, %ne3A_2154 : i32
        %and3A_2156 = arith.andi %ne3A_2152, %ne3A_2155 : i1
        %sub3A_2157 = arith.constant 1 : i32
        %sub3A_2158 = arith.subi %div3A_2137, %sub3A_2157 : i32
        %select_n3A_2159 = arith.select %and3A_2156, %sub3A_2158, %div3A_2137 : i32
        %jit3A_2160 = arith.constant 14 : i32
        %eq3A_2161 = arith.constant 0 : i32
        %eq3A_2162 = arith.cmpi eq, %jit3A_2160, %eq3A_2161 : i32
        %jit3A_2163 = arith.constant 1 : i32
        %select_n3A_2164 = arith.select %eq3A_2162, %jit3A_2163, %jit3A_2160 : i32
        %rem3A_2165 = arith.remsi %add3A_2135, %select_n3A_2164 : i32
        %ne3A_2166 = arith.constant 0 : i32
        %ne3A_2167 = arith.cmpi ne, %rem3A_2165, %ne3A_2166 : i32
        %lt3A_2168 = arith.constant 0 : i32
        %lt3A_2169 = arith.cmpi slt, %rem3A_2165, %lt3A_2168 : i32
        %lt3A_2170 = arith.constant 0 : i32
        %lt3A_2171 = arith.cmpi slt, %select_n3A_2164, %lt3A_2170 : i32
        %ne3A_2172 = arith.xori %lt3A_2169, %lt3A_2171 : i1
        %and3A_2173 = arith.andi %ne3A_2172, %ne3A_2167 : i1
        %add3A_2174 = arith.addi %rem3A_2165, %select_n3A_2164 : i32
        %select_n3A_2175 = arith.select %and3A_2173, %add3A_2174, %rem3A_2165 : i32
        %convert_element_type3A_2176 = arith.sitofp %select_n3A_2159 : i32 to f32
        %convert_element_type3A_2177 = arith.sitofp %select_n3A_2175 : i32 to f32
        %get3A_2178 = arith.constant 0 : i32
        %get3A_2179 = arith.index_cast %get3A_2178 : i32 to index
        %get3A_2180 = arith.constant 0 : index
        %get3A_2181 = tpu.vector_load %arg5[%get3A_2179, %get3A_2180] {strides = array<i32>} : memref<4x32xf32, #tpu.memory_space<vmem>>, vector<1x16xf32>,
        %get3A_2182 = vector.shape_cast %get3A_2181 : vector<1x16xf32> to vector<16xf32>
        %get3A_2183 = arith.constant 1 : i32
        %get3A_2184 = arith.index_cast %get3A_2183 : i32 to index
        %get3A_2185 = arith.constant 0 : index
        %get3A_2186 = tpu.vector_load %arg5[%get3A_2184, %get3A_2185] {strides = array<i32>} : memref<4x32xf32, #tpu.memory_space<vmem>>, vector<1x16xf32>,
        %get3A_2187 = vector.shape_cast %get3A_2186 : vector<1x16xf32> to vector<16xf32>
        %get3A_2188 = arith.constant 2 : i32
        %get3A_2189 = arith.index_cast %get3A_2188 : i32 to index
        %get3A_2190 = arith.constant 0 : index
        %get3A_2191 = tpu.vector_load %arg5[%get3A_2189, %get3A_2190] {strides = array<i32>} : memref<4x32xf32, #tpu.memory_space<vmem>>, vector<1x16xf32>,
        %get3A_2192 = vector.shape_cast %get3A_2191 : vector<1x16xf32> to vector<16xf32>
        %sub3A_2193 = arith.subf %get3A_2192, %get3A_2182 : vector<16xf32>
        %mul3A_2194 = arith.constant 0.0714285746 : f32
        %mul3A_2195 = vector.broadcast %mul3A_2194 : f32 to vector<16xf32>
        %mul3A_2196 = arith.mulf %sub3A_2193, %mul3A_2195 : vector<16xf32>
        %get3A_2197 = arith.constant 3 : i32
        %get3A_2198 = arith.index_cast %get3A_2197 : i32 to index
        %get3A_2199 = arith.constant 0 : index
        %get3A_2200 = tpu.vector_load %arg5[%get3A_2198, %get3A_2199] {strides = array<i32>} : memref<4x32xf32, #tpu.memory_space<vmem>>, vector<1x16xf32>,
        %get3A_2201 = vector.shape_cast %get3A_2200 : vector<1x16xf32> to vector<16xf32>
        %sub3A_2202 = arith.subf %get3A_2201, %get3A_2187 : vector<16xf32>
        %mul3A_2203 = arith.constant 0.0714285746 : f32
        %mul3A_2204 = vector.broadcast %mul3A_2203 : f32 to vector<16xf32>
        %mul3A_2205 = arith.mulf %sub3A_2202, %mul3A_2204 : vector<16xf32>
        %add3A_2206 = arith.constant 0.333333343 : f32
        %add3A_2207 = arith.addf %convert_element_type3A_2176, %add3A_2206 : f32
        %mul3A_2208 = vector.broadcast %add3A_2207 : f32 to vector<16xf32>
        %mul3A_2209 = arith.mulf %mul3A_2196, %mul3A_2208 : vector<16xf32>
        %add3A_2210 = arith.addf %get3A_2182, %mul3A_2209 : vector<16xf32>
        %add3A_2211 = arith.constant 0.333333343 : f32
        %add3A_2212 = arith.addf %convert_element_type3A_2177, %add3A_2211 : f32
        %mul3A_2213 = vector.broadcast %add3A_2212 : f32 to vector<16xf32>
        %mul3A_2214 = arith.mulf %mul3A_2205, %mul3A_2213 : vector<16xf32>
        %add3A_2215 = arith.addf %get3A_2187, %mul3A_2214 : vector<16xf32>
        %convert_element_type3A_2216 = arith.fptosi %add3A_2210 : vector<16xf32> to vector<16xi32>
        %min3A_2217 = arith.constant 222 : i32
        %min3A_2218 = vector.broadcast %min3A_2217 : i32 to vector<16xi32>
        %min3A_2219 = arith.minsi %convert_element_type3A_2216, %min3A_2218 : vector<16xi32>
        %convert_element_type3A_2220 = arith.fptosi %add3A_2215 : vector<16xf32> to vector<16xi32>
        %min3A_2221 = arith.constant 222 : i32
        %min3A_2222 = vector.broadcast %min3A_2221 : i32 to vector<16xi32>
        %min3A_2223 = arith.minsi %convert_element_type3A_2220, %min3A_2222 : vector<16xi32>
        %convert_element_type3A_2224 = arith.sitofp %min3A_2219 : vector<16xi32> to vector<16xf32>
        %sub3A_2225 = arith.subf %add3A_2210, %convert_element_type3A_2224 : vector<16xf32>
        %convert_element_type3A_2226 = arith.sitofp %min3A_2223 : vector<16xi32> to vector<16xf32>
        %sub3A_2227 = arith.subf %add3A_2215, %convert_element_type3A_2226 : vector<16xf32>
        %mul3A_2228 = arith.constant 224 : i32
        %mul3A_2229 = vector.broadcast %mul3A_2228 : i32 to vector<16xi32>
        %mul3A_2230 = arith.muli %min3A_2219, %mul3A_2229 : vector<16xi32>
        %add3A_2231 = arith.addi %mul3A_2230, %min3A_2223 : vector<16xi32>
        %swap3A_2232 = arith.constant 0 : i32
        %swap3A_2233 = arith.constant 0 : i32
        %swap3A_2234 = arith.index_cast %swap3A_2232 : i32 to index
        %swap3A_2235 = arith.index_cast %swap3A_2233 : i32 to index
        %swap3A_2236 = arith.constant 0 : index
        %swap3A_2237 = tpu.vector_load %arg6[%swap3A_2234, %swap3A_2235, %swap3A_2236] {strides = array<i32>} : memref<2x4x128xi32, #tpu.memory_space<vmem>>, vector<1x1x16xi32>,
        %swap3A_2238 = vector.shape_cast %swap3A_2237 : vector<1x1x16xi32> to vector<16xi32>
        %swap3A_2239 = vector.shape_cast %add3A_2231 : vector<16xi32> to vector<1x1x16xi32>
        tpu.vector_store %arg6[%swap3A_2234, %swap3A_2235, %swap3A_2236], %swap3A_2239 {strides = array<i32>} : memref<2x4x128xi32, #tpu.memory_space<vmem>>, vector<1x1x16xi32>,
        %add3A_2240 = arith.constant 1 : i32
        %add3A_2241 = vector.broadcast %add3A_2240 : i32 to vector<16xi32>
        %add3A_2242 = arith.addi %add3A_2231, %add3A_2241 : vector<16xi32>
        %swap3A_2243 = arith.constant 0 : i32
        %swap3A_2244 = arith.constant 1 : i32
        %swap3A_2245 = arith.index_cast %swap3A_2243 : i32 to index
        %swap3A_2246 = arith.index_cast %swap3A_2244 : i32 to index
        %swap3A_2247 = arith.constant 0 : index
        %swap3A_2248 = tpu.vector_load %arg6[%swap3A_2245, %swap3A_2246, %swap3A_2247] {strides = array<i32>} : memref<2x4x128xi32, #tpu.memory_space<vmem>>, vector<1x1x16xi32>,
        %swap3A_2249 = vector.shape_cast %swap3A_2248 : vector<1x1x16xi32> to vector<16xi32>
        %swap3A_2250 = vector.shape_cast %add3A_2242 : vector<16xi32> to vector<1x1x16xi32>
        tpu.vector_store %arg6[%swap3A_2245, %swap3A_2246, %swap3A_2247], %swap3A_2250 {strides = array<i32>} : memref<2x4x128xi32, #tpu.memory_space<vmem>>, vector<1x1x16xi32>,
        %add3A_2251 = arith.constant 224 : i32
        %add3A_2252 = vector.broadcast %add3A_2251 : i32 to vector<16xi32>
        %add3A_2253 = arith.addi %add3A_2231, %add3A_2252 : vector<16xi32>
        %swap3A_2254 = arith.constant 0 : i32
        %swap3A_2255 = arith.constant 2 : i32
        %swap3A_2256 = arith.index_cast %swap3A_2254 : i32 to index
        %swap3A_2257 = arith.index_cast %swap3A_2255 : i32 to index
        %swap3A_2258 = arith.constant 0 : index
        %swap3A_2259 = tpu.vector_load %arg6[%swap3A_2256, %swap3A_2257, %swap3A_2258] {strides = array<i32>} : memref<2x4x128xi32, #tpu.memory_space<vmem>>, vector<1x1x16xi32>,
        %swap3A_2260 = vector.shape_cast %swap3A_2259 : vector<1x1x16xi32> to vector<16xi32>
        %swap3A_2261 = vector.shape_cast %add3A_2253 : vector<16xi32> to vector<1x1x16xi32>
        tpu.vector_store %arg6[%swap3A_2256, %swap3A_2257, %swap3A_2258], %swap3A_2261 {strides = array<i32>} : memref<2x4x128xi32, #tpu.memory_space<vmem>>, vector<1x1x16xi32>,
        %add3A_2262 = arith.constant 224 : i32
        %add3A_2263 = vector.broadcast %add3A_2262 : i32 to vector<16xi32>
        %add3A_2264 = arith.addi %add3A_2231, %add3A_2263 : vector<16xi32>
        %add3A_2265 = arith.constant 1 : i32
        %add3A_2266 = vector.broadcast %add3A_2265 : i32 to vector<16xi32>
        %add3A_2267 = arith.addi %add3A_2264, %add3A_2266 : vector<16xi32>
        %swap3A_2268 = arith.constant 0 : i32
        %swap3A_2269 = arith.constant 3 : i32
        %swap3A_2270 = arith.index_cast %swap3A_2268 : i32 to index
        %swap3A_2271 = arith.index_cast %swap3A_2269 : i32 to index
        %swap3A_2272 = arith.constant 0 : index
        %swap3A_2273 = tpu.vector_load %arg6[%swap3A_2270, %swap3A_2271, %swap3A_2272] {strides = array<i32>} : memref<2x4x128xi32, #tpu.memory_space<vmem>>, vector<1x1x16xi32>,
        %swap3A_2274 = vector.shape_cast %swap3A_2273 : vector<1x1x16xi32> to vector<16xi32>
        %swap3A_2275 = vector.shape_cast %add3A_2267 : vector<16xi32> to vector<1x1x16xi32>
        tpu.vector_store %arg6[%swap3A_2270, %swap3A_2271, %swap3A_2272], %swap3A_2275 {strides = array<i32>} : memref<2x4x128xi32, #tpu.memory_space<vmem>>, vector<1x1x16xi32>,
        %swap3A_2276 = arith.constant 0 : i32
        %swap3A_2277 = arith.index_cast %swap3A_2276 : i32 to index
        %swap3A_2278 = arith.constant 0 : index
        %swap3A_2279 = tpu.vector_load %arg7[%swap3A_2277, %swap3A_2278] {strides = array<i32>} : memref<2x144xf32, #tpu.memory_space<vmem>>, vector<1x16xf32>,
        %swap3A_2280 = vector.shape_cast %swap3A_2279 : vector<1x16xf32> to vector<16xf32>
        %swap3A_2281 = vector.shape_cast %sub3A_2227 : vector<16xf32> to vector<1x16xf32>
        tpu.vector_store %arg7[%swap3A_2277, %swap3A_2278], %swap3A_2281 {strides = array<i32>} : memref<2x144xf32, #tpu.memory_space<vmem>>, vector<1x16xf32>,
        %swap3A_2282 = arith.constant 0 : i32
        %swap3A_2283 = arith.index_cast %swap3A_2282 : i32 to index
        %swap3A_2284 = arith.constant 0 : index
        %swap3A_2285 = tpu.vector_load %arg8[%swap3A_2283, %swap3A_2284] {strides = array<i32>} : memref<2x144xf32, #tpu.memory_space<vmem>>, vector<1x16xf32>,
        %swap3A_2286 = vector.shape_cast %swap3A_2285 : vector<1x16xf32> to vector<16xf32>
        %swap3A_2287 = vector.shape_cast %sub3A_2225 : vector<16xf32> to vector<1x16xf32>
        tpu.vector_store %arg8[%swap3A_2283, %swap3A_2284], %swap3A_2287 {strides = array<i32>} : memref<2x144xf32, #tpu.memory_space<vmem>>, vector<1x16xf32>,
        %get3A_2288 = arith.constant 0 : i32
        %get3A_2289 = arith.index_cast %get3A_2288 : i32 to index
        %get3A_2290 = arith.constant 16 : index
        %get3A_2291 = tpu.vector_load %arg5[%get3A_2289, %get3A_2290] {strides = array<i32>} : memref<4x32xf32, #tpu.memory_space<vmem>>, vector<1x16xf32>,
        %get3A_2292 = vector.shape_cast %get3A_2291 : vector<1x16xf32> to vector<16xf32>
        %get3A_2293 = arith.constant 1 : i32
        %get3A_2294 = arith.index_cast %get3A_2293 : i32 to index
        %get3A_2295 = arith.constant 16 : index
        %get3A_2296 = tpu.vector_load %arg5[%get3A_2294, %get3A_2295] {strides = array<i32>} : memref<4x32xf32, #tpu.memory_space<vmem>>, vector<1x16xf32>,
        %get3A_2297 = vector.shape_cast %get3A_2296 : vector<1x16xf32> to vector<16xf32>
        %get3A_2298 = arith.constant 2 : i32
        %get3A_2299 = arith.index_cast %get3A_2298 : i32 to index
        %get3A_2300 = arith.constant 16 : index
        %get3A_2301 = tpu.vector_load %arg5[%get3A_2299, %get3A_2300] {strides = array<i32>} : memref<4x32xf32, #tpu.memory_space<vmem>>, vector<1x16xf32>,
        %get3A_2302 = vector.shape_cast %get3A_2301 : vector<1x16xf32> to vector<16xf32>
        %sub3A_2303 = arith.subf %get3A_2302, %get3A_2292 : vector<16xf32>
        %mul3A_2304 = arith.constant 0.0714285746 : f32
        %mul3A_2305 = vector.broadcast %mul3A_2304 : f32 to vector<16xf32>
        %mul3A_2306 = arith.mulf %sub3A_2303, %mul3A_2305 : vector<16xf32>
        %get3A_2307 = arith.constant 3 : i32
        %get3A_2308 = arith.index_cast %get3A_2307 : i32 to index
        %get3A_2309 = arith.constant 16 : index
        %get3A_2310 = tpu.vector_load %arg5[%get3A_2308, %get3A_2309] {strides = array<i32>} : memref<4x32xf32, #tpu.memory_space<vmem>>, vector<1x16xf32>,
        %get3A_2311 = vector.shape_cast %get3A_2310 : vector<1x16xf32> to vector<16xf32>
        %sub3A_2312 = arith.subf %get3A_2311, %get3A_2297 : vector<16xf32>
        %mul3A_2313 = arith.constant 0.0714285746 : f32
        %mul3A_2314 = vector.broadcast %mul3A_2313 : f32 to vector<16xf32>
        %mul3A_2315 = arith.mulf %sub3A_2312, %mul3A_2314 : vector<16xf32>
        %add3A_2316 = arith.constant 0.333333343 : f32
        %add3A_2317 = arith.addf %convert_element_type3A_2176, %add3A_2316 : f32
        %mul3A_2318 = vector.broadcast %add3A_2317 : f32 to vector<16xf32>
        %mul3A_2319 = arith.mulf %mul3A_2306, %mul3A_2318 : vector<16xf32>
        %add3A_2320 = arith.addf %get3A_2292, %mul3A_2319 : vector<16xf32>
        %add3A_2321 = arith.constant 0.333333343 : f32
        %add3A_2322 = arith.addf %convert_element_type3A_2177, %add3A_2321 : f32
        %mul3A_2323 = vector.broadcast %add3A_2322 : f32 to vector<16xf32>
        %mul3A_2324 = arith.mulf %mul3A_2315, %mul3A_2323 : vector<16xf32>
        %add3A_2325 = arith.addf %get3A_2297, %mul3A_2324 : vector<16xf32>
        %convert_element_type3A_2326 = arith.fptosi %add3A_2320 : vector<16xf32> to vector<16xi32>
        %min3A_2327 = arith.constant 222 : i32
        %min3A_2328 = vector.broadcast %min3A_2327 : i32 to vector<16xi32>
        %min3A_2329 = arith.minsi %convert_element_type3A_2326, %min3A_2328 : vector<16xi32>
        %convert_element_type3A_2330 = arith.fptosi %add3A_2325 : vector<16xf32> to vector<16xi32>
        %min3A_2331 = arith.constant 222 : i32
        %min3A_2332 = vector.broadcast %min3A_2331 : i32 to vector<16xi32>
        %min3A_2333 = arith.minsi %convert_element_type3A_2330, %min3A_2332 : vector<16xi32>
        %convert_element_type3A_2334 = arith.sitofp %min3A_2329 : vector<16xi32> to vector<16xf32>
        %sub3A_2335 = arith.subf %add3A_2320, %convert_element_type3A_2334 : vector<16xf32>
        %convert_element_type3A_2336 = arith.sitofp %min3A_2333 : vector<16xi32> to vector<16xf32>
        %sub3A_2337 = arith.subf %add3A_2325, %convert_element_type3A_2336 : vector<16xf32>
        %mul3A_2338 = arith.constant 224 : i32
        %mul3A_2339 = vector.broadcast %mul3A_2338 : i32 to vector<16xi32>
        %mul3A_2340 = arith.muli %min3A_2329, %mul3A_2339 : vector<16xi32>
        %add3A_2341 = arith.addi %mul3A_2340, %min3A_2333 : vector<16xi32>
        %swap3A_2342 = arith.constant 0 : i32
        %swap3A_2343 = arith.constant 0 : i32
        %swap3A_2344 = arith.index_cast %swap3A_2342 : i32 to index
        %swap3A_2345 = arith.index_cast %swap3A_2343 : i32 to index
        %swap3A_2346 = arith.constant 16 : index
        %swap3A_2347 = tpu.vector_load %arg6[%swap3A_2344, %swap3A_2345, %swap3A_2346] {strides = array<i32>} : memref<2x4x128xi32, #tpu.memory_space<vmem>>, vector<1x1x16xi32>,
        %swap3A_2348 = vector.shape_cast %swap3A_2347 : vector<1x1x16xi32> to vector<16xi32>
        %swap3A_2349 = vector.shape_cast %add3A_2341 : vector<16xi32> to vector<1x1x16xi32>
        tpu.vector_store %arg6[%swap3A_2344, %swap3A_2345, %swap3A_2346], %swap3A_2349 {strides = array<i32>} : memref<2x4x128xi32, #tpu.memory_space<vmem>>, vector<1x1x16xi32>,
        %add3A_2350 = arith.constant 1 : i32
        %add3A_2351 = vector.broadcast %add3A_2350 : i32 to vector<16xi32>
        %add3A_2352 = arith.addi %add3A_2341, %add3A_2351 : vector<16xi32>
        %swap3A_2353 = arith.constant 0 : i32
        %swap3A_2354 = arith.constant 1 : i32
        %swap3A_2355 = arith.index_cast %swap3A_2353 : i32 to index
        %swap3A_2356 = arith.index_cast %swap3A_2354 : i32 to index
        %swap3A_2357 = arith.constant 16 : index
        %swap3A_2358 = tpu.vector_load %arg6[%swap3A_2355, %swap3A_2356, %swap3A_2357] {strides = array<i32>} : memref<2x4x128xi32, #tpu.memory_space<vmem>>, vector<1x1x16xi32>,
        %swap3A_2359 = vector.shape_cast %swap3A_2358 : vector<1x1x16xi32> to vector<16xi32>
        %swap3A_2360 = vector.shape_cast %add3A_2352 : vector<16xi32> to vector<1x1x16xi32>
        tpu.vector_store %arg6[%swap3A_2355, %swap3A_2356, %swap3A_2357], %swap3A_2360 {strides = array<i32>} : memref<2x4x128xi32, #tpu.memory_space<vmem>>, vector<1x1x16xi32>,
        %add3A_2361 = arith.constant 224 : i32
        %add3A_2362 = vector.broadcast %add3A_2361 : i32 to vector<16xi32>
        %add3A_2363 = arith.addi %add3A_2341, %add3A_2362 : vector<16xi32>
        %swap3A_2364 = arith.constant 0 : i32
        %swap3A_2365 = arith.constant 2 : i32
        %swap3A_2366 = arith.index_cast %swap3A_2364 : i32 to index
        %swap3A_2367 = arith.index_cast %swap3A_2365 : i32 to index
        %swap3A_2368 = arith.constant 16 : index
        %swap3A_2369 = tpu.vector_load %arg6[%swap3A_2366, %swap3A_2367, %swap3A_2368] {strides = array<i32>} : memref<2x4x128xi32, #tpu.memory_space<vmem>>, vector<1x1x16xi32>,
        %swap3A_2370 = vector.shape_cast %swap3A_2369 : vector<1x1x16xi32> to vector<16xi32>
        %swap3A_2371 = vector.shape_cast %add3A_2363 : vector<16xi32> to vector<1x1x16xi32>
        tpu.vector_store %arg6[%swap3A_2366, %swap3A_2367, %swap3A_2368], %swap3A_2371 {strides = array<i32>} : memref<2x4x128xi32, #tpu.memory_space<vmem>>, vector<1x1x16xi32>,
        %add3A_2372 = arith.constant 224 : i32
        %add3A_2373 = vector.broadcast %add3A_2372 : i32 to vector<16xi32>
        %add3A_2374 = arith.addi %add3A_2341, %add3A_2373 : vector<16xi32>
        %add3A_2375 = arith.constant 1 : i32
        %add3A_2376 = vector.broadcast %add3A_2375 : i32 to vector<16xi32>
        %add3A_2377 = arith.addi %add3A_2374, %add3A_2376 : vector<16xi32>
        %swap3A_2378 = arith.constant 0 : i32
        %swap3A_2379 = arith.constant 3 : i32
        %swap3A_2380 = arith.index_cast %swap3A_2378 : i32 to index
        %swap3A_2381 = arith.index_cast %swap3A_2379 : i32 to index
        %swap3A_2382 = arith.constant 16 : index
        %swap3A_2383 = tpu.vector_load %arg6[%swap3A_2380, %swap3A_2381, %swap3A_2382] {strides = array<i32>} : memref<2x4x128xi32, #tpu.memory_space<vmem>>, vector<1x1x16xi32>,
        %swap3A_2384 = vector.shape_cast %swap3A_2383 : vector<1x1x16xi32> to vector<16xi32>
        %swap3A_2385 = vector.shape_cast %add3A_2377 : vector<16xi32> to vector<1x1x16xi32>
        tpu.vector_store %arg6[%swap3A_2380, %swap3A_2381, %swap3A_2382], %swap3A_2385 {strides = array<i32>} : memref<2x4x128xi32, #tpu.memory_space<vmem>>, vector<1x1x16xi32>,
        %swap3A_2386 = arith.constant 0 : i32
        %swap3A_2387 = arith.index_cast %swap3A_2386 : i32 to index
        %swap3A_2388 = arith.constant 16 : index
        %swap3A_2389 = tpu.vector_load %arg7[%swap3A_2387, %swap3A_2388] {strides = array<i32>} : memref<2x144xf32, #tpu.memory_space<vmem>>, vector<1x16xf32>,
        %swap3A_2390 = vector.shape_cast %swap3A_2389 : vector<1x16xf32> to vector<16xf32>
        %swap3A_2391 = vector.shape_cast %sub3A_2337 : vector<16xf32> to vector<1x16xf32>
        tpu.vector_store %arg7[%swap3A_2387, %swap3A_2388], %swap3A_2391 {strides = array<i32>} : memref<2x144xf32, #tpu.memory_space<vmem>>, vector<1x16xf32>,
        %swap3A_2392 = arith.constant 0 : i32
        %swap3A_2393 = arith.index_cast %swap3A_2392 : i32 to index
        %swap3A_2394 = arith.constant 16 : index
        %swap3A_2395 = tpu.vector_load %arg8[%swap3A_2393, %swap3A_2394] {strides = array<i32>} : memref<2x144xf32, #tpu.memory_space<vmem>>, vector<1x16xf32>,
        %swap3A_2396 = vector.shape_cast %swap3A_2395 : vector<1x16xf32> to vector<16xf32>
        %swap3A_2397 = vector.shape_cast %sub3A_2335 : vector<16xf32> to vector<1x16xf32>
        tpu.vector_store %arg8[%swap3A_2393, %swap3A_2394], %swap3A_2397 {strides = array<i32>} : memref<2x144xf32, #tpu.memory_space<vmem>>, vector<1x16xf32>,
        %get3A_2398 = arith.constant 0 : i32
        %get3A_2399 = arith.index_cast %get3A_2398 : i32 to index
        %get3A_2400 = arith.constant 0 : index
        %get3A_2401 = tpu.vector_load %arg5[%get3A_2399, %get3A_2400] {strides = array<i32>} : memref<4x32xf32, #tpu.memory_space<vmem>>, vector<1x16xf32>,
        %get3A_2402 = vector.shape_cast %get3A_2401 : vector<1x16xf32> to vector<16xf32>
        %get3A_2403 = arith.constant 1 : i32
        %get3A_2404 = arith.index_cast %get3A_2403 : i32 to index
        %get3A_2405 = arith.constant 0 : index
        %get3A_2406 = tpu.vector_load %arg5[%get3A_2404, %get3A_2405] {strides = array<i32>} : memref<4x32xf32, #tpu.memory_space<vmem>>, vector<1x16xf32>,
        %get3A_2407 = vector.shape_cast %get3A_2406 : vector<1x16xf32> to vector<16xf32>
        %get3A_2408 = arith.constant 2 : i32
        %get3A_2409 = arith.index_cast %get3A_2408 : i32 to index
        %get3A_2410 = arith.constant 0 : index
        %get3A_2411 = tpu.vector_load %arg5[%get3A_2409, %get3A_2410] {strides = array<i32>} : memref<4x32xf32, #tpu.memory_space<vmem>>, vector<1x16xf32>,
        %get3A_2412 = vector.shape_cast %get3A_2411 : vector<1x16xf32> to vector<16xf32>
        %sub3A_2413 = arith.subf %get3A_2412, %get3A_2402 : vector<16xf32>
        %mul3A_2414 = arith.constant 0.0714285746 : f32
        %mul3A_2415 = vector.broadcast %mul3A_2414 : f32 to vector<16xf32>
        %mul3A_2416 = arith.mulf %sub3A_2413, %mul3A_2415 : vector<16xf32>
        %get3A_2417 = arith.constant 3 : i32
        %get3A_2418 = arith.index_cast %get3A_2417 : i32 to index
        %get3A_2419 = arith.constant 0 : index
        %get3A_2420 = tpu.vector_load %arg5[%get3A_2418, %get3A_2419] {strides = array<i32>} : memref<4x32xf32, #tpu.memory_space<vmem>>, vector<1x16xf32>,
        %get3A_2421 = vector.shape_cast %get3A_2420 : vector<1x16xf32> to vector<16xf32>
        %sub3A_2422 = arith.subf %get3A_2421, %get3A_2407 : vector<16xf32>
        %mul3A_2423 = arith.constant 0.0714285746 : f32
        %mul3A_2424 = vector.broadcast %mul3A_2423 : f32 to vector<16xf32>
        %mul3A_2425 = arith.mulf %sub3A_2422, %mul3A_2424 : vector<16xf32>
        %add3A_2426 = arith.constant 0.333333343 : f32
        %add3A_2427 = arith.addf %convert_element_type3A_2176, %add3A_2426 : f32
        %mul3A_2428 = vector.broadcast %add3A_2427 : f32 to vector<16xf32>
        %mul3A_2429 = arith.mulf %mul3A_2416, %mul3A_2428 : vector<16xf32>
        %add3A_2430 = arith.addf %get3A_2402, %mul3A_2429 : vector<16xf32>
        %add3A_2431 = arith.constant 0.666666686 : f32
        %add3A_2432 = arith.addf %convert_element_type3A_2177, %add3A_2431 : f32
        %mul3A_2433 = vector.broadcast %add3A_2432 : f32 to vector<16xf32>
        %mul3A_2434 = arith.mulf %mul3A_2425, %mul3A_2433 : vector<16xf32>
        %add3A_2435 = arith.addf %get3A_2407, %mul3A_2434 : vector<16xf32>
        %convert_element_type3A_2436 = arith.fptosi %add3A_2430 : vector<16xf32> to vector<16xi32>
        %min3A_2437 = arith.constant 222 : i32
        %min3A_2438 = vector.broadcast %min3A_2437 : i32 to vector<16xi32>
        %min3A_2439 = arith.minsi %convert_element_type3A_2436, %min3A_2438 : vector<16xi32>
        %convert_element_type3A_2440 = arith.fptosi %add3A_2435 : vector<16xf32> to vector<16xi32>
        %min3A_2441 = arith.constant 222 : i32
        %min3A_2442 = vector.broadcast %min3A_2441 : i32 to vector<16xi32>
        %min3A_2443 = arith.minsi %convert_element_type3A_2440, %min3A_2442 : vector<16xi32>
        %convert_element_type3A_2444 = arith.sitofp %min3A_2439 : vector<16xi32> to vector<16xf32>
        %sub3A_2445 = arith.subf %add3A_2430, %convert_element_type3A_2444 : vector<16xf32>
        %convert_element_type3A_2446 = arith.sitofp %min3A_2443 : vector<16xi32> to vector<16xf32>
        %sub3A_2447 = arith.subf %add3A_2435, %convert_element_type3A_2446 : vector<16xf32>
        %mul3A_2448 = arith.constant 224 : i32
        %mul3A_2449 = vector.broadcast %mul3A_2448 : i32 to vector<16xi32>
        %mul3A_2450 = arith.muli %min3A_2439, %mul3A_2449 : vector<16xi32>
        %add3A_2451 = arith.addi %mul3A_2450, %min3A_2443 : vector<16xi32>
        %swap3A_2452 = arith.constant 0 : i32
        %swap3A_2453 = arith.constant 0 : i32
        %swap3A_2454 = arith.index_cast %swap3A_2452 : i32 to index
        %swap3A_2455 = arith.index_cast %swap3A_2453 : i32 to index
        %swap3A_2456 = arith.constant 32 : index
        %swap3A_2457 = tpu.vector_load %arg6[%swap3A_2454, %swap3A_2455, %swap3A_2456] {strides = array<i32>} : memref<2x4x128xi32, #tpu.memory_space<vmem>>, vector<1x1x16xi32>,
        %swap3A_2458 = vector.shape_cast %swap3A_2457 : vector<1x1x16xi32> to vector<16xi32>
        %swap3A_2459 = vector.shape_cast %add3A_2451 : vector<16xi32> to vector<1x1x16xi32>
        tpu.vector_store %arg6[%swap3A_2454, %swap3A_2455, %swap3A_2456], %swap3A_2459 {strides = array<i32>} : memref<2x4x128xi32, #tpu.memory_space<vmem>>, vector<1x1x16xi32>,
        %add3A_2460 = arith.constant 1 : i32
        %add3A_2461 = vector.broadcast %add3A_2460 : i32 to vector<16xi32>
        %add3A_2462 = arith.addi %add3A_2451, %add3A_2461 : vector<16xi32>
        %swap3A_2463 = arith.constant 0 : i32
        %swap3A_2464 = arith.constant 1 : i32
        %swap3A_2465 = arith.index_cast %swap3A_2463 : i32 to index
        %swap3A_2466 = arith.index_cast %swap3A_2464 : i32 to index
        %swap3A_2467 = arith.constant 32 : index
        %swap3A_2468 = tpu.vector_load %arg6[%swap3A_2465, %swap3A_2466, %swap3A_2467] {strides = array<i32>} : memref<2x4x128xi32, #tpu.memory_space<vmem>>, vector<1x1x16xi32>,
        %swap3A_2469 = vector.shape_cast %swap3A_2468 : vector<1x1x16xi32> to vector<16xi32>
        %swap3A_2470 = vector.shape_cast %add3A_2462 : vector<16xi32> to vector<1x1x16xi32>
        tpu.vector_store %arg6[%swap3A_2465, %swap3A_2466, %swap3A_2467], %swap3A_2470 {strides = array<i32>} : memref<2x4x128xi32, #tpu.memory_space<vmem>>, vector<1x1x16xi32>,
        %add3A_2471 = arith.constant 224 : i32
        %add3A_2472 = vector.broadcast %add3A_2471 : i32 to vector<16xi32>
        %add3A_2473 = arith.addi %add3A_2451, %add3A_2472 : vector<16xi32>
        %swap3A_2474 = arith.constant 0 : i32
        %swap3A_2475 = arith.constant 2 : i32
        %swap3A_2476 = arith.index_cast %swap3A_2474 : i32 to index
        %swap3A_2477 = arith.index_cast %swap3A_2475 : i32 to index
        %swap3A_2478 = arith.constant 32 : index
        %swap3A_2479 = tpu.vector_load %arg6[%swap3A_2476, %swap3A_2477, %swap3A_2478] {strides = array<i32>} : memref<2x4x128xi32, #tpu.memory_space<vmem>>, vector<1x1x16xi32>,
        %swap3A_2480 = vector.shape_cast %swap3A_2479 : vector<1x1x16xi32> to vector<16xi32>
        %swap3A_2481 = vector.shape_cast %add3A_2473 : vector<16xi32> to vector<1x1x16xi32>
        tpu.vector_store %arg6[%swap3A_2476, %swap3A_2477, %swap3A_2478], %swap3A_2481 {strides = array<i32>} : memref<2x4x128xi32, #tpu.memory_space<vmem>>, vector<1x1x16xi32>,
        %add3A_2482 = arith.constant 224 : i32
        %add3A_2483 = vector.broadcast %add3A_2482 : i32 to vector<16xi32>
        %add3A_2484 = arith.addi %add3A_2451, %add3A_2483 : vector<16xi32>
        %add3A_2485 = arith.constant 1 : i32
        %add3A_2486 = vector.broadcast %add3A_2485 : i32 to vector<16xi32>
        %add3A_2487 = arith.addi %add3A_2484, %add3A_2486 : vector<16xi32>
        %swap3A_2488 = arith.constant 0 : i32
        %swap3A_2489 = arith.constant 3 : i32
        %swap3A_2490 = arith.index_cast %swap3A_2488 : i32 to index
        %swap3A_2491 = arith.index_cast %swap3A_2489 : i32 to index
        %swap3A_2492 = arith.constant 32 : index
        %swap3A_2493 = tpu.vector_load %arg6[%swap3A_2490, %swap3A_2491, %swap3A_2492] {strides = array<i32>} : memref<2x4x128xi32, #tpu.memory_space<vmem>>, vector<1x1x16xi32>,
        %swap3A_2494 = vector.shape_cast %swap3A_2493 : vector<1x1x16xi32> to vector<16xi32>
        %swap3A_2495 = vector.shape_cast %add3A_2487 : vector<16xi32> to vector<1x1x16xi32>
        tpu.vector_store %arg6[%swap3A_2490, %swap3A_2491, %swap3A_2492], %swap3A_2495 {strides = array<i32>} : memref<2x4x128xi32, #tpu.memory_space<vmem>>, vector<1x1x16xi32>,
        %swap3A_2496 = arith.constant 0 : i32
        %swap3A_2497 = arith.index_cast %swap3A_2496 : i32 to index
        %swap3A_2498 = arith.constant 32 : index
        %swap3A_2499 = tpu.vector_load %arg7[%swap3A_2497, %swap3A_2498] {strides = array<i32>} : memref<2x144xf32, #tpu.memory_space<vmem>>, vector<1x16xf32>,
        %swap3A_2500 = vector.shape_cast %swap3A_2499 : vector<1x16xf32> to vector<16xf32>
        %swap3A_2501 = vector.shape_cast %sub3A_2447 : vector<16xf32> to vector<1x16xf32>
        tpu.vector_store %arg7[%swap3A_2497, %swap3A_2498], %swap3A_2501 {strides = array<i32>} : memref<2x144xf32, #tpu.memory_space<vmem>>, vector<1x16xf32>,
        %swap3A_2502 = arith.constant 0 : i32
        %swap3A_2503 = arith.index_cast %swap3A_2502 : i32 to index
        %swap3A_2504 = arith.constant 32 : index
        %swap3A_2505 = tpu.vector_load %arg8[%swap3A_2503, %swap3A_2504] {strides = array<i32>} : memref<2x144xf32, #tpu.memory_space<vmem>>, vector<1x16xf32>,
        %swap3A_2506 = vector.shape_cast %swap3A_2505 : vector<1x16xf32> to vector<16xf32>
        %swap3A_2507 = vector.shape_cast %sub3A_2445 : vector<16xf32> to vector<1x16xf32>
        tpu.vector_store %arg8[%swap3A_2503, %swap3A_2504], %swap3A_2507 {strides = array<i32>} : memref<2x144xf32, #tpu.memory_space<vmem>>, vector<1x16xf32>,
        %get3A_2508 = arith.constant 0 : i32
        %get3A_2509 = arith.index_cast %get3A_2508 : i32 to index
        %get3A_2510 = arith.constant 16 : index
        %get3A_2511 = tpu.vector_load %arg5[%get3A_2509, %get3A_2510] {strides = array<i32>} : memref<4x32xf32, #tpu.memory_space<vmem>>, vector<1x16xf32>,
        %get3A_2512 = vector.shape_cast %get3A_2511 : vector<1x16xf32> to vector<16xf32>
        %get3A_2513 = arith.constant 1 : i32
        %get3A_2514 = arith.index_cast %get3A_2513 : i32 to index
        %get3A_2515 = arith.constant 16 : index
        %get3A_2516 = tpu.vector_load %arg5[%get3A_2514, %get3A_2515] {strides = array<i32>} : memref<4x32xf32, #tpu.memory_space<vmem>>, vector<1x16xf32>,
        %get3A_2517 = vector.shape_cast %get3A_2516 : vector<1x16xf32> to vector<16xf32>
        %get3A_2518 = arith.constant 2 : i32
        %get3A_2519 = arith.index_cast %get3A_2518 : i32 to index
        %get3A_2520 = arith.constant 16 : index
        %get3A_2521 = tpu.vector_load %arg5[%get3A_2519, %get3A_2520] {strides = array<i32>} : memref<4x32xf32, #tpu.memory_space<vmem>>, vector<1x16xf32>,
        %get3A_2522 = vector.shape_cast %get3A_2521 : vector<1x16xf32> to vector<16xf32>
        %sub3A_2523 = arith.subf %get3A_2522, %get3A_2512 : vector<16xf32>
        %mul3A_2524 = arith.constant 0.0714285746 : f32
        %mul3A_2525 = vector.broadcast %mul3A_2524 : f32 to vector<16xf32>
        %mul3A_2526 = arith.mulf %sub3A_2523, %mul3A_2525 : vector<16xf32>
        %get3A_2527 = arith.constant 3 : i32
        %get3A_2528 = arith.index_cast %get3A_2527 : i32 to index
        %get3A_2529 = arith.constant 16 : index
        %get3A_2530 = tpu.vector_load %arg5[%get3A_2528, %get3A_2529] {strides = array<i32>} : memref<4x32xf32, #tpu.memory_space<vmem>>, vector<1x16xf32>,
        %get3A_2531 = vector.shape_cast %get3A_2530 : vector<1x16xf32> to vector<16xf32>
        %sub3A_2532 = arith.subf %get3A_2531, %get3A_2517 : vector<16xf32>
        %mul3A_2533 = arith.constant 0.0714285746 : f32
        %mul3A_2534 = vector.broadcast %mul3A_2533 : f32 to vector<16xf32>
        %mul3A_2535 = arith.mulf %sub3A_2532, %mul3A_2534 : vector<16xf32>
        %add3A_2536 = arith.constant 0.333333343 : f32
        %add3A_2537 = arith.addf %convert_element_type3A_2176, %add3A_2536 : f32
        %mul3A_2538 = vector.broadcast %add3A_2537 : f32 to vector<16xf32>
        %mul3A_2539 = arith.mulf %mul3A_2526, %mul3A_2538 : vector<16xf32>
        %add3A_2540 = arith.addf %get3A_2512, %mul3A_2539 : vector<16xf32>
        %add3A_2541 = arith.constant 0.666666686 : f32
        %add3A_2542 = arith.addf %convert_element_type3A_2177, %add3A_2541 : f32
        %mul3A_2543 = vector.broadcast %add3A_2542 : f32 to vector<16xf32>
        %mul3A_2544 = arith.mulf %mul3A_2535, %mul3A_2543 : vector<16xf32>
        %add3A_2545 = arith.addf %get3A_2517, %mul3A_2544 : vector<16xf32>
        %convert_element_type3A_2546 = arith.fptosi %add3A_2540 : vector<16xf32> to vector<16xi32>
        %min3A_2547 = arith.constant 222 : i32
        %min3A_2548 = vector.broadcast %min3A_2547 : i32 to vector<16xi32>
        %min3A_2549 = arith.minsi %convert_element_type3A_2546, %min3A_2548 : vector<16xi32>
        %convert_element_type3A_2550 = arith.fptosi %add3A_2545 : vector<16xf32> to vector<16xi32>
        %min3A_2551 = arith.constant 222 : i32
        %min3A_2552 = vector.broadcast %min3A_2551 : i32 to vector<16xi32>
        %min3A_2553 = arith.minsi %convert_element_type3A_2550, %min3A_2552 : vector<16xi32>
        %convert_element_type3A_2554 = arith.sitofp %min3A_2549 : vector<16xi32> to vector<16xf32>
        %sub3A_2555 = arith.subf %add3A_2540, %convert_element_type3A_2554 : vector<16xf32>
        %convert_element_type3A_2556 = arith.sitofp %min3A_2553 : vector<16xi32> to vector<16xf32>
        %sub3A_2557 = arith.subf %add3A_2545, %convert_element_type3A_2556 : vector<16xf32>
        %mul3A_2558 = arith.constant 224 : i32
        %mul3A_2559 = vector.broadcast %mul3A_2558 : i32 to vector<16xi32>
        %mul3A_2560 = arith.muli %min3A_2549, %mul3A_2559 : vector<16xi32>
        %add3A_2561 = arith.addi %mul3A_2560, %min3A_2553 : vector<16xi32>
        %swap3A_2562 = arith.constant 0 : i32
        %swap3A_2563 = arith.constant 0 : i32
        %swap3A_2564 = arith.index_cast %swap3A_2562 : i32 to index
        %swap3A_2565 = arith.index_cast %swap3A_2563 : i32 to index
        %swap3A_2566 = arith.constant 48 : index
        %swap3A_2567 = tpu.vector_load %arg6[%swap3A_2564, %swap3A_2565, %swap3A_2566] {strides = array<i32>} : memref<2x4x128xi32, #tpu.memory_space<vmem>>, vector<1x1x16xi32>,
        %swap3A_2568 = vector.shape_cast %swap3A_2567 : vector<1x1x16xi32> to vector<16xi32>
        %swap3A_2569 = vector.shape_cast %add3A_2561 : vector<16xi32> to vector<1x1x16xi32>
        tpu.vector_store %arg6[%swap3A_2564, %swap3A_2565, %swap3A_2566], %swap3A_2569 {strides = array<i32>} : memref<2x4x128xi32, #tpu.memory_space<vmem>>, vector<1x1x16xi32>,
        %add3A_2570 = arith.constant 1 : i32
        %add3A_2571 = vector.broadcast %add3A_2570 : i32 to vector<16xi32>
        %add3A_2572 = arith.addi %add3A_2561, %add3A_2571 : vector<16xi32>
        %swap3A_2573 = arith.constant 0 : i32
        %swap3A_2574 = arith.constant 1 : i32
        %swap3A_2575 = arith.index_cast %swap3A_2573 : i32 to index
        %swap3A_2576 = arith.index_cast %swap3A_2574 : i32 to index
        %swap3A_2577 = arith.constant 48 : index
        %swap3A_2578 = tpu.vector_load %arg6[%swap3A_2575, %swap3A_2576, %swap3A_2577] {strides = array<i32>} : memref<2x4x128xi32, #tpu.memory_space<vmem>>, vector<1x1x16xi32>,
        %swap3A_2579 = vector.shape_cast %swap3A_2578 : vector<1x1x16xi32> to vector<16xi32>
        %swap3A_2580 = vector.shape_cast %add3A_2572 : vector<16xi32> to vector<1x1x16xi32>
        tpu.vector_store %arg6[%swap3A_2575, %swap3A_2576, %swap3A_2577], %swap3A_2580 {strides = array<i32>} : memref<2x4x128xi32, #tpu.memory_space<vmem>>, vector<1x1x16xi32>,
        %add3A_2581 = arith.constant 224 : i32
        %add3A_2582 = vector.broadcast %add3A_2581 : i32 to vector<16xi32>
        %add3A_2583 = arith.addi %add3A_2561, %add3A_2582 : vector<16xi32>
        %swap3A_2584 = arith.constant 0 : i32
        %swap3A_2585 = arith.constant 2 : i32
        %swap3A_2586 = arith.index_cast %swap3A_2584 : i32 to index
        %swap3A_2587 = arith.index_cast %swap3A_2585 : i32 to index
        %swap3A_2588 = arith.constant 48 : index
        %swap3A_2589 = tpu.vector_load %arg6[%swap3A_2586, %swap3A_2587, %swap3A_2588] {strides = array<i32>} : memref<2x4x128xi32, #tpu.memory_space<vmem>>, vector<1x1x16xi32>,
        %swap3A_2590 = vector.shape_cast %swap3A_2589 : vector<1x1x16xi32> to vector<16xi32>
        %swap3A_2591 = vector.shape_cast %add3A_2583 : vector<16xi32> to vector<1x1x16xi32>
        tpu.vector_store %arg6[%swap3A_2586, %swap3A_2587, %swap3A_2588], %swap3A_2591 {strides = array<i32>} : memref<2x4x128xi32, #tpu.memory_space<vmem>>, vector<1x1x16xi32>,
        %add3A_2592 = arith.constant 224 : i32
        %add3A_2593 = vector.broadcast %add3A_2592 : i32 to vector<16xi32>
        %add3A_2594 = arith.addi %add3A_2561, %add3A_2593 : vector<16xi32>
        %add3A_2595 = arith.constant 1 : i32
        %add3A_2596 = vector.broadcast %add3A_2595 : i32 to vector<16xi32>
        %add3A_2597 = arith.addi %add3A_2594, %add3A_2596 : vector<16xi32>
        %swap3A_2598 = arith.constant 0 : i32
        %swap3A_2599 = arith.constant 3 : i32
        %swap3A_2600 = arith.index_cast %swap3A_2598 : i32 to index
        %swap3A_2601 = arith.index_cast %swap3A_2599 : i32 to index
        %swap3A_2602 = arith.constant 48 : index
        %swap3A_2603 = tpu.vector_load %arg6[%swap3A_2600, %swap3A_2601, %swap3A_2602] {strides = array<i32>} : memref<2x4x128xi32, #tpu.memory_space<vmem>>, vector<1x1x16xi32>,
        %swap3A_2604 = vector.shape_cast %swap3A_2603 : vector<1x1x16xi32> to vector<16xi32>
        %swap3A_2605 = vector.shape_cast %add3A_2597 : vector<16xi32> to vector<1x1x16xi32>
        tpu.vector_store %arg6[%swap3A_2600, %swap3A_2601, %swap3A_2602], %swap3A_2605 {strides = array<i32>} : memref<2x4x128xi32, #tpu.memory_space<vmem>>, vector<1x1x16xi32>,
        %swap3A_2606 = arith.constant 0 : i32
        %swap3A_2607 = arith.index_cast %swap3A_2606 : i32 to index
        %swap3A_2608 = arith.constant 48 : index
        %swap3A_2609 = tpu.vector_load %arg7[%swap3A_2607, %swap3A_2608] {strides = array<i32>} : memref<2x144xf32, #tpu.memory_space<vmem>>, vector<1x16xf32>,
        %swap3A_2610 = vector.shape_cast %swap3A_2609 : vector<1x16xf32> to vector<16xf32>
        %swap3A_2611 = vector.shape_cast %sub3A_2557 : vector<16xf32> to vector<1x16xf32>
        tpu.vector_store %arg7[%swap3A_2607, %swap3A_2608], %swap3A_2611 {strides = array<i32>} : memref<2x144xf32, #tpu.memory_space<vmem>>, vector<1x16xf32>,
        %swap3A_2612 = arith.constant 0 : i32
        %swap3A_2613 = arith.index_cast %swap3A_2612 : i32 to index
        %swap3A_2614 = arith.constant 48 : index
        %swap3A_2615 = tpu.vector_load %arg8[%swap3A_2613, %swap3A_2614] {strides = array<i32>} : memref<2x144xf32, #tpu.memory_space<vmem>>, vector<1x16xf32>,
        %swap3A_2616 = vector.shape_cast %swap3A_2615 : vector<1x16xf32> to vector<16xf32>
        %swap3A_2617 = vector.shape_cast %sub3A_2555 : vector<16xf32> to vector<1x16xf32>
        tpu.vector_store %arg8[%swap3A_2613, %swap3A_2614], %swap3A_2617 {strides = array<i32>} : memref<2x144xf32, #tpu.memory_space<vmem>>, vector<1x16xf32>,
        %get3A_2618 = arith.constant 0 : i32
        %get3A_2619 = arith.index_cast %get3A_2618 : i32 to index
        %get3A_2620 = arith.constant 0 : index
        %get3A_2621 = tpu.vector_load %arg5[%get3A_2619, %get3A_2620] {strides = array<i32>} : memref<4x32xf32, #tpu.memory_space<vmem>>, vector<1x16xf32>,
        %get3A_2622 = vector.shape_cast %get3A_2621 : vector<1x16xf32> to vector<16xf32>
        %get3A_2623 = arith.constant 1 : i32
        %get3A_2624 = arith.index_cast %get3A_2623 : i32 to index
        %get3A_2625 = arith.constant 0 : index
        %get3A_2626 = tpu.vector_load %arg5[%get3A_2624, %get3A_2625] {strides = array<i32>} : memref<4x32xf32, #tpu.memory_space<vmem>>, vector<1x16xf32>,
        %get3A_2627 = vector.shape_cast %get3A_2626 : vector<1x16xf32> to vector<16xf32>
        %get3A_2628 = arith.constant 2 : i32
        %get3A_2629 = arith.index_cast %get3A_2628 : i32 to index
        %get3A_2630 = arith.constant 0 : index
        %get3A_2631 = tpu.vector_load %arg5[%get3A_2629, %get3A_2630] {strides = array<i32>} : memref<4x32xf32, #tpu.memory_space<vmem>>, vector<1x16xf32>,
        %get3A_2632 = vector.shape_cast %get3A_2631 : vector<1x16xf32> to vector<16xf32>
        %sub3A_2633 = arith.subf %get3A_2632, %get3A_2622 : vector<16xf32>
        %mul3A_2634 = arith.constant 0.0714285746 : f32
        %mul3A_2635 = vector.broadcast %mul3A_2634 : f32 to vector<16xf32>
        %mul3A_2636 = arith.mulf %sub3A_2633, %mul3A_2635 : vector<16xf32>
        %get3A_2637 = arith.constant 3 : i32
        %get3A_2638 = arith.index_cast %get3A_2637 : i32 to index
        %get3A_2639 = arith.constant 0 : index
        %get3A_2640 = tpu.vector_load %arg5[%get3A_2638, %get3A_2639] {strides = array<i32>} : memref<4x32xf32, #tpu.memory_space<vmem>>, vector<1x16xf32>,
        %get3A_2641 = vector.shape_cast %get3A_2640 : vector<1x16xf32> to vector<16xf32>
        %sub3A_2642 = arith.subf %get3A_2641, %get3A_2627 : vector<16xf32>
        %mul3A_2643 = arith.constant 0.0714285746 : f32
        %mul3A_2644 = vector.broadcast %mul3A_2643 : f32 to vector<16xf32>
        %mul3A_2645 = arith.mulf %sub3A_2642, %mul3A_2644 : vector<16xf32>
        %add3A_2646 = arith.constant 0.666666686 : f32
        %add3A_2647 = arith.addf %convert_element_type3A_2176, %add3A_2646 : f32
        %mul3A_2648 = vector.broadcast %add3A_2647 : f32 to vector<16xf32>
        %mul3A_2649 = arith.mulf %mul3A_2636, %mul3A_2648 : vector<16xf32>
        %add3A_2650 = arith.addf %get3A_2622, %mul3A_2649 : vector<16xf32>
        %add3A_2651 = arith.constant 0.333333343 : f32
        %add3A_2652 = arith.addf %convert_element_type3A_2177, %add3A_2651 : f32
        %mul3A_2653 = vector.broadcast %add3A_2652 : f32 to vector<16xf32>
        %mul3A_2654 = arith.mulf %mul3A_2645, %mul3A_2653 : vector<16xf32>
        %add3A_2655 = arith.addf %get3A_2627, %mul3A_2654 : vector<16xf32>
        %convert_element_type3A_2656 = arith.fptosi %add3A_2650 : vector<16xf32> to vector<16xi32>
        %min3A_2657 = arith.constant 222 : i32
        %min3A_2658 = vector.broadcast %min3A_2657 : i32 to vector<16xi32>
        %min3A_2659 = arith.minsi %convert_element_type3A_2656, %min3A_2658 : vector<16xi32>
        %convert_element_type3A_2660 = arith.fptosi %add3A_2655 : vector<16xf32> to vector<16xi32>
        %min3A_2661 = arith.constant 222 : i32
        %min3A_2662 = vector.broadcast %min3A_2661 : i32 to vector<16xi32>
        %min3A_2663 = arith.minsi %convert_element_type3A_2660, %min3A_2662 : vector<16xi32>
        %convert_element_type3A_2664 = arith.sitofp %min3A_2659 : vector<16xi32> to vector<16xf32>
        %sub3A_2665 = arith.subf %add3A_2650, %convert_element_type3A_2664 : vector<16xf32>
        %convert_element_type3A_2666 = arith.sitofp %min3A_2663 : vector<16xi32> to vector<16xf32>
        %sub3A_2667 = arith.subf %add3A_2655, %convert_element_type3A_2666 : vector<16xf32>
        %mul3A_2668 = arith.constant 224 : i32
        %mul3A_2669 = vector.broadcast %mul3A_2668 : i32 to vector<16xi32>
        %mul3A_2670 = arith.muli %min3A_2659, %mul3A_2669 : vector<16xi32>
        %add3A_2671 = arith.addi %mul3A_2670, %min3A_2663 : vector<16xi32>
        %swap3A_2672 = arith.constant 0 : i32
        %swap3A_2673 = arith.constant 0 : i32
        %swap3A_2674 = arith.index_cast %swap3A_2672 : i32 to index
        %swap3A_2675 = arith.index_cast %swap3A_2673 : i32 to index
        %swap3A_2676 = arith.constant 64 : index
        %swap3A_2677 = tpu.vector_load %arg6[%swap3A_2674, %swap3A_2675, %swap3A_2676] {strides = array<i32>} : memref<2x4x128xi32, #tpu.memory_space<vmem>>, vector<1x1x16xi32>,
        %swap3A_2678 = vector.shape_cast %swap3A_2677 : vector<1x1x16xi32> to vector<16xi32>
        %swap3A_2679 = vector.shape_cast %add3A_2671 : vector<16xi32> to vector<1x1x16xi32>
        tpu.vector_store %arg6[%swap3A_2674, %swap3A_2675, %swap3A_2676], %swap3A_2679 {strides = array<i32>} : memref<2x4x128xi32, #tpu.memory_space<vmem>>, vector<1x1x16xi32>,
        %add3A_2680 = arith.constant 1 : i32
        %add3A_2681 = vector.broadcast %add3A_2680 : i32 to vector<16xi32>
        %add3A_2682 = arith.addi %add3A_2671, %add3A_2681 : vector<16xi32>
        %swap3A_2683 = arith.constant 0 : i32
        %swap3A_2684 = arith.constant 1 : i32
        %swap3A_2685 = arith.index_cast %swap3A_2683 : i32 to index
        %swap3A_2686 = arith.index_cast %swap3A_2684 : i32 to index
        %swap3A_2687 = arith.constant 64 : index
        %swap3A_2688 = tpu.vector_load %arg6[%swap3A_2685, %swap3A_2686, %swap3A_2687] {strides = array<i32>} : memref<2x4x128xi32, #tpu.memory_space<vmem>>, vector<1x1x16xi32>,
        %swap3A_2689 = vector.shape_cast %swap3A_2688 : vector<1x1x16xi32> to vector<16xi32>
        %swap3A_2690 = vector.shape_cast %add3A_2682 : vector<16xi32> to vector<1x1x16xi32>
        tpu.vector_store %arg6[%swap3A_2685, %swap3A_2686, %swap3A_2687], %swap3A_2690 {strides = array<i32>} : memref<2x4x128xi32, #tpu.memory_space<vmem>>, vector<1x1x16xi32>,
        %add3A_2691 = arith.constant 224 : i32
        %add3A_2692 = vector.broadcast %add3A_2691 : i32 to vector<16xi32>
        %add3A_2693 = arith.addi %add3A_2671, %add3A_2692 : vector<16xi32>
        %swap3A_2694 = arith.constant 0 : i32
        %swap3A_2695 = arith.constant 2 : i32
        %swap3A_2696 = arith.index_cast %swap3A_2694 : i32 to index
        %swap3A_2697 = arith.index_cast %swap3A_2695 : i32 to index
        %swap3A_2698 = arith.constant 64 : index
        %swap3A_2699 = tpu.vector_load %arg6[%swap3A_2696, %swap3A_2697, %swap3A_2698] {strides = array<i32>} : memref<2x4x128xi32, #tpu.memory_space<vmem>>, vector<1x1x16xi32>,
        %swap3A_2700 = vector.shape_cast %swap3A_2699 : vector<1x1x16xi32> to vector<16xi32>
        %swap3A_2701 = vector.shape_cast %add3A_2693 : vector<16xi32> to vector<1x1x16xi32>
        tpu.vector_store %arg6[%swap3A_2696, %swap3A_2697, %swap3A_2698], %swap3A_2701 {strides = array<i32>} : memref<2x4x128xi32, #tpu.memory_space<vmem>>, vector<1x1x16xi32>,
        %add3A_2702 = arith.constant 224 : i32
        %add3A_2703 = vector.broadcast %add3A_2702 : i32 to vector<16xi32>
        %add3A_2704 = arith.addi %add3A_2671, %add3A_2703 : vector<16xi32>
        %add3A_2705 = arith.constant 1 : i32
        %add3A_2706 = vector.broadcast %add3A_2705 : i32 to vector<16xi32>
        %add3A_2707 = arith.addi %add3A_2704, %add3A_2706 : vector<16xi32>
        %swap3A_2708 = arith.constant 0 : i32
        %swap3A_2709 = arith.constant 3 : i32
        %swap3A_2710 = arith.index_cast %swap3A_2708 : i32 to index
        %swap3A_2711 = arith.index_cast %swap3A_2709 : i32 to index
        %swap3A_2712 = arith.constant 64 : index
        %swap3A_2713 = tpu.vector_load %arg6[%swap3A_2710, %swap3A_2711, %swap3A_2712] {strides = array<i32>} : memref<2x4x128xi32, #tpu.memory_space<vmem>>, vector<1x1x16xi32>,
        %swap3A_2714 = vector.shape_cast %swap3A_2713 : vector<1x1x16xi32> to vector<16xi32>
        %swap3A_2715 = vector.shape_cast %add3A_2707 : vector<16xi32> to vector<1x1x16xi32>
        tpu.vector_store %arg6[%swap3A_2710, %swap3A_2711, %swap3A_2712], %swap3A_2715 {strides = array<i32>} : memref<2x4x128xi32, #tpu.memory_space<vmem>>, vector<1x1x16xi32>,
        %swap3A_2716 = arith.constant 0 : i32
        %swap3A_2717 = arith.index_cast %swap3A_2716 : i32 to index
        %swap3A_2718 = arith.constant 64 : index
        %swap3A_2719 = tpu.vector_load %arg7[%swap3A_2717, %swap3A_2718] {strides = array<i32>} : memref<2x144xf32, #tpu.memory_space<vmem>>, vector<1x16xf32>,
        %swap3A_2720 = vector.shape_cast %swap3A_2719 : vector<1x16xf32> to vector<16xf32>
        %swap3A_2721 = vector.shape_cast %sub3A_2667 : vector<16xf32> to vector<1x16xf32>
        tpu.vector_store %arg7[%swap3A_2717, %swap3A_2718], %swap3A_2721 {strides = array<i32>} : memref<2x144xf32, #tpu.memory_space<vmem>>, vector<1x16xf32>,
        %swap3A_2722 = arith.constant 0 : i32
        %swap3A_2723 = arith.index_cast %swap3A_2722 : i32 to index
        %swap3A_2724 = arith.constant 64 : index
        %swap3A_2725 = tpu.vector_load %arg8[%swap3A_2723, %swap3A_2724] {strides = array<i32>} : memref<2x144xf32, #tpu.memory_space<vmem>>, vector<1x16xf32>,
        %swap3A_2726 = vector.shape_cast %swap3A_2725 : vector<1x16xf32> to vector<16xf32>
        %swap3A_2727 = vector.shape_cast %sub3A_2665 : vector<16xf32> to vector<1x16xf32>
        tpu.vector_store %arg8[%swap3A_2723, %swap3A_2724], %swap3A_2727 {strides = array<i32>} : memref<2x144xf32, #tpu.memory_space<vmem>>, vector<1x16xf32>,
        %get3A_2728 = arith.constant 0 : i32
        %get3A_2729 = arith.index_cast %get3A_2728 : i32 to index
        %get3A_2730 = arith.constant 16 : index
        %get3A_2731 = tpu.vector_load %arg5[%get3A_2729, %get3A_2730] {strides = array<i32>} : memref<4x32xf32, #tpu.memory_space<vmem>>, vector<1x16xf32>,
        %get3A_2732 = vector.shape_cast %get3A_2731 : vector<1x16xf32> to vector<16xf32>
        %get3A_2733 = arith.constant 1 : i32
        %get3A_2734 = arith.index_cast %get3A_2733 : i32 to index
        %get3A_2735 = arith.constant 16 : index
        %get3A_2736 = tpu.vector_load %arg5[%get3A_2734, %get3A_2735] {strides = array<i32>} : memref<4x32xf32, #tpu.memory_space<vmem>>, vector<1x16xf32>,
        %get3A_2737 = vector.shape_cast %get3A_2736 : vector<1x16xf32> to vector<16xf32>
        %get3A_2738 = arith.constant 2 : i32
        %get3A_2739 = arith.index_cast %get3A_2738 : i32 to index
        %get3A_2740 = arith.constant 16 : index
        %get3A_2741 = tpu.vector_load %arg5[%get3A_2739, %get3A_2740] {strides = array<i32>} : memref<4x32xf32, #tpu.memory_space<vmem>>, vector<1x16xf32>,
        %get3A_2742 = vector.shape_cast %get3A_2741 : vector<1x16xf32> to vector<16xf32>
        %sub3A_2743 = arith.subf %get3A_2742, %get3A_2732 : vector<16xf32>
        %mul3A_2744 = arith.constant 0.0714285746 : f32
        %mul3A_2745 = vector.broadcast %mul3A_2744 : f32 to vector<16xf32>
        %mul3A_2746 = arith.mulf %sub3A_2743, %mul3A_2745 : vector<16xf32>
        %get3A_2747 = arith.constant 3 : i32
        %get3A_2748 = arith.index_cast %get3A_2747 : i32 to index
        %get3A_2749 = arith.constant 16 : index
        %get3A_2750 = tpu.vector_load %arg5[%get3A_2748, %get3A_2749] {strides = array<i32>} : memref<4x32xf32, #tpu.memory_space<vmem>>, vector<1x16xf32>,
        %get3A_2751 = vector.shape_cast %get3A_2750 : vector<1x16xf32> to vector<16xf32>
        %sub3A_2752 = arith.subf %get3A_2751, %get3A_2737 : vector<16xf32>
        %mul3A_2753 = arith.constant 0.0714285746 : f32
        %mul3A_2754 = vector.broadcast %mul3A_2753 : f32 to vector<16xf32>
        %mul3A_2755 = arith.mulf %sub3A_2752, %mul3A_2754 : vector<16xf32>
        %add3A_2756 = arith.constant 0.666666686 : f32
        %add3A_2757 = arith.addf %convert_element_type3A_2176, %add3A_2756 : f32
        %mul3A_2758 = vector.broadcast %add3A_2757 : f32 to vector<16xf32>
        %mul3A_2759 = arith.mulf %mul3A_2746, %mul3A_2758 : vector<16xf32>
        %add3A_2760 = arith.addf %get3A_2732, %mul3A_2759 : vector<16xf32>
        %add3A_2761 = arith.constant 0.333333343 : f32
        %add3A_2762 = arith.addf %convert_element_type3A_2177, %add3A_2761 : f32
        %mul3A_2763 = vector.broadcast %add3A_2762 : f32 to vector<16xf32>
        %mul3A_2764 = arith.mulf %mul3A_2755, %mul3A_2763 : vector<16xf32>
        %add3A_2765 = arith.addf %get3A_2737, %mul3A_2764 : vector<16xf32>
        %convert_element_type3A_2766 = arith.fptosi %add3A_2760 : vector<16xf32> to vector<16xi32>
        %min3A_2767 = arith.constant 222 : i32
        %min3A_2768 = vector.broadcast %min3A_2767 : i32 to vector<16xi32>
        %min3A_2769 = arith.minsi %convert_element_type3A_2766, %min3A_2768 : vector<16xi32>
        %convert_element_type3A_2770 = arith.fptosi %add3A_2765 : vector<16xf32> to vector<16xi32>
        %min3A_2771 = arith.constant 222 : i32
        %min3A_2772 = vector.broadcast %min3A_2771 : i32 to vector<16xi32>
        %min3A_2773 = arith.minsi %convert_element_type3A_2770, %min3A_2772 : vector<16xi32>
        %convert_element_type3A_2774 = arith.sitofp %min3A_2769 : vector<16xi32> to vector<16xf32>
        %sub3A_2775 = arith.subf %add3A_2760, %convert_element_type3A_2774 : vector<16xf32>
        %convert_element_type3A_2776 = arith.sitofp %min3A_2773 : vector<16xi32> to vector<16xf32>
        %sub3A_2777 = arith.subf %add3A_2765, %convert_element_type3A_2776 : vector<16xf32>
        %mul3A_2778 = arith.constant 224 : i32
        %mul3A_2779 = vector.broadcast %mul3A_2778 : i32 to vector<16xi32>
        %mul3A_2780 = arith.muli %min3A_2769, %mul3A_2779 : vector<16xi32>
        %add3A_2781 = arith.addi %mul3A_2780, %min3A_2773 : vector<16xi32>
        %swap3A_2782 = arith.constant 0 : i32
        %swap3A_2783 = arith.constant 0 : i32
        %swap3A_2784 = arith.index_cast %swap3A_2782 : i32 to index
        %swap3A_2785 = arith.index_cast %swap3A_2783 : i32 to index
        %swap3A_2786 = arith.constant 80 : index
        %swap3A_2787 = tpu.vector_load %arg6[%swap3A_2784, %swap3A_2785, %swap3A_2786] {strides = array<i32>} : memref<2x4x128xi32, #tpu.memory_space<vmem>>, vector<1x1x16xi32>,
        %swap3A_2788 = vector.shape_cast %swap3A_2787 : vector<1x1x16xi32> to vector<16xi32>
        %swap3A_2789 = vector.shape_cast %add3A_2781 : vector<16xi32> to vector<1x1x16xi32>
        tpu.vector_store %arg6[%swap3A_2784, %swap3A_2785, %swap3A_2786], %swap3A_2789 {strides = array<i32>} : memref<2x4x128xi32, #tpu.memory_space<vmem>>, vector<1x1x16xi32>,
        %add3A_2790 = arith.constant 1 : i32
        %add3A_2791 = vector.broadcast %add3A_2790 : i32 to vector<16xi32>
        %add3A_2792 = arith.addi %add3A_2781, %add3A_2791 : vector<16xi32>
        %swap3A_2793 = arith.constant 0 : i32
        %swap3A_2794 = arith.constant 1 : i32
        %swap3A_2795 = arith.index_cast %swap3A_2793 : i32 to index
        %swap3A_2796 = arith.index_cast %swap3A_2794 : i32 to index
        %swap3A_2797 = arith.constant 80 : index
        %swap3A_2798 = tpu.vector_load %arg6[%swap3A_2795, %swap3A_2796, %swap3A_2797] {strides = array<i32>} : memref<2x4x128xi32, #tpu.memory_space<vmem>>, vector<1x1x16xi32>,
        %swap3A_2799 = vector.shape_cast %swap3A_2798 : vector<1x1x16xi32> to vector<16xi32>
        %swap3A_2800 = vector.shape_cast %add3A_2792 : vector<16xi32> to vector<1x1x16xi32>
        tpu.vector_store %arg6[%swap3A_2795, %swap3A_2796, %swap3A_2797], %swap3A_2800 {strides = array<i32>} : memref<2x4x128xi32, #tpu.memory_space<vmem>>, vector<1x1x16xi32>,
        %add3A_2801 = arith.constant 224 : i32
        %add3A_2802 = vector.broadcast %add3A_2801 : i32 to vector<16xi32>
        %add3A_2803 = arith.addi %add3A_2781, %add3A_2802 : vector<16xi32>
        %swap3A_2804 = arith.constant 0 : i32
        %swap3A_2805 = arith.constant 2 : i32
        %swap3A_2806 = arith.index_cast %swap3A_2804 : i32 to index
        %swap3A_2807 = arith.index_cast %swap3A_2805 : i32 to index
        %swap3A_2808 = arith.constant 80 : index
        %swap3A_2809 = tpu.vector_load %arg6[%swap3A_2806, %swap3A_2807, %swap3A_2808] {strides = array<i32>} : memref<2x4x128xi32, #tpu.memory_space<vmem>>, vector<1x1x16xi32>,
        %swap3A_2810 = vector.shape_cast %swap3A_2809 : vector<1x1x16xi32> to vector<16xi32>
        %swap3A_2811 = vector.shape_cast %add3A_2803 : vector<16xi32> to vector<1x1x16xi32>
        tpu.vector_store %arg6[%swap3A_2806, %swap3A_2807, %swap3A_2808], %swap3A_2811 {strides = array<i32>} : memref<2x4x128xi32, #tpu.memory_space<vmem>>, vector<1x1x16xi32>,
        %add3A_2812 = arith.constant 224 : i32
        %add3A_2813 = vector.broadcast %add3A_2812 : i32 to vector<16xi32>
        %add3A_2814 = arith.addi %add3A_2781, %add3A_2813 : vector<16xi32>
        %add3A_2815 = arith.constant 1 : i32
        %add3A_2816 = vector.broadcast %add3A_2815 : i32 to vector<16xi32>
        %add3A_2817 = arith.addi %add3A_2814, %add3A_2816 : vector<16xi32>
        %swap3A_2818 = arith.constant 0 : i32
        %swap3A_2819 = arith.constant 3 : i32
        %swap3A_2820 = arith.index_cast %swap3A_2818 : i32 to index
        %swap3A_2821 = arith.index_cast %swap3A_2819 : i32 to index
        %swap3A_2822 = arith.constant 80 : index
        %swap3A_2823 = tpu.vector_load %arg6[%swap3A_2820, %swap3A_2821, %swap3A_2822] {strides = array<i32>} : memref<2x4x128xi32, #tpu.memory_space<vmem>>, vector<1x1x16xi32>,
        %swap3A_2824 = vector.shape_cast %swap3A_2823 : vector<1x1x16xi32> to vector<16xi32>
        %swap3A_2825 = vector.shape_cast %add3A_2817 : vector<16xi32> to vector<1x1x16xi32>
        tpu.vector_store %arg6[%swap3A_2820, %swap3A_2821, %swap3A_2822], %swap3A_2825 {strides = array<i32>} : memref<2x4x128xi32, #tpu.memory_space<vmem>>, vector<1x1x16xi32>,
        %swap3A_2826 = arith.constant 0 : i32
        %swap3A_2827 = arith.index_cast %swap3A_2826 : i32 to index
        %swap3A_2828 = arith.constant 80 : index
        %swap3A_2829 = tpu.vector_load %arg7[%swap3A_2827, %swap3A_2828] {strides = array<i32>} : memref<2x144xf32, #tpu.memory_space<vmem>>, vector<1x16xf32>,
        %swap3A_2830 = vector.shape_cast %swap3A_2829 : vector<1x16xf32> to vector<16xf32>
        %swap3A_2831 = vector.shape_cast %sub3A_2777 : vector<16xf32> to vector<1x16xf32>
        tpu.vector_store %arg7[%swap3A_2827, %swap3A_2828], %swap3A_2831 {strides = array<i32>} : memref<2x144xf32, #tpu.memory_space<vmem>>, vector<1x16xf32>,
        %swap3A_2832 = arith.constant 0 : i32
        %swap3A_2833 = arith.index_cast %swap3A_2832 : i32 to index
        %swap3A_2834 = arith.constant 80 : index
        %swap3A_2835 = tpu.vector_load %arg8[%swap3A_2833, %swap3A_2834] {strides = array<i32>} : memref<2x144xf32, #tpu.memory_space<vmem>>, vector<1x16xf32>,
        %swap3A_2836 = vector.shape_cast %swap3A_2835 : vector<1x16xf32> to vector<16xf32>
        %swap3A_2837 = vector.shape_cast %sub3A_2775 : vector<16xf32> to vector<1x16xf32>
        tpu.vector_store %arg8[%swap3A_2833, %swap3A_2834], %swap3A_2837 {strides = array<i32>} : memref<2x144xf32, #tpu.memory_space<vmem>>, vector<1x16xf32>,
        %get3A_2838 = arith.constant 0 : i32
        %get3A_2839 = arith.index_cast %get3A_2838 : i32 to index
        %get3A_2840 = arith.constant 0 : index
        %get3A_2841 = tpu.vector_load %arg5[%get3A_2839, %get3A_2840] {strides = array<i32>} : memref<4x32xf32, #tpu.memory_space<vmem>>, vector<1x16xf32>,
        %get3A_2842 = vector.shape_cast %get3A_2841 : vector<1x16xf32> to vector<16xf32>
        %get3A_2843 = arith.constant 1 : i32
        %get3A_2844 = arith.index_cast %get3A_2843 : i32 to index
        %get3A_2845 = arith.constant 0 : index
        %get3A_2846 = tpu.vector_load %arg5[%get3A_2844, %get3A_2845] {strides = array<i32>} : memref<4x32xf32, #tpu.memory_space<vmem>>, vector<1x16xf32>,
        %get3A_2847 = vector.shape_cast %get3A_2846 : vector<1x16xf32> to vector<16xf32>
        %get3A_2848 = arith.constant 2 : i32
        %get3A_2849 = arith.index_cast %get3A_2848 : i32 to index
        %get3A_2850 = arith.constant 0 : index
        %get3A_2851 = tpu.vector_load %arg5[%get3A_2849, %get3A_2850] {strides = array<i32>} : memref<4x32xf32, #tpu.memory_space<vmem>>, vector<1x16xf32>,
        %get3A_2852 = vector.shape_cast %get3A_2851 : vector<1x16xf32> to vector<16xf32>
        %sub3A_2853 = arith.subf %get3A_2852, %get3A_2842 : vector<16xf32>
        %mul3A_2854 = arith.constant 0.0714285746 : f32
        %mul3A_2855 = vector.broadcast %mul3A_2854 : f32 to vector<16xf32>
        %mul3A_2856 = arith.mulf %sub3A_2853, %mul3A_2855 : vector<16xf32>
        %get3A_2857 = arith.constant 3 : i32
        %get3A_2858 = arith.index_cast %get3A_2857 : i32 to index
        %get3A_2859 = arith.constant 0 : index
        %get3A_2860 = tpu.vector_load %arg5[%get3A_2858, %get3A_2859] {strides = array<i32>} : memref<4x32xf32, #tpu.memory_space<vmem>>, vector<1x16xf32>,
        %get3A_2861 = vector.shape_cast %get3A_2860 : vector<1x16xf32> to vector<16xf32>
        %sub3A_2862 = arith.subf %get3A_2861, %get3A_2847 : vector<16xf32>
        %mul3A_2863 = arith.constant 0.0714285746 : f32
        %mul3A_2864 = vector.broadcast %mul3A_2863 : f32 to vector<16xf32>
        %mul3A_2865 = arith.mulf %sub3A_2862, %mul3A_2864 : vector<16xf32>
        %add3A_2866 = arith.constant 0.666666686 : f32
        %add3A_2867 = arith.addf %convert_element_type3A_2176, %add3A_2866 : f32
        %mul3A_2868 = vector.broadcast %add3A_2867 : f32 to vector<16xf32>
        %mul3A_2869 = arith.mulf %mul3A_2856, %mul3A_2868 : vector<16xf32>
        %add3A_2870 = arith.addf %get3A_2842, %mul3A_2869 : vector<16xf32>
        %add3A_2871 = arith.constant 0.666666686 : f32
        %add3A_2872 = arith.addf %convert_element_type3A_2177, %add3A_2871 : f32
        %mul3A_2873 = vector.broadcast %add3A_2872 : f32 to vector<16xf32>
        %mul3A_2874 = arith.mulf %mul3A_2865, %mul3A_2873 : vector<16xf32>
        %add3A_2875 = arith.addf %get3A_2847, %mul3A_2874 : vector<16xf32>
        %convert_element_type3A_2876 = arith.fptosi %add3A_2870 : vector<16xf32> to vector<16xi32>
        %min3A_2877 = arith.constant 222 : i32
        %min3A_2878 = vector.broadcast %min3A_2877 : i32 to vector<16xi32>
        %min3A_2879 = arith.minsi %convert_element_type3A_2876, %min3A_2878 : vector<16xi32>
        %convert_element_type3A_2880 = arith.fptosi %add3A_2875 : vector<16xf32> to vector<16xi32>
        %min3A_2881 = arith.constant 222 : i32
        %min3A_2882 = vector.broadcast %min3A_2881 : i32 to vector<16xi32>
        %min3A_2883 = arith.minsi %convert_element_type3A_2880, %min3A_2882 : vector<16xi32>
        %convert_element_type3A_2884 = arith.sitofp %min3A_2879 : vector<16xi32> to vector<16xf32>
        %sub3A_2885 = arith.subf %add3A_2870, %convert_element_type3A_2884 : vector<16xf32>
        %convert_element_type3A_2886 = arith.sitofp %min3A_2883 : vector<16xi32> to vector<16xf32>
        %sub3A_2887 = arith.subf %add3A_2875, %convert_element_type3A_2886 : vector<16xf32>
        %mul3A_2888 = arith.constant 224 : i32
        %mul3A_2889 = vector.broadcast %mul3A_2888 : i32 to vector<16xi32>
        %mul3A_2890 = arith.muli %min3A_2879, %mul3A_2889 : vector<16xi32>
        %add3A_2891 = arith.addi %mul3A_2890, %min3A_2883 : vector<16xi32>
        %swap3A_2892 = arith.constant 0 : i32
        %swap3A_2893 = arith.constant 0 : i32
        %swap3A_2894 = arith.index_cast %swap3A_2892 : i32 to index
        %swap3A_2895 = arith.index_cast %swap3A_2893 : i32 to index
        %swap3A_2896 = arith.constant 96 : index
        %swap3A_2897 = tpu.vector_load %arg6[%swap3A_2894, %swap3A_2895, %swap3A_2896] {strides = array<i32>} : memref<2x4x128xi32, #tpu.memory_space<vmem>>, vector<1x1x16xi32>,
        %swap3A_2898 = vector.shape_cast %swap3A_2897 : vector<1x1x16xi32> to vector<16xi32>
        %swap3A_2899 = vector.shape_cast %add3A_2891 : vector<16xi32> to vector<1x1x16xi32>
        tpu.vector_store %arg6[%swap3A_2894, %swap3A_2895, %swap3A_2896], %swap3A_2899 {strides = array<i32>} : memref<2x4x128xi32, #tpu.memory_space<vmem>>, vector<1x1x16xi32>,
        %add3A_2900 = arith.constant 1 : i32
        %add3A_2901 = vector.broadcast %add3A_2900 : i32 to vector<16xi32>
        %add3A_2902 = arith.addi %add3A_2891, %add3A_2901 : vector<16xi32>
        %swap3A_2903 = arith.constant 0 : i32
        %swap3A_2904 = arith.constant 1 : i32
        %swap3A_2905 = arith.index_cast %swap3A_2903 : i32 to index
        %swap3A_2906 = arith.index_cast %swap3A_2904 : i32 to index
        %swap3A_2907 = arith.constant 96 : index
        %swap3A_2908 = tpu.vector_load %arg6[%swap3A_2905, %swap3A_2906, %swap3A_2907] {strides = array<i32>} : memref<2x4x128xi32, #tpu.memory_space<vmem>>, vector<1x1x16xi32>,
        %swap3A_2909 = vector.shape_cast %swap3A_2908 : vector<1x1x16xi32> to vector<16xi32>
        %swap3A_2910 = vector.shape_cast %add3A_2902 : vector<16xi32> to vector<1x1x16xi32>
        tpu.vector_store %arg6[%swap3A_2905, %swap3A_2906, %swap3A_2907], %swap3A_2910 {strides = array<i32>} : memref<2x4x128xi32, #tpu.memory_space<vmem>>, vector<1x1x16xi32>,
        %add3A_2911 = arith.constant 224 : i32
        %add3A_2912 = vector.broadcast %add3A_2911 : i32 to vector<16xi32>
        %add3A_2913 = arith.addi %add3A_2891, %add3A_2912 : vector<16xi32>
        %swap3A_2914 = arith.constant 0 : i32
        %swap3A_2915 = arith.constant 2 : i32
        %swap3A_2916 = arith.index_cast %swap3A_2914 : i32 to index
        %swap3A_2917 = arith.index_cast %swap3A_2915 : i32 to index
        %swap3A_2918 = arith.constant 96 : index
        %swap3A_2919 = tpu.vector_load %arg6[%swap3A_2916, %swap3A_2917, %swap3A_2918] {strides = array<i32>} : memref<2x4x128xi32, #tpu.memory_space<vmem>>, vector<1x1x16xi32>,
        %swap3A_2920 = vector.shape_cast %swap3A_2919 : vector<1x1x16xi32> to vector<16xi32>
        %swap3A_2921 = vector.shape_cast %add3A_2913 : vector<16xi32> to vector<1x1x16xi32>
        tpu.vector_store %arg6[%swap3A_2916, %swap3A_2917, %swap3A_2918], %swap3A_2921 {strides = array<i32>} : memref<2x4x128xi32, #tpu.memory_space<vmem>>, vector<1x1x16xi32>,
        %add3A_2922 = arith.constant 224 : i32
        %add3A_2923 = vector.broadcast %add3A_2922 : i32 to vector<16xi32>
        %add3A_2924 = arith.addi %add3A_2891, %add3A_2923 : vector<16xi32>
        %add3A_2925 = arith.constant 1 : i32
        %add3A_2926 = vector.broadcast %add3A_2925 : i32 to vector<16xi32>
        %add3A_2927 = arith.addi %add3A_2924, %add3A_2926 : vector<16xi32>
        %swap3A_2928 = arith.constant 0 : i32
        %swap3A_2929 = arith.constant 3 : i32
        %swap3A_2930 = arith.index_cast %swap3A_2928 : i32 to index
        %swap3A_2931 = arith.index_cast %swap3A_2929 : i32 to index
        %swap3A_2932 = arith.constant 96 : index
        %swap3A_2933 = tpu.vector_load %arg6[%swap3A_2930, %swap3A_2931, %swap3A_2932] {strides = array<i32>} : memref<2x4x128xi32, #tpu.memory_space<vmem>>, vector<1x1x16xi32>,
        %swap3A_2934 = vector.shape_cast %swap3A_2933 : vector<1x1x16xi32> to vector<16xi32>
        %swap3A_2935 = vector.shape_cast %add3A_2927 : vector<16xi32> to vector<1x1x16xi32>
        tpu.vector_store %arg6[%swap3A_2930, %swap3A_2931, %swap3A_2932], %swap3A_2935 {strides = array<i32>} : memref<2x4x128xi32, #tpu.memory_space<vmem>>, vector<1x1x16xi32>,
        %swap3A_2936 = arith.constant 0 : i32
        %swap3A_2937 = arith.index_cast %swap3A_2936 : i32 to index
        %swap3A_2938 = arith.constant 96 : index
        %swap3A_2939 = tpu.vector_load %arg7[%swap3A_2937, %swap3A_2938] {strides = array<i32>} : memref<2x144xf32, #tpu.memory_space<vmem>>, vector<1x16xf32>,
        %swap3A_2940 = vector.shape_cast %swap3A_2939 : vector<1x16xf32> to vector<16xf32>
        %swap3A_2941 = vector.shape_cast %sub3A_2887 : vector<16xf32> to vector<1x16xf32>
        tpu.vector_store %arg7[%swap3A_2937, %swap3A_2938], %swap3A_2941 {strides = array<i32>} : memref<2x144xf32, #tpu.memory_space<vmem>>, vector<1x16xf32>,
        %swap3A_2942 = arith.constant 0 : i32
        %swap3A_2943 = arith.index_cast %swap3A_2942 : i32 to index
        %swap3A_2944 = arith.constant 96 : index
        %swap3A_2945 = tpu.vector_load %arg8[%swap3A_2943, %swap3A_2944] {strides = array<i32>} : memref<2x144xf32, #tpu.memory_space<vmem>>, vector<1x16xf32>,
        %swap3A_2946 = vector.shape_cast %swap3A_2945 : vector<1x16xf32> to vector<16xf32>
        %swap3A_2947 = vector.shape_cast %sub3A_2885 : vector<16xf32> to vector<1x16xf32>
        tpu.vector_store %arg8[%swap3A_2943, %swap3A_2944], %swap3A_2947 {strides = array<i32>} : memref<2x144xf32, #tpu.memory_space<vmem>>, vector<1x16xf32>,
        %get3A_2948 = arith.constant 0 : i32
        %get3A_2949 = arith.index_cast %get3A_2948 : i32 to index
        %get3A_2950 = arith.constant 16 : index
        %get3A_2951 = tpu.vector_load %arg5[%get3A_2949, %get3A_2950] {strides = array<i32>} : memref<4x32xf32, #tpu.memory_space<vmem>>, vector<1x16xf32>,
        %get3A_2952 = vector.shape_cast %get3A_2951 : vector<1x16xf32> to vector<16xf32>
        %get3A_2953 = arith.constant 1 : i32
        %get3A_2954 = arith.index_cast %get3A_2953 : i32 to index
        %get3A_2955 = arith.constant 16 : index
        %get3A_2956 = tpu.vector_load %arg5[%get3A_2954, %get3A_2955] {strides = array<i32>} : memref<4x32xf32, #tpu.memory_space<vmem>>, vector<1x16xf32>,
        %get3A_2957 = vector.shape_cast %get3A_2956 : vector<1x16xf32> to vector<16xf32>
        %get3A_2958 = arith.constant 2 : i32
        %get3A_2959 = arith.index_cast %get3A_2958 : i32 to index
        %get3A_2960 = arith.constant 16 : index
        %get3A_2961 = tpu.vector_load %arg5[%get3A_2959, %get3A_2960] {strides = array<i32>} : memref<4x32xf32, #tpu.memory_space<vmem>>, vector<1x16xf32>,
        %get3A_2962 = vector.shape_cast %get3A_2961 : vector<1x16xf32> to vector<16xf32>
        %sub3A_2963 = arith.subf %get3A_2962, %get3A_2952 : vector<16xf32>
        %mul3A_2964 = arith.constant 0.0714285746 : f32
        %mul3A_2965 = vector.broadcast %mul3A_2964 : f32 to vector<16xf32>
        %mul3A_2966 = arith.mulf %sub3A_2963, %mul3A_2965 : vector<16xf32>
        %get3A_2967 = arith.constant 3 : i32
        %get3A_2968 = arith.index_cast %get3A_2967 : i32 to index
        %get3A_2969 = arith.constant 16 : index
        %get3A_2970 = tpu.vector_load %arg5[%get3A_2968, %get3A_2969] {strides = array<i32>} : memref<4x32xf32, #tpu.memory_space<vmem>>, vector<1x16xf32>,
        %get3A_2971 = vector.shape_cast %get3A_2970 : vector<1x16xf32> to vector<16xf32>
        %sub3A_2972 = arith.subf %get3A_2971, %get3A_2957 : vector<16xf32>
        %mul3A_2973 = arith.constant 0.0714285746 : f32
        %mul3A_2974 = vector.broadcast %mul3A_2973 : f32 to vector<16xf32>
        %mul3A_2975 = arith.mulf %sub3A_2972, %mul3A_2974 : vector<16xf32>
        %add3A_2976 = arith.constant 0.666666686 : f32
        %add3A_2977 = arith.addf %convert_element_type3A_2176, %add3A_2976 : f32
        %mul3A_2978 = vector.broadcast %add3A_2977 : f32 to vector<16xf32>
        %mul3A_2979 = arith.mulf %mul3A_2966, %mul3A_2978 : vector<16xf32>
        %add3A_2980 = arith.addf %get3A_2952, %mul3A_2979 : vector<16xf32>
        %add3A_2981 = arith.constant 0.666666686 : f32
        %add3A_2982 = arith.addf %convert_element_type3A_2177, %add3A_2981 : f32
        %mul3A_2983 = vector.broadcast %add3A_2982 : f32 to vector<16xf32>
        %mul3A_2984 = arith.mulf %mul3A_2975, %mul3A_2983 : vector<16xf32>
        %add3A_2985 = arith.addf %get3A_2957, %mul3A_2984 : vector<16xf32>
        %convert_element_type3A_2986 = arith.fptosi %add3A_2980 : vector<16xf32> to vector<16xi32>
        %min3A_2987 = arith.constant 222 : i32
        %min3A_2988 = vector.broadcast %min3A_2987 : i32 to vector<16xi32>
        %min3A_2989 = arith.minsi %convert_element_type3A_2986, %min3A_2988 : vector<16xi32>
        %convert_element_type3A_2990 = arith.fptosi %add3A_2985 : vector<16xf32> to vector<16xi32>
        %min3A_2991 = arith.constant 222 : i32
        %min3A_2992 = vector.broadcast %min3A_2991 : i32 to vector<16xi32>
        %min3A_2993 = arith.minsi %convert_element_type3A_2990, %min3A_2992 : vector<16xi32>
        %convert_element_type3A_2994 = arith.sitofp %min3A_2989 : vector<16xi32> to vector<16xf32>
        %sub3A_2995 = arith.subf %add3A_2980, %convert_element_type3A_2994 : vector<16xf32>
        %convert_element_type3A_2996 = arith.sitofp %min3A_2993 : vector<16xi32> to vector<16xf32>
        %sub3A_2997 = arith.subf %add3A_2985, %convert_element_type3A_2996 : vector<16xf32>
        %mul3A_2998 = arith.constant 224 : i32
        %mul3A_2999 = vector.broadcast %mul3A_2998 : i32 to vector<16xi32>
        %mul3A_3000 = arith.muli %min3A_2989, %mul3A_2999 : vector<16xi32>
        %add3A_3001 = arith.addi %mul3A_3000, %min3A_2993 : vector<16xi32>
        %swap3A_3002 = arith.constant 0 : i32
        %swap3A_3003 = arith.constant 0 : i32
        %swap3A_3004 = arith.index_cast %swap3A_3002 : i32 to index
        %swap3A_3005 = arith.index_cast %swap3A_3003 : i32 to index
        %swap3A_3006 = arith.constant 112 : index
        %swap3A_3007 = tpu.vector_load %arg6[%swap3A_3004, %swap3A_3005, %swap3A_3006] {strides = array<i32>} : memref<2x4x128xi32, #tpu.memory_space<vmem>>, vector<1x1x16xi32>,
        %swap3A_3008 = vector.shape_cast %swap3A_3007 : vector<1x1x16xi32> to vector<16xi32>
        %swap3A_3009 = vector.shape_cast %add3A_3001 : vector<16xi32> to vector<1x1x16xi32>
        tpu.vector_store %arg6[%swap3A_3004, %swap3A_3005, %swap3A_3006], %swap3A_3009 {strides = array<i32>} : memref<2x4x128xi32, #tpu.memory_space<vmem>>, vector<1x1x16xi32>,
        %add3A_3010 = arith.constant 1 : i32
        %add3A_3011 = vector.broadcast %add3A_3010 : i32 to vector<16xi32>
        %add3A_3012 = arith.addi %add3A_3001, %add3A_3011 : vector<16xi32>
        %swap3A_3013 = arith.constant 0 : i32
        %swap3A_3014 = arith.constant 1 : i32
        %swap3A_3015 = arith.index_cast %swap3A_3013 : i32 to index
        %swap3A_3016 = arith.index_cast %swap3A_3014 : i32 to index
        %swap3A_3017 = arith.constant 112 : index
        %swap3A_3018 = tpu.vector_load %arg6[%swap3A_3015, %swap3A_3016, %swap3A_3017] {strides = array<i32>} : memref<2x4x128xi32, #tpu.memory_space<vmem>>, vector<1x1x16xi32>,
        %swap3A_3019 = vector.shape_cast %swap3A_3018 : vector<1x1x16xi32> to vector<16xi32>
        %swap3A_3020 = vector.shape_cast %add3A_3012 : vector<16xi32> to vector<1x1x16xi32>
        tpu.vector_store %arg6[%swap3A_3015, %swap3A_3016, %swap3A_3017], %swap3A_3020 {strides = array<i32>} : memref<2x4x128xi32, #tpu.memory_space<vmem>>, vector<1x1x16xi32>,
        %add3A_3021 = arith.constant 224 : i32
        %add3A_3022 = vector.broadcast %add3A_3021 : i32 to vector<16xi32>
        %add3A_3023 = arith.addi %add3A_3001, %add3A_3022 : vector<16xi32>
        %swap3A_3024 = arith.constant 0 : i32
        %swap3A_3025 = arith.constant 2 : i32
        %swap3A_3026 = arith.index_cast %swap3A_3024 : i32 to index
        %swap3A_3027 = arith.index_cast %swap3A_3025 : i32 to index
        %swap3A_3028 = arith.constant 112 : index
        %swap3A_3029 = tpu.vector_load %arg6[%swap3A_3026, %swap3A_3027, %swap3A_3028] {strides = array<i32>} : memref<2x4x128xi32, #tpu.memory_space<vmem>>, vector<1x1x16xi32>,
        %swap3A_3030 = vector.shape_cast %swap3A_3029 : vector<1x1x16xi32> to vector<16xi32>
        %swap3A_3031 = vector.shape_cast %add3A_3023 : vector<16xi32> to vector<1x1x16xi32>
        tpu.vector_store %arg6[%swap3A_3026, %swap3A_3027, %swap3A_3028], %swap3A_3031 {strides = array<i32>} : memref<2x4x128xi32, #tpu.memory_space<vmem>>, vector<1x1x16xi32>,
        %add3A_3032 = arith.constant 224 : i32
        %add3A_3033 = vector.broadcast %add3A_3032 : i32 to vector<16xi32>
        %add3A_3034 = arith.addi %add3A_3001, %add3A_3033 : vector<16xi32>
        %add3A_3035 = arith.constant 1 : i32
        %add3A_3036 = vector.broadcast %add3A_3035 : i32 to vector<16xi32>
        %add3A_3037 = arith.addi %add3A_3034, %add3A_3036 : vector<16xi32>
        %swap3A_3038 = arith.constant 0 : i32
        %swap3A_3039 = arith.constant 3 : i32
        %swap3A_3040 = arith.index_cast %swap3A_3038 : i32 to index
        %swap3A_3041 = arith.index_cast %swap3A_3039 : i32 to index
        %swap3A_3042 = arith.constant 112 : index
        %swap3A_3043 = tpu.vector_load %arg6[%swap3A_3040, %swap3A_3041, %swap3A_3042] {strides = array<i32>} : memref<2x4x128xi32, #tpu.memory_space<vmem>>, vector<1x1x16xi32>,
        %swap3A_3044 = vector.shape_cast %swap3A_3043 : vector<1x1x16xi32> to vector<16xi32>
        %swap3A_3045 = vector.shape_cast %add3A_3037 : vector<16xi32> to vector<1x1x16xi32>
        tpu.vector_store %arg6[%swap3A_3040, %swap3A_3041, %swap3A_3042], %swap3A_3045 {strides = array<i32>} : memref<2x4x128xi32, #tpu.memory_space<vmem>>, vector<1x1x16xi32>,
        %swap3A_3046 = arith.constant 0 : i32
        %swap3A_3047 = arith.index_cast %swap3A_3046 : i32 to index
        %swap3A_3048 = arith.constant 112 : index
        %swap3A_3049 = tpu.vector_load %arg7[%swap3A_3047, %swap3A_3048] {strides = array<i32>} : memref<2x144xf32, #tpu.memory_space<vmem>>, vector<1x16xf32>,
        %swap3A_3050 = vector.shape_cast %swap3A_3049 : vector<1x16xf32> to vector<16xf32>
        %swap3A_3051 = vector.shape_cast %sub3A_2997 : vector<16xf32> to vector<1x16xf32>
        tpu.vector_store %arg7[%swap3A_3047, %swap3A_3048], %swap3A_3051 {strides = array<i32>} : memref<2x144xf32, #tpu.memory_space<vmem>>, vector<1x16xf32>,
        %swap3A_3052 = arith.constant 0 : i32
        %swap3A_3053 = arith.index_cast %swap3A_3052 : i32 to index
        %swap3A_3054 = arith.constant 112 : index
        %swap3A_3055 = tpu.vector_load %arg8[%swap3A_3053, %swap3A_3054] {strides = array<i32>} : memref<2x144xf32, #tpu.memory_space<vmem>>, vector<1x16xf32>,
        %swap3A_3056 = vector.shape_cast %swap3A_3055 : vector<1x16xf32> to vector<16xf32>
        %swap3A_3057 = vector.shape_cast %sub3A_2995 : vector<16xf32> to vector<1x16xf32>
        tpu.vector_store %arg8[%swap3A_3053, %swap3A_3054], %swap3A_3057 {strides = array<i32>} : memref<2x144xf32, #tpu.memory_space<vmem>>, vector<1x16xf32>,
        %dma_start3A_3058 = arith.constant 0 : i32
        %dma_start3A_3059 = arith.constant 0 : i32
        %dma_start3A_3060 = arith.constant 0 : i32
        %dma_start3A_3061 = arith.constant 0 : i32
        %dma_start3A_3062 = arith.constant 0 : i32
        %dma_start3A_3063 = arith.constant 0 : i32
        %dma_start3A_3064 = tpu.memref_slice %arg9[%dma_start3A_3060, %dma_start3A_3061, %dma_start3A_3062, %dma_start3A_3063] : memref<2x4x128x96xf32, #tpu.memory_space<vmem>> -> memref<1x1x128x96xf32, #tpu.memory_space<vmem>>
        %dma_start3A_3065 = tpu.memref_squeeze %dma_start3A_3064 : memref<1x1x128x96xf32, #tpu.memory_space<vmem>> -> memref<128x96xf32, #tpu.memory_space<vmem>>
        %dma_start3A_3066 = arith.constant 0 : i32
        %dma_start3A_3067 = tpu.memref_slice %arg6[%dma_start3A_3058, %dma_start3A_3059, %dma_start3A_3066] : memref<2x4x128xi32, #tpu.memory_space<vmem>> -> memref<1x1x128xi32, #tpu.memory_space<vmem>>
        %dma_start3A_3068 = tpu.memref_squeeze %dma_start3A_3067 : memref<1x1x128xi32, #tpu.memory_space<vmem>> -> memref<128xi32, #tpu.memory_space<vmem>>
        %dma_start3A_3069 = arith.constant 0 : i32
        %dma_start3A_3070 = arith.constant 0 : i32
        %dma_start3A_3071 = tpu.memref_slice %arg2[%dma_start3A_3069, %dma_start3A_3070] : memref<50176x96xf32, #tpu.memory_space<hbm>> -> memref<50176x96xf32, #tpu.memory_space<hbm>>
        tpu.enqueue_indirect_dma source(%dma_start3A_3071 : memref<50176x96xf32, #tpu.memory_space<hbm>>) target(%dma_start3A_3065 : memref<128x96xf32, #tpu.memory_space<vmem>>) offsets(%dma_start3A_3068 : memref<128xi32, #tpu.memory_space<vmem>>) semaphore(%arg11 : memref<!tpu.dma_semaphore, #tpu.memory_space<semaphore_mem>>)
        %dma_start3A_3072 = arith.constant 0 : i32
        %dma_start3A_3073 = arith.constant 1 : i32
        %dma_start3A_3074 = arith.constant 0 : i32
        %dma_start3A_3075 = arith.constant 1 : i32
        %dma_start3A_3076 = arith.constant 0 : i32
        %dma_start3A_3077 = arith.constant 0 : i32
        %dma_start3A_3078 = tpu.memref_slice %arg9[%dma_start3A_3074, %dma_start3A_3075, %dma_start3A_3076, %dma_start3A_3077] : memref<2x4x128x96xf32, #tpu.memory_space<vmem>> -> memref<1x1x128x96xf32, #tpu.memory_space<vmem>>
        %dma_start3A_3079 = tpu.memref_squeeze %dma_start3A_3078 : memref<1x1x128x96xf32, #tpu.memory_space<vmem>> -> memref<128x96xf32, #tpu.memory_space<vmem>>
        %dma_start3A_3080 = arith.constant 0 : i32
        %dma_start3A_3081 = tpu.memref_slice %arg6[%dma_start3A_3072, %dma_start3A_3073, %dma_start3A_3080] : memref<2x4x128xi32, #tpu.memory_space<vmem>> -> memref<1x1x128xi32, #tpu.memory_space<vmem>>
        %dma_start3A_3082 = tpu.memref_squeeze %dma_start3A_3081 : memref<1x1x128xi32, #tpu.memory_space<vmem>> -> memref<128xi32, #tpu.memory_space<vmem>>
        %dma_start3A_3083 = arith.constant 0 : i32
        %dma_start3A_3084 = arith.constant 0 : i32
        %dma_start3A_3085 = tpu.memref_slice %arg2[%dma_start3A_3083, %dma_start3A_3084] : memref<50176x96xf32, #tpu.memory_space<hbm>> -> memref<50176x96xf32, #tpu.memory_space<hbm>>
        tpu.enqueue_indirect_dma source(%dma_start3A_3085 : memref<50176x96xf32, #tpu.memory_space<hbm>>) target(%dma_start3A_3079 : memref<128x96xf32, #tpu.memory_space<vmem>>) offsets(%dma_start3A_3082 : memref<128xi32, #tpu.memory_space<vmem>>) semaphore(%arg11 : memref<!tpu.dma_semaphore, #tpu.memory_space<semaphore_mem>>)
        %dma_start3A_3086 = arith.constant 0 : i32
        %dma_start3A_3087 = arith.constant 2 : i32
        %dma_start3A_3088 = arith.constant 0 : i32
        %dma_start3A_3089 = arith.constant 2 : i32
        %dma_start3A_3090 = arith.constant 0 : i32
        %dma_start3A_3091 = arith.constant 0 : i32
        %dma_start3A_3092 = tpu.memref_slice %arg9[%dma_start3A_3088, %dma_start3A_3089, %dma_start3A_3090, %dma_start3A_3091] : memref<2x4x128x96xf32, #tpu.memory_space<vmem>> -> memref<1x1x128x96xf32, #tpu.memory_space<vmem>>
        %dma_start3A_3093 = tpu.memref_squeeze %dma_start3A_3092 : memref<1x1x128x96xf32, #tpu.memory_space<vmem>> -> memref<128x96xf32, #tpu.memory_space<vmem>>
        %dma_start3A_3094 = arith.constant 0 : i32
        %dma_start3A_3095 = tpu.memref_slice %arg6[%dma_start3A_3086, %dma_start3A_3087, %dma_start3A_3094] : memref<2x4x128xi32, #tpu.memory_space<vmem>> -> memref<1x1x128xi32, #tpu.memory_space<vmem>>
        %dma_start3A_3096 = tpu.memref_squeeze %dma_start3A_3095 : memref<1x1x128xi32, #tpu.memory_space<vmem>> -> memref<128xi32, #tpu.memory_space<vmem>>
        %dma_start3A_3097 = arith.constant 0 : i32
        %dma_start3A_3098 = arith.constant 0 : i32
        %dma_start3A_3099 = tpu.memref_slice %arg2[%dma_start3A_3097, %dma_start3A_3098] : memref<50176x96xf32, #tpu.memory_space<hbm>> -> memref<50176x96xf32, #tpu.memory_space<hbm>>
        tpu.enqueue_indirect_dma source(%dma_start3A_3099 : memref<50176x96xf32, #tpu.memory_space<hbm>>) target(%dma_start3A_3093 : memref<128x96xf32, #tpu.memory_space<vmem>>) offsets(%dma_start3A_3096 : memref<128xi32, #tpu.memory_space<vmem>>) semaphore(%arg11 : memref<!tpu.dma_semaphore, #tpu.memory_space<semaphore_mem>>)
        %dma_start3A_3100 = arith.constant 0 : i32
        %dma_start3A_3101 = arith.constant 3 : i32
        %dma_start3A_3102 = arith.constant 0 : i32
        %dma_start3A_3103 = arith.constant 3 : i32
        %dma_start3A_3104 = arith.constant 0 : i32
        %dma_start3A_3105 = arith.constant 0 : i32
        %dma_start3A_3106 = tpu.memref_slice %arg9[%dma_start3A_3102, %dma_start3A_3103, %dma_start3A_3104, %dma_start3A_3105] : memref<2x4x128x96xf32, #tpu.memory_space<vmem>> -> memref<1x1x128x96xf32, #tpu.memory_space<vmem>>
        %dma_start3A_3107 = tpu.memref_squeeze %dma_start3A_3106 : memref<1x1x128x96xf32, #tpu.memory_space<vmem>> -> memref<128x96xf32, #tpu.memory_space<vmem>>
        %dma_start3A_3108 = arith.constant 0 : i32
        %dma_start3A_3109 = tpu.memref_slice %arg6[%dma_start3A_3100, %dma_start3A_3101, %dma_start3A_3108] : memref<2x4x128xi32, #tpu.memory_space<vmem>> -> memref<1x1x128xi32, #tpu.memory_space<vmem>>
        %dma_start3A_3110 = tpu.memref_squeeze %dma_start3A_3109 : memref<1x1x128xi32, #tpu.memory_space<vmem>> -> memref<128xi32, #tpu.memory_space<vmem>>
        %dma_start3A_3111 = arith.constant 0 : i32
        %dma_start3A_3112 = arith.constant 0 : i32
        %dma_start3A_3113 = tpu.memref_slice %arg2[%dma_start3A_3111, %dma_start3A_3112] : memref<50176x96xf32, #tpu.memory_space<hbm>> -> memref<50176x96xf32, #tpu.memory_space<hbm>>
        tpu.enqueue_indirect_dma source(%dma_start3A_3113 : memref<50176x96xf32, #tpu.memory_space<hbm>>) target(%dma_start3A_3107 : memref<128x96xf32, #tpu.memory_space<vmem>>) offsets(%dma_start3A_3110 : memref<128xi32, #tpu.memory_space<vmem>>) semaphore(%arg11 : memref<!tpu.dma_semaphore, #tpu.memory_space<semaphore_mem>>)
      } else {
      }
      %dma_wait3A_2048 = arith.constant 1 : i32
      %dma_wait3A_2049 = arith.constant 0 : i32
      %dma_wait3A_2050 = arith.constant 1 : i32
      %dma_wait3A_2051 = arith.constant 0 : i32
      %dma_wait3A_2052 = arith.constant 0 : i32
      %dma_wait3A_2053 = arith.constant 0 : i32
      %dma_wait3A_2054 = tpu.memref_slice %arg9[%dma_wait3A_2050, %dma_wait3A_2051, %dma_wait3A_2052, %dma_wait3A_2053] : memref<2x4x128x96xf32, #tpu.memory_space<vmem>> -> memref<1x1x128x96xf32, #tpu.memory_space<vmem>>
      %dma_wait3A_2055 = tpu.memref_squeeze %dma_wait3A_2054 : memref<1x1x128x96xf32, #tpu.memory_space<vmem>> -> memref<128x96xf32, #tpu.memory_space<vmem>>
      %dma_wait3A_2056 = arith.constant 0 : i32
      %dma_wait3A_2057 = tpu.memref_slice %arg6[%dma_wait3A_2048, %dma_wait3A_2049, %dma_wait3A_2056] : memref<2x4x128xi32, #tpu.memory_space<vmem>> -> memref<1x1x128xi32, #tpu.memory_space<vmem>>
      %dma_wait3A_2058 = tpu.memref_squeeze %dma_wait3A_2057 : memref<1x1x128xi32, #tpu.memory_space<vmem>> -> memref<128xi32, #tpu.memory_space<vmem>>
      %dma_wait3A_2059 = arith.constant 0 : i32
      %dma_wait3A_2060 = arith.constant 0 : i32
      %dma_wait3A_2061 = tpu.memref_slice %arg2[%dma_wait3A_2059, %dma_wait3A_2060] : memref<50176x96xf32, #tpu.memory_space<hbm>> -> memref<50176x96xf32, #tpu.memory_space<hbm>>
      tpu.wait_indirect_dma semaphore(%arg12 : memref<!tpu.dma_semaphore, #tpu.memory_space<semaphore_mem>>) src(%dma_wait3A_2061 : memref<50176x96xf32, #tpu.memory_space<hbm>>) dst(%dma_wait3A_2055 : memref<128x96xf32, #tpu.memory_space<vmem>>)
      %dma_wait3A_2062 = arith.constant 1 : i32
      %dma_wait3A_2063 = arith.constant 1 : i32
      %dma_wait3A_2064 = arith.constant 1 : i32
      %dma_wait3A_2065 = arith.constant 1 : i32
      %dma_wait3A_2066 = arith.constant 0 : i32
      %dma_wait3A_2067 = arith.constant 0 : i32
      %dma_wait3A_2068 = tpu.memref_slice %arg9[%dma_wait3A_2064, %dma_wait3A_2065, %dma_wait3A_2066, %dma_wait3A_2067] : memref<2x4x128x96xf32, #tpu.memory_space<vmem>> -> memref<1x1x128x96xf32, #tpu.memory_space<vmem>>
      %dma_wait3A_2069 = tpu.memref_squeeze %dma_wait3A_2068 : memref<1x1x128x96xf32, #tpu.memory_space<vmem>> -> memref<128x96xf32, #tpu.memory_space<vmem>>
      %dma_wait3A_2070 = arith.constant 0 : i32
      %dma_wait3A_2071 = tpu.memref_slice %arg6[%dma_wait3A_2062, %dma_wait3A_2063, %dma_wait3A_2070] : memref<2x4x128xi32, #tpu.memory_space<vmem>> -> memref<1x1x128xi32, #tpu.memory_space<vmem>>
      %dma_wait3A_2072 = tpu.memref_squeeze %dma_wait3A_2071 : memref<1x1x128xi32, #tpu.memory_space<vmem>> -> memref<128xi32, #tpu.memory_space<vmem>>
      %dma_wait3A_2073 = arith.constant 0 : i32
      %dma_wait3A_2074 = arith.constant 0 : i32
      %dma_wait3A_2075 = tpu.memref_slice %arg2[%dma_wait3A_2073, %dma_wait3A_2074] : memref<50176x96xf32, #tpu.memory_space<hbm>> -> memref<50176x96xf32, #tpu.memory_space<hbm>>
      tpu.wait_indirect_dma semaphore(%arg12 : memref<!tpu.dma_semaphore, #tpu.memory_space<semaphore_mem>>) src(%dma_wait3A_2075 : memref<50176x96xf32, #tpu.memory_space<hbm>>) dst(%dma_wait3A_2069 : memref<128x96xf32, #tpu.memory_space<vmem>>)
      %dma_wait3A_2076 = arith.constant 1 : i32
      %dma_wait3A_2077 = arith.constant 2 : i32
      %dma_wait3A_2078 = arith.constant 1 : i32
      %dma_wait3A_2079 = arith.constant 2 : i32
      %dma_wait3A_2080 = arith.constant 0 : i32
      %dma_wait3A_2081 = arith.constant 0 : i32
      %dma_wait3A_2082 = tpu.memref_slice %arg9[%dma_wait3A_2078, %dma_wait3A_2079, %dma_wait3A_2080, %dma_wait3A_2081] : memref<2x4x128x96xf32, #tpu.memory_space<vmem>> -> memref<1x1x128x96xf32, #tpu.memory_space<vmem>>
      %dma_wait3A_2083 = tpu.memref_squeeze %dma_wait3A_2082 : memref<1x1x128x96xf32, #tpu.memory_space<vmem>> -> memref<128x96xf32, #tpu.memory_space<vmem>>
      %dma_wait3A_2084 = arith.constant 0 : i32
      %dma_wait3A_2085 = tpu.memref_slice %arg6[%dma_wait3A_2076, %dma_wait3A_2077, %dma_wait3A_2084] : memref<2x4x128xi32, #tpu.memory_space<vmem>> -> memref<1x1x128xi32, #tpu.memory_space<vmem>>
      %dma_wait3A_2086 = tpu.memref_squeeze %dma_wait3A_2085 : memref<1x1x128xi32, #tpu.memory_space<vmem>> -> memref<128xi32, #tpu.memory_space<vmem>>
      %dma_wait3A_2087 = arith.constant 0 : i32
      %dma_wait3A_2088 = arith.constant 0 : i32
      %dma_wait3A_2089 = tpu.memref_slice %arg2[%dma_wait3A_2087, %dma_wait3A_2088] : memref<50176x96xf32, #tpu.memory_space<hbm>> -> memref<50176x96xf32, #tpu.memory_space<hbm>>
      tpu.wait_indirect_dma semaphore(%arg12 : memref<!tpu.dma_semaphore, #tpu.memory_space<semaphore_mem>>) src(%dma_wait3A_2089 : memref<50176x96xf32, #tpu.memory_space<hbm>>) dst(%dma_wait3A_2083 : memref<128x96xf32, #tpu.memory_space<vmem>>)
      %dma_wait3A_2090 = arith.constant 1 : i32
      %dma_wait3A_2091 = arith.constant 3 : i32
      %dma_wait3A_2092 = arith.constant 1 : i32
      %dma_wait3A_2093 = arith.constant 3 : i32
      %dma_wait3A_2094 = arith.constant 0 : i32
      %dma_wait3A_2095 = arith.constant 0 : i32
      %dma_wait3A_2096 = tpu.memref_slice %arg9[%dma_wait3A_2092, %dma_wait3A_2093, %dma_wait3A_2094, %dma_wait3A_2095] : memref<2x4x128x96xf32, #tpu.memory_space<vmem>> -> memref<1x1x128x96xf32, #tpu.memory_space<vmem>>
      %dma_wait3A_2097 = tpu.memref_squeeze %dma_wait3A_2096 : memref<1x1x128x96xf32, #tpu.memory_space<vmem>> -> memref<128x96xf32, #tpu.memory_space<vmem>>
      %dma_wait3A_2098 = arith.constant 0 : i32
      %dma_wait3A_2099 = tpu.memref_slice %arg6[%dma_wait3A_2090, %dma_wait3A_2091, %dma_wait3A_2098] : memref<2x4x128xi32, #tpu.memory_space<vmem>> -> memref<1x1x128xi32, #tpu.memory_space<vmem>>
      %dma_wait3A_2100 = tpu.memref_squeeze %dma_wait3A_2099 : memref<1x1x128xi32, #tpu.memory_space<vmem>> -> memref<128xi32, #tpu.memory_space<vmem>>
      %dma_wait3A_2101 = arith.constant 0 : i32
      %dma_wait3A_2102 = arith.constant 0 : i32
      %dma_wait3A_2103 = tpu.memref_slice %arg2[%dma_wait3A_2101, %dma_wait3A_2102] : memref<50176x96xf32, #tpu.memory_space<hbm>> -> memref<50176x96xf32, #tpu.memory_space<hbm>>
      tpu.wait_indirect_dma semaphore(%arg12 : memref<!tpu.dma_semaphore, #tpu.memory_space<semaphore_mem>>) src(%dma_wait3A_2103 : memref<50176x96xf32, #tpu.memory_space<hbm>>) dst(%dma_wait3A_2097 : memref<128x96xf32, #tpu.memory_space<vmem>>)
      %add3A_2104 = arith.constant 1 : i32
      %add3A_2105 = arith.addi %mul3A_982, %add3A_2104 : i32
      %broadcast_in_dim3A_2106 = arith.constant 0xFF800000 : f32
      %broadcast_in_dim3A_2107 = vector.broadcast %broadcast_in_dim3A_2106 : f32 to vector<16xf32>
      %broadcast_in_dim3A_2108 = arith.constant 0xFF800000 : f32
      %broadcast_in_dim3A_2109 = vector.broadcast %broadcast_in_dim3A_2108 : f32 to vector<16xf32>
      %broadcast_in_dim3A_2110 = arith.constant 0xFF800000 : f32
      %broadcast_in_dim3A_2111 = vector.broadcast %broadcast_in_dim3A_2110 : f32 to vector<16xf32>
      %broadcast_in_dim3A_2112 = arith.constant 0xFF800000 : f32
      %broadcast_in_dim3A_2113 = vector.broadcast %broadcast_in_dim3A_2112 : f32 to vector<16xf32>
      %broadcast_in_dim3A_2114 = arith.constant 0xFF800000 : f32
      %broadcast_in_dim3A_2115 = vector.broadcast %broadcast_in_dim3A_2114 : f32 to vector<16xf32>
      %broadcast_in_dim3A_2116 = arith.constant 0xFF800000 : f32
      %broadcast_in_dim3A_2117 = vector.broadcast %broadcast_in_dim3A_2116 : f32 to vector<16xf32>
      %scan3A_2118 = arith.constant 0 : i32
      %scan3A_2119 = arith.constant 128 : i32
      %scan3A_2120 = arith.addi %scan3A_2118, %scan3A_2119 : i32
      %scan3A_2121 = arith.constant 1 : i32
      %scan3A_2122:6 = scf.for %scan3A_2134 = %scan3A_2118 to %scan3A_2120 step %scan3A_2121 iter_args(%scan3A_2135 = %broadcast_in_dim3A_2107, %scan3A_2136 = %broadcast_in_dim3A_2109, %scan3A_2137 = %broadcast_in_dim3A_2111, %scan3A_2138 = %broadcast_in_dim3A_2113, %scan3A_2139 = %broadcast_in_dim3A_2115, %scan3A_2140 = %broadcast_in_dim3A_2117) -> (vector<16xf32>, vector<16xf32>, vector<16xf32>, vector<16xf32>, vector<16xf32>, vector<16xf32>)  : i32 {
        %get3A_2141 = arith.constant 1 : i32
        %get3A_2142 = arith.index_cast %get3A_2141 : i32 to index
        %get3A_2143 = arith.index_cast %scan3A_2134 : i32 to index
        %get3A_2144 = tpu.vector_load %arg7[%get3A_2142, %get3A_2143] {strides = array<i32>} : memref<2x144xf32, #tpu.memory_space<vmem>>, vector<1x16xf32>,
        %get3A_2145 = vector.shape_cast %get3A_2144 : vector<1x16xf32> to vector<16xf32>
        %slice3A = vector.extract_strided_slice %get3A_2145 {offsets = [0], sizes = [1], strides = [1]} : vector<16xf32> to vector<1xf32>
        %squeeze3A = vector.extract %slice3A[0] : f32 from vector<1xf32>
        %get3A_2146 = arith.constant 1 : i32
        %get3A_2147 = arith.index_cast %get3A_2146 : i32 to index
        %get3A_2148 = arith.index_cast %scan3A_2134 : i32 to index
        %get3A_2149 = tpu.vector_load %arg8[%get3A_2147, %get3A_2148] {strides = array<i32>} : memref<2x144xf32, #tpu.memory_space<vmem>>, vector<1x16xf32>,
        %get3A_2150 = vector.shape_cast %get3A_2149 : vector<1x16xf32> to vector<16xf32>
        %slice3A_2151 = vector.extract_strided_slice %get3A_2150 {offsets = [0], sizes = [1], strides = [1]} : vector<16xf32> to vector<1xf32>
        %squeeze3A_2152 = vector.extract %slice3A_2151[0] : f32 from vector<1xf32>
        %get3A_2153 = arith.constant 1 : i32
        %get3A_2154 = arith.constant 0 : i32
        %get3A_2155 = arith.index_cast %get3A_2153 : i32 to index
        %get3A_2156 = arith.index_cast %get3A_2154 : i32 to index
        %get3A_2157 = arith.index_cast %scan3A_2134 : i32 to index
        %get3A_2158 = arith.constant 0 : index
        %get3A_2159 = tpu.vector_load %arg9[%get3A_2155, %get3A_2156, %get3A_2157, %get3A_2158] {strides = array<i32>} : memref<2x4x128x96xf32, #tpu.memory_space<vmem>>, vector<1x1x1x16xf32>,
        %get3A_2160 = vector.shape_cast %get3A_2159 : vector<1x1x1x16xf32> to vector<16xf32>
        %get3A_2161 = arith.constant 1 : i32
        %get3A_2162 = arith.constant 1 : i32
        %get3A_2163 = arith.index_cast %get3A_2161 : i32 to index
        %get3A_2164 = arith.index_cast %get3A_2162 : i32 to index
        %get3A_2165 = arith.index_cast %scan3A_2134 : i32 to index
        %get3A_2166 = arith.constant 0 : index
        %get3A_2167 = tpu.vector_load %arg9[%get3A_2163, %get3A_2164, %get3A_2165, %get3A_2166] {strides = array<i32>} : memref<2x4x128x96xf32, #tpu.memory_space<vmem>>, vector<1x1x1x16xf32>,
        %get3A_2168 = vector.shape_cast %get3A_2167 : vector<1x1x1x16xf32> to vector<16xf32>
        %get3A_2169 = arith.constant 1 : i32
        %get3A_2170 = arith.constant 2 : i32
        %get3A_2171 = arith.index_cast %get3A_2169 : i32 to index
        %get3A_2172 = arith.index_cast %get3A_2170 : i32 to index
        %get3A_2173 = arith.index_cast %scan3A_2134 : i32 to index
        %get3A_2174 = arith.constant 0 : index
        %get3A_2175 = tpu.vector_load %arg9[%get3A_2171, %get3A_2172, %get3A_2173, %get3A_2174] {strides = array<i32>} : memref<2x4x128x96xf32, #tpu.memory_space<vmem>>, vector<1x1x1x16xf32>,
        %get3A_2176 = vector.shape_cast %get3A_2175 : vector<1x1x1x16xf32> to vector<16xf32>
        %get3A_2177 = arith.constant 1 : i32
        %get3A_2178 = arith.constant 3 : i32
        %get3A_2179 = arith.index_cast %get3A_2177 : i32 to index
        %get3A_2180 = arith.index_cast %get3A_2178 : i32 to index
        %get3A_2181 = arith.index_cast %scan3A_2134 : i32 to index
        %get3A_2182 = arith.constant 0 : index
        %get3A_2183 = tpu.vector_load %arg9[%get3A_2179, %get3A_2180, %get3A_2181, %get3A_2182] {strides = array<i32>} : memref<2x4x128x96xf32, #tpu.memory_space<vmem>>, vector<1x1x1x16xf32>,
        %get3A_2184 = vector.shape_cast %get3A_2183 : vector<1x1x1x16xf32> to vector<16xf32>
        %sub3A_2185 = arith.subf %get3A_2168, %get3A_2160 : vector<16xf32>
        %mul3A_2186 = vector.broadcast %squeeze3A : f32 to vector<16xf32>
        %mul3A_2187 = arith.mulf %mul3A_2186, %sub3A_2185 : vector<16xf32>
        %add3A_2188 = arith.addf %get3A_2160, %mul3A_2187 : vector<16xf32>
        %sub3A_2189 = arith.subf %get3A_2184, %get3A_2176 : vector<16xf32>
        %mul3A_2190 = vector.broadcast %squeeze3A : f32 to vector<16xf32>
        %mul3A_2191 = arith.mulf %mul3A_2190, %sub3A_2189 : vector<16xf32>
        %add3A_2192 = arith.addf %get3A_2176, %mul3A_2191 : vector<16xf32>
        %sub3A_2193 = arith.subf %add3A_2192, %add3A_2188 : vector<16xf32>
        %mul3A_2194 = vector.broadcast %squeeze3A_2152 : f32 to vector<16xf32>
        %mul3A_2195 = arith.mulf %mul3A_2194, %sub3A_2193 : vector<16xf32>
        %add3A_2196 = arith.addf %add3A_2188, %mul3A_2195 : vector<16xf32>
        %max3A_2197 = arith.maximumf %scan3A_2135, %add3A_2196 : vector<16xf32>
        %get3A_2198 = arith.constant 1 : i32
        %get3A_2199 = arith.constant 0 : i32
        %get3A_2200 = arith.index_cast %get3A_2198 : i32 to index
        %get3A_2201 = arith.index_cast %get3A_2199 : i32 to index
        %get3A_2202 = arith.index_cast %scan3A_2134 : i32 to index
        %get3A_2203 = arith.constant 16 : index
        %get3A_2204 = tpu.vector_load %arg9[%get3A_2200, %get3A_2201, %get3A_2202, %get3A_2203] {strides = array<i32>} : memref<2x4x128x96xf32, #tpu.memory_space<vmem>>, vector<1x1x1x16xf32>,
        %get3A_2205 = vector.shape_cast %get3A_2204 : vector<1x1x1x16xf32> to vector<16xf32>
        %get3A_2206 = arith.constant 1 : i32
        %get3A_2207 = arith.constant 1 : i32
        %get3A_2208 = arith.index_cast %get3A_2206 : i32 to index
        %get3A_2209 = arith.index_cast %get3A_2207 : i32 to index
        %get3A_2210 = arith.index_cast %scan3A_2134 : i32 to index
        %get3A_2211 = arith.constant 16 : index
        %get3A_2212 = tpu.vector_load %arg9[%get3A_2208, %get3A_2209, %get3A_2210, %get3A_2211] {strides = array<i32>} : memref<2x4x128x96xf32, #tpu.memory_space<vmem>>, vector<1x1x1x16xf32>,
        %get3A_2213 = vector.shape_cast %get3A_2212 : vector<1x1x1x16xf32> to vector<16xf32>
        %get3A_2214 = arith.constant 1 : i32
        %get3A_2215 = arith.constant 2 : i32
        %get3A_2216 = arith.index_cast %get3A_2214 : i32 to index
        %get3A_2217 = arith.index_cast %get3A_2215 : i32 to index
        %get3A_2218 = arith.index_cast %scan3A_2134 : i32 to index
        %get3A_2219 = arith.constant 16 : index
        %get3A_2220 = tpu.vector_load %arg9[%get3A_2216, %get3A_2217, %get3A_2218, %get3A_2219] {strides = array<i32>} : memref<2x4x128x96xf32, #tpu.memory_space<vmem>>, vector<1x1x1x16xf32>,
        %get3A_2221 = vector.shape_cast %get3A_2220 : vector<1x1x1x16xf32> to vector<16xf32>
        %get3A_2222 = arith.constant 1 : i32
        %get3A_2223 = arith.constant 3 : i32
        %get3A_2224 = arith.index_cast %get3A_2222 : i32 to index
        %get3A_2225 = arith.index_cast %get3A_2223 : i32 to index
        %get3A_2226 = arith.index_cast %scan3A_2134 : i32 to index
        %get3A_2227 = arith.constant 16 : index
        %get3A_2228 = tpu.vector_load %arg9[%get3A_2224, %get3A_2225, %get3A_2226, %get3A_2227] {strides = array<i32>} : memref<2x4x128x96xf32, #tpu.memory_space<vmem>>, vector<1x1x1x16xf32>,
        %get3A_2229 = vector.shape_cast %get3A_2228 : vector<1x1x1x16xf32> to vector<16xf32>
        %sub3A_2230 = arith.subf %get3A_2213, %get3A_2205 : vector<16xf32>
        %mul3A_2231 = vector.broadcast %squeeze3A : f32 to vector<16xf32>
        %mul3A_2232 = arith.mulf %mul3A_2231, %sub3A_2230 : vector<16xf32>
        %add3A_2233 = arith.addf %get3A_2205, %mul3A_2232 : vector<16xf32>
        %sub3A_2234 = arith.subf %get3A_2229, %get3A_2221 : vector<16xf32>
        %mul3A_2235 = vector.broadcast %squeeze3A : f32 to vector<16xf32>
        %mul3A_2236 = arith.mulf %mul3A_2235, %sub3A_2234 : vector<16xf32>
        %add3A_2237 = arith.addf %get3A_2221, %mul3A_2236 : vector<16xf32>
        %sub3A_2238 = arith.subf %add3A_2237, %add3A_2233 : vector<16xf32>
        %mul3A_2239 = vector.broadcast %squeeze3A_2152 : f32 to vector<16xf32>
        %mul3A_2240 = arith.mulf %mul3A_2239, %sub3A_2238 : vector<16xf32>
        %add3A_2241 = arith.addf %add3A_2233, %mul3A_2240 : vector<16xf32>
        %max3A_2242 = arith.maximumf %scan3A_2136, %add3A_2241 : vector<16xf32>
        %get3A_2243 = arith.constant 1 : i32
        %get3A_2244 = arith.constant 0 : i32
        %get3A_2245 = arith.index_cast %get3A_2243 : i32 to index
        %get3A_2246 = arith.index_cast %get3A_2244 : i32 to index
        %get3A_2247 = arith.index_cast %scan3A_2134 : i32 to index
        %get3A_2248 = arith.constant 32 : index
        %get3A_2249 = tpu.vector_load %arg9[%get3A_2245, %get3A_2246, %get3A_2247, %get3A_2248] {strides = array<i32>} : memref<2x4x128x96xf32, #tpu.memory_space<vmem>>, vector<1x1x1x16xf32>,
        %get3A_2250 = vector.shape_cast %get3A_2249 : vector<1x1x1x16xf32> to vector<16xf32>
        %get3A_2251 = arith.constant 1 : i32
        %get3A_2252 = arith.constant 1 : i32
        %get3A_2253 = arith.index_cast %get3A_2251 : i32 to index
        %get3A_2254 = arith.index_cast %get3A_2252 : i32 to index
        %get3A_2255 = arith.index_cast %scan3A_2134 : i32 to index
        %get3A_2256 = arith.constant 32 : index
        %get3A_2257 = tpu.vector_load %arg9[%get3A_2253, %get3A_2254, %get3A_2255, %get3A_2256] {strides = array<i32>} : memref<2x4x128x96xf32, #tpu.memory_space<vmem>>, vector<1x1x1x16xf32>,
        %get3A_2258 = vector.shape_cast %get3A_2257 : vector<1x1x1x16xf32> to vector<16xf32>
        %get3A_2259 = arith.constant 1 : i32
        %get3A_2260 = arith.constant 2 : i32
        %get3A_2261 = arith.index_cast %get3A_2259 : i32 to index
        %get3A_2262 = arith.index_cast %get3A_2260 : i32 to index
        %get3A_2263 = arith.index_cast %scan3A_2134 : i32 to index
        %get3A_2264 = arith.constant 32 : index
        %get3A_2265 = tpu.vector_load %arg9[%get3A_2261, %get3A_2262, %get3A_2263, %get3A_2264] {strides = array<i32>} : memref<2x4x128x96xf32, #tpu.memory_space<vmem>>, vector<1x1x1x16xf32>,
        %get3A_2266 = vector.shape_cast %get3A_2265 : vector<1x1x1x16xf32> to vector<16xf32>
        %get3A_2267 = arith.constant 1 : i32
        %get3A_2268 = arith.constant 3 : i32
        %get3A_2269 = arith.index_cast %get3A_2267 : i32 to index
        %get3A_2270 = arith.index_cast %get3A_2268 : i32 to index
        %get3A_2271 = arith.index_cast %scan3A_2134 : i32 to index
        %get3A_2272 = arith.constant 32 : index
        %get3A_2273 = tpu.vector_load %arg9[%get3A_2269, %get3A_2270, %get3A_2271, %get3A_2272] {strides = array<i32>} : memref<2x4x128x96xf32, #tpu.memory_space<vmem>>, vector<1x1x1x16xf32>,
        %get3A_2274 = vector.shape_cast %get3A_2273 : vector<1x1x1x16xf32> to vector<16xf32>
        %sub3A_2275 = arith.subf %get3A_2258, %get3A_2250 : vector<16xf32>
        %mul3A_2276 = vector.broadcast %squeeze3A : f32 to vector<16xf32>
        %mul3A_2277 = arith.mulf %mul3A_2276, %sub3A_2275 : vector<16xf32>
        %add3A_2278 = arith.addf %get3A_2250, %mul3A_2277 : vector<16xf32>
        %sub3A_2279 = arith.subf %get3A_2274, %get3A_2266 : vector<16xf32>
        %mul3A_2280 = vector.broadcast %squeeze3A : f32 to vector<16xf32>
        %mul3A_2281 = arith.mulf %mul3A_2280, %sub3A_2279 : vector<16xf32>
        %add3A_2282 = arith.addf %get3A_2266, %mul3A_2281 : vector<16xf32>
        %sub3A_2283 = arith.subf %add3A_2282, %add3A_2278 : vector<16xf32>
        %mul3A_2284 = vector.broadcast %squeeze3A_2152 : f32 to vector<16xf32>
        %mul3A_2285 = arith.mulf %mul3A_2284, %sub3A_2283 : vector<16xf32>
        %add3A_2286 = arith.addf %add3A_2278, %mul3A_2285 : vector<16xf32>
        %max3A_2287 = arith.maximumf %scan3A_2137, %add3A_2286 : vector<16xf32>
        %get3A_2288 = arith.constant 1 : i32
        %get3A_2289 = arith.constant 0 : i32
        %get3A_2290 = arith.index_cast %get3A_2288 : i32 to index
        %get3A_2291 = arith.index_cast %get3A_2289 : i32 to index
        %get3A_2292 = arith.index_cast %scan3A_2134 : i32 to index
        %get3A_2293 = arith.constant 48 : index
        %get3A_2294 = tpu.vector_load %arg9[%get3A_2290, %get3A_2291, %get3A_2292, %get3A_2293] {strides = array<i32>} : memref<2x4x128x96xf32, #tpu.memory_space<vmem>>, vector<1x1x1x16xf32>,
        %get3A_2295 = vector.shape_cast %get3A_2294 : vector<1x1x1x16xf32> to vector<16xf32>
        %get3A_2296 = arith.constant 1 : i32
        %get3A_2297 = arith.constant 1 : i32
        %get3A_2298 = arith.index_cast %get3A_2296 : i32 to index
        %get3A_2299 = arith.index_cast %get3A_2297 : i32 to index
        %get3A_2300 = arith.index_cast %scan3A_2134 : i32 to index
        %get3A_2301 = arith.constant 48 : index
        %get3A_2302 = tpu.vector_load %arg9[%get3A_2298, %get3A_2299, %get3A_2300, %get3A_2301] {strides = array<i32>} : memref<2x4x128x96xf32, #tpu.memory_space<vmem>>, vector<1x1x1x16xf32>,
        %get3A_2303 = vector.shape_cast %get3A_2302 : vector<1x1x1x16xf32> to vector<16xf32>
        %get3A_2304 = arith.constant 1 : i32
        %get3A_2305 = arith.constant 2 : i32
        %get3A_2306 = arith.index_cast %get3A_2304 : i32 to index
        %get3A_2307 = arith.index_cast %get3A_2305 : i32 to index
        %get3A_2308 = arith.index_cast %scan3A_2134 : i32 to index
        %get3A_2309 = arith.constant 48 : index
        %get3A_2310 = tpu.vector_load %arg9[%get3A_2306, %get3A_2307, %get3A_2308, %get3A_2309] {strides = array<i32>} : memref<2x4x128x96xf32, #tpu.memory_space<vmem>>, vector<1x1x1x16xf32>,
        %get3A_2311 = vector.shape_cast %get3A_2310 : vector<1x1x1x16xf32> to vector<16xf32>
        %get3A_2312 = arith.constant 1 : i32
        %get3A_2313 = arith.constant 3 : i32
        %get3A_2314 = arith.index_cast %get3A_2312 : i32 to index
        %get3A_2315 = arith.index_cast %get3A_2313 : i32 to index
        %get3A_2316 = arith.index_cast %scan3A_2134 : i32 to index
        %get3A_2317 = arith.constant 48 : index
        %get3A_2318 = tpu.vector_load %arg9[%get3A_2314, %get3A_2315, %get3A_2316, %get3A_2317] {strides = array<i32>} : memref<2x4x128x96xf32, #tpu.memory_space<vmem>>, vector<1x1x1x16xf32>,
        %get3A_2319 = vector.shape_cast %get3A_2318 : vector<1x1x1x16xf32> to vector<16xf32>
        %sub3A_2320 = arith.subf %get3A_2303, %get3A_2295 : vector<16xf32>
        %mul3A_2321 = vector.broadcast %squeeze3A : f32 to vector<16xf32>
        %mul3A_2322 = arith.mulf %mul3A_2321, %sub3A_2320 : vector<16xf32>
        %add3A_2323 = arith.addf %get3A_2295, %mul3A_2322 : vector<16xf32>
        %sub3A_2324 = arith.subf %get3A_2319, %get3A_2311 : vector<16xf32>
        %mul3A_2325 = vector.broadcast %squeeze3A : f32 to vector<16xf32>
        %mul3A_2326 = arith.mulf %mul3A_2325, %sub3A_2324 : vector<16xf32>
        %add3A_2327 = arith.addf %get3A_2311, %mul3A_2326 : vector<16xf32>
        %sub3A_2328 = arith.subf %add3A_2327, %add3A_2323 : vector<16xf32>
        %mul3A_2329 = vector.broadcast %squeeze3A_2152 : f32 to vector<16xf32>
        %mul3A_2330 = arith.mulf %mul3A_2329, %sub3A_2328 : vector<16xf32>
        %add3A_2331 = arith.addf %add3A_2323, %mul3A_2330 : vector<16xf32>
        %max3A_2332 = arith.maximumf %scan3A_2138, %add3A_2331 : vector<16xf32>
        %get3A_2333 = arith.constant 1 : i32
        %get3A_2334 = arith.constant 0 : i32
        %get3A_2335 = arith.index_cast %get3A_2333 : i32 to index
        %get3A_2336 = arith.index_cast %get3A_2334 : i32 to index
        %get3A_2337 = arith.index_cast %scan3A_2134 : i32 to index
        %get3A_2338 = arith.constant 64 : index
        %get3A_2339 = tpu.vector_load %arg9[%get3A_2335, %get3A_2336, %get3A_2337, %get3A_2338] {strides = array<i32>} : memref<2x4x128x96xf32, #tpu.memory_space<vmem>>, vector<1x1x1x16xf32>,
        %get3A_2340 = vector.shape_cast %get3A_2339 : vector<1x1x1x16xf32> to vector<16xf32>
        %get3A_2341 = arith.constant 1 : i32
        %get3A_2342 = arith.constant 1 : i32
        %get3A_2343 = arith.index_cast %get3A_2341 : i32 to index
        %get3A_2344 = arith.index_cast %get3A_2342 : i32 to index
        %get3A_2345 = arith.index_cast %scan3A_2134 : i32 to index
        %get3A_2346 = arith.constant 64 : index
        %get3A_2347 = tpu.vector_load %arg9[%get3A_2343, %get3A_2344, %get3A_2345, %get3A_2346] {strides = array<i32>} : memref<2x4x128x96xf32, #tpu.memory_space<vmem>>, vector<1x1x1x16xf32>,
        %get3A_2348 = vector.shape_cast %get3A_2347 : vector<1x1x1x16xf32> to vector<16xf32>
        %get3A_2349 = arith.constant 1 : i32
        %get3A_2350 = arith.constant 2 : i32
        %get3A_2351 = arith.index_cast %get3A_2349 : i32 to index
        %get3A_2352 = arith.index_cast %get3A_2350 : i32 to index
        %get3A_2353 = arith.index_cast %scan3A_2134 : i32 to index
        %get3A_2354 = arith.constant 64 : index
        %get3A_2355 = tpu.vector_load %arg9[%get3A_2351, %get3A_2352, %get3A_2353, %get3A_2354] {strides = array<i32>} : memref<2x4x128x96xf32, #tpu.memory_space<vmem>>, vector<1x1x1x16xf32>,
        %get3A_2356 = vector.shape_cast %get3A_2355 : vector<1x1x1x16xf32> to vector<16xf32>
        %get3A_2357 = arith.constant 1 : i32
        %get3A_2358 = arith.constant 3 : i32
        %get3A_2359 = arith.index_cast %get3A_2357 : i32 to index
        %get3A_2360 = arith.index_cast %get3A_2358 : i32 to index
        %get3A_2361 = arith.index_cast %scan3A_2134 : i32 to index
        %get3A_2362 = arith.constant 64 : index
        %get3A_2363 = tpu.vector_load %arg9[%get3A_2359, %get3A_2360, %get3A_2361, %get3A_2362] {strides = array<i32>} : memref<2x4x128x96xf32, #tpu.memory_space<vmem>>, vector<1x1x1x16xf32>,
        %get3A_2364 = vector.shape_cast %get3A_2363 : vector<1x1x1x16xf32> to vector<16xf32>
        %sub3A_2365 = arith.subf %get3A_2348, %get3A_2340 : vector<16xf32>
        %mul3A_2366 = vector.broadcast %squeeze3A : f32 to vector<16xf32>
        %mul3A_2367 = arith.mulf %mul3A_2366, %sub3A_2365 : vector<16xf32>
        %add3A_2368 = arith.addf %get3A_2340, %mul3A_2367 : vector<16xf32>
        %sub3A_2369 = arith.subf %get3A_2364, %get3A_2356 : vector<16xf32>
        %mul3A_2370 = vector.broadcast %squeeze3A : f32 to vector<16xf32>
        %mul3A_2371 = arith.mulf %mul3A_2370, %sub3A_2369 : vector<16xf32>
        %add3A_2372 = arith.addf %get3A_2356, %mul3A_2371 : vector<16xf32>
        %sub3A_2373 = arith.subf %add3A_2372, %add3A_2368 : vector<16xf32>
        %mul3A_2374 = vector.broadcast %squeeze3A_2152 : f32 to vector<16xf32>
        %mul3A_2375 = arith.mulf %mul3A_2374, %sub3A_2373 : vector<16xf32>
        %add3A_2376 = arith.addf %add3A_2368, %mul3A_2375 : vector<16xf32>
        %max3A_2377 = arith.maximumf %scan3A_2139, %add3A_2376 : vector<16xf32>
        %get3A_2378 = arith.constant 1 : i32
        %get3A_2379 = arith.constant 0 : i32
        %get3A_2380 = arith.index_cast %get3A_2378 : i32 to index
        %get3A_2381 = arith.index_cast %get3A_2379 : i32 to index
        %get3A_2382 = arith.index_cast %scan3A_2134 : i32 to index
        %get3A_2383 = arith.constant 80 : index
        %get3A_2384 = tpu.vector_load %arg9[%get3A_2380, %get3A_2381, %get3A_2382, %get3A_2383] {strides = array<i32>} : memref<2x4x128x96xf32, #tpu.memory_space<vmem>>, vector<1x1x1x16xf32>,
        %get3A_2385 = vector.shape_cast %get3A_2384 : vector<1x1x1x16xf32> to vector<16xf32>
        %get3A_2386 = arith.constant 1 : i32
        %get3A_2387 = arith.constant 1 : i32
        %get3A_2388 = arith.index_cast %get3A_2386 : i32 to index
        %get3A_2389 = arith.index_cast %get3A_2387 : i32 to index
        %get3A_2390 = arith.index_cast %scan3A_2134 : i32 to index
        %get3A_2391 = arith.constant 80 : index
        %get3A_2392 = tpu.vector_load %arg9[%get3A_2388, %get3A_2389, %get3A_2390, %get3A_2391] {strides = array<i32>} : memref<2x4x128x96xf32, #tpu.memory_space<vmem>>, vector<1x1x1x16xf32>,
        %get3A_2393 = vector.shape_cast %get3A_2392 : vector<1x1x1x16xf32> to vector<16xf32>
        %get3A_2394 = arith.constant 1 : i32
        %get3A_2395 = arith.constant 2 : i32
        %get3A_2396 = arith.index_cast %get3A_2394 : i32 to index
        %get3A_2397 = arith.index_cast %get3A_2395 : i32 to index
        %get3A_2398 = arith.index_cast %scan3A_2134 : i32 to index
        %get3A_2399 = arith.constant 80 : index
        %get3A_2400 = tpu.vector_load %arg9[%get3A_2396, %get3A_2397, %get3A_2398, %get3A_2399] {strides = array<i32>} : memref<2x4x128x96xf32, #tpu.memory_space<vmem>>, vector<1x1x1x16xf32>,
        %get3A_2401 = vector.shape_cast %get3A_2400 : vector<1x1x1x16xf32> to vector<16xf32>
        %get3A_2402 = arith.constant 1 : i32
        %get3A_2403 = arith.constant 3 : i32
        %get3A_2404 = arith.index_cast %get3A_2402 : i32 to index
        %get3A_2405 = arith.index_cast %get3A_2403 : i32 to index
        %get3A_2406 = arith.index_cast %scan3A_2134 : i32 to index
        %get3A_2407 = arith.constant 80 : index
        %get3A_2408 = tpu.vector_load %arg9[%get3A_2404, %get3A_2405, %get3A_2406, %get3A_2407] {strides = array<i32>} : memref<2x4x128x96xf32, #tpu.memory_space<vmem>>, vector<1x1x1x16xf32>,
        %get3A_2409 = vector.shape_cast %get3A_2408 : vector<1x1x1x16xf32> to vector<16xf32>
        %sub3A_2410 = arith.subf %get3A_2393, %get3A_2385 : vector<16xf32>
        %mul3A_2411 = vector.broadcast %squeeze3A : f32 to vector<16xf32>
        %mul3A_2412 = arith.mulf %mul3A_2411, %sub3A_2410 : vector<16xf32>
        %add3A_2413 = arith.addf %get3A_2385, %mul3A_2412 : vector<16xf32>
        %sub3A_2414 = arith.subf %get3A_2409, %get3A_2401 : vector<16xf32>
        %mul3A_2415 = vector.broadcast %squeeze3A : f32 to vector<16xf32>
        %mul3A_2416 = arith.mulf %mul3A_2415, %sub3A_2414 : vector<16xf32>
        %add3A_2417 = arith.addf %get3A_2401, %mul3A_2416 : vector<16xf32>
        %sub3A_2418 = arith.subf %add3A_2417, %add3A_2413 : vector<16xf32>
        %mul3A_2419 = vector.broadcast %squeeze3A_2152 : f32 to vector<16xf32>
        %mul3A_2420 = arith.mulf %mul3A_2419, %sub3A_2418 : vector<16xf32>
        %add3A_2421 = arith.addf %add3A_2413, %mul3A_2420 : vector<16xf32>
        %max3A_2422 = arith.maximumf %scan3A_2140, %add3A_2421 : vector<16xf32>
        scf.yield %max3A_2197, %max3A_2242, %max3A_2287, %max3A_2332, %max3A_2377, %max3A_2422 : vector<16xf32>, vector<16xf32>, vector<16xf32>, vector<16xf32>, vector<16xf32>, vector<16xf32>
      }
      %scan3A_2123 = arith.constant 128 : i32
      %max3A_2124 = arith.maximumf %scan3A_2122#0, %scan3A_2122#1 : vector<16xf32>
      %max3A_2125 = arith.maximumf %max3A_2124, %scan3A_2122#2 : vector<16xf32>
      %max3A_2126 = arith.maximumf %max3A_2125, %scan3A_2122#3 : vector<16xf32>
      %max3A_2127 = arith.maximumf %max3A_2126, %scan3A_2122#4 : vector<16xf32>
      %max3A_2128 = arith.maximumf %max3A_2127, %scan3A_2122#5 : vector<16xf32>
      %swap3A_2129 = arith.index_cast %add3A_2105 : i32 to index
      %swap3A_2130 = arith.constant 0 : index
      %swap3A_2131 = tpu.vector_load %arg10[%swap3A_2129, %swap3A_2130] {strides = array<i32>} : memref<196x16xf32, #tpu.memory_space<vmem>>, vector<1x16xf32>,
      %swap3A_2132 = vector.shape_cast %swap3A_2131 : vector<1x16xf32> to vector<16xf32>
      %swap3A_2133 = vector.shape_cast %max3A_2128 : vector<16xf32> to vector<1x16xf32>
      tpu.vector_store %arg10[%swap3A_2129, %swap3A_2130], %swap3A_2133 {strides = array<i32>} : memref<196x16xf32, #tpu.memory_space<vmem>>, vector<1x16xf32>,
    }
    %scan3A_979 = arith.constant 98 : i32
    "tpu.region"() ({
      %run_scoped3A_980 = tpu.sem_alloc : memref<!tpu.dma_semaphore, #tpu.memory_space<semaphore_mem>>
      %dma_start3A_981 = arith.constant 0 : i32
      %dma_start3A_982 = arith.constant 0 : i32
      %dma_start3A_983 = tpu.memref_slice %arg4[%add3A, %dma_start3A_981, %dma_start3A_982] : memref<32x196x16xf32, #tpu.memory_space<hbm>> -> memref<1x196x16xf32, #tpu.memory_space<hbm>>
      %dma_start3A_984 = tpu.memref_squeeze %dma_start3A_983 : memref<1x196x16xf32, #tpu.memory_space<hbm>> -> memref<196x16xf32, #tpu.memory_space<hbm>>
      %dma_start3A_985 = arith.constant 0 : i32
      %dma_start3A_986 = arith.constant 0 : i32
      %dma_start3A_987 = tpu.memref_slice %arg4[%add3A, %dma_start3A_985, %dma_start3A_986] : memref<32x196x16xf32, #tpu.memory_space<hbm>> -> memref<1x196x16xf32, #tpu.memory_space<hbm>>
      %dma_start3A_988 = tpu.memref_squeeze %dma_start3A_987 : memref<1x196x16xf32, #tpu.memory_space<hbm>> -> memref<196x16xf32, #tpu.memory_space<hbm>>
      tpu.enqueue_dma source(%arg10 : memref<196x16xf32, #tpu.memory_space<vmem>>) target(%dma_start3A_988 : memref<196x16xf32, #tpu.memory_space<hbm>>) target_semaphore(%run_scoped3A_980 : memref<!tpu.dma_semaphore, #tpu.memory_space<semaphore_mem>>)
      %dma_wait3A = arith.constant 0 : i32
      %dma_wait3A_989 = arith.constant 0 : i32
      %dma_wait3A_990 = tpu.memref_slice %arg4[%add3A, %dma_wait3A, %dma_wait3A_989] : memref<32x196x16xf32, #tpu.memory_space<hbm>> -> memref<1x196x16xf32, #tpu.memory_space<hbm>>
      %dma_wait3A_991 = tpu.memref_squeeze %dma_wait3A_990 : memref<1x196x16xf32, #tpu.memory_space<hbm>> -> memref<196x16xf32, #tpu.memory_space<hbm>>
      %dma_wait3A_992 = arith.constant 0 : i32
      %dma_wait3A_993 = arith.constant 0 : i32
      %dma_wait3A_994 = tpu.memref_slice %arg4[%add3A, %dma_wait3A_992, %dma_wait3A_993] : memref<32x196x16xf32, #tpu.memory_space<hbm>> -> memref<1x196x16xf32, #tpu.memory_space<hbm>>
      %dma_wait3A_995 = tpu.memref_squeeze %dma_wait3A_994 : memref<1x196x16xf32, #tpu.memory_space<hbm>> -> memref<196x16xf32, #tpu.memory_space<hbm>>
      tpu.wait_dma2 semaphore(%run_scoped3A_980 : memref<!tpu.dma_semaphore, #tpu.memory_space<semaphore_mem>>) src(%arg10 : memref<196x16xf32, #tpu.memory_space<vmem>>) dst(%dma_wait3A_995 : memref<196x16xf32, #tpu.memory_space<hbm>>)
      tpu.yield
    }) : () -> ()
    return
  }
}

module attributes {stable_mosaic.version = 14 : i64} {
  func.func @body(%arg0: i32, %arg1: memref<32x196x16xf32, #tpu.memory_space<vmem>>, %arg2: memref<3000x196xf32, #tpu.memory_space<vmem>>) attributes {dimension_semantics = [#tpu.dimension_semantics<arbitrary>], iteration_bounds = array<i64: 32>, scalar_prefetch = 0 : i64, scratch_operands = 0 : i64, tpu.core_type = #tpu.core_type<tc>, window_params = [{pipeline_mode = #tpu.pipeline_mode<synchronous>, transform_indices = @transform_0, window_bounds = array<i64: 32, 196, 16>}, {transform_indices = @transform_1, window_bounds = array<i64: 3000, 196>}]} {
    %get3A = arith.constant 0 : index
    %get3A_0 = arith.constant 0 : index
    %get3A_1 = arith.constant 0 : index
    %get3A_2 = vector.load %arg1[%get3A, %get3A_0, %get3A_1] : memref<32x196x16xf32, #tpu.memory_space<vmem>>, vector<32x196x16xf32>
    %reduce_max3A = arith.constant dense<0xFF800000> : vector<196xf32>
    %reduce_max3A_3 = vector.multi_reduction <maximumf>, %get3A_2, %reduce_max3A [0, 2] : vector<32x196x16xf32> to vector<196xf32>
    %broadcast_in_dim3A = vector.shape_cast %reduce_max3A_3 : vector<196xf32> to vector<1x196xf32>
    %broadcast_in_dim3A_4 = vector.shape_cast %broadcast_in_dim3A : vector<1x196xf32> to vector<1x196xf32>
    %broadcast_in_dim3A_5 = vector.broadcast %broadcast_in_dim3A_4 : vector<1x196xf32> to vector<3000x196xf32>
    %swap3A = arith.constant 0 : index
    %swap3A_6 = arith.constant 0 : index
    %swap3A_7 = vector.load %arg2[%swap3A, %swap3A_6] : memref<3000x196xf32, #tpu.memory_space<vmem>>, vector<3000x196xf32>
    tpu.vector_store %arg2[%swap3A, %swap3A_6], %broadcast_in_dim3A_5 {strides = array<i32>} : memref<3000x196xf32, #tpu.memory_space<vmem>>, vector<3000x196xf32>,
    return
  }
  func.func @transform_0(%arg0: i32) -> (i32, i32, i32) {
    %c0_i32 = arith.constant 0 : i32
    %c0_i32_0 = arith.constant 0 : i32
    %c0_i32_1 = arith.constant 0 : i32
    %c0_i32_2 = arith.constant 0 : i32
    return %c0_i32, %c0_i32_0, %c0_i32_1 : i32, i32, i32
  }
  func.func @transform_1(%arg0: i32) -> (i32, i32) {
    %c0_i32 = arith.constant 0 : i32
    %c0_i32_0 = arith.constant 0 : i32
    return %arg0, %c0_i32 : i32, i32
  }
}

</mosaic_0001>

<sc_bundles>
// kernel: kernel.4.cloned.1.call-start
scs
__scs_entry_jumppad:
0x0: {  	(pc) =	sbr.rel $0x88, $3  }
0x1: {  	(tag) =	ssettag $0x0;
	lr =	simm.s32 $0x1  }
0x2: {  	[smem:$0x3F9F] =	sst lr;
	_ =	strace $0xD0000000  }
0x3: {  	_ = 	snop  }
0x4: {  	_ = 	snop  }
0x5: {  	_ = 	snop  }
0x6: {  	_ = 	snop  }
0x7: {  	_ = 	snop  }
__scs_overlays_trampoline_lowered:
0x8: {  	[smem:$0x3FAE] =	sst s0  }
0x9: {  	[smem:$0x3FAF] =	sst s1  }
0xa: {  	[smem:$0x3FB0] =	sst s2  }
0xb: {  	[smem:$0x3FB1] =	sst s3  }
0xc: {  	[smem:$0x3FB2] =	sst s4  }
0xd: {  	[smem:$0x3FB3] =	sst s5  }
0xe: {  	[smem:$0x3FB4] =	sst s6  }
0xf: {  	[smem:$0x3FB5] =	sst s7  }
0x10: {  	[smem:$0x3FB6] =	sst s8  }
0x11: {  	[smem:$0x3FB7] =	sst s9;
	s0 =	simm.s32 @!p0 $0x0  }
0x12: {  	s1 =	sld [smem:$0x3F9D];
	s0 =	simm.s32 @p0 $0x1  }
0x13: {  	[smem:$0x3FB8] =	sst s0;
	s0 =	simm.s32 @!p1 $0x0  }
0x14: {  	s2 =	sld [smem:$0x3F9C];
	s0 =	simm.s32 @p1 $0x1  }
0x15: {  	[smem:$0x3FB9] =	sst s0;
	s0 =	simm.s32 @!p2 $0x0  }
0x16: {  	s3 =	sld [smem:$0x3FDB];
	s0 =	simm.s32 @p2 $0x1  }
0x17: {  	s4 =	simm.s32 $0x1BF5;
	[smem:$0x3FBB] =	sst s0  }
0x18: {  	s0 =	sld [smem:$0x3F9E];
	_ =	swait.ge [sflag:s4], $0x0  }
0x19: {  	s7 =	sld [smem:$0x3F9F]  }
0x1a: {  	s8 =	sadd.s32 $0xFFFFE003, lr  }
0x1b: {  	s9 =	sadd.s32 $0xFFFFFEF7, lr;
	s5 =	simm.s32 $0xFFFFFFFF;
	p2 =	slt.u32 s8, $0xFFFFF086  }
0x1c: {  	p1 =	slt.u32 s9, $0xF7A;
	s5 =	simm.s32 @!p2 $0x0  }
0x1d: {  	s5 =	simm.s32 @p1 $0x1;
	p0 =	seq.s32 s7, s2  }
0x1e: {  	s7 =	smul.u32 @!p0 $0xF7A, s2;
	p2 =	seq.s32 @!p0 s5, $0x0  }
0x1f: {  	s9 =	smul.u32 $0xF7A, s1;
	s8 =	simm.s32 @!p0 $0x1BF5;
	p2 =	por !p2, p0  }
0x20: {  	[sflag:s8] =	ssyncset.s32 @!p0 $0xFFFFF086;
	s6 =	sadd.s32 @!p0 s3, s7;
	s7 =	simm.s32 @!p0 $0x108  }
0x21: {  	s3 =	sadd.s32 s3, s9;
	s6 =	sadd.s32 @!p0 $0x88, s6;
	s7 =	simm.s32 @p2 $0x1082  }
0x22: {  	[simem:s7], [sflag:s8] =	dma.local @!p0 [hbm:s6], $0xF7A  }
0x23: {  	s9 =	sor.u32 $0xD0000000, s2;
	s6 =	simm.s32 $0x108;
	_ =	swait.ge @!p0 [sflag:s8], $0x0  }
0x24: {  	s3 =	sadd.s32 $0x88, s3;
	s6 =	simm.s32 @!p1 $0x1082;
	[sflag:s4] =	ssyncset.s32 $0xFFFFF086  }
0x25: {  	[simem:s6], [sflag:s4] =	dma.local [hbm:s3], $0xF7A  }
0x26: {  	[smem:$0x3F9F] =	sst s1;
	(tag) =	ssettag s2;
	_ =	strace s9  }
0x27: {  	s1 =	sld [smem:$0x3FAF]  }
0x28: {  	s2 =	sld [smem:$0x3FB0]  }
0x29: {  	s4 =	sld [smem:$0x3FB2]  }
0x2a: {  	p0 =	seq.s32 s5, $0x0;
	s5 =	sld [smem:$0x3FB3]  }
0x2b: {  	s6 =	sld [smem:$0x3FB4]  }
0x2c: {  	s7 =	sld [smem:$0x3FB5]  }
0x2d: {  	s3 =	simm.s32 $0x108;
	s8 =	sld [smem:$0x3FB6]  }
0x2e: {  	s3 =	simm.s32 @!p0 $0x1082;
	s9 =	sld [smem:$0x3FB7]  }
0x2f: {  	lr =	sadd.s32 s0, s3;
	s0 =	sld [smem:$0x3FAE]  }
0x30: {  	s3 =	sld [smem:$0x3FB1]  }
0x31: {  	[smem:$0x3FBA] =	sst s10  }
0x32: {  	s10 =	sld [smem:$0x3FB8];
	_ =	sdelay $0x3  }
0x33: {  	p0 =	seq.s32 s10, $0x1;
	s10 =	sld [smem:$0x3FBA];
	_ =	sdelay $0x3  }
0x34: {  	[smem:$0x3FBA] =	sst s10  }
0x35: {  	s10 =	sld [smem:$0x3FB9];
	_ =	sdelay $0x3  }
0x36: {  	p1 =	seq.s32 s10, $0x1;
	s10 =	sld [smem:$0x3FBA];
	_ =	sdelay $0x3  }
0x37: {  	[smem:$0x3FBA] =	sst s10  }
0x38: {  	s10 =	sld [smem:$0x3FBB]  }
0x39: {  	_ = 	snop;
	(pc) =	sbr.ind lr, $3  }
0x3a: {  	_ = 	snop  }
0x3b: {  	_ = 	snop  }
0x3c: {  	p2 =	seq.s32 s10, $0x1;
	s10 =	sld [smem:$0x3FBA]  }
0x3d: {  	_ =	shalt  }
0x3e: {  	_ =	shalt  }
0x3f: {  	_ =	shalt  }
0x40: {  	_ =	shalt  }
0x41: {  	_ =	shalt  }
0x42: {  	_ =	shalt  }
0x43: {  	_ =	shalt  }
0x44: {  	_ =	shalt  }
0x45: {  	_ =	shalt  }
0x46: {  	_ =	shalt  }
0x47: {  	_ =	shalt  }
0x48: {  	_ =	shalt  }
0x49: {  	_ =	shalt  }
0x4a: {  	_ =	shalt  }
0x4b: {  	_ =	shalt  }
0x4c: {  	_ =	shalt  }
0x4d: {  	_ =	shalt  }
0x4e: {  	_ =	shalt  }
0x4f: {  	_ =	shalt  }
0x50: {  	_ =	shalt  }
0x51: {  	_ =	shalt  }
0x52: {  	_ =	shalt  }
0x53: {  	_ =	shalt  }
0x54: {  	_ =	shalt  }
0x55: {  	_ =	shalt  }
0x56: {  	_ =	shalt  }
0x57: {  	_ =	shalt  }
0x58: {  	_ =	shalt  }
0x59: {  	_ =	shalt  }
0x5a: {  	_ =	shalt  }
0x5b: {  	_ =	shalt  }
0x5c: {  	_ =	shalt  }
0x5d: {  	_ =	shalt  }
0x5e: {  	_ =	shalt  }
0x5f: {  	_ =	shalt  }
0x60: {  	_ =	shalt  }
0x61: {  	_ =	shalt  }
0x62: {  	_ =	shalt  }
0x63: {  	_ =	shalt  }
0x64: {  	_ =	shalt  }
0x65: {  	_ =	shalt  }
0x66: {  	_ =	shalt  }
0x67: {  	_ =	shalt  }
0x68: {  	_ =	shalt  }
0x69: {  	_ =	shalt  }
0x6a: {  	_ =	shalt  }
0x6b: {  	_ =	shalt  }
0x6c: {  	_ =	shalt  }
0x6d: {  	_ =	shalt  }
0x6e: {  	_ =	shalt  }
0x6f: {  	_ =	shalt  }
0x70: {  	_ =	shalt  }
0x71: {  	_ =	shalt  }
0x72: {  	_ =	shalt  }
0x73: {  	_ =	shalt  }
0x74: {  	_ =	shalt  }
0x75: {  	_ =	shalt  }
0x76: {  	_ =	shalt  }
0x77: {  	_ =	shalt  }
0x78: {  	_ =	shalt  }
0x79: {  	_ =	shalt  }
0x7a: {  	_ =	shalt  }
0x7b: {  	_ =	shalt  }
0x7c: {  	_ =	shalt  }
0x7d: {  	_ =	shalt  }
0x7e: {  	_ =	shalt  }
0x7f: {  	_ =	shalt  }
0x80: {  	_ =	shalt  }
0x81: {  	_ =	shalt  }
0x82: {  	_ =	shalt  }
0x83: {  	_ =	shalt  }
0x84: {  	_ =	shalt  }
0x85: {  	_ =	shalt  }
0x86: {  	_ =	shalt  }
0x87: {  	_ =	shalt  }
.Lfunc_end0:
.L_simem_size_0:
called_computation.1_lowered:
.L_overlay_start_0:
0x88: {  	s2 =	sld [smem:$0x3FD9]  }
0x89: {  	s3 =	sld [smem:$0x3FFE];
	_ =	sdelay $0x1  }
0x8a: {  	s1 =	srdreg.scid  }
0x8b: {  	s0 =	sand.u32 $0x1, s1  }
0x8c: {  	s17 =	sshll.u32 s0, $0xA;
	s2 =	sadd.s32 s3, s2  }
0x8d: {  	s2 =	sadd.s32 s2, s17  }
0x8e: {  	[smem:$0x3FC6] =	sst s2  }
0x8f: {  	_ = 	snop  }
0x90: {  	s2 =	sld [smem:$0x3FD0];
	(tm) =	ssettm $0x1  }
0x91: {  	s18 =	sld [smem:$0x3FFB];
	_ =	sdelay $0x3  }
0x92: {  	_ =	strace s18  }
0x93: {  	s3 =	sld [smem:$0x3FFC];
	_ =	sdelay $0x3  }
0x94: {  	_ =	strace s3  }
0x95: {  	s3 =	sld [smem:$0x3FFD];
	_ =	sdelay $0x3  }
0x96: {  	_ =	strace s3  }
0x97: {  	_ =	strace $0x8FFFFFFF  }
0x98: {  	s19 =	sld [smem:$0x3FDB];
	_ =	sdelay $0x1  }
0x99: {  	s4 =	simm.s32 $_scs_section_size  }
0x9a: {  	s5 =	simm.s32 $_size__tile_overlayer_lowered;
	s6 =	simm.s32 $_tile_overlayer_lowered  }
0x9b: {  	s22 =	simm.s32 $0x1BFF;
	s21 =	sshll.u32 s6, $0x1;
	s3 =	sadd.s32 s4, s19  }
0x9c: {  	s7 =	simm.s32 $0x0;
	s20 =	sshll.u32 s5, $0x1;
	s5 =	sadd.s32 s21, s3  }
0x9d: {  	[timem:s7], [sflag:s22] =	dma.local [hbm:s5], s20  }
0x9e: {  	_ =	swait.ge [sflag:s22], s20  }
0x9f: {  	s4 =	ssub.s32 $0x0, s20;
	[sflag:s22] =	ssyncset.done $0x0  }
0xa0: {  	[sflag:s22] =	ssyncadd.s32 s4;
	_ =	sdelay $0x1  }
0xa1: {  	s23 =	simm.s32 $0x1B8B  }
0xa2: {  	_ =	swait.ge [sflag:s23], $0x1  }
0xa3: {  	[sflag:s23] =	ssyncset.done $0x0  }
0xa4: {  	s25 =	simm.s32 $0x1B8E;
	s24 =	sld [smem:$0x3FFE];
	[sflag:s23] =	ssyncadd.s32 $0xFFFFFFFF  }
0xa5: {  	s26 =	simm.s32 $execute0_lowered;
	[smem:$0x3FD2] =	sst s25  }
0xa6: {  	s5 =	sshll.u32 s26, $0x1;
	_ =	strace $0x80000046;
	[dreg:$0x1] =	wrdreg $0xFFFFFFFF  }
0xa7: {  	s28 =	simm.s32 $_size_execute0_lowered;
	s3 =	sadd.s32 s3, s5;
	[dreg:$0x0] =	wrdreg $0x0  }
0xa8: {  	s5 =	sshll.u32 s28, $0x1;
	[dreg:$0x2] =	wrdreg s3  }
0xa9: {  	[dreg:$0x3] =	wrdreg s5  }
0xaa: {  	[dreg:$0x4] =	wrdreg $0xC0  }
0xab: {  	_ =	task [dreg:s7], $0x5FFFF  }
0xac: {  	[dreg:$0x1] =	wrdreg $0xFFFFFFFF  }
0xad: {  	[dreg:$0x0] =	wrdreg $0x60  }
0xae: {  	[dreg:$0x2] =	wrdreg s2  }
0xaf: {  	[dreg:$0x3] =	wrdreg s24  }
0xb0: {  	[dreg:$0x4] =	wrdreg $0x9  }
0xb1: {  	_ =	task.clear_ibuf [dreg:s7], $0x5FFFF;
	_ =	strace $0x90000046  }
0xb2: {  	s29 =	simm.s32 $0x9;
	_ =	strace $0x80000048  }
0xb3: {  	_ =	swait.ge [sflag:s29], $0x1  }
0xb4: {  	[sflag:s29] =	ssyncadd.s32 $0xFFFFFFFF  }
0xb5: {  	_ =	strace $0x90000048  }
0xb6: {  	_ =	sfence  }
0xb7: {  	s30 =	sld [smem:$0x0];
	_ =	sdelay $0x2  }
0xb8: {  	s31 =	sshll.u32 s1, $0xD;
	s1 =	sshrl.u32 s1, $0x2  }
0xb9: {  	s3 =	sand.u32 $0x4000, s31;
	s1 =	sadd.s32 s1, s30  }
0xba: {  	s0 =	sor.u32 s3, s0;
	s1 =	sshll.u32 s1, $0x11  }
0xbb: {  	s0 =	sor.u32 s1, s0  }
0xbc: {  	s0 =	sadd.s32 $0x8F2B, s0  }
0xbd: {  	[sflag:s0] =	ssyncadd.remote.s32 $0x1  }
0xbe: {  	_ =	sfence.sel $0xFFFF  }
0xbf: {  	[dreg:$0x0] =	wrdreg $0xFFFFFFFF;
	(pc) =	sbr.abs _section_cstart, $3  }
0xc0: {  	[dreg:$0x1] =	wrdreg $0xFFFFFFFF  }
0xc1: {  	_ =	task.clear_ibuf [dreg:s7], $0x2FFFF;
	_ =	strace $0x9FFFFFFF  }
0xc2: {  	(tm) =	ssettm $0x7FFFFFFF  }
0xc3: {  	_ =	shalt  }
tec
execute0_lowered:
.L_overlay_start_1:
0x0: {  	(tag) =	ssettag $0x1  }
0x1: {  	s2 =	rddreg [dreg:$0x0];
	s0 =	srdreg.scid  }
0x2: {  	s3 =	stileid.u32;
	s1 =	rddreg [dreg:$0x1];
	s10 =	simm.s32 $0x3  }
0x3: {  	s14 =	simm.s32 $0x80;
	s15 =	simm.s32 $0x6C0;
	s16 =	simm.s32 $0x100  }
0x4: {  	s17 =	simm.s32 $0x36C0;
	s18 =	simm.s32 $0x180;
	s19 =	simm.s32 $0x66C0  }
0x5: {  	s20 =	simm.s32 $0x200;
	s21 =	simm.s32 $0x96C0;
	s22 =	simm.s32 $0x280  }
0x6: {  	s23 =	simm.s32 $0xC6C0;
	s28 =	simm.s32 $0x126C0;
	s29 =	simm.s32 $0x400  }
0x7: {  	s30 =	simm.s32 $0x156C0;
	s0 =	sand.u32 $0x1, s0;
	s4 =	sshll.u32 s3, $0x1  }
0x8: {  	s31 =	simm.s32 $0x1;
	s11 =	simm.s32 $0x0;
	s4 =	sor.u32 s0, s4  }
0x9: {  	s3 =	simm.s32 $0x0;
	s5 =	smul.u32 $0x188, s4;
	s4 =	sshll.u32 s4, $0x2  }
0xa: {  	[smem:$0x7FF] =	sst s3;
	s0 =	ssub.s32 $0x2, s0;
	s4 =	sadd.s32 s4, s1  }
0xb: {  	_ =	strace $0x80000047;
	s6 =	sshrl.u32 s0, $0x1;
	s24 =	sadd.s32 $0x400, s4  }
0xc: {  	s0 =	ssub.s32 s0, s6;
	s25 =	sadd.s32 $0x480, s4;
	[dreg:$0x3] =	wrdreg s24  }
0xd: {  	s1 =	sadd.s32 s5, s1;
	s26 =	sadd.s32 $0x500, s4;
	[dreg:$0x4] =	wrdreg s25  }
0xe: {  	s4 =	sadd.s32 $0x580, s4;
	s9 =	smax.u32 s0, $0x1;
	[dreg:$0x5] =	wrdreg s26  }
0xf: {  	[dreg:$0x6] =	wrdreg s4;
	s8 =	sadd.s32 $0x600, s1;
	s24 =	simm.s32 $0x300  }
0x10: {  	s25 =	simm.s32 $0xF6C0;
	s26 =	simm.s32 $0x380;
	s1 =	simm.s32 $0x2  }
.LBB2_1:
0x11: {  	s0 =	rddreg [dreg:$0x3]  }
0x12: {  	[tilespmem:s3], [sflag:$0x3] =	stream.linear.gather [hbm4b:s0+s3], $0x20, $0x38;
	[tilespmem:$0x19300] =	vst v63  }
0x13: {  	_ =	swait.ge [sflag:s10], $0x20  }
0x14: {  	[sflag:s10] =	ssyncset.done $0x0  }
0x15: {  	s4 =	simm.s32 $0x20;
	s5 =	rddreg [dreg:$0x4];
	[sflag:s10] =	ssyncadd.s32 $0xFFFFFFE0  }
0x16: {  	[tilespmem:s4], [sflag:$0x3] =	stream.linear.gather [hbm4b:s5+s3], $0x20, $0x38;
	[tilespmem:$0x19300] =	vst v63  }
0x17: {  	_ =	swait.ge [sflag:s10], $0x20  }
0x18: {  	[sflag:s10] =	ssyncset.done $0x0  }
0x19: {  	s7 =	simm.s32 $0x40;
	s6 =	rddreg [dreg:$0x5];
	[sflag:s10] =	ssyncadd.s32 $0xFFFFFFE0  }
0x1a: {  	[tilespmem:s7], [sflag:$0x3] =	stream.linear.gather [hbm4b:s6+s3], $0x20, $0x38;
	[tilespmem:$0x19300] =	vst v63  }
0x1b: {  	_ =	swait.ge [sflag:s10], $0x20  }
0x1c: {  	[sflag:s10] =	ssyncset.done $0x0  }
0x1d: {  	s13 =	simm.s32 $0x60;
	s12 =	rddreg [dreg:$0x6];
	[sflag:s10] =	ssyncadd.s32 $0xFFFFFFE0  }
0x1e: {  	[tilespmem:s13], [sflag:$0x3] =	stream.linear.gather [hbm4b:s12+s3], $0x20, $0x38;
	[tilespmem:$0x19300] =	vst v63  }
0x1f: {  	_ =	swait.ge [sflag:s10], $0x20  }
0x20: {  	[sflag:s10] =	ssyncset.done $0x0  }
0x21: {  	[sflag:s10] =	ssyncadd.s32 $0xFFFFFFE0  }
0x22: {  	v0 =	vld [tilespmem:$0x0]  }
0x23: {  	v1 =	vld [tilespmem:$0x40]  }
0x24: {  	v2 =	vld [tilespmem:$0x20]  }
0x25: {  	v3 =	vld [tilespmem:$0x60]  }
0x26: {  	v4 =	vld [tilespmem:$0x10]  }
0x27: {  	v5 =	vld [tilespmem:$0x50]  }
0x28: {  	v6 =	vld [tilespmem:$0x30]  }
0x29: {  	v7 =	vld [tilespmem:$0x70]  }
0x2a: {  	v8 =	vld [tilespmem:$0x0]  }
0x2b: {  	v10 =	vld [tilespmem:$0x40]  }
0x2c: {  	v31 =	vld [tilespmem:$0x0]  }
0x2d: {  	v20 =	vld [tilespmem:$0x40]  }
0x2e: {  	v9 =	vld [tilespmem:$0x20]  }
0x2f: {  	v63 =	vld [tilespmem:$0x10]  }
0x30: {  	v23 =	vld [tilespmem:$0x50];
	v1 =	vsub.f32 v1, v0;
	v3 =	vsub.f32 v3, v2  }
0x31: {  	v60 =	vld [tilespmem:$0x60];
	v7 =	vsub.f32 v7, v6;
	v10 =	vsub.f32 v10, v8  }
0x32: {  	v39 =	vsub.f32 v20, v31;
	v1 =	vmul.f32 $7.142857460e-02, v1;
	v3 =	vmul.f32 $7.142857460e-02, v3  }
0x33: {  	v57 =	vsub.f32 v5, v4;
	v7 =	vmul.f32 $7.142857460e-02, v7;
	v10 =	vmul.f32 $7.142857460e-02, v10  }
0x34: {  	v46 =	vmul.f32 $7.142857460e-02, v39;
	v1 =	vmul.f32 $3.333333430e-01, v1  }
0x35: {  	v14 =	vld [tilespmem:$0x30];
	v25 =	vsub.f32 v23, v63;
	v55 =	vmul.f32 $3.333333430e-01, v3;
	v3 =	vmul.f32 $7.142857460e-02, v57  }
0x36: {  	v16 =	vld [tilespmem:$0x70];
	v59 =	vmul.f32 $3.333333430e-01, v7;
	v7 =	vsub.f32 v60, v9;
	v10 =	vmul.f32 $3.333333430e-01, v10  }
0x37: {  	v40 =	vld [tilespmem:$0x10];
	v0 =	vadd.f32 v1, v0;
	v1 =	vadd.f32 v55, v2;
	v3 =	vmul.f32 $3.333333430e-01, v3  }
0x38: {  	v49 =	vld [tilespmem:$0x50];
	v7 =	vmul.f32 $7.142857460e-02, v7;
	v8 =	vadd.f32 v10, v8;
	v10 =	vmul.f32 $7.142857460e-02, v25  }
0x39: {  	v56 =	vtrunc.f32 v0;
	v58 =	vtrunc.f32 v1  }
0x3a: {  	v3 =	vadd.f32 v3, v4;
	v7 =	vmul.f32 $6.666666860e-01, v7;
	v26 =	vtrunc.f32 v8  }
0x3b: {  	v4 =	vadd.f32 v59, v6;
	v10 =	vmul.f32 $3.333333430e-01, v10;
	v2 =	vcvt.f32.s32 v56  }
0x3c: {  	v27 =	vsub.f32 v16, v14;
	v5 =	vcvt.f32.s32 v58;
	v28 =	vcvt.f32.s32 v26  }
0x3d: {  	v57 =	vsub.f32 v49, v40;
	v61 =	vtrunc.f32 v3;
	v62 =	vtrunc.f32 v4  }
0x3e: {  	v7 =	vadd.f32 v7, v9;
	v10 =	vadd.f32 v10, v63;
	vm0 =	vlt.s32 v2, $0xDE  }
0x3f: {  	vm13 =	vlt.s32 v5, $0xDE;
	v6 =	vcvt.f32.s32 v61;
	v2 =	vnsel vm0, $0xDE, v2  }
0x40: {  	v5 =	vnsel vm13, $0xDE, v5;
	v29 =	vtrunc.f32 v7;
	v35 =	vtrunc.f32 v10  }
0x41: {  	vm4 =	vlt.s32 v28, $0xDE;
	v11 =	vcvt.s32.f32 v2;
	v12 =	vcvt.s32.f32 v5  }
0x42: {  	v2 =	vmul.u32 $0xE0, v2;
	vm14 =	vlt.s32 v6, $0xDE;
	v9 =	vcvt.f32.s32 v29  }
0x43: {  	v6 =	vnsel vm14, $0xDE, v6;
	v0 =	vsub.f32 v0, v11;
	v1 =	vsub.f32 v1, v12  }
0x44: {  	v21 =	vld [tilespmem:$0x20];
	v2 =	vadd.s32 v5, v2;
	v5 =	vcvt.f32.s32 v62;
	v15 =	vcvt.s32.f32 v6  }
0x45: {  	v36 =	vld [tilespmem:$0x60];
	v6 =	vmul.u32 $0xE0, v6;
	v12 =	vmul.f32 $7.142857460e-02, v27;
	vm5 =	vlt.s32 v9, $0xDE  }
0x46: {  	v43 =	vld [tilespmem:$0x30];
	v13 =	vadd.s32 $0x1, v2;
	v17 =	vadd.s32 $0xE0, v2;
	v18 =	vadd.s32 $0xE1, v2  }
0x47: {  	v47 =	vld [tilespmem:$0x70];
	v9 =	vnsel vm5, $0xDE, v9;
	vm15 =	vlt.s32 v5, $0xDE;
	v3 =	vsub.f32 v3, v15  }
0x48: {  	v60 =	vld [tilespmem:$0x0];
	v32 =	vmul.f32 $6.666666860e-01, v12;
	v37 =	vcvt.s32.f32 v9;
	v5 =	vnsel vm15, $0xDE, v5  }
0x49: {  	v62 =	vld [tilespmem:$0x40];
	[tilespmem:$0x100] =	vst v13;
	v13 =	vcvt.f32.s32 v35;
	v24 =	vcvt.s32.f32 v5;
	v5 =	vadd.s32 v5, v6  }
0x4a: {  	v6 =	vnsel vm4, $0xDE, v28;
	v11 =	vadd.f32 v32, v14;
	v41 =	vsub.f32 v7, v37  }
0x4b: {  	[tilespmem:$0x80] =	vst v2;
	vm6 =	vlt.s32 v13, $0xDE;
	v14 =	vsub.f32 v36, v21;
	v30 =	vadd.s32 $0x1, v5  }
0x4c: {  	[tilespmem:$0x180] =	vst v17;
	v19 =	vadd.s32 $0xE0, v5;
	v33 =	vadd.s32 $0xE1, v5;
	v34 =	vcvt.s32.f32 v6  }
0x4d: {  	[tilespmem:$0x200] =	vst v18;
	v6 =	vmul.u32 $0xE0, v6;
	v45 =	vnsel vm6, $0xDE, v13;
	v13 =	vsub.f32 v47, v43  }
0x4e: {  	[tilespmem:$0x480] =	vst v1;
	v15 =	vsub.f32 v62, v60;
	v4 =	vsub.f32 v4, v24;
	v38 =	vtrunc.f32 v11  }
0x4f: {  	v39 =	vld [tilespmem:$0x70];
	[tilespmem:$0x5A0] =	vst v0;
	v48 =	vcvt.s32.f32 v45;
	v14 =	vmul.f32 $7.142857460e-02, v14;
	v8 =	vsub.f32 v8, v34  }
0x50: {  	[tilespmem:$0x5B0] =	vst v3;
	v36 =	vld [tilespmem:$0x30];
	v42 =	vcvt.f32.s32 v38;
	v44 =	vadd.s32 v9, v6;
	v9 =	vmul.f32 $6.666666860e-01, v46  }
0x51: {  	[tilespmem:$0x110] =	vst v30;
	v6 =	vmul.u32 $0xE0, v45;
	v13 =	vmul.f32 $7.142857460e-02, v13;
	v30 =	vmul.f32 $7.142857460e-02, v15  }
0x52: {  	[tilespmem:$0x90] =	vst v5;
	v50 =	vadd.s32 $0x1, v44;
	v5 =	vsub.f32 v10, v48;
	v51 =	vadd.s32 $0xE0, v44  }
0x53: {  	[tilespmem:$0x190] =	vst v19;
	v53 =	vadd.s32 $0xE1, v44;
	v14 =	vmul.f32 $3.333333430e-01, v14;
	vm7 =	vlt.s32 v42, $0xDE  }
0x54: {  	v52 =	vadd.f32 v9, v31;
	v13 =	vmul.f32 $3.333333430e-01, v13;
	[tilespmem:$0x5C0] =	vst v8;
	v8 =	vmul.f32 $6.666666860e-01, v30  }
0x55: {  	[tilespmem:$0x210] =	vst v33;
	v24 =	vld [tilespmem:$0x60];
	v46 =	vsub.f32 v39, v36;
	v7 =	vnsel vm7, $0xDE, v42;
	v58 =	vadd.f32 v14, v21  }
0x56: {  	[tilespmem:$0x4A0] =	vst v41;
	v34 =	vld [tilespmem:$0x50];
	v54 =	vcvt.s32.f32 v7;
	v55 =	vadd.s32 v7, v6;
	v56 =	vtrunc.f32 v52  }
0x57: {  	[tilespmem:$0x490] =	vst v4;
	v21 =	vld [tilespmem:$0x20];
	v7 =	vmul.f32 $7.142857460e-02, v57;
	v12 =	vadd.f32 v13, v43;
	v49 =	vmul.f32 $7.142857460e-02, v46  }
0x58: {  	[tilespmem:$0xA0] =	vst v44;
	v31 =	vld [tilespmem:$0x10];
	v6 =	vcvt.f32.s32 v56;
	v59 =	vadd.s32 $0x1, v55;
	v61 =	vtrunc.f32 v58  }
0x59: {  	[tilespmem:$0x120] =	vst v50;
	v22 =	vadd.s32 $0xE0, v55;
	v25 =	vadd.s32 $0xE1, v55;
	v63 =	vcvt.f32.s32 v61  }
0x5a: {  	[tilespmem:$0x1A0] =	vst v51;
	v7 =	vmul.f32 $6.666666860e-01, v7;
	v27 =	vtrunc.f32 v12;
	vm8 =	vlt.s32 v6, $0xDE  }
0x5b: {  	[tilespmem:$0x220] =	vst v53;
	v4 =	vsub.f32 v11, v54;
	v9 =	vcvt.f32.s32 v27;
	v6 =	vnsel vm8, $0xDE, v6  }
0x5c: {  	[tilespmem:$0x5D0] =	vst v5;
	v7 =	vadd.f32 v7, v40;
	vm9 =	vlt.s32 v63, $0xDE;
	v13 =	vsub.f32 v24, v21  }
0x5d: {  	[tilespmem:$0x4B0] =	vst v4;
	v40 =	vadd.f32 v8, v60;
	v4 =	vsub.f32 v34, v31;
	v23 =	vcvt.s32.f32 v6  }
0x5e: {  	[tilespmem:$0xB0] =	vst v55;
	v26 =	vnsel vm9, $0xDE, v63;
	v6 =	vmul.u32 $0xE0, v6;
	v28 =	vtrunc.f32 v7  }
0x5f: {  	[tilespmem:$0x130] =	vst v59;
	vm10 =	vlt.s32 v9, $0xDE;
	v29 =	vcvt.s32.f32 v26;
	v35 =	vmul.f32 $7.142857460e-02, v13  }
0x60: {  	[tilespmem:$0x1B0] =	vst v22;
	v33 =	vnsel vm10, $0xDE, v9;
	v43 =	vtrunc.f32 v40;
	v4 =	vmul.f32 $7.142857460e-02, v4  }
0x61: {  	[tilespmem:$0x230] =	vst v25;
	v2 =	vsub.f32 v52, v23;
	v11 =	vcvt.f32.s32 v28;
	v32 =	vadd.s32 v26, v6  }
0x62: {  	v38 =	vcvt.s32.f32 v33;
	v8 =	vcvt.f32.s32 v43;
	v37 =	vadd.s32 $0x1, v32;
	[tilespmem:$0xC0] =	vst v32  }
0x63: {  	v0 =	vsub.f32 v58, v29;
	v41 =	vadd.s32 $0xE0, v32;
	v6 =	vmul.f32 $6.666666860e-01, v35;
	[tilespmem:$0x140] =	vst v37  }
0x64: {  	v1 =	vadd.s32 $0xE1, v32;
	v4 =	vmul.f32 $6.666666860e-01, v4;
	vm11 =	vlt.s32 v11, $0xDE;
	[tilespmem:$0x1C0] =	vst v41  }
0x65: {  	v12 =	vsub.f32 v12, v38;
	[tilespmem:$0x240] =	vst v1;
	vm12 =	vlt.s32 v8, $0xDE;
	v11 =	vnsel vm11, $0xDE, v11  }
0x66: {  	[tilespmem:$0x5E0] =	vst v2;
	v2 =	vmul.f32 $6.666666860e-01, v49;
	v6 =	vadd.f32 v6, v21;
	v42 =	vmul.u32 $0xE0, v11  }
0x67: {  	[tilespmem:$0x4C0] =	vst v0;
	v8 =	vnsel vm12, $0xDE, v8;
	v4 =	vadd.f32 v4, v31;
	v44 =	vcvt.s32.f32 v11  }
0x68: {  	[tilespmem:$0x4D0] =	vst v12;
	v2 =	vadd.f32 v2, v36;
	v55 =	vcvt.s32.f32 v8;
	v3 =	vadd.s32 v33, v42  }
0x69: {  	v45 =	vtrunc.f32 v6;
	v52 =	vtrunc.f32 v4;
	v47 =	vadd.s32 $0x1, v3;
	[tilespmem:$0xD0] =	vst v3  }
0x6a: {  	v0 =	vcvt.f32.s32 v45;
	v1 =	vsub.f32 v7, v44;
	v48 =	vadd.s32 $0xE0, v3;
	[tilespmem:$0x150] =	vst v47  }
0x6b: {  	v50 =	vmul.u32 $0xE0, v8;
	v7 =	vcvt.f32.s32 v52;
	v9 =	vtrunc.f32 v2;
	[tilespmem:$0x1D0] =	vst v48  }
0x6c: {  	v3 =	vadd.s32 $0xE1, v3;
	vm13 =	vlt.s32 v0, $0xDE;
	[tilespmem:$0x5F0] =	vst v1;
	v1 =	vsub.f32 v40, v55  }
0x6d: {  	v56 =	vcvt.f32.s32 v9;
	[tilespmem:$0x250] =	vst v3;
	v0 =	vnsel vm13, $0xDE, v0  }
0x6e: {  	vm14 =	vlt.s32 v7, $0xDE;
	v51 =	vadd.s32 v0, v50;
	[tilespmem:$0x600] =	vst v1  }
0x6f: {  	v57 =	vnsel vm14, $0xDE, v7;
	vm15 =	vlt.s32 v56, $0xDE;
	v53 =	vadd.s32 $0x1, v51;
	[tilespmem:$0xE0] =	vst v51  }
0x70: {  	v0 =	vcvt.s32.f32 v0;
	v58 =	vmul.u32 $0xE0, v57;
	v54 =	vadd.s32 $0xE0, v51;
	[tilespmem:$0x160] =	vst v53  }
0x71: {  	v59 =	vnsel vm15, $0xDE, v56;
	v3 =	vadd.s32 $0xE1, v51;
	[tilespmem:$0x1E0] =	vst v54  }
0x72: {  	v0 =	vsub.f32 v6, v0;
	[tilespmem:$0x260] =	vst v3;
	v60 =	vadd.s32 v59, v58  }
0x73: {  	[tilespmem:$0xF0] =	vst v60  }
0x74: {  	v61 =	vcvt.s32.f32 v57;
	v3 =	vadd.s32 $0x1, v60;
	[tilespmem:$0x4E0] =	vst v0  }
0x75: {  	v62 =	vadd.s32 $0xE0, v60;
	v0 =	vcvt.s32.f32 v59;
	[tilespmem:$0x170] =	vst v3  }
0x76: {  	v63 =	vsub.f32 v4, v61;
	v1 =	vadd.s32 $0xE1, v60;
	[tilespmem:$0x1F0] =	vst v62  }
0x77: {  	[tilespmem:$0x270] =	vst v1;
	v0 =	vsub.f32 v2, v0  }
0x78: {  	[tilespmem:$0x610] =	vst v63  }
0x79: {  	[tilespmem:$0x4F0] =	vst v0  }
0x7a: {  	[tilespmem:s15], [sflag:$0x1] =	stream.indirect.gather [hbm4b:s2+s14], $0x60, s14, s14, $0xb8;
	[tilespmem:$0x19300] =	vst v63  }
0x7b: {  	_ = 	snop  }
0x7c: {  	[tilespmem:s17], [sflag:$0x1] =	stream.indirect.gather [hbm4b:s2+s14], $0x60, s16, s14, $0xb8;
	[tilespmem:$0x19300] =	vst v63  }
0x7d: {  	_ = 	snop  }
0x7e: {  	[tilespmem:s19], [sflag:$0x1] =	stream.indirect.gather [hbm4b:s2+s14], $0x60, s18, s14, $0xb8;
	[tilespmem:$0x19300] =	vst v63  }
0x7f: {  	s12 =	simm.s32 $0x0  }
0x80: {  	[tilespmem:s21], [sflag:$0x1] =	stream.indirect.gather [hbm4b:s2+s14], $0x60, s20, s14, $0xb8;
	[tilespmem:$0x19300] =	vst v63  }
.LBB2_2:
0x81: {  	s0 =	smul.u32 $0x25, s12;
	_ =	sdelay $0x1  }
0x82: {  	s0 =	sshrl.u32 s0, $0x8  }
0x83: {  	v0 =	vld [tilespmem:$0x0];
	s4 =	ssub.s32 s12, s0  }
0x84: {  	s5 =	sand.u32 $0x7F, s12;
	v1 =	vld [tilespmem:$0x40];
	s4 =	sand.u32 $0xFE, s4  }
0x85: {  	s5 =	smul.u32 $0x93, s5;
	s4 =	sshrl.u32 s4, $0x1  }
0x86: {  	v2 =	vld [tilespmem:$0x20];
	s0 =	sadd.s32 s0, s4  }
0x87: {  	v3 =	vld [tilespmem:$0x60];
	s13 =	sshrl.u32 s5, $0xA;
	s0 =	sand.u32 $0xFC, s0  }
0x88: {  	s4 =	smul.u32 $0xE, s13;
	s0 =	sshrl.u32 s0, $0x2  }
0x89: {  	v1 =	vsub.f32 v1, v0;
	s13 =	sshllo.u32 s12, $0x1;
	s5 =	scvt.s32.f32 s0  }
0x8a: {  	v4 =	vld [tilespmem:$0x10];
	s4 =	ssub.s32 s13, s4  }
0x8b: {  	v5 =	vld [tilespmem:$0x30];
	v1 =	vmul.f32 $7.142857460e-02, v1;
	s4 =	sand.u32 $0xFF, s4;
	s6 =	sadd.f32 $3.333333430e-01, s5  }
0x8c: {  	v6 =	vld [tilespmem:$0x50];
	v3 =	vsub.f32 v3, v2;
	s0 =	scvt.s32.f32 s4  }
0x8d: {  	v7 =	vld [tilespmem:$0x70];
	v1 =	vmul.f32 s6, v1  }
0x8e: {  	v3 =	vmul.f32 $7.142857460e-02, v3;
	s7 =	sadd.f32 $3.333333430e-01, s0  }
0x8f: {  	v0 =	vadd.f32 v1, v0  }
0x90: {  	v1 =	vmul.f32 s7, v3  }
0x91: {  	v6 =	vsub.f32 v6, v4;
	v3 =	vtrunc.f32 v0  }
0x92: {  	v1 =	vadd.f32 v1, v2;
	v2 =	vcvt.f32.s32 v3;
	v3 =	vsub.f32 v7, v5  }
0x93: {  	v10 =	vld [tilespmem:$0x40];
	v6 =	vmul.f32 $7.142857460e-02, v6  }
0x94: {  	v7 =	vld [tilespmem:$0x0];
	v8 =	vtrunc.f32 v1;
	v3 =	vmul.f32 $7.142857460e-02, v3  }
0x95: {  	v9 =	vld [tilespmem:$0x20];
	v6 =	vmul.f32 s6, v6;
	vm0 =	vlt.s32 v2, $0xDE;
	v8 =	vcvt.f32.s32 v8  }
0x96: {  	v12 =	vld [tilespmem:$0x60];
	v2 =	vnsel vm0, $0xDE, v2;
	v3 =	vmul.f32 s7, v3  }
0x97: {  	v4 =	vadd.f32 v6, v4;
	v11 =	vcvt.s32.f32 v2;
	vm13 =	vlt.s32 v8, $0xDE  }
0x98: {  	v2 =	vmul.u32 $0xE0, v2;
	v6 =	vnsel vm13, $0xDE, v8;
	v3 =	vadd.f32 v3, v5  }
0x99: {  	v8 =	vtrunc.f32 v4;
	v10 =	vsub.f32 v10, v7;
	v5 =	vcvt.s32.f32 v6  }
0x9a: {  	v0 =	vsub.f32 v0, v11;
	v8 =	vcvt.f32.s32 v8;
	v11 =	vtrunc.f32 v3  }
0x9b: {  	v13 =	vld [tilespmem:$0x50];
	v1 =	vsub.f32 v1, v5;
	v5 =	vcvt.f32.s32 v11;
	v11 =	vsub.f32 v12, v9  }
0x9c: {  	v15 =	vld [tilespmem:$0x70];
	v2 =	vadd.s32 v6, v2;
	v6 =	vmul.f32 $7.142857460e-02, v10  }
0x9d: {  	s0 =	sadd.f32 $6.666666860e-01, s0;
	v16 =	vadd.s32 $0x1, v2;
	vm14 =	vlt.s32 v8, $0xDE;
	v12 =	vld [tilespmem:$0x10];
	v11 =	vmul.f32 $7.142857460e-02, v11  }
0x9e: {  	v10 =	vld [tilespmem:$0x30];
	v18 =	vadd.s32 $0xE0, v2;
	v8 =	vnsel vm14, $0xDE, v8;
	v6 =	vmul.f32 s6, v6  }
0x9f: {  	v14 =	vcvt.s32.f32 v8;
	v8 =	vmul.u32 $0xE0, v8;
	v11 =	vmul.f32 s0, v11  }
0xa0: {  	vm15 =	vlt.s32 v5, $0xDE;
	v6 =	vadd.f32 v6, v7;
	v7 =	vadd.s32 $0xE1, v2  }
0xa1: {  	v5 =	vnsel vm15, $0xDE, v5;
	v4 =	vsub.f32 v4, v14;
	v9 =	vadd.f32 v11, v9  }
0xa2: {  	v17 =	vcvt.s32.f32 v5;
	v13 =	vsub.f32 v13, v12;
	v11 =	vtrunc.f32 v6  }
0xa3: {  	v15 =	vsub.f32 v15, v10;
	v11 =	vcvt.f32.s32 v11;
	v14 =	vtrunc.f32 v9  }
0xa4: {  	v19 =	vld [tilespmem:$0x20];
	v5 =	vadd.s32 v5, v8;
	v13 =	vmul.f32 $7.142857460e-02, v13;
	v8 =	vcvt.f32.s32 v14  }
0xa5: {  	v20 =	vld [tilespmem:$0x40];
	[tilespmem:$0x300] =	vst v16;
	v15 =	vmul.f32 $7.142857460e-02, v15;
	v16 =	vadd.s32 $0xE0, v5;
	vm4 =	vlt.s32 v11, $0xDE  }
0xa6: {  	v14 =	vld [tilespmem:$0x0];
	v13 =	vmul.f32 s6, v13;
	v11 =	vnsel vm4, $0xDE, v11;
	vm5 =	vlt.s32 v8, $0xDE  }
0xa7: {  	v21 =	vld [tilespmem:$0x60];
	[tilespmem:$0x280] =	vst v2;
	v15 =	vmul.f32 s0, v15;
	v2 =	vnsel vm5, $0xDE, v8;
	v8 =	vcvt.s32.f32 v11  }
0xa8: {  	v3 =	vsub.f32 v3, v17;
	v12 =	vadd.f32 v13, v12;
	v13 =	vcvt.s32.f32 v2  }
0xa9: {  	[tilespmem:$0x380] =	vst v18;
	v18 =	vadd.s32 $0xE1, v5;
	v6 =	vsub.f32 v6, v8;
	v8 =	vadd.f32 v15, v10  }
0xaa: {  	[tilespmem:$0x400] =	vst v7;
	v10 =	vtrunc.f32 v12;
	v7 =	vsub.f32 v9, v13;
	v9 =	vmul.u32 $0xE0, v11  }
0xab: {  	[tilespmem:$0x510] =	vst v1;
	v17 =	vadd.s32 $0x1, v5;
	v1 =	vcvt.f32.s32 v10;
	v11 =	vsub.f32 v20, v14  }
0xac: {  	s5 =	sadd.f32 $6.666666860e-01, s5;
	[tilespmem:$0x630] =	vst v0;
	v15 =	vld [tilespmem:$0x30];
	v10 =	vtrunc.f32 v8;
	v0 =	vadd.s32 v2, v9;
	v9 =	vsub.f32 v21, v19  }
0xad: {  	[tilespmem:$0x290] =	vst v5;
	v2 =	vcvt.f32.s32 v10;
	v10 =	vld [tilespmem:$0x10];
	vm6 =	vlt.s32 v1, $0xDE;
	v11 =	vmul.f32 $7.142857460e-02, v11  }
0xae: {  	[tilespmem:$0x390] =	vst v16;
	v13 =	vadd.s32 $0x1, v0;
	v1 =	vnsel vm6, $0xDE, v1;
	v5 =	vmul.f32 $7.142857460e-02, v9;
	v9 =	vld [tilespmem:$0x50]  }
0xaf: {  	[tilespmem:$0x520] =	vst v3;
	v20 =	vld [tilespmem:$0x70];
	v16 =	vadd.s32 $0xE0, v0;
	v3 =	vadd.s32 $0xE1, v0;
	v11 =	vmul.f32 s5, v11  }
0xb0: {  	[tilespmem:$0x310] =	vst v17;
	vm7 =	vlt.s32 v2, $0xDE;
	v17 =	vcvt.s32.f32 v1;
	v5 =	vmul.f32 s7, v5  }
0xb1: {  	[tilespmem:$0x640] =	vst v4;
	v1 =	vmul.u32 $0xE0, v1;
	v2 =	vnsel vm7, $0xDE, v2;
	v11 =	vadd.f32 v11, v14  }
0xb2: {  	[tilespmem:$0x410] =	vst v18;
	v21 =	vcvt.s32.f32 v2;
	v12 =	vsub.f32 v12, v17;
	v5 =	vadd.f32 v5, v19  }
0xb3: {  	[tilespmem:$0x2A0] =	vst v0;
	v1 =	vadd.s32 v2, v1;
	v2 =	vtrunc.f32 v11;
	v4 =	vsub.f32 v9, v10  }
0xb4: {  	[tilespmem:$0x320] =	vst v13;
	v0 =	vcvt.f32.s32 v2;
	v9 =	vsub.f32 v20, v15;
	v2 =	vtrunc.f32 v5  }
0xb5: {  	v18 =	vld [tilespmem:$0x60];
	[tilespmem:$0x3A0] =	vst v16;
	v13 =	vadd.s32 $0x1, v1;
	v16 =	vadd.s32 $0xE0, v1;
	v2 =	vcvt.f32.s32 v2  }
0xb6: {  	[tilespmem:$0x650] =	vst v6;
	v17 =	vld [tilespmem:$0x20];
	v4 =	vmul.f32 $7.142857460e-02, v4;
	vm8 =	vlt.s32 v0, $0xDE;
	v9 =	vmul.f32 $7.142857460e-02, v9  }
0xb7: {  	v14 =	vld [tilespmem:$0x0];
	[tilespmem:$0x2B0] =	vst v1;
	v1 =	vadd.s32 $0xE1, v1;
	v8 =	vsub.f32 v8, v21;
	v0 =	vnsel vm8, $0xDE, v0  }
0xb8: {  	[tilespmem:$0x420] =	vst v3;
	vm9 =	vlt.s32 v2, $0xDE;
	v3 =	vmul.f32 s5, v4;
	v4 =	vld [tilespmem:$0x40];
	v9 =	vmul.f32 s7, v9  }
0xb9: {  	[tilespmem:$0x530] =	vst v7;
	v7 =	vcvt.s32.f32 v0;
	v0 =	vmul.u32 $0xE0, v0;
	v2 =	vnsel vm9, $0xDE, v2  }
0xba: {  	[tilespmem:$0x330] =	vst v13;
	v13 =	vld [tilespmem:$0x50];
	v6 =	vcvt.s32.f32 v2;
	v3 =	vadd.f32 v3, v10;
	v9 =	vadd.f32 v9, v15  }
0xbb: {  	[tilespmem:$0x430] =	vst v1;
	v7 =	vsub.f32 v11, v7;
	v0 =	vadd.s32 v2, v0;
	v10 =	vld [tilespmem:$0x10];
	v11 =	vsub.f32 v18, v17  }
0xbc: {  	[tilespmem:$0x660] =	vst v12;
	v1 =	vadd.s32 $0x1, v0;
	v5 =	vsub.f32 v5, v6;
	v6 =	vtrunc.f32 v9  }
0xbd: {  	[tilespmem:$0x540] =	vst v8;
	v2 =	vtrunc.f32 v3;
	v4 =	vsub.f32 v4, v14;
	v6 =	vcvt.f32.s32 v6  }
0xbe: {  	v12 =	vld [tilespmem:$0x70];
	v8 =	vadd.s32 $0xE0, v0;
	[tilespmem:$0x2C0] =	vst v0;
	v0 =	vadd.s32 $0xE1, v0;
	v2 =	vcvt.f32.s32 v2  }
0xbf: {  	v15 =	vld [tilespmem:$0x30];
	v11 =	vmul.f32 $7.142857460e-02, v11;
	v4 =	vmul.f32 $7.142857460e-02, v4;
	vm11 =	vlt.s32 v6, $0xDE  }
0xc0: {  	[tilespmem:$0x3C0] =	vst v8;
	vm10 =	vlt.s32 v2, $0xDE;
	v8 =	vsub.f32 v13, v10;
	v6 =	vnsel vm11, $0xDE, v6  }
0xc1: {  	[tilespmem:$0x340] =	vst v1;
	v2 =	vnsel vm10, $0xDE, v2;
	v4 =	vmul.f32 s5, v4;
	v1 =	vcvt.s32.f32 v6  }
0xc2: {  	[tilespmem:$0x3B0] =	vst v16;
	v11 =	vmul.f32 s0, v11;
	v16 =	vmul.u32 $0xE0, v2;
	v2 =	vcvt.s32.f32 v2  }
0xc3: {  	[tilespmem:$0x440] =	vst v0;
	v8 =	vmul.f32 $7.142857460e-02, v8;
	v4 =	vadd.f32 v4, v14;
	v0 =	vsub.f32 v9, v1  }
0xc4: {  	v1 =	vadd.s32 v6, v16;
	v6 =	vadd.f32 v11, v17;
	v9 =	vsub.f32 v12, v15  }
0xc5: {  	[tilespmem:$0x550] =	vst v5;
	v8 =	vmul.f32 s5, v8;
	v5 =	vtrunc.f32 v4  }
0xc6: {  	[tilespmem:$0x670] =	vst v7;
	v7 =	vadd.s32 $0x1, v1;
	v11 =	vtrunc.f32 v6;
	v9 =	vmul.f32 $7.142857460e-02, v9  }
0xc7: {  	[tilespmem:$0x350] =	vst v7;
	v5 =	vcvt.f32.s32 v5;
	v7 =	vcvt.f32.s32 v11  }
0xc8: {  	v2 =	vsub.f32 v3, v2;
	v12 =	vadd.s32 $0xE0, v1;
	v8 =	vadd.f32 v8, v10  }
0xc9: {  	[tilespmem:$0x2D0] =	vst v1;
	v9 =	vmul.f32 s0, v9;
	vm12 =	vlt.s32 v5, $0xDE;
	vm13 =	vlt.s32 v7, $0xDE  }
0xca: {  	v1 =	vadd.s32 $0xE1, v1;
	[tilespmem:$0x560] =	vst v0;
	v5 =	vnsel vm12, $0xDE, v5;
	v0 =	vnsel vm13, $0xDE, v7  }
0xcb: {  	[tilespmem:$0x450] =	vst v1;
	v3 =	vadd.f32 v9, v15;
	v7 =	vtrunc.f32 v8;
	v1 =	vmul.u32 $0xE0, v5  }
0xcc: {  	[tilespmem:$0x680] =	vst v2;
	v2 =	vcvt.s32.f32 v5;
	v5 =	vcvt.f32.s32 v7  }
0xcd: {  	[tilespmem:$0x3D0] =	vst v12;
	v9 =	vtrunc.f32 v3;
	v1 =	vadd.s32 v0, v1;
	v0 =	vcvt.s32.f32 v0  }
0xce: {  	vm14 =	vlt.s32 v5, $0xDE;
	v2 =	vsub.f32 v4, v2;
	[tilespmem:$0x2E0] =	vst v1;
	v7 =	vadd.s32 $0x1, v1  }
0xcf: {  	v9 =	vcvt.f32.s32 v9;
	v5 =	vnsel vm14, $0xDE, v5;
	[tilespmem:$0x360] =	vst v7  }
0xd0: {  	v7 =	vadd.s32 $0xE0, v1;
	v0 =	vsub.f32 v6, v0;
	v1 =	vadd.s32 $0xE1, v1;
	[tilespmem:$0x690] =	vst v2  }
0xd1: {  	vm15 =	vlt.s32 v9, $0xDE;
	[tilespmem:$0x460] =	vst v1;
	v1 =	vmul.u32 $0xE0, v5  }
0xd2: {  	[tilespmem:$0x570] =	vst v0;
	v0 =	vnsel vm15, $0xDE, v9  }
0xd3: {  	[tilespmem:$0x3E0] =	vst v7;
	v1 =	vadd.s32 v0, v1  }
0xd4: {  	v0 =	vcvt.s32.f32 v0;
	[tilespmem:$0x2F0] =	vst v1;
	v2 =	vadd.s32 $0x1, v1  }
0xd5: {  	v4 =	vcvt.s32.f32 v5;
	[tilespmem:$0x370] =	vst v2;
	v2 =	vadd.s32 $0xE0, v1  }
0xd6: {  	v0 =	vsub.f32 v3, v0;
	v1 =	vadd.s32 $0xE1, v1;
	[tilespmem:$0x3F0] =	vst v2  }
0xd7: {  	v2 =	vsub.f32 v8, v4;
	[tilespmem:$0x470] =	vst v1  }
0xd8: {  	[tilespmem:$0x580] =	vst v0  }
0xd9: {  	[tilespmem:$0x6A0] =	vst v2  }
0xda: {  	[tilespmem:s23], [sflag:$0x2] =	stream.indirect.gather [hbm4b:s2+s14], $0x60, s22, s14, $0xb8;
	[tilespmem:$0x19300] =	vst v63  }
0xdb: {  	_ = 	snop  }
0xdc: {  	[tilespmem:s25], [sflag:$0x2] =	stream.indirect.gather [hbm4b:s2+s14], $0x60, s24, s14, $0xb8;
	[tilespmem:$0x19300] =	vst v63  }
0xdd: {  	_ = 	snop  }
0xde: {  	[tilespmem:s28], [sflag:$0x2] =	stream.indirect.gather [hbm4b:s2+s14], $0x60, s26, s14, $0xb8;
	[tilespmem:$0x19300] =	vst v63  }
0xdf: {  	_ = 	snop  }
0xe0: {  	[tilespmem:s30], [sflag:$0x2] =	stream.indirect.gather [hbm4b:s2+s14], $0x60, s29, s14, $0xb8;
	[tilespmem:$0x19300] =	vst v63  }
0xe1: {  	_ =	swait.ge [sflag:s31], $0x3000  }
0xe2: {  	[sflag:s31] =	ssyncset.done $0x0  }
0xe3: {  	[sflag:s31] =	ssyncadd.s32 $0xFFFFD000  }
0xe4: {  	_ =	swait.ge [sflag:s31], $0x3000  }
0xe5: {  	[sflag:s31] =	ssyncset.done $0x0  }
0xe6: {  	[sflag:s31] =	ssyncadd.s32 $0xFFFFD000  }
0xe7: {  	_ =	swait.ge [sflag:s31], $0x3000  }
0xe8: {  	[sflag:s31] =	ssyncset.done $0x0  }
0xe9: {  	[sflag:s31] =	ssyncadd.s32 $0xFFFFD000  }
0xea: {  	_ =	swait.ge [sflag:s31], $0x3000  }
0xeb: {  	[sflag:s31] =	ssyncset.done $0x0  }
0xec: {  	s7 =	simm.s32 $0x0;
	[sflag:s31] =	ssyncadd.s32 $0xFFFFD000  }
0xed: {  	v0 =	vld [tilespmem:s7+$0x710]  }
0xee: {  	v1 =	vld [tilespmem:s7+$0x3710]  }
0xef: {  	v2 =	vld [tilespmem:s7+$0x6710]  }
0xf0: {  	s5 =	simm.s32 $0x480;
	v3 =	vld [tilespmem:s7+$0x9710]  }
0xf1: {  	v7 =	vld.msk [tilespmem:s5+$0x0 ss:$0x0], $0xffff  }
0xf2: {  	v5 =	vld [tilespmem:s7+$0x6C0]  }
0xf3: {  	v6 =	vld [tilespmem:s7+$0x36C0]  }
0xf4: {  	v8 =	vld [tilespmem:s7+$0x66C0]  }
0xf5: {  	v9 =	vld [tilespmem:s7+$0x96C0]  }
0xf6: {  	s0 =	simm.s32 $0x5A0;
	v10 =	vld [tilespmem:s7+$0x6D0]  }
0xf7: {  	v4 =	vld.msk [tilespmem:s0+$0x0 ss:$0x0], $0xffff  }
0xf8: {  	v11 =	vld [tilespmem:s7+$0x36D0]  }
0xf9: {  	v13 =	vld [tilespmem:s7+$0x66D0];
	v3 =	vsub.f32 v3, v2  }
0xfa: {  	v12 =	vld [tilespmem:s7+$0x96D0];
	v1 =	vsub.f32 v1, v0  }
0xfb: {  	v15 =	vld [tilespmem:s7+$0x66E0];
	v6 =	vsub.f32 v6, v5;
	v3 =	vmul.f32 v3, v7  }
0xfc: {  	v16 =	vld [tilespmem:s7+$0x96E0];
	v1 =	vmul.f32 v1, v7  }
0xfd: {  	v20 =	vld [tilespmem:s7+$0x6F0];
	v6 =	vmul.f32 v6, v7;
	v2 =	vadd.f32 v3, v2;
	v3 =	vsub.f32 v9, v8  }
0xfe: {  	v0 =	vadd.f32 v1, v0;
	v1 =	vld [tilespmem:s7+$0x6E0]  }
0xff: {  	v9 =	vld [tilespmem:s7+$0x36E0];
	v5 =	vadd.f32 v6, v5;
	v6 =	vsub.f32 v11, v10;
	v3 =	vmul.f32 v3, v7  }
0x100: {  	v17 =	vld [tilespmem:s7+$0x36F0];
	v2 =	vsub.f32 v2, v0  }
0x101: {  	v18 =	vld [tilespmem:s7+$0x96F0];
	v6 =	vmul.f32 v6, v7;
	v3 =	vadd.f32 v3, v8;
	v8 =	vsub.f32 v12, v13  }
0x102: {  	v2 =	vmul.f32 v2, v4;
	v12 =	vld [tilespmem:s7+$0x66F0]  }
0x103: {  	v14 =	vadd.f32 v6, v10;
	v3 =	vsub.f32 v3, v5;
	v8 =	vmul.f32 v8, v7  }
0x104: {  	v22 =	vld [tilespmem:s7+$0x3700];
	v9 =	vsub.f32 v9, v1;
	v0 =	vadd.f32 v2, v0;
	v2 =	vimm.f32 $-Inf  }
0x105: {  	v11 =	vld [tilespmem:s7+$0x700];
	v3 =	vmul.f32 v3, v4;
	v6 =	vadd.f32 v8, v13;
	v8 =	vsub.f32 v16, v15  }
0x106: {  	v9 =	vmul.f32 v9, v7;
	v0 =	vmax.f32 v2, v0;
	v16 =	vsub.f32 v17, v20  }
0x107: {  	v10 =	vld [tilespmem:s7+$0x6700];
	v21 =	vsub.f32 v18, v12;
	v3 =	vadd.f32 v3, v5;
	v5 =	vmul.f32 v8, v7  }
0x108: {  	s6 =	simm.s32 $0x60;
	v17 =	vld [tilespmem:s7+$0x9700];
	v13 =	vadd.f32 v9, v1;
	v6 =	vsub.f32 v6, v14;
	v9 =	vmul.f32 v16, v7  }
0x109: {  	v8 =	vld [tilespmem:s6+$0x710];
	v21 =	vmul.f32 v21, v7;
	v1 =	vmax.f32 v2, v3;
	v18 =	vadd.f32 v5, v15  }
0x10a: {  	v16 =	vld [tilespmem:s6+$0x3710];
	v19 =	vmul.f32 v6, v4;
	v15 =	vadd.f32 v9, v20;
	v20 =	vsub.f32 v22, v11  }
0x10b: {  	s4 =	sshll.u32 s12, $0x1;
	s7 =	simm.s32 $0x300;
	v9 =	vld [tilespmem:s6+$0x6710];
	v6 =	vimm.f32 $-Inf;
	v5 =	vimm.f32 $-Inf;
	v3 =	vimm.f32 $-Inf  }
.LBB2_3:
0x10c: {  	p0 =	sne.s32 s7, $0xBE80;
	v22 =	vld [tilespmem:s6+$0x9710];
	v14 =	vadd.f32 v19, v14;
	v18 =	vsub.f32 v18, v13;
	s5 =	sadd.s32 $0x1, s5  }
0x10d: {  	v19 =	vld.msk [tilespmem:s5+$0x0 ss:$0x0], $0xffff;
	v12 =	vadd.f32 v21, v12;
	v20 =	vmul.f32 v20, v7;
	v17 =	vsub.f32 v17, v10  }
0x10e: {  	v21 =	vld [tilespmem:s6+$0x6C0];
	v2 =	vmax.f32 v2, v14;
	v14 =	vmul.f32 v18, v4  }
0x10f: {  	v18 =	vld [tilespmem:s6+$0x36C0];
	v12 =	vsub.f32 v12, v15;
	v11 =	vadd.f32 v20, v11;
	v7 =	vmul.f32 v17, v7  }
0x110: {  	v17 =	vld [tilespmem:s6+$0x66C0];
	v13 =	vadd.f32 v14, v13  }
0x111: {  	v16 =	vsub.f32 v16, v8;
	v14 =	vld [tilespmem:s6+$0x96C0];
	v20 =	vsub.f32 v22, v9;
	v12 =	vmul.f32 v12, v4  }
0x112: {  	s0 =	sadd.s32 $0x1, s0;
	v10 =	vadd.f32 v7, v10;
	v22 =	vld [tilespmem:s6+$0x6D0];
	v6 =	vmax.f32 v6, v13  }
0x113: {  	v16 =	vmul.f32 v16, v19;
	v13 =	vld.msk [tilespmem:s0+$0x0 ss:$0x0], $0xffff;
	v20 =	vmul.f32 v20, v19;
	v12 =	vadd.f32 v12, v15;
	v7 =	vmovc v19  }
0x114: {  	v10 =	vsub.f32 v10, v11;
	v15 =	vsub.f32 v18, v21;
	v18 =	vld [tilespmem:s6+$0x36D0]  }
0x115: {  	v8 =	vadd.f32 v16, v8;
	v19 =	vld [tilespmem:s6+$0x66D0];
	v9 =	vadd.f32 v20, v9;
	v5 =	vmax.f32 v5, v12  }
0x116: {  	v23 =	vmul.f32 v10, v4;
	v12 =	vmul.f32 v15, v7;
	v14 =	vsub.f32 v14, v17;
	v15 =	vld [tilespmem:s6+$0x96D0]  }
0x117: {  	v10 =	vld [tilespmem:s6+$0x6E0];
	v9 =	vsub.f32 v9, v8  }
0x118: {  	v11 =	vadd.f32 v23, v11;
	v16 =	vadd.f32 v12, v21;
	v12 =	vmul.f32 v14, v7;
	v14 =	vld [tilespmem:s6+$0x36E0]  }
0x119: {  	v4 =	vmov v13;
	v18 =	vsub.f32 v18, v22;
	v20 =	vld [tilespmem:s6+$0x66E0];
	v9 =	vmul.f32 v9, v13  }
0x11a: {  	v3 =	vmax.f32 v3, v11;
	v12 =	vadd.f32 v12, v17;
	v13 =	vld [tilespmem:s6+$0x96E0]  }
0x11b: {  	v11 =	vmul.f32 v18, v7;
	v15 =	vsub.f32 v15, v19;
	v21 =	vld [tilespmem:s6+$0x6F0];
	v8 =	vadd.f32 v9, v8  }
0x11c: {  	v9 =	vsub.f32 v12, v16;
	v17 =	vld [tilespmem:s6+$0x36F0]  }
0x11d: {  	v15 =	vmul.f32 v15, v7;
	v18 =	vsub.f32 v14, v10;
	v12 =	vld [tilespmem:s6+$0x66F0];
	v0 =	vmax.f32 v0, v8  }
0x11e: {  	v14 =	vadd.f32 v11, v22;
	v8 =	vmul.f32 v9, v4;
	v9 =	vld [tilespmem:s6+$0x96F0]  }
0x11f: {  	v15 =	vadd.f32 v15, v19;
	v18 =	vmul.f32 v18, v7;
	v19 =	vsub.f32 v13, v20;
	v11 =	vld [tilespmem:s6+$0x700]  }
0x120: {  	v8 =	vadd.f32 v8, v16;
	v22 =	vld [tilespmem:s6+$0x3700]  }
.Ltmp0:
0x121: {  	v13 =	vadd.f32 v18, v10;
	v16 =	vmul.f32 v19, v7;
	v19 =	vsub.f32 v17, v21;
	v10 =	vld [tilespmem:s6+$0x6700];
	(pc) =	sbr.rel @p0 .LBB2_3-.Ltmp0, $4  }
0x122: {  	v15 =	vsub.f32 v15, v14;
	v1 =	vmax.f32 v1, v8;
	v17 =	vld [tilespmem:s6+$0x9700];
	s6 =	sshra.s32 s7, $0x2  }
0x123: {  	v8 =	vld [tilespmem:s6+$0x710];
	v18 =	vadd.f32 v16, v20;
	v20 =	vmul.f32 v19, v7;
	v23 =	vsub.f32 v9, v12  }
0x124: {  	v19 =	vmul.f32 v15, v4;
	v16 =	vld [tilespmem:s6+$0x3710]  }
0x125: {  	s7 =	sadd.s32 $0x180, s7;
	v9 =	vld [tilespmem:s6+$0x6710];
	v15 =	vadd.f32 v20, v21;
	v21 =	vmul.f32 v23, v7;
	v20 =	vsub.f32 v22, v11  }
0x126: {  	v22 =	vld [tilespmem:s6+$0x9710]  }
0x127: {  	v24 =	vld [tilespmem:s6+$0x6C0]  }
0x128: {  	v25 =	vld [tilespmem:s6+$0x36C0]  }
0x129: {  	v26 =	vld [tilespmem:s6+$0x66C0]  }
0x12a: {  	v27 =	vld [tilespmem:s6+$0x96C0]  }
0x12b: {  	v28 =	vld [tilespmem:s6+$0x6D0]  }
0x12c: {  	v29 =	vld [tilespmem:s6+$0x36D0]  }
0x12d: {  	v30 =	vld [tilespmem:s6+$0x66D0]  }
0x12e: {  	v57 =	vld [tilespmem:s6+$0x96D0]  }
0x12f: {  	v59 =	vld [tilespmem:s6+$0x6E0]  }
0x130: {  	v61 =	vld [tilespmem:s6+$0x36E0]  }
0x131: {  	v62 =	vld [tilespmem:s6+$0x66E0]  }
0x132: {  	v32 =	vld [tilespmem:s6+$0x96E0]  }
0x133: {  	v18 =	vsub.f32 v18, v13;
	v39 =	vld [tilespmem:s6+$0x66F0]  }
0x134: {  	v42 =	vld [tilespmem:s6+$0x96F0];
	v12 =	vadd.f32 v21, v12;
	v17 =	vsub.f32 v17, v10;
	v58 =	vmul.f32 v20, v7  }
0x135: {  	v14 =	vadd.f32 v19, v14;
	v47 =	vld [tilespmem:s6+$0x6700];
	v18 =	vmul.f32 v18, v4  }
0x136: {  	s5 =	sadd.s32 $0x1, s5;
	v48 =	vld [tilespmem:s6+$0x9700];
	v12 =	vsub.f32 v12, v15;
	v60 =	vmul.f32 v17, v7;
	v11 =	vadd.f32 v58, v11  }
0x137: {  	v23 =	vld.msk [tilespmem:s5+$0x0 ss:$0x0], $0xffff;
	v16 =	vsub.f32 v16, v8;
	v63 =	vadd.f32 v18, v13  }
0x138: {  	v7 =	vadd.f32 v60, v10;
	v33 =	vsub.f32 v22, v9  }
0x139: {  	v35 =	vld [tilespmem:s6+$0x6F0];
	v34 =	vsub.f32 v25, v24;
	v27 =	vsub.f32 v27, v26  }
0x13a: {  	v36 =	vld [tilespmem:s6+$0x36F0];
	v41 =	vsub.f32 v29, v28;
	v21 =	vsub.f32 v57, v30  }
0x13b: {  	v12 =	vmul.f32 v12, v4;
	v17 =	vsub.f32 v61, v59;
	v10 =	vsub.f32 v32, v62  }
0x13c: {  	v49 =	vsub.f32 v42, v39;
	v52 =	vsub.f32 v48, v47;
	v16 =	vmul.f32 v16, v23  }
0x13d: {  	v12 =	vadd.f32 v12, v15;
	v18 =	vmul.f32 v33, v23;
	v38 =	vmul.f32 v34, v23  }
0x13e: {  	v44 =	vld [tilespmem:s6+$0x700];
	v7 =	vsub.f32 v7, v11;
	v45 =	vmul.f32 v27, v23;
	v21 =	vmul.f32 v21, v23  }
0x13f: {  	v46 =	vld [tilespmem:s6+$0x3700];
	v17 =	vmul.f32 v17, v23;
	v15 =	vsub.f32 v36, v35;
	v10 =	vmul.f32 v10, v23  }
0x140: {  	v50 =	vmul.f32 v49, v23;
	v37 =	vadd.f32 v16, v8;
	v43 =	vadd.f32 v18, v9  }
0x141: {  	v19 =	vmul.f32 v52, v23;
	v16 =	vadd.f32 v38, v24;
	v24 =	vadd.f32 v45, v26  }
0x142: {  	v40 =	vmul.f32 v7, v4;
	v21 =	vadd.f32 v21, v30;
	v17 =	vadd.f32 v17, v59  }
0x143: {  	s0 =	sadd.s32 $0x1, s0;
	v7 =	vmul.f32 v41, v23;
	v10 =	vadd.f32 v10, v62;
	v20 =	vadd.f32 v50, v39  }
0x144: {  	v51 =	vld.msk [tilespmem:s0+$0x0 ss:$0x0], $0xffff;
	v15 =	vmul.f32 v15, v23;
	v4 =	vadd.f32 v40, v11;
	v11 =	vsub.f32 v46, v44  }
0x145: {  	v2 =	vmax.f32 v2, v14;
	v55 =	vadd.f32 v19, v47;
	v7 =	vadd.f32 v7, v28  }
0x146: {  	v15 =	vadd.f32 v15, v35;
	v9 =	vsub.f32 v43, v37;
	v11 =	vmul.f32 v11, v23  }
0x147: {  	v6 =	vmax.f32 v6, v63;
	v53 =	vsub.f32 v24, v16;
	v54 =	vsub.f32 v21, v7  }
0x148: {  	v5 =	vmax.f32 v5, v12;
	v10 =	vsub.f32 v10, v17;
	v11 =	vadd.f32 v11, v44  }
0x149: {  	v56 =	vmul.f32 v53, v51;
	v57 =	vsub.f32 v20, v15;
	v13 =	vmul.f32 v54, v51  }
0x14a: {  	v9 =	vmul.f32 v9, v51;
	v10 =	vmul.f32 v10, v51;
	v12 =	vsub.f32 v55, v11  }
0x14b: {  	v16 =	vadd.f32 v56, v16;
	v58 =	vmul.f32 v57, v51;
	v7 =	vadd.f32 v13, v7  }
0x14c: {  	v3 =	vmax.f32 v3, v4;
	v59 =	vadd.f32 v10, v17;
	v60 =	vmul.f32 v12, v51  }
0x14d: {  	v1 =	vmax.f32 v1, v16;
	v61 =	vadd.f32 v58, v15;
	v2 =	vmax.f32 v2, v7  }
0x14e: {  	p0 =	seq.s32 s12, $0x61;
	v4 =	vmax.f32 v6, v59;
	v1 =	vmax.f32 v1, v2;
	v62 =	vadd.f32 v60, v11  }
.Ltmp1:
0x14f: {  	v63 =	vadd.f32 v9, v37;
	v5 =	vmax.f32 v5, v61;
	v1 =	vmax.f32 v1, v4;
	(pc) =	sbr.rel @p0 .LBB2_6-.Ltmp1, $4  }
0x150: {  	v1 =	vmax.f32 v1, v5;
	v3 =	vmax.f32 v3, v62  }
0x151: {  	s7 =	sshll.u32 s12, $0x5;
	v0 =	vmax.f32 v0, v63;
	v1 =	vmax.f32 v1, v3  }
0x152: {  	s0 =	sand.u32 $0x3FFFFFE0, s7;
	v0 =	vmax.f32 v1, v0  }
0x153: {  	[tilespmem:s0+$0x186C0] =	vst v0  }
0x154: {  	v0 =	vld [tilespmem:$0x0]  }
0x155: {  	v1 =	vld [tilespmem:$0x40]  }
0x156: {  	v2 =	vld [tilespmem:$0x20]  }
0x157: {  	v3 =	vld [tilespmem:$0x60]  }
0x158: {  	v4 =	vld [tilespmem:$0x10]  }
0x159: {  	v5 =	vld [tilespmem:$0x50]  }
0x15a: {  	v6 =	vld [tilespmem:$0x30]  }
0x15b: {  	v7 =	vld [tilespmem:$0x70]  }
0x15c: {  	s0 =	sadd.s32 $0x2, s4;
	v8 =	vld [tilespmem:$0x0]  }
0x15d: {  	v10 =	vld [tilespmem:$0x40];
	s4 =	smulhi.u32 $0x92492493, s0  }
0x15e: {  	v26 =	vld [tilespmem:$0x0]  }
0x15f: {  	v20 =	vld [tilespmem:$0x40];
	s4 =	sshrl.u32 s4, $0x3  }
0x160: {  	v9 =	vld [tilespmem:$0x20];
	s6 =	smul.u32 $0xE, s4  }
0x161: {  	v57 =	vld [tilespmem:$0x10]  }
0x162: {  	v58 =	vld [tilespmem:$0x50];
	s5 =	scvt.s32.f32 s4;
	v1 =	vsub.f32 v1, v0;
	v3 =	vsub.f32 v3, v2;
	s0 =	ssub.s32 s0, s6  }
0x163: {  	v54 =	vld [tilespmem:$0x60];
	v7 =	vsub.f32 v7, v6;
	v10 =	vsub.f32 v10, v8;
	s0 =	scvt.s32.f32 s0  }
0x164: {  	v14 =	vld [tilespmem:$0x30];
	v34 =	vsub.f32 v20, v26;
	s4 =	sadd.f32 $3.333333430e-01, s5;
	v1 =	vmul.f32 $7.142857460e-02, v1;
	v3 =	vmul.f32 $7.142857460e-02, v3  }
0x165: {  	v16 =	vld [tilespmem:$0x70];
	v7 =	vmul.f32 $7.142857460e-02, v7;
	v10 =	vmul.f32 $7.142857460e-02, v10;
	s7 =	sadd.f32 $3.333333430e-01, s0  }
0x166: {  	v38 =	vld [tilespmem:$0x30];
	v51 =	vsub.f32 v5, v4;
	v40 =	vmul.f32 $7.142857460e-02, v34;
	v1 =	vmul.f32 s4, v1  }
0x167: {  	v41 =	vld [tilespmem:$0x70];
	v60 =	vsub.f32 v58, v57;
	v10 =	vmul.f32 s4, v10;
	v49 =	vmul.f32 s7, v3  }
0x168: {  	v0 =	vadd.f32 v1, v0;
	v3 =	vmul.f32 $7.142857460e-02, v51;
	v53 =	vmul.f32 s7, v7  }
0x169: {  	v7 =	vsub.f32 v54, v9;
	v8 =	vadd.f32 v10, v8;
	v10 =	vmul.f32 $7.142857460e-02, v60  }
0x16a: {  	v35 =	vld [tilespmem:$0x10];
	v62 =	vsub.f32 v16, v14;
	v50 =	vtrunc.f32 v0;
	v3 =	vmul.f32 s4, v3  }
0x16b: {  	v43 =	vld [tilespmem:$0x50];
	v1 =	vadd.f32 v49, v2;
	v7 =	vmul.f32 $7.142857460e-02, v7;
	v61 =	vtrunc.f32 v8  }
0x16c: {  	s0 =	sadd.f32 $6.666666860e-01, s0;
	v10 =	vmul.f32 s4, v10;
	v49 =	vsub.f32 v41, v38;
	v2 =	vcvt.f32.s32 v50  }
0x16d: {  	v63 =	vcvt.f32.s32 v61;
	v52 =	vtrunc.f32 v1;
	v3 =	vadd.f32 v3, v4  }
0x16e: {  	v4 =	vadd.f32 v53, v6;
	v7 =	vmul.f32 s0, v7;
	v10 =	vadd.f32 v10, v57  }
0x16f: {  	v54 =	vmul.f32 $7.142857460e-02, v49;
	v5 =	vcvt.f32.s32 v52;
	vm0 =	vlt.s32 v2, $0xDE  }
0x170: {  	vm4 =	vlt.s32 v63, $0xDE;
	v52 =	vsub.f32 v43, v35;
	v2 =	vnsel vm0, $0xDE, v2  }
0x171: {  	v55 =	vtrunc.f32 v3;
	v56 =	vtrunc.f32 v4;
	v7 =	vadd.f32 v7, v9  }
0x172: {  	v30 =	vtrunc.f32 v10;
	vm13 =	vlt.s32 v5, $0xDE;
	v11 =	vcvt.s32.f32 v2  }
0x173: {  	v2 =	vmul.u32 $0xE0, v2;
	v6 =	vcvt.f32.s32 v55;
	v5 =	vnsel vm13, $0xDE, v5  }
0x174: {  	v24 =	vtrunc.f32 v7;
	v12 =	vcvt.s32.f32 v5;
	v0 =	vsub.f32 v0, v11  }
0x175: {  	v2 =	vadd.s32 v5, v2;
	vm14 =	vlt.s32 v6, $0xDE;
	v5 =	vcvt.f32.s32 v56  }
0x176: {  	v9 =	vcvt.f32.s32 v24;
	v13 =	vadd.s32 $0x1, v2;
	v6 =	vnsel vm14, $0xDE, v6  }
0x177: {  	v17 =	vadd.s32 $0xE0, v2;
	v18 =	vadd.s32 $0xE1, v2;
	v1 =	vsub.f32 v1, v12  }
0x178: {  	vm15 =	vlt.s32 v5, $0xDE;
	v15 =	vcvt.s32.f32 v6;
	v6 =	vmul.u32 $0xE0, v6  }
0x179: {  	v58 =	vld [tilespmem:$0x40];
	v12 =	vmul.f32 $7.142857460e-02, v62;
	vm5 =	vlt.s32 v9, $0xDE;
	[tilespmem:$0x100] =	vst v13;
	v13 =	vcvt.f32.s32 v30  }
0x17a: {  	v56 =	vld [tilespmem:$0x0];
	v5 =	vnsel vm15, $0xDE, v5;
	v9 =	vnsel vm5, $0xDE, v9;
	v3 =	vsub.f32 v3, v15  }
0x17b: {  	v21 =	vld [tilespmem:$0x20];
	v59 =	vcvt.s32.f32 v5;
	v5 =	vadd.s32 v5, v6;
	v6 =	vnsel vm4, $0xDE, v63  }
0x17c: {  	v31 =	vld [tilespmem:$0x60];
	v27 =	vmul.f32 s0, v12;
	v32 =	vcvt.s32.f32 v9;
	vm6 =	vlt.s32 v13, $0xDE  }
0x17d: {  	s5 =	sadd.f32 $6.666666860e-01, s5;
	[tilespmem:$0x80] =	vst v2;
	v25 =	vadd.s32 $0x1, v5;
	v19 =	vadd.s32 $0xE0, v5;
	v28 =	vadd.s32 $0xE1, v5  }
0x17e: {  	[tilespmem:$0x180] =	vst v17;
	v29 =	vcvt.s32.f32 v6;
	v6 =	vmul.u32 $0xE0, v6;
	v39 =	vnsel vm6, $0xDE, v13  }
0x17f: {  	[tilespmem:$0x200] =	vst v18;
	v13 =	vmul.f32 s5, v40;
	v16 =	vsub.f32 v58, v56;
	v4 =	vsub.f32 v4, v59  }
0x180: {  	[tilespmem:$0x5A0] =	vst v0;
	v11 =	vadd.f32 v27, v14;
	v36 =	vsub.f32 v7, v32;
	v42 =	vcvt.s32.f32 v39  }
0x181: {  	v34 =	vld [tilespmem:$0x70];
	[tilespmem:$0x480] =	vst v1;
	v14 =	vsub.f32 v31, v21;
	v8 =	vsub.f32 v8, v29;
	v6 =	vadd.s32 v9, v6  }
0x182: {  	[tilespmem:$0x110] =	vst v25;
	v31 =	vld [tilespmem:$0x30];
	v13 =	vadd.f32 v13, v26;
	v9 =	vmul.u32 $0xE0, v39;
	v25 =	vmul.f32 $7.142857460e-02, v16  }
0x183: {  	[tilespmem:$0x90] =	vst v5;
	v33 =	vtrunc.f32 v11;
	v45 =	vadd.s32 $0x1, v6;
	v14 =	vmul.f32 $7.142857460e-02, v14  }
0x184: {  	[tilespmem:$0x190] =	vst v19;
	v0 =	vsub.f32 v10, v42;
	v46 =	vadd.s32 $0xE0, v6;
	v37 =	vcvt.f32.s32 v33  }
0x185: {  	[tilespmem:$0x210] =	vst v28;
	v47 =	vadd.s32 $0xE1, v6;
	v51 =	vtrunc.f32 v13;
	v14 =	vmul.f32 s7, v14  }
0x186: {  	v62 =	vld [tilespmem:$0x60];
	[tilespmem:$0x5B0] =	vst v3;
	v30 =	vmul.f32 s5, v25;
	v5 =	vcvt.f32.s32 v51;
	vm7 =	vlt.s32 v37, $0xDE  }
0x187: {  	v59 =	vld [tilespmem:$0x20];
	[tilespmem:$0x490] =	vst v4;
	v43 =	vsub.f32 v34, v31;
	v44 =	vnsel vm7, $0xDE, v37;
	v53 =	vadd.f32 v14, v21  }
0x188: {  	[tilespmem:$0xA0] =	vst v6;
	vm8 =	vlt.s32 v5, $0xDE;
	v14 =	vmul.f32 s7, v54;
	v48 =	vcvt.s32.f32 v44  }
0x189: {  	[tilespmem:$0x4A0] =	vst v36;
	v50 =	vadd.s32 v44, v9;
	v9 =	vmul.f32 $7.142857460e-02, v52;
	v5 =	vnsel vm8, $0xDE, v5  }
0x18a: {  	[tilespmem:$0x1A0] =	vst v46;
	v46 =	vmul.f32 $7.142857460e-02, v43;
	v55 =	vadd.s32 $0x1, v50;
	v57 =	vtrunc.f32 v53  }
0x18b: {  	[tilespmem:$0x120] =	vst v45;
	v60 =	vadd.s32 $0xE0, v50;
	v61 =	vcvt.s32.f32 v5;
	v12 =	vadd.f32 v14, v38  }
0x18c: {  	[tilespmem:$0x220] =	vst v47;
	v20 =	vadd.s32 $0xE1, v50;
	v5 =	vmul.u32 $0xE0, v5;
	v14 =	vsub.f32 v62, v59  }
0x18d: {  	v28 =	vld [tilespmem:$0x50];
	[tilespmem:$0x5C0] =	vst v8;
	v2 =	vsub.f32 v11, v48;
	v7 =	vcvt.f32.s32 v57;
	v9 =	vmul.f32 s5, v9  }
0x18e: {  	v26 =	vld [tilespmem:$0x10];
	[tilespmem:$0x5D0] =	vst v0;
	v8 =	vmul.f32 s0, v46;
	v21 =	vsub.f32 v13, v61;
	v22 =	vtrunc.f32 v12  }
0x18f: {  	[tilespmem:$0xB0] =	vst v50;
	v29 =	vmul.f32 $7.142857460e-02, v14;
	v63 =	vadd.f32 v9, v35;
	vm9 =	vlt.s32 v7, $0xDE  }
0x190: {  	[tilespmem:$0x130] =	vst v55;
	v13 =	vcvt.f32.s32 v22;
	v35 =	vadd.f32 v30, v56;
	v49 =	vadd.f32 v8, v31  }
0x191: {  	[tilespmem:$0x4B0] =	vst v2;
	v7 =	vnsel vm9, $0xDE, v7;
	v2 =	vmul.f32 s0, v29;
	v23 =	vtrunc.f32 v63  }
0x192: {  	[tilespmem:$0x1B0] =	vst v60;
	v24 =	vcvt.s32.f32 v7;
	vm10 =	vlt.s32 v13, $0xDE;
	v5 =	vadd.s32 v7, v5  }
0x193: {  	[tilespmem:$0x230] =	vst v20;
	v39 =	vtrunc.f32 v35;
	v7 =	vsub.f32 v28, v26;
	v4 =	vcvt.f32.s32 v23  }
0x194: {  	[tilespmem:$0x5E0] =	vst v21;
	v27 =	vnsel vm10, $0xDE, v13;
	v32 =	vadd.s32 $0x1, v5;
	v36 =	vadd.s32 $0xE0, v5  }
0x195: {  	[tilespmem:$0xC0] =	vst v5;
	v5 =	vadd.s32 $0xE1, v5;
	v2 =	vadd.f32 v2, v59;
	v41 =	vcvt.f32.s32 v39  }
0x196: {  	v3 =	vsub.f32 v53, v24;
	v33 =	vcvt.s32.f32 v27;
	[tilespmem:$0x140] =	vst v32;
	vm11 =	vlt.s32 v4, $0xDE  }
0x197: {  	[tilespmem:$0x1C0] =	vst v36;
	v7 =	vmul.f32 $7.142857460e-02, v7;
	v53 =	vtrunc.f32 v49;
	v4 =	vnsel vm11, $0xDE, v4  }
0x198: {  	[tilespmem:$0x240] =	vst v5;
	v42 =	vtrunc.f32 v2;
	v37 =	vsub.f32 v12, v33;
	v38 =	vmul.u32 $0xE0, v4  }
0x199: {  	vm12 =	vlt.s32 v41, $0xDE;
	v55 =	vcvt.f32.s32 v53;
	[tilespmem:$0x4C0] =	vst v3;
	v3 =	vcvt.f32.s32 v42  }
0x19a: {  	v7 =	vmul.f32 s5, v7;
	v6 =	vnsel vm12, $0xDE, v41;
	[tilespmem:$0x4D0] =	vst v37;
	v40 =	vadd.s32 v27, v38  }
0x19b: {  	v4 =	vcvt.s32.f32 v4;
	v47 =	vmul.u32 $0xE0, v6;
	v44 =	vadd.s32 $0x1, v40;
	[tilespmem:$0xD0] =	vst v40  }
0x19c: {  	v54 =	vcvt.s32.f32 v6;
	vm13 =	vlt.s32 v3, $0xDE;
	v45 =	vadd.s32 $0xE0, v40;
	[tilespmem:$0x150] =	vst v44  }
0x19d: {  	v7 =	vadd.f32 v7, v26;
	v1 =	vsub.f32 v63, v4;
	v5 =	vadd.s32 $0xE1, v40;
	[tilespmem:$0x1D0] =	vst v45  }
0x19e: {  	vm15 =	vlt.s32 v55, $0xDE;
	v3 =	vnsel vm13, $0xDE, v3;
	[tilespmem:$0x250] =	vst v5  }
0x19f: {  	v0 =	vsub.f32 v35, v54;
	v48 =	vadd.s32 v3, v47;
	v50 =	vtrunc.f32 v7;
	[tilespmem:$0x5F0] =	vst v1  }
0x1a0: {  	v58 =	vnsel vm15, $0xDE, v55;
	v8 =	vcvt.f32.s32 v50;
	[tilespmem:$0xE0] =	vst v48  }
0x1a1: {  	v60 =	vcvt.s32.f32 v58;
	v51 =	vadd.s32 $0x1, v48;
	[tilespmem:$0x600] =	vst v0  }
0x1a2: {  	v3 =	vcvt.s32.f32 v3;
	v52 =	vadd.s32 $0xE0, v48;
	[tilespmem:$0x160] =	vst v51;
	vm14 =	vlt.s32 v8, $0xDE  }
0x1a3: {  	v4 =	vadd.s32 $0xE1, v48;
	v1 =	vsub.f32 v49, v60;
	[tilespmem:$0x1E0] =	vst v52;
	v56 =	vnsel vm14, $0xDE, v8  }
0x1a4: {  	v2 =	vsub.f32 v2, v3;
	[tilespmem:$0x260] =	vst v4;
	v57 =	vmul.u32 $0xE0, v56  }
0x1a5: {  	[tilespmem:$0x4F0] =	vst v1  }
0x1a6: {  	[tilespmem:$0x4E0] =	vst v2;
	v59 =	vadd.s32 v58, v57  }
0x1a7: {  	v3 =	vcvt.s32.f32 v56;
	[tilespmem:$0xF0] =	vst v59;
	v61 =	vadd.s32 $0x1, v59  }
0x1a8: {  	v62 =	vadd.s32 $0xE0, v59;
	[tilespmem:$0x170] =	vst v61  }
0x1a9: {  	v63 =	vsub.f32 v7, v3;
	v0 =	vadd.s32 $0xE1, v59;
	[tilespmem:$0x1F0] =	vst v62  }
0x1aa: {  	[tilespmem:$0x270] =	vst v0  }
0x1ab: {  	[tilespmem:$0x610] =	vst v63  }
0x1ac: {  	[tilespmem:s15], [sflag:$0x1] =	stream.indirect.gather [hbm4b:s2+s14], $0x60, s14, s14, $0xb8;
	[tilespmem:$0x19300] =	vst v63  }
0x1ad: {  	_ = 	snop  }
0x1ae: {  	[tilespmem:s17], [sflag:$0x1] =	stream.indirect.gather [hbm4b:s2+s14], $0x60, s16, s14, $0xb8;
	[tilespmem:$0x19300] =	vst v63  }
0x1af: {  	_ = 	snop  }
0x1b0: {  	[tilespmem:s19], [sflag:$0x1] =	stream.indirect.gather [hbm4b:s2+s14], $0x60, s18, s14, $0xb8;
	[tilespmem:$0x19300] =	vst v63  }
0x1b1: {  	_ = 	snop  }
0x1b2: {  	[tilespmem:s21], [sflag:$0x1] =	stream.indirect.gather [hbm4b:s2+s14], $0x60, s20, s14, $0xb8;
	[tilespmem:$0x19300] =	vst v63  }
.LBB2_6:
0x1b3: {  	_ =	swait.ge [sflag:s1], $0x3000  }
0x1b4: {  	[sflag:s1] =	ssyncset.done $0x0  }
0x1b5: {  	[sflag:s1] =	ssyncadd.s32 $0xFFFFD000  }
0x1b6: {  	_ =	swait.ge [sflag:s1], $0x3000  }
0x1b7: {  	[sflag:s1] =	ssyncset.done $0x0  }
0x1b8: {  	[sflag:s1] =	ssyncadd.s32 $0xFFFFD000  }
0x1b9: {  	_ =	swait.ge [sflag:s1], $0x3000  }
0x1ba: {  	[sflag:s1] =	ssyncset.done $0x0  }
0x1bb: {  	[sflag:s1] =	ssyncadd.s32 $0xFFFFD000  }
0x1bc: {  	_ =	swait.ge [sflag:s1], $0x3000  }
0x1bd: {  	[sflag:s1] =	ssyncset.done $0x0  }
0x1be: {  	s4 =	simm.s32 $0x0;
	[sflag:s1] =	ssyncadd.s32 $0xFFFFD000  }
0x1bf: {  	v0 =	vld [tilespmem:s4+$0xC710]  }
0x1c0: {  	v1 =	vld [tilespmem:s4+$0xF710]  }
0x1c1: {  	s0 =	simm.s32 $0x0;
	v2 =	vld [tilespmem:s4+$0x12710]  }
0x1c2: {  	s0 =	sand.u32 $0x7F, s0;
	v3 =	vld [tilespmem:s4+$0x15710]  }
0x1c3: {  	v7 =	vld.msk [tilespmem:s0+$0x510 ss:$0x0], $0xffff  }
0x1c4: {  	v5 =	vld [tilespmem:s4+$0xC6C0]  }
0x1c5: {  	v6 =	vld [tilespmem:s4+$0xF6C0]  }
0x1c6: {  	v8 =	vld [tilespmem:s4+$0x126C0]  }
0x1c7: {  	v9 =	vld [tilespmem:s4+$0x156C0]  }
0x1c8: {  	v10 =	vld [tilespmem:s4+$0xC6D0]  }
0x1c9: {  	v4 =	vld.msk [tilespmem:s0+$0x630 ss:$0x0], $0xffff  }
0x1ca: {  	v11 =	vld [tilespmem:s4+$0xF6D0]  }
0x1cb: {  	v13 =	vld [tilespmem:s4+$0x126D0];
	v3 =	vsub.f32 v3, v2  }
0x1cc: {  	v12 =	vld [tilespmem:s4+$0x156D0];
	v1 =	vsub.f32 v1, v0  }
0x1cd: {  	v15 =	vld [tilespmem:s4+$0x126E0];
	v6 =	vsub.f32 v6, v5;
	v3 =	vmul.f32 v3, v7  }
0x1ce: {  	v16 =	vld [tilespmem:s4+$0x156E0];
	v1 =	vmul.f32 v1, v7  }
0x1cf: {  	v20 =	vld [tilespmem:s4+$0xC6F0];
	v6 =	vmul.f32 v6, v7;
	v2 =	vadd.f32 v3, v2;
	v3 =	vsub.f32 v9, v8  }
0x1d0: {  	v0 =	vadd.f32 v1, v0;
	v1 =	vld [tilespmem:s4+$0xC6E0]  }
0x1d1: {  	v9 =	vld [tilespmem:s4+$0xF6E0];
	v5 =	vadd.f32 v6, v5;
	v6 =	vsub.f32 v11, v10;
	v3 =	vmul.f32 v3, v7  }
0x1d2: {  	v17 =	vld [tilespmem:s4+$0xF6F0];
	v2 =	vsub.f32 v2, v0  }
0x1d3: {  	v18 =	vld [tilespmem:s4+$0x156F0];
	v6 =	vmul.f32 v6, v7;
	v3 =	vadd.f32 v3, v8;
	v8 =	vsub.f32 v12, v13  }
0x1d4: {  	v2 =	vmul.f32 v2, v4;
	v12 =	vld [tilespmem:s4+$0x126F0]  }
0x1d5: {  	v14 =	vadd.f32 v6, v10;
	v3 =	vsub.f32 v3, v5;
	v8 =	vmul.f32 v8, v7  }
0x1d6: {  	v22 =	vld [tilespmem:s4+$0xF700];
	v9 =	vsub.f32 v9, v1;
	v0 =	vadd.f32 v2, v0;
	v2 =	vimm.f32 $-Inf  }
0x1d7: {  	v11 =	vld [tilespmem:s4+$0xC700];
	v3 =	vmul.f32 v3, v4;
	v6 =	vadd.f32 v8, v13;
	v8 =	vsub.f32 v16, v15  }
0x1d8: {  	v9 =	vmul.f32 v9, v7;
	v0 =	vmax.f32 v2, v0;
	v16 =	vsub.f32 v17, v20  }
0x1d9: {  	v10 =	vld [tilespmem:s4+$0x12700];
	v21 =	vsub.f32 v18, v12;
	v3 =	vadd.f32 v3, v5;
	v5 =	vmul.f32 v8, v7  }
0x1da: {  	s0 =	simm.s32 $0x60;
	v17 =	vld [tilespmem:s4+$0x15700];
	v13 =	vadd.f32 v9, v1;
	v6 =	vsub.f32 v6, v14;
	v9 =	vmul.f32 v16, v7  }
0x1db: {  	v8 =	vld [tilespmem:s0+$0xC710];
	v21 =	vmul.f32 v21, v7;
	v1 =	vmax.f32 v2, v3;
	v18 =	vadd.f32 v5, v15  }
0x1dc: {  	v16 =	vld [tilespmem:s0+$0xF710];
	v19 =	vmul.f32 v6, v4;
	v15 =	vadd.f32 v9, v20;
	v20 =	vsub.f32 v22, v11  }
0x1dd: {  	s5 =	simm.s32 $0x300;
	s4 =	simm.s32 $0x1;
	v9 =	vld [tilespmem:s0+$0x12710];
	v6 =	vimm.f32 $-Inf;
	v5 =	vimm.f32 $-Inf;
	v3 =	vimm.f32 $-Inf  }
.LBB2_7:
0x1de: {  	p0 =	sne.s32 s5, $0xBE80;
	s6 =	sand.u32 $0x7F, s4;
	v22 =	vld [tilespmem:s0+$0x15710];
	v14 =	vadd.f32 v19, v14;
	v18 =	vsub.f32 v18, v13  }
0x1df: {  	v19 =	vld.msk [tilespmem:s6+$0x510 ss:$0x0], $0xffff;
	v12 =	vadd.f32 v21, v12;
	v20 =	vmul.f32 v20, v7;
	v17 =	vsub.f32 v17, v10  }
0x1e0: {  	v21 =	vld [tilespmem:s0+$0xC6C0];
	v2 =	vmax.f32 v2, v14;
	v14 =	vmul.f32 v18, v4  }
0x1e1: {  	v18 =	vld [tilespmem:s0+$0xF6C0];
	v12 =	vsub.f32 v12, v15;
	v11 =	vadd.f32 v20, v11;
	v7 =	vmul.f32 v17, v7  }
0x1e2: {  	v17 =	vld [tilespmem:s0+$0x126C0];
	v13 =	vadd.f32 v14, v13  }
0x1e3: {  	v16 =	vsub.f32 v16, v8;
	v14 =	vld [tilespmem:s0+$0x156C0];
	v20 =	vsub.f32 v22, v9;
	v12 =	vmul.f32 v12, v4  }
0x1e4: {  	v10 =	vadd.f32 v7, v10;
	v22 =	vld [tilespmem:s0+$0xC6D0];
	v6 =	vmax.f32 v6, v13  }
0x1e5: {  	v16 =	vmul.f32 v16, v19;
	v13 =	vld.msk [tilespmem:s6+$0x630 ss:$0x0], $0xffff;
	v20 =	vmul.f32 v20, v19;
	v12 =	vadd.f32 v12, v15;
	v7 =	vmovc v19  }
0x1e6: {  	v10 =	vsub.f32 v10, v11;
	v15 =	vsub.f32 v18, v21;
	v18 =	vld [tilespmem:s0+$0xF6D0]  }
0x1e7: {  	v8 =	vadd.f32 v16, v8;
	v19 =	vld [tilespmem:s0+$0x126D0];
	v9 =	vadd.f32 v20, v9;
	v5 =	vmax.f32 v5, v12  }
0x1e8: {  	v23 =	vmul.f32 v10, v4;
	v12 =	vmul.f32 v15, v7;
	v14 =	vsub.f32 v14, v17;
	v15 =	vld [tilespmem:s0+$0x156D0]  }
0x1e9: {  	v10 =	vld [tilespmem:s0+$0xC6E0];
	v9 =	vsub.f32 v9, v8  }
0x1ea: {  	v11 =	vadd.f32 v23, v11;
	v16 =	vadd.f32 v12, v21;
	v12 =	vmul.f32 v14, v7;
	v14 =	vld [tilespmem:s0+$0xF6E0]  }
0x1eb: {  	v4 =	vmov v13;
	v18 =	vsub.f32 v18, v22;
	v20 =	vld [tilespmem:s0+$0x126E0];
	v9 =	vmul.f32 v9, v13  }
0x1ec: {  	v3 =	vmax.f32 v3, v11;
	v12 =	vadd.f32 v12, v17;
	v13 =	vld [tilespmem:s0+$0x156E0]  }
0x1ed: {  	v11 =	vmul.f32 v18, v7;
	v15 =	vsub.f32 v15, v19;
	v21 =	vld [tilespmem:s0+$0xC6F0];
	v8 =	vadd.f32 v9, v8  }
0x1ee: {  	v9 =	vsub.f32 v12, v16;
	v17 =	vld [tilespmem:s0+$0xF6F0]  }
0x1ef: {  	v15 =	vmul.f32 v15, v7;
	v18 =	vsub.f32 v14, v10;
	v12 =	vld [tilespmem:s0+$0x126F0];
	v0 =	vmax.f32 v0, v8  }
0x1f0: {  	v14 =	vadd.f32 v11, v22;
	v8 =	vmul.f32 v9, v4;
	v9 =	vld [tilespmem:s0+$0x156F0]  }
0x1f1: {  	v15 =	vadd.f32 v15, v19;
	v18 =	vmul.f32 v18, v7;
	v19 =	vsub.f32 v13, v20;
	v11 =	vld [tilespmem:s0+$0xC700]  }
0x1f2: {  	v8 =	vadd.f32 v8, v16;
	v22 =	vld [tilespmem:s0+$0xF700]  }
.Ltmp2:
0x1f3: {  	v13 =	vadd.f32 v18, v10;
	v16 =	vmul.f32 v19, v7;
	v19 =	vsub.f32 v17, v21;
	v10 =	vld [tilespmem:s0+$0x12700];
	(pc) =	sbr.rel @p0 .LBB2_7-.Ltmp2, $4  }
0x1f4: {  	v15 =	vsub.f32 v15, v14;
	v1 =	vmax.f32 v1, v8;
	v17 =	vld [tilespmem:s0+$0x15700];
	s0 =	sshra.s32 s5, $0x2  }
0x1f5: {  	v8 =	vld [tilespmem:s0+$0xC710];
	v18 =	vadd.f32 v16, v20;
	v20 =	vmul.f32 v19, v7;
	v23 =	vsub.f32 v9, v12  }
0x1f6: {  	v19 =	vmul.f32 v15, v4;
	v16 =	vld [tilespmem:s0+$0xF710]  }
0x1f7: {  	s4 =	sadd.s32 $0x1, s4;
	s5 =	sadd.s32 $0x180, s5;
	v9 =	vld [tilespmem:s0+$0x12710];
	v15 =	vadd.f32 v20, v21;
	v21 =	vmul.f32 v23, v7;
	v20 =	vsub.f32 v22, v11  }
0x1f8: {  	v22 =	vld [tilespmem:s0+$0x15710]  }
0x1f9: {  	v24 =	vld [tilespmem:s0+$0xC6C0]  }
0x1fa: {  	v25 =	vld [tilespmem:s0+$0xF6C0]  }
0x1fb: {  	v26 =	vld [tilespmem:s0+$0x126C0]  }
0x1fc: {  	v27 =	vld [tilespmem:s0+$0x156C0]  }
0x1fd: {  	v28 =	vld [tilespmem:s0+$0xC6D0]  }
0x1fe: {  	v29 =	vld [tilespmem:s0+$0xF6D0]  }
0x1ff: {  	v30 =	vld [tilespmem:s0+$0x126D0]  }
0x200: {  	v57 =	vld [tilespmem:s0+$0x156D0]  }
0x201: {  	v59 =	vld [tilespmem:s0+$0xC6E0]  }
0x202: {  	v61 =	vld [tilespmem:s0+$0xF6E0]  }
0x203: {  	v62 =	vld [tilespmem:s0+$0x126E0]  }
0x204: {  	v32 =	vld [tilespmem:s0+$0x156E0]  }
0x205: {  	v18 =	vsub.f32 v18, v13;
	v39 =	vld [tilespmem:s0+$0x126F0]  }
0x206: {  	v42 =	vld [tilespmem:s0+$0x156F0];
	v12 =	vadd.f32 v21, v12;
	v17 =	vsub.f32 v17, v10;
	v58 =	vmul.f32 v20, v7  }
0x207: {  	v14 =	vadd.f32 v19, v14;
	v47 =	vld [tilespmem:s0+$0x12700];
	v18 =	vmul.f32 v18, v4  }
0x208: {  	s4 =	sand.u32 $0x7F, s4;
	v48 =	vld [tilespmem:s0+$0x15700];
	v12 =	vsub.f32 v12, v15;
	v60 =	vmul.f32 v17, v7;
	v11 =	vadd.f32 v58, v11  }
0x209: {  	v23 =	vld.msk [tilespmem:s4+$0x510 ss:$0x0], $0xffff;
	v16 =	vsub.f32 v16, v8;
	v63 =	vadd.f32 v18, v13  }
0x20a: {  	v7 =	vadd.f32 v60, v10;
	v33 =	vsub.f32 v22, v9  }
0x20b: {  	v35 =	vld [tilespmem:s0+$0xC6F0];
	v34 =	vsub.f32 v25, v24;
	v27 =	vsub.f32 v27, v26  }
0x20c: {  	v36 =	vld [tilespmem:s0+$0xF6F0];
	v41 =	vsub.f32 v29, v28;
	v21 =	vsub.f32 v57, v30  }
0x20d: {  	v12 =	vmul.f32 v12, v4;
	v17 =	vsub.f32 v61, v59;
	v10 =	vsub.f32 v32, v62  }
0x20e: {  	v49 =	vsub.f32 v42, v39;
	v52 =	vsub.f32 v48, v47;
	v16 =	vmul.f32 v16, v23  }
0x20f: {  	v12 =	vadd.f32 v12, v15;
	v18 =	vmul.f32 v33, v23;
	v38 =	vmul.f32 v34, v23  }
0x210: {  	v44 =	vld [tilespmem:s0+$0xC700];
	v7 =	vsub.f32 v7, v11;
	v45 =	vmul.f32 v27, v23;
	v21 =	vmul.f32 v21, v23  }
0x211: {  	v46 =	vld [tilespmem:s0+$0xF700];
	v17 =	vmul.f32 v17, v23;
	v15 =	vsub.f32 v36, v35;
	v10 =	vmul.f32 v10, v23  }
0x212: {  	v50 =	vmul.f32 v49, v23;
	v37 =	vadd.f32 v16, v8;
	v43 =	vadd.f32 v18, v9  }
0x213: {  	v19 =	vmul.f32 v52, v23;
	v16 =	vadd.f32 v38, v24;
	v24 =	vadd.f32 v45, v26  }
0x214: {  	v40 =	vmul.f32 v7, v4;
	v21 =	vadd.f32 v21, v30;
	v17 =	vadd.f32 v17, v59  }
0x215: {  	v7 =	vmul.f32 v41, v23;
	v10 =	vadd.f32 v10, v62;
	v20 =	vadd.f32 v50, v39  }
0x216: {  	v51 =	vld.msk [tilespmem:s4+$0x630 ss:$0x0], $0xffff;
	v15 =	vmul.f32 v15, v23;
	v4 =	vadd.f32 v40, v11;
	v11 =	vsub.f32 v46, v44  }
0x217: {  	v2 =	vmax.f32 v2, v14;
	v55 =	vadd.f32 v19, v47;
	v7 =	vadd.f32 v7, v28  }
0x218: {  	v15 =	vadd.f32 v15, v35;
	v9 =	vsub.f32 v43, v37;
	v11 =	vmul.f32 v11, v23  }
0x219: {  	v6 =	vmax.f32 v6, v63;
	v53 =	vsub.f32 v24, v16;
	v54 =	vsub.f32 v21, v7  }
0x21a: {  	v5 =	vmax.f32 v5, v12;
	v10 =	vsub.f32 v10, v17;
	v11 =	vadd.f32 v11, v44  }
0x21b: {  	v56 =	vmul.f32 v53, v51;
	v57 =	vsub.f32 v20, v15;
	v13 =	vmul.f32 v54, v51  }
0x21c: {  	v9 =	vmul.f32 v9, v51;
	v10 =	vmul.f32 v10, v51;
	v12 =	vsub.f32 v55, v11  }
0x21d: {  	v16 =	vadd.f32 v56, v16;
	v58 =	vmul.f32 v57, v51;
	v7 =	vadd.f32 v13, v7  }
0x21e: {  	v3 =	vmax.f32 v3, v4;
	v59 =	vadd.f32 v10, v17;
	v60 =	vmul.f32 v12, v51  }
0x21f: {  	s12 =	sadd.s32 $0x1, s12;
	v1 =	vmax.f32 v1, v16;
	v61 =	vadd.f32 v58, v15;
	v2 =	vmax.f32 v2, v7  }
0x220: {  	p0 =	sne.s32 s12, $0x62;
	v4 =	vmax.f32 v6, v59;
	v1 =	vmax.f32 v1, v2;
	v62 =	vadd.f32 v60, v11  }
.Ltmp3:
0x221: {  	v63 =	vadd.f32 v9, v37;
	v5 =	vmax.f32 v5, v61;
	v1 =	vmax.f32 v1, v4;
	(pc) =	sbr.rel @p0 .LBB2_2-.Ltmp3, $4  }
0x222: {  	v1 =	vmax.f32 v1, v5;
	v3 =	vmax.f32 v3, v62  }
0x223: {  	s13 =	sshll.u32 s13, $0x4;
	v0 =	vmax.f32 v0, v63;
	v1 =	vmax.f32 v1, v3  }
0x224: {  	s0 =	sand.u32 $0x3FFFFFF0, s13;
	v0 =	vmax.f32 v1, v0  }
0x225: {  	[tilespmem:s0+$0x186C0] =	vst v0  }
0x226: {  	s11 =	sadd.s32 $0x1, s11  }
0x227: {  	p0 =	sne.s32 s11, s9  }
.Ltmp4:
0x228: {  	s0 =	simm.s32 $0x186C0;
	(pc) =	sbr.rel @p0 .LBB2_1-.Ltmp4, $4  }
0x229: {  	[hbm4b:s8+s3] =	stream.linear.scatter [tilespmem:s0], [sflag:$0x3], $0xC40, $0x38;
	[tilespmem:$0x19300] =	vst v63  }
0x22a: {  	_ =	swait.ge [sflag:s10], $0xC40  }
0x22b: {  	[sflag:s10] =	ssyncset.done $0x0  }
0x22c: {  	[sflag:s10] =	ssyncadd.s32 $0xFFFFF3C0  }
0x22d: {  	_ =	sfence.sel $0x180000  }
0x22e: {  	[bflag:$0x0] =	sbarrier.arrive $0xFFFF  }
0x22f: {  	_ =	strace $0x90000047  }
0x230: {  	s0 =	stileid.u32;
	[bflag:$0x2] =	sbarrier.arrive $0xFFFF  }
0x231: {  	p0 =	sne.s32 s0, $0x0;
	s0 =	rddreg [dreg:$0x2]  }
0x232: {  	s0 =	sadd.s32 @!p0 $0x100000, s0  }
0x233: {  	[sflag:s0] =	ssyncadd.tile.s32 @!p0 $0x1;
	_ =	shalt  }
.Lfunc_end2:
_tile_overlayer_lowered:
.L_overlay_start_2:
0x234: {  	(tag) =	ssettag $0x2  }
0x235: {  	s0 =	rddreg [dreg:$0x0];
	s2 =	stileid.u32  }
0x236: {  	s1 =	rddreg [dreg:$0x1];
	p0 =	sne.s32 s2, $0x0  }
0x237: {  	s3 =	rddreg [dreg:$0x2];
	[bflag:$0x3] =	sbarrier.arrive $0xFFFF;
	s2 =	simm.s32 @!p0 $0x1C03  }
0x238: {  	[timem:s3], [sflag:s2] =	dma.local @!p0 [hbm:s0], s1  }
0x239: {  	s0 =	simm.s32 @!p0 $0x3  }
0x23a: {  	_ =	swait.ge @!p0 [sflag:s0], s1  }
0x23b: {  	s1 =	ssub.s32 @!p0 $0x0, s1;
	[sflag:s0] =	ssyncset.done @!p0 $0x0  }
0x23c: {  	[sflag:s0] =	ssyncadd.s32 @!p0 s1  }
0x23d: {  	[bflag:$0x3] =	sbarrier.arrive $0xFFFF  }
0x23e: {  	_ =	shalt  }

// kernel: sparse-core-data-format-call.cloned.1.call-start
scs
called_computation_lowered:
.L_overlay_start_0:
0x0: {  	s2 =	sld [smem:$0x3FD9]  }
0x1: {  	s3 =	sld [smem:$0x3FFE];
	_ =	sdelay $0x1  }
0x2: {  	s1 =	srdreg.scid  }
0x3: {  	s0 =	sand.u32 $0x1, s1  }
0x4: {  	s18 =	sshll.u32 s0, $0xA;
	s2 =	sadd.s32 s3, s2  }
0x5: {  	s2 =	sadd.s32 s2, s18  }
0x6: {  	[smem:$0x3FC6] =	sst s2  }
0x7: {  	_ = 	snop  }
0x8: {  	s2 =	sld [smem:$0x3FD0];
	(tm) =	ssettm $0x1  }
0x9: {  	s19 =	sld [smem:$0x3FFB];
	_ =	sdelay $0x3  }
0xa: {  	_ =	strace s19  }
0xb: {  	s3 =	sld [smem:$0x3FFC];
	_ =	sdelay $0x3  }
0xc: {  	_ =	strace s3  }
0xd: {  	s3 =	sld [smem:$0x3FFD];
	_ =	sdelay $0x3  }
0xe: {  	_ =	strace s3  }
0xf: {  	_ =	strace $0x8FFFFFFF  }
0x10: {  	s20 =	sld [smem:$0x3FDB];
	_ =	sdelay $0x1  }
0x11: {  	s4 =	simm.s32 $_scs_section_size  }
0x12: {  	s5 =	simm.s32 $_size__tile_overlayer_lowered;
	s6 =	simm.s32 $_tile_overlayer_lowered  }
0x13: {  	s23 =	simm.s32 $0x1BFF;
	s22 =	sshll.u32 s6, $0x1;
	s3 =	sadd.s32 s4, s20  }
0x14: {  	s7 =	simm.s32 $0x0;
	s21 =	sshll.u32 s5, $0x1;
	s5 =	sadd.s32 s22, s3  }
0x15: {  	[timem:s7], [sflag:s23] =	dma.local [hbm:s5], s21  }
0x16: {  	_ =	swait.ge [sflag:s23], s21  }
0x17: {  	s4 =	ssub.s32 $0x0, s21;
	[sflag:s23] =	ssyncset.done $0x0  }
0x18: {  	[sflag:s23] =	ssyncadd.s32 s4;
	_ =	sdelay $0x1  }
0x19: {  	s24 =	simm.s32 $0x1B8B  }
0x1a: {  	_ =	swait.ge [sflag:s24], $0x1  }
0x1b: {  	[sflag:s24] =	ssyncset.done $0x0  }
0x1c: {  	s26 =	simm.s32 $0x1B8E;
	s25 =	sld [smem:$0x3FFE];
	[sflag:s24] =	ssyncadd.s32 $0xFFFFFFFF  }
0x1d: {  	s27 =	simm.s32 $execute0_lowered;
	[smem:$0x3FD2] =	sst s26  }
0x1e: {  	s5 =	sshll.u32 s27, $0x1;
	_ =	strace $0x80000049;
	[dreg:$0x1] =	wrdreg $0xFFFFFFFF  }
0x1f: {  	s28 =	simm.s32 $_size_execute0_lowered;
	s3 =	sadd.s32 s3, s5;
	[dreg:$0x0] =	wrdreg $0x0  }
0x20: {  	s5 =	sshll.u32 s28, $0x1;
	[dreg:$0x2] =	wrdreg s3  }
0x21: {  	[dreg:$0x3] =	wrdreg s5  }
0x22: {  	[dreg:$0x4] =	wrdreg $0xC0  }
0x23: {  	_ =	task [dreg:s7], $0x5FFFF  }
0x24: {  	[dreg:$0x1] =	wrdreg $0xFFFFFFFF  }
0x25: {  	[dreg:$0x0] =	wrdreg $0x60  }
0x26: {  	[dreg:$0x2] =	wrdreg s25  }
0x27: {  	[dreg:$0x3] =	wrdreg s2  }
0x28: {  	[dreg:$0x4] =	wrdreg $0x9  }
0x29: {  	_ =	task.clear_ibuf [dreg:s7], $0x5FFFF;
	_ =	strace $0x90000049  }
0x2a: {  	s29 =	simm.s32 $0x9;
	_ =	strace $0x8000004B  }
0x2b: {  	_ =	swait.ge [sflag:s29], $0x1  }
0x2c: {  	[sflag:s29] =	ssyncadd.s32 $0xFFFFFFFF  }
0x2d: {  	_ =	strace $0x9000004B  }
0x2e: {  	_ =	sfence  }
0x2f: {  	s30 =	sld [smem:$0x0];
	_ =	sdelay $0x2  }
0x30: {  	s31 =	sshll.u32 s1, $0xD;
	s1 =	sshrl.u32 s1, $0x2  }
0x31: {  	s3 =	sand.u32 $0x4000, s31;
	s1 =	sadd.s32 s1, s30  }
0x32: {  	s0 =	sor.u32 s3, s0;
	s1 =	sshll.u32 s1, $0x11  }
0x33: {  	s0 =	sor.u32 s1, s0  }
0x34: {  	s0 =	sadd.s32 $0x8F2B, s0  }
0x35: {  	[sflag:s0] =	ssyncadd.remote.s32 $0x1  }
0x36: {  	_ =	sfence.sel $0xFFFF  }
0x37: {  	[dreg:$0x0] =	wrdreg $0xFFFFFFFF;
	(pc) =	sbr.abs _section_cstart, $3  }
0x38: {  	[dreg:$0x1] =	wrdreg $0xFFFFFFFF  }
0x39: {  	_ =	task.clear_ibuf [dreg:s7], $0x2FFFF;
	_ =	strace $0x9FFFFFFF  }
0x3a: {  	(tm) =	ssettm $0x7FFFFFFF  }
0x3b: {  	_ =	shalt  }
tec
execute0_lowered:
.L_overlay_start_1:
0x0: {  	(tag) =	ssettag $0x1  }
0x1: {  	s0 =	rddreg [dreg:$0x0];
	s2 =	stileid.u32  }
0x2: {  	s1 =	srdreg.scid;
	_ =	strace $0x8000004A;
	s29 =	simm.s32 $0x1  }
0x3: {  	s8 =	simm.s32 $0x2;
	s17 =	simm.s32 $0x0;
	s18 =	simm.s32 $0x0  }
0x4: {  	s19 =	simm.s32 $0x0;
	s12 =	simm.s32 $0x0;
	s13 =	simm.s32 $0x0  }
0x5: {  	s14 =	simm.s32 $0x0;
	s3 =	sshll.u32 s2, $0x5;
	s1 =	sshll.u32 s1, $0x9  }
0x6: {  	s16 =	simm.s32 $0x0;
	s4 =	sand.u32 $0x3, s2;
	s1 =	sor.u32 s3, s1  }
0x7: {  	[sflag:s29] =	ssyncpa.u1 $0x0;
	s30 =	ssub.s32 $0x11, s4;
	s9 =	sand.u32 $0x380, s1  }
.Ltmp0:
0x8: {  	s1 =	sshrl.u32 s30, $0x2;
	s7 =	sshll.u32 s9, $0x4;
	(pc) =	sbr.rel .LBB1_1-.Ltmp0, $4  }
0x9: {  	[sflag:s8] =	ssyncpa.u1 $0x0;
	s6 =	smul.u32 $0xE, s1;
	s0 =	sadd.s32 s7, s0  }
0xa: {  	s31 =	smax.u32 s9, $0x368;
	[dreg:$0x4] =	wrdreg s9;
	s8 =	sadd.s32 $0x400, s0  }
0xb: {  	s1 =	sshll.u32 s31, $0x7;
	s10 =	sor.u32 $0x1, s6;
	[dreg:$0x5] =	wrdreg s8  }
0xc: {  	s15 =	smov.u32 s4;
	s3 =	sxor.u32 $0x1F400, s1;
	[dreg:$0x6] =	wrdreg s10  }
.LBB1_9:
0xd: {  	s0 =	smul.u32 $0x2A000, s13  }
0xe: {  	s1 =	smul.u32 $0x3000, s12  }
0xf: {  	s2 =	smul.u32 $0x3000, s20;
	s5 =	rddreg [dreg:$0x1];
	s30 =	sor.u32 $0x8000, s23  }
0x10: {  	s31 =	simm.s32 $0x400;
	s9 =	rddreg [dreg:$0x4];
	s0 =	sadd.s32 s5, s0  }
0x11: {  	s7 =	simm.s32 $0x2000;
	s8 =	rddreg [dreg:$0x5];
	s0 =	sadd.s32 s1, s0  }
0x12: {  	s10 =	rddreg [dreg:$0x6];
	s29 =	sand.u32 $0x3FFFF000, s2;
	s0 =	sadd.s32 s19, s0  }
0x13: {  	[hbm4b:s0+s31] =	stream.strided.scatter [tilespmem:s30], [sflag:$0x2], s29, s7, s31, $0x20;
	[tilespmem:$0x10100] =	vst v63  }
.LBB1_10:
0x14: {  	p0 =	slt.u32 s16, $0x2  }
0x15: {  	s1 =	smov.u32 s18;
	s2 =	smov.u32 s17;
	p1 =	sgt.s32 @!p0 s18, $0xD  }
0x16: {  	s0 =	sshra.s32 @!p0 s18, $0x1F;
	p2 =	sgt.s32 @!p0 s17, $0xD;
	s5 =	sshra.s32 @!p0 s17, $0x1F  }
0x17: {  	p1 =	por !p1, p0;
	s0 =	sand.u32 @!p0 s0, s18;
	p2 =	por !p2, p0  }
0x18: {  	s5 =	sand.u32 @!p0 s5, s17;
	s1 =	simm.s32 @p1 $0xD;
	s2 =	simm.s32 @p2 $0xD  }
0x19: {  	s0 =	ssub.s32 @!p0 s1, s0;
	s1 =	ssub.s32 @!p0 s2, s5  }
0x1a: {  	s2 =	sadd.s32 @!p0 $0xFFFFFFF3, s0;
	s0 =	ssub.s32 @!p0 $0xE, s0;
	s5 =	sadd.s32 @!p0 $0xFFFFFFF3, s1  }
0x1b: {  	p1 =	sgt.s32 @!p0 s2, $0x0;
	p2 =	sgt.s32 @!p0 s5, $0x0;
	s0 =	smul.u32 @!p0 $0x3000, s0  }
0x1c: {  	s1 =	ssub.s32 @!p0 $0xE, s1;
	p2 =	por !p2, p0;
	p1 =	por !p1, p0  }
0x1d: {  	s1 =	simm.s32 @!p2 $0x0;
	s0 =	simm.s32 @!p1 $0x0  }
0x1e: {  	s0 =	smul.u32 @!p0 s1, s0;
	s1 =	sadd.s32 $0x1, s14  }
0x1f: {  	s7 =	smov.u32 s15;
	s5 =	sadd.s32 $0x4, s15;
	p1 =	sgt.s32 s1, $0xD  }
0x20: {  	s7 =	smov.u32 @p1 s5  }
0x21: {  	s1 =	simm.s32 @p1 $0x0;
	p1 =	sgt.s32 s7, $0xD  }
0x22: {  	s7 =	smov.u32 @p1 s4;
	p1 =	sne.s32 s16, s10  }
.Ltmp1:
0x23: {  	s19 =	smov.u32 s9;
	s17 =	smov.u32 s12;
	(pc) =	sbr.rel @!p1 .LBB1_11-.Ltmp1, $4  }
0x24: {  	s18 =	smov.u32 s13;
	s2 =	simm.s32 @!p0 $0x2;
	s0 =	sand.u32 @!p0 $0x3FFFF000, s0  }
0x25: {  	s12 =	smov.u32 s14;
	s13 =	smov.u32 s15;
	_ =	swait.ge @!p0 [sflag:s2], s0  }
0x26: {  	s0 =	ssub.s32 @!p0 $0x0, s0;
	s14 =	smov.u32 s1;
	[sflag:s2] =	ssyncset.done @!p0 $0x0  }
0x27: {  	s16 =	sadd.s32 $0x1, s16;
	[sflag:s2] =	ssyncadd.s32 @!p0 s0;
	s15 =	smov.u32 s7  }
.LBB1_1:
0x28: {  	p0 =	sge.u32 s16, s6  }
0x29: {  	s0 =	smov.u32 s15;
	p1 =	sgt.s32 @!p0 s15, $0xD  }
0x2a: {  	s1 =	sshra.s32 @!p0 s15, $0x1F;
	s20 =	sshra.s32 @!p0 s14, $0x1F;
	p1 =	por !p1, p0  }
0x2b: {  	s1 =	sand.u32 @!p0 s1, s15;
	s0 =	simm.s32 @p1 $0xD;
	p1 =	sgt.s32 @!p0 s14, $0xD  }
0x2c: {  	s0 =	ssub.s32 @!p0 s0, s1;
	p1 =	por !p1, p0;
	s1 =	smov.u32 s14  }
0x2d: {  	s20 =	sand.u32 @!p0 s20, s14;
	s21 =	sadd.s32 @!p0 $0xFFFFFFF3, s0;
	s1 =	simm.s32 @p1 $0xD  }
0x2e: {  	p1 =	sgt.s32 @!p0 s21, $0x0;
	s1 =	ssub.s32 @!p0 s1, s20  }
0x2f: {  	s0 =	ssub.s32 @!p0 $0xE, s0;
	p1 =	por !p1, p0;
	s20 =	sadd.s32 @!p0 $0xFFFFFFF3, s1  }
0x30: {  	s0 =	simm.s32 @!p1 $0x0;
	p1 =	sgt.s32 @!p0 s20, $0x0;
	s20 =	smul.u32 @!p0 $0x36B00, s15  }
0x31: {  	s1 =	ssub.s32 @!p0 $0xE, s1;
	p1 =	por !p1, p0;
	s0 =	smul.u32 @!p0 s0, s3  }
0x32: {  	s21 =	smul.u32 @!p0 $0x3E80, s14;
	s1 =	simm.s32 @!p1 $0x0  }
0x33: {  	s20 =	sadd.s32 @!p0 s20, s8;
	s0 =	smul.u32 @!p0 s1, s0;
	s1 =	sxor.u32 @!p0 $0xFFFFFFFF, s16  }
0x34: {  	s31 =	sadd.s32 $0xFFFFFFFF, s16;
	s20 =	sadd.s32 @!p0 s21, s20;
	s1 =	sshll.u32 @!p0 s1, $0xE  }
0x35: {  	s21 =	simm.s32 @!p0 $0x0;
	s1 =	sand.u32 @!p0 $0x4000, s1;
	s0 =	sand.u32 @!p0 $0x3FFFFC00, s0  }
0x36: {  	[tilespmem:s1], [sflag:$0x1] =	stream.linear.gather @!p0 [hbm4b:s20+s21], s0, $0x38;
	[tilespmem:$0x10100] =	vst v63  }
0x37: {  	p0 =	sge.u32 s31, s6  }
.Ltmp2:
0x38: {  	_ = 	snop;
	(pc) =	sbr.rel @p0 .LBB1_10-.Ltmp2, $1  }
0x39: {  	_ =	sdelay $0x3  }
0x3a: {  	p0 =	sgt.s32 s13, $0xD  }
0x3b: {  	s0 =	smov.u32 s13;
	s1 =	sshra.s32 s13, $0x1F;
	s20 =	smov.u32 s12  }
0x3c: {  	s21 =	sshra.s32 s12, $0x1F;
	s0 =	simm.s32 @!p0 $0xD;
	p0 =	sgt.s32 s12, $0xD  }
0x3d: {  	s1 =	sand.u32 s1, s13;
	s29 =	sand.u32 s21, s12;
	s20 =	simm.s32 @!p0 $0xD  }
0x3e: {  	s0 =	ssub.s32 s0, s1;
	s1 =	ssub.s32 s20, s29  }
0x3f: {  	s30 =	sadd.s32 $0xFFFFFFF3, s0;
	s0 =	ssub.s32 $0xE, s0;
	s20 =	sadd.s32 $0xFFFFFFF3, s1  }
0x40: {  	p0 =	sgt.s32 s30, $0x0;
	s1 =	ssub.s32 $0xE, s1;
	p1 =	sgt.s32 s20, $0x0  }
0x41: {  	s21 =	smov.u32 s19;
	s0 =	simm.s32 @p0 $0x0;
	s1 =	simm.s32 @p1 $0x0  }
0x42: {  	p0 =	sgt.s32 s19, $0x368;
	s20 =	smul.u32 s0, s1;
	s0 =	sadd.s32 $0x1, s13  }
0x43: {  	s22 =	sadd.s32 $0x1, s12;
	s21 =	simm.s32 @!p0 $0x368;
	p0 =	slt.s32 s0, $0xE  }
0x44: {  	p1 =	slt.s32 s19, $0x368;
	s0 =	simm.s32 @!p0 $0xE;
	p0 =	slt.s32 s22, $0xE  }
0x45: {  	s31 =	sshll.u32 s21, $0x7;
	s21 =	ssub.s32 s0, s13;
	s22 =	simm.s32 @!p0 $0xE  }
0x46: {  	s0 =	smov.u32 s19;
	s22 =	ssub.s32 s22, s12;
	p0 =	slt.s32 s21, $0x1  }
0x47: {  	s0 =	simm.s32 @!p1 $0x368;
	p1 =	slt.s32 @!p0 s22, $0x1  }
0x48: {  	s24 =	ssub.s32 @!p0 s0, s19;
	p1 =	por p0, p1  }
0x49: {  	s1 =	ssub.s32 $0x1F400, s31;
	p2 =	slt.s32 @!p1 s24, $0xFFFFFF81  }
0x4a: {  	s1 =	smul.u32 s20, s1;
	p1 =	por p1, p2  }
.Ltmp3:
0x4b: {  	_ = 	snop;
	(pc) =	sbr.rel @p1 .LBB1_9-.Ltmp3, $4  }
0x4c: {  	s2 =	simm.s32 $0x1;
	s23 =	sand.u32 $0x3FFFFF80, s1  }
0x4d: {  	_ =	swait.ge [sflag:s2], s23  }
0x4e: {  	s1 =	sand.u32 $0x1, s16;
	s23 =	ssub.s32 $0x0, s23;
	[sflag:s2] =	ssyncset.done $0x0  }
0x4f: {  	[sflag:s2] =	ssyncadd.s32 s23;
	s23 =	smul.u32 $0x4080, s1  }
0x50: {  	s0 =	ssub.s32 s0, s19  }
0x51: {  	s24 =	sshll.u32 @!p0 s1, $0xE;
	s0 =	sadd.s32 $0x80, s0  }
0x52: {  	s26 =	simm.s32 $0x0;
	s25 =	sor.u32 @!p0 $0x8000, s23;
	[dreg:$0x3] =	wrdreg s0  }
.LBB1_4:
0x53: {  	s27 =	simm.s32 $0x0  }
.LBB1_5:
0x54: {  	s0 =	sadd.s32 s26, s27  }
0x55: {  	s1 =	smul.u32 $0x10200, s0;
	s0 =	sshll.u32 s0, $0x10  }
0x56: {  	s29 =	simm.s32 $0x2800;
	s0 =	sshra.s32 s0, $0x2  }
0x57: {  	s30 =	simm.s32 $0x0;
	s7 =	simm.s32 $0x0;
	s0 =	sadd.s32 s0, s24  }
0x58: {  	s8 =	rddreg [dreg:$0x3];
	s31 =	simm.s32 $0x10;
	s10 =	simm.s32 $0x20;
	v0 =	vmov s0  }
0x59: {  	s5 =	simm.s32 $0x30;
	s2 =	sand.u32 $0x3F80, s30;
	s31 =	sand.u32 $0x78, s31  }
0x5a: {  	s10 =	sand.u32 $0x78, s10;
	s5 =	sand.u32 $0x78, s5;
	s9 =	smul.u32 $0x204, s31  }
0x5b: {  	p0 =	sne.s32 s8, $0x1;
	s10 =	smul.u32 $0x204, s10;
	s0 =	sand.u32 $0x78, s7  }
0x5c: {  	s5 =	smul.u32 $0x204, s5;
	s1 =	sshra.s32 s1, $0x2;
	s11 =	sxor.u32 $0x40, s0  }
0x5d: {  	s8 =	sand.u32 $0x7F, s30;
	s28 =	sadd.s32 s1, s25;
	s11 =	smul.u32 $0x204, s11;
	v1 =	vld.idx.msk [tilespmem:v0+s2+$0x40 ss:$0x1], $0xffff  }
0x5e: {  	s7 =	simm.s32 $0x50;
	s1 =	sshrl.u32 s9, $0x2;
	s0 =	smul.u32 $0x204, s0;
	v2 =	vld.idx.msk [tilespmem:v0+s2+$0x0 ss:$0x1], $0xffff  }
0x5f: {  	s10 =	sshrl.u32 s10, $0x2;
	s7 =	sand.u32 $0x78, s7;
	s11 =	sshrl.u32 s11, $0x2;
	v3 =	vld.idx.msk [tilespmem:v0+s2+$0x10 ss:$0x1], $0xffff  }
0x60: {  	s7 =	smul.u32 $0x204, s7;
	s0 =	sshrl.u32 s0, $0x2;
	s11 =	sadd.s32 s11, s28;
	v4 =	vld.idx.msk [tilespmem:v0+s2+$0x20 ss:$0x1], $0xffff  }
.Ltmp4:
0x61: {  	s0 =	sadd.s32 s0, s28;
	s11 =	sadd.s32 s8, s11;
	(pc) =	sbr.rel @!p0 .LBB1_7-.Ltmp4, $4  }
0x62: {  	s5 =	sshrl.u32 s5, $0x2;
	s1 =	sadd.s32 s1, s28;
	s0 =	sadd.s32 s8, s0;
	[tilespmem:s11+$0x0 ss:$0x81] =	vst.msk $0xffff, v1;
	v1 =	vld.idx.msk [tilespmem:v0+s2+$0x30 ss:$0x1], $0xffff  }
0x63: {  	s10 =	sadd.s32 s10, s28;
	s1 =	sadd.s32 s8, s1;
	s9 =	sshrl.u32 s7, $0x2;
	[tilespmem:s0+$0x0 ss:$0x81] =	vst.msk $0xffff, v2  }
0x64: {  	s5 =	sadd.s32 s5, s28;
	s7 =	sadd.s32 s9, s28;
	[tilespmem:s1+$0x0 ss:$0x81] =	vst.msk $0xffff, v3;
	s11 =	sadd.s32 s8, s10  }
0x65: {  	s31 =	simm.s32 $0x1;
	v2 =	vld.idx.msk [tilespmem:v0+s2+$0x50 ss:$0x1], $0xffff;
	s1 =	sadd.s32 s8, s5;
	s0 =	sadd.s32 s8, s7;
	[tilespmem:s11+$0x0 ss:$0x81] =	vst.msk $0xffff, v4  }
.LBB1_6:
0x66: {  	s2 =	rddreg [dreg:$0x3]  }
0x67: {  	s29 =	sadd.s32 $0x8, s29;
	s30 =	sadd.s32 $0x80, s30;
	[tilespmem:s1+$0x0 ss:$0x81] =	vst.msk $0xffff, v1;
	s1 =	smov.u32 s31  }
0x68: {  	s31 =	sadd.s32 $0x1, s31;
	s5 =	sadd.s32 $0xFFFFD800, s29;
	s7 =	sadd.s32 $0xFFFFE000, s29  }
0x69: {  	s8 =	sadd.s32 $0xFFFFE800, s29;
	s9 =	sadd.s32 $0xFFFFF000, s29;
	s10 =	sand.u32 $0x3F80, s30  }
0x6a: {  	s5 =	sshrl.u32 s5, $0x7;
	s7 =	sshrl.u32 s7, $0x7;
	s8 =	sshrl.u32 s8, $0x7  }
0x6b: {  	[tilespmem:s0+$0x0 ss:$0x81] =	vst.msk $0xffff, v2;
	p0 =	sne.s32 s2, s31;
	s2 =	sand.u32 $0x7F, s1;
	s0 =	sand.u32 $0x78, s5  }
0x6c: {  	s5 =	sshrl.u32 s9, $0x7;
	s11 =	sxor.u32 $0x40, s0;
	s0 =	smul.u32 $0x204, s0  }
0x6d: {  	s7 =	sand.u32 $0x78, s7;
	s9 =	sshrl.u32 s29, $0x7;
	s11 =	smul.u32 $0x204, s11  }
0x6e: {  	v4 =	vld.idx.msk [tilespmem:v0+s10+$0x0 ss:$0x1], $0xffff;
	s8 =	sand.u32 $0x78, s8;
	s5 =	sand.u32 $0x78, s5;
	s1 =	smul.u32 $0x204, s7  }
0x6f: {  	v3 =	vld.idx.msk [tilespmem:v0+s10+$0x40 ss:$0x1], $0xffff;
	s9 =	sand.u32 $0x78, s9;
	s8 =	smul.u32 $0x204, s8;
	s11 =	sshrl.u32 s11, $0x2  }
0x70: {  	v5 =	vld.idx.msk [tilespmem:v0+s10+$0x10 ss:$0x1], $0xffff;
	s5 =	smul.u32 $0x204, s5;
	s0 =	sshrl.u32 s0, $0x2;
	s11 =	sadd.s32 s11, s28  }
0x71: {  	v6 =	vld.idx.msk [tilespmem:v0+s10+$0x20 ss:$0x1], $0xffff;
	s0 =	sadd.s32 s0, s28;
	s7 =	sadd.s32 s2, s11;
	s11 =	smul.u32 $0x204, s9  }
.Ltmp5:
0x72: {  	v1 =	vld.idx.msk [tilespmem:v0+s10+$0x30 ss:$0x1], $0xffff;
	s1 =	sshrl.u32 s1, $0x2;
	s0 =	sadd.s32 s2, s0;
	(pc) =	sbr.rel @p0 .LBB1_6-.Ltmp5, $4  }
0x73: {  	v2 =	vld.idx.msk [tilespmem:v0+s10+$0x50 ss:$0x1], $0xffff;
	s10 =	sshrl.u32 s8, $0x2;
	s1 =	sadd.s32 s1, s28;
	s5 =	sshrl.u32 s5, $0x2;
	[tilespmem:s0+$0x0 ss:$0x81] =	vst.msk $0xffff, v4  }
0x74: {  	s1 =	sadd.s32 s2, s1;
	[tilespmem:s7+$0x0 ss:$0x81] =	vst.msk $0xffff, v3;
	s7 =	sadd.s32 s10, s28;
	s10 =	sshrl.u32 s11, $0x2  }
0x75: {  	s9 =	sadd.s32 s5, s28;
	[tilespmem:s1+$0x0 ss:$0x81] =	vst.msk $0xffff, v5;
	s11 =	sadd.s32 s2, s7;
	s5 =	sadd.s32 s10, s28  }
0x76: {  	s1 =	sadd.s32 s2, s9;
	[tilespmem:s11+$0x0 ss:$0x81] =	vst.msk $0xffff, v6;
	s0 =	sadd.s32 s2, s5  }
.LBB1_7:
0x77: {  	s27 =	sadd.s32 $0x1, s27  }
0x78: {  	p0 =	sne.s32 s27, s22  }
.Ltmp6:
0x79: {  	_ = 	snop;
	(pc) =	sbr.rel @p0 .LBB1_5-.Ltmp6, $3  }
0x7a: {  	_ =	sdelay $0x1  }
0x7b: {  	[tilespmem:s1+$0x0 ss:$0x81] =	vst.msk $0xffff, v1  }
0x7c: {  	[tilespmem:s0+$0x0 ss:$0x81] =	vst.msk $0xffff, v2  }
0x7d: {  	s26 =	sadd.s32 $0x1, s26  }
0x7e: {  	p0 =	sne.s32 s26, s21  }
.Ltmp7:
0x7f: {  	_ = 	snop;
	(pc) =	sbr.rel @p0 .LBB1_4-.Ltmp7, $4  }
.Ltmp8:
0x80: {  	_ = 	snop;
	(pc) =	sbr.rel @!p0 .LBB1_9-.Ltmp8, $4  }
0x81: {  	_ = 	snop  }
0x82: {  	_ = 	snop  }
0x83: {  	_ = 	snop  }
0x84: {  	_ = 	snop  }
.LBB1_11:
0x85: {  	_ =	sfence.sel $0x180000  }
0x86: {  	s0 =	simm.s32 $0x1;
	[bflag:$0x0] =	sbarrier.arrive $0xFFFF  }
0x87: {  	s30 =	simm.s32 $0x2;
	[sflag:s0] =	ssyncpa.u1 $0x1  }
0x88: {  	[sflag:s30] =	ssyncpa.u1 $0x1  }
0x89: {  	_ =	strace $0x9000004A  }
0x8a: {  	s31 =	stileid.u32;
	[bflag:$0x2] =	sbarrier.arrive $0xFFFF  }
0x8b: {  	p0 =	sne.s32 s31, $0x0;
	s0 =	rddreg [dreg:$0x2]  }
0x8c: {  	s0 =	sadd.s32 @!p0 $0x100000, s0  }
0x8d: {  	[sflag:s0] =	ssyncadd.tile.s32 @!p0 $0x1;
	_ =	shalt  }
.Lfunc_end1:
_tile_overlayer_lowered:
.L_overlay_start_2:
0x8e: {  	(tag) =	ssettag $0x2  }
0x8f: {  	s0 =	rddreg [dreg:$0x0];
	s2 =	stileid.u32  }
0x90: {  	s1 =	rddreg [dreg:$0x1];
	p0 =	sne.s32 s2, $0x0  }
0x91: {  	s3 =	rddreg [dreg:$0x2];
	[bflag:$0x3] =	sbarrier.arrive $0xFFFF;
	s2 =	simm.s32 @!p0 $0x1C01  }
0x92: {  	[timem:s3], [sflag:s2] =	dma.local @!p0 [hbm:s0], s1  }
0x93: {  	s0 =	simm.s32 @!p0 $0x1  }
0x94: {  	_ =	swait.ge @!p0 [sflag:s0], s1  }
0x95: {  	s1 =	ssub.s32 @!p0 $0x0, s1;
	[sflag:s0] =	ssyncset.done @!p0 $0x0  }
0x96: {  	[sflag:s0] =	ssyncadd.s32 @!p0 s1  }
0x97: {  	[bflag:$0x3] =	sbarrier.arrive $0xFFFF  }
0x98: {  	_ =	shalt  }

</sc_bundles>
